<compile_context>
chip_gen: v7x
topology: tpu7x:2x2x1
jax: 0.10.2.dev20260603
libtpu: 0.0.44.dev20260713+nightly
codegen_flags: <defaults>
</compile_context>

<pallas_src>
import functools

import jax
import jax.numpy as jnp
from jax import lax
from jax.experimental import pallas as pl
from jax.experimental.pallas import tpu as pltpu
from jax.experimental.pallas import tpu_sc as plsc

Q = 1024
K_ORIG = 100000
NT = 32
PER = 3136
K_PAD = NT * PER
NB = 8192
LOGB = 13
QV = Q // 16

_mesh = plsc.VectorSubcoreMesh(core_axis_name="c", subcore_axis_name="s")
_params = pltpu.CompilerParams(needs_layout_passes=False)


def _build_search_body(x_hbm, keys_hbm, outd_hbm, outi_hbm,
                       keys_v, xq_v, sv_v, si_v, off_v, ctr_v, claim_v,
                       bd_v, bi_v):
    wid = lax.axis_index("s") * 2 + lax.axis_index("c")
    base = wid * PER
    iota = lax.iota(jnp.int32, 16)
    ones_i = jnp.ones((16,), jnp.int32)

    nk = jnp.where(wid == NT - 1, K_ORIG - (NT - 1) * PER, PER)
    nv = nk // 16

    @pl.when(wid == NT - 1)
    def _():
        pltpu.sync_copy(keys_hbm.at[pl.ds(base, K_ORIG - (NT - 1) * PER)],
                        keys_v.at[pl.ds(0, K_ORIG - (NT - 1) * PER)])

    @pl.when(wid != NT - 1)
    def _():
        pltpu.sync_copy(keys_hbm.at[pl.ds(base, PER)], keys_v)

    pltpu.sync_copy(x_hbm, xq_v)

    def mm_step(i, c):
        mn, mx = c
        k = keys_v[pl.ds(i * 16, 16)]
        mn = jnp.minimum(mn, k)
        mx = jnp.maximum(mx, k)
        return mn, mx

    mn0 = jnp.full((16,), jnp.inf, jnp.float32)
    mx0 = jnp.full((16,), -jnp.inf, jnp.float32)
    mn, mx = lax.fori_loop(0, nv, mm_step, (mn0, mx0))
    vmn = jnp.min(mn)
    vmx = jnp.max(mx)
    width = jnp.maximum(vmx - vmn, jnp.float32(1e-30))
    w16 = jnp.broadcast_to(width, (16,))
    ebits = (lax.bitcast_convert_type(w16, jnp.int32) >> 23) & 0xFF
    scale = lax.bitcast_convert_type((253 + LOGB - ebits) << 23, jnp.float32)
    invb = lax.bitcast_convert_type((ebits + 1 - LOGB) << 23, jnp.float32)

    def kbin(v):
        return jnp.clip((v - vmn) * scale, 0.0, float(NB - 1)).astype(jnp.int32)

    def z_step(i, _):
        z = jnp.zeros((16,), jnp.int32)
        ctr_v[pl.ds(i * 64, 16)] = z
        ctr_v[pl.ds(i * 64 + 16, 16)] = z
        ctr_v[pl.ds(i * 64 + 32, 16)] = z
        ctr_v[pl.ds(i * 64 + 48, 16)] = z
        return 0

    lax.fori_loop(0, NB // 64, z_step, 0)

    def h_step(i, _):
        k = keys_v[pl.ds(i * 16, 16)]
        plsc.addupdate_scatter(ctr_v, [kbin(k)], ones_i)
        return 0

    lax.fori_loop(0, nv, h_step, 0)

    def s_step(i, carry):
        cnts = [ctr_v[pl.ds(i * 64 + 16 * r, 16)] for r in range(4)]
        css = [plsc.cumsum(c) for c in cnts]
        tots = [jnp.sum(c) for c in cnts]
        for r in range(4):
            excl = css[r] - cnts[r] + carry
            off_v[pl.ds(i * 64 + 16 * r, 16)] = excl
            ctr_v[pl.ds(i * 64 + 16 * r, 16)] = excl
            carry = carry + tots[r]
        return carry

    lax.fori_loop(0, NB // 64, s_step, jnp.int32(0))

    def p_step(i, _):
        k = keys_v[pl.ds(i * 16, 16)]
        g = base + i * 16 + iota
        b = kbin(k)

        def cond(c):
            return jnp.any(c[0])

        def body(c):
            act = c[0]
            plsc.store_scatter(claim_v, [b], iota, mask=act)
            win = (plsc.load_gather(claim_v, [b]) == iota) & act
            pos = plsc.load_gather(ctr_v, [b])
            plsc.store_scatter(sv_v, [pos], k, mask=win)
            plsc.store_scatter(si_v, [pos], g, mask=win)
            plsc.addupdate_scatter(ctr_v, [b], ones_i, mask=win)
            return (act & jnp.logical_not(win),)

        lax.while_loop(cond, body, (jnp.ones((16,), jnp.bool_),))
        return 0

    lax.fori_loop(0, nv, p_step, 0)

    NQ = 4

    def q_step(j, _):
        qs = [xq_v[pl.ds(j * 16 * NQ + 16 * r, 16)] for r in range(NQ)]
        sqs = [(q - vmn) * scale for q in qs]
        p0s = [plsc.load_gather(off_v, [kbin(q)]) for q in qs]
        inf_v = jnp.full((16,), jnp.inf, jnp.float32)
        big_v = jnp.full((16,), 1 << 30, jnp.int32)

        def upd_best(q, act, v, gi, bd, bi):
            d = jnp.abs(q - v)
            u = act & ((d < bd) | ((d == bd) & (gi < bi)))
            return jnp.where(u, d, bd), jnp.where(u, gi, bi)

        def bi_cond(c):
            alive = None
            for (actu, _, actd, _, _, _) in c:
                a = actu | actd
                alive = a if alive is None else (alive | a)
            return jnp.any(alive)

        def one(q, sq, c):
            actu, curu, actd, curd, bd, bi = c
            vu = plsc.load_gather(sv_v, [curu])
            gu = plsc.load_gather(si_v, [curu])
            vd = plsc.load_gather(sv_v, [curd])
            gd = plsc.load_gather(si_v, [curd])
            bd, bi = upd_best(q, actu, vu, gu, bd, bi)
            bd, bi = upd_best(q, actd, vd, gd, bd, bi)
            sbd = bd * scale
            su = (vu - vmn) * scale
            sd = (vd - vmn) * scale
            actu = actu & jnp.logical_not((su - sq) - sbd > 1.05) \
                        & (curu + 1 < nk)
            actd = actd & jnp.logical_not((sq - sd) - sbd > 1.05) \
                        & (curd - 1 >= 0)
            curu = jnp.where(actu, curu + 1, curu)
            curd = jnp.where(actd, curd - 1, curd)
            return actu, curu, actd, curd, bd, bi

        def bi_body(c):
            return tuple(one(qs[r], sqs[r], c[r]) for r in range(NQ))

        def init(p0):
            return (p0 < nk, jnp.minimum(p0, nk - 1),
                    (p0 - 1) >= 0, jnp.maximum(p0 - 1, 0), inf_v, big_v)

        fin = lax.while_loop(bi_cond, bi_body,
                             tuple(init(p0s[r]) for r in range(NQ)))
        for r in range(NQ):
            bd_v[pl.ds(j * 16 * NQ + 16 * r, 16)] = fin[r][4]
            bi_v[pl.ds(j * 16 * NQ + 16 * r, 16)] = fin[r][5]
        return 0

    lax.fori_loop(0, QV // NQ, q_step, 0)

    pltpu.sync_copy(bd_v, outd_hbm.at[wid])
    pltpu.sync_copy(bi_v, outi_hbm.at[wid])


@functools.partial(
    pl.kernel, mesh=_mesh, compiler_params=_params,
    out_type=[jax.ShapeDtypeStruct((NT, Q), jnp.float32),
              jax.ShapeDtypeStruct((NT, Q), jnp.int32)],
    scratch_types=[
        pltpu.VMEM((PER,), jnp.float32),
        pltpu.VMEM((Q,), jnp.float32),
        pltpu.VMEM((PER,), jnp.float32),
        pltpu.VMEM((PER,), jnp.int32),
        pltpu.VMEM((NB,), jnp.int32),
        pltpu.VMEM((NB,), jnp.int32),
        pltpu.VMEM((NB,), jnp.int32),
        pltpu.VMEM((Q,), jnp.float32),
        pltpu.VMEM((Q,), jnp.int32),
    ],
)
def _build_search(x_hbm, keys_hbm, outd_hbm, outi_hbm,
                  keys_v, xq_v, sv_v, si_v, off_v, ctr_v, claim_v, bd_v, bi_v):
    _build_search_body(x_hbm, keys_hbm, outd_hbm, outi_hbm,
                       keys_v, xq_v, sv_v, si_v, off_v, ctr_v, claim_v,
                       bd_v, bi_v)


@functools.partial(
    pl.kernel, mesh=_mesh, compiler_params=_params,
    out_type=jax.ShapeDtypeStruct((Q,), jnp.float32),
    scratch_types=[
        pltpu.VMEM((NT, 32), jnp.float32),
        pltpu.VMEM((NT, 32), jnp.int32),
        pltpu.VMEM((32,), jnp.int32),
        pltpu.VMEM((32,), jnp.float32),
        pltpu.SemaphoreType.DMA,
    ],
)
def _merge_gather(d_hbm, i_hbm, acc_hbm, out_hbm, dbuf, ibuf, win_i, vbuf, sem):
    wid = lax.axis_index("s") * 2 + lax.axis_index("c")
    qbase = wid * 32

    copies = []
    for t in range(NT):
        copies.append(pltpu.async_copy(
            d_hbm.at[t, pl.ds(qbase, 32)], dbuf.at[t], sem))
        copies.append(pltpu.async_copy(
            i_hbm.at[t, pl.ds(qbase, 32)], ibuf.at[t], sem))
    for c in copies:
        c.wait()

    def mix(bd, bi, d, gi):
        u = (d < bd) | ((d == bd) & (gi < bi))
        return jnp.where(u, d, bd), jnp.where(u, gi, bi)

    bd0 = jnp.full((16,), jnp.inf, jnp.float32)
    bd1 = bd0
    bi0 = jnp.full((16,), 1 << 30, jnp.int32)
    bi1 = bi0
    for t in range(NT):
        bd0, bi0 = mix(bd0, bi0, dbuf[t, pl.ds(0, 16)], ibuf[t, pl.ds(0, 16)])
        bd1, bi1 = mix(bd1, bi1, dbuf[t, pl.ds(16, 16)], ibuf[t, pl.ds(16, 16)])
    win_i[pl.ds(0, 16)] = bi0
    win_i[pl.ds(16, 16)] = bi1
    pltpu.async_copy(acc_hbm.at[win_i], vbuf, sem).wait()
    pltpu.sync_copy(vbuf, out_hbm.at[pl.ds(qbase, 32)])


def kernel(x, input_tensor, accuracy_tensor):
    pd, pi = _build_search(x, input_tensor)
    return _merge_gather(pd, pi, accuracy_tensor)

# --- scband reference (transcript-rebuilt; emitter-appended) ---
"""Pipeline reference for scband-nearest-neighbor-module-21131239096553 (READ-ONLY COPY).

The authoritative reference and input builder live on the scoring server;
editing this copy changes nothing except your own understanding.
"""

import jax, jax.numpy as jnp
import numpy as np

K = 100000
Q = 1024

def setup_inputs(seed: int = 0) -> dict:
    key = jax.random.key(seed)
    k1, k2, k3 = jax.random.split(key, 3)
    x = jax.random.normal(k1, (Q,), dtype=jnp.float32)
    input_tensor = jax.random.normal(k2, (K,), dtype=jnp.float32)
    accuracy_tensor = jax.random.normal(k3, (K,), dtype=jnp.float32)
    return {"x": x, "input_tensor": input_tensor, "accuracy_tensor": accuracy_tensor}

def reference(x, input_tensor, accuracy_tensor):
    # distances: |input_tensor[None, :] - x[:, None]| -> [Q, K]
    # NOTE: torch code does input_tensor.unsqueeze(0) - x.unsqueeze(1) then argmin(dim=1);
    # with 1-D tensors that yields [Q, K] with argmin over the K axis after broadcasting:
    # torch: (1,K) - (Q,1) -> (Q,K), argmin dim=1 -> over K. Faithful reproduction below.
    distances = jnp.abs(input_tensor[None, :] - x[:, None])
    min_distance_indices = jnp.argmin(distances, axis=1)
    return jnp.take(accuracy_tensor, min_distance_indices, axis=0)

if __name__ == "__main__":
    import jax
    _d = setup_inputs()
    print(jax.jit(kernel)(*tuple(_d.values())))

</pallas_src>

<mosaic_0001>
#map = affine_map<(d0, d1) -> (0)>
#map1 = affine_map<(d0, d1) -> (0, 0)>
module attributes {stable_mosaic.version = 14 : i64} {
  func.func @_build_search(%arg0: i32, %arg1: i32, %arg2: memref<1024xf32, #tpu.memory_space<hbm>>, %arg3: memref<100000xf32, #tpu.memory_space<hbm>>, %arg4: memref<32x1024xf32, #tpu.memory_space<hbm>>, %arg5: memref<32x1024xi32, #tpu.memory_space<hbm>>, %arg6: memref<3136xf32, #tpu.memory_space<vmem>>, %arg7: memref<1024xf32, #tpu.memory_space<vmem>>, %arg8: memref<3136xf32, #tpu.memory_space<vmem>>, %arg9: memref<3136xi32, #tpu.memory_space<vmem>>, %arg10: memref<8192xi32, #tpu.memory_space<vmem>>, %arg11: memref<8192xi32, #tpu.memory_space<vmem>>, %arg12: memref<8192xi32, #tpu.memory_space<vmem>>, %arg13: memref<1024xf32, #tpu.memory_space<vmem>>, %arg14: memref<1024xi32, #tpu.memory_space<vmem>>) attributes {dimension_semantics = [#tpu.dimension_semantics<core_parallel>, #tpu.dimension_semantics<subcore_parallel>], iteration_bounds = array<i64: 2, 16>, scalar_prefetch = 0 : i64, scratch_operands = 9 : i64, tpu.core_type = #tpu.core_type<sc_vector_subcore>, window_params = [{transform_indices = #map}, {transform_indices = #map}, {transform_indices = #map1}, {transform_indices = #map1}]} {
    %mul3A = arith.constant 2 : i32
    %mul3A_0 = arith.muli %arg1, %mul3A : i32
    %add3A = arith.addi %mul3A_0, %arg0 : i32
    %mul3A_1 = arith.constant 3136 : i32
    %mul3A_2 = arith.muli %add3A, %mul3A_1 : i32
    %iota3A = tpu.iota {dimensions = array<i32: 0>} : vector<16xi32>
    %broadcast_in_dim3A = arith.constant 1 : i32
    %broadcast_in_dim3A_3 = vector.broadcast %broadcast_in_dim3A : i32 to vector<16xi32>
    %eq3A = arith.constant 31 : i32
    %eq3A_4 = arith.cmpi eq, %add3A, %eq3A : i32
    %jit3A = arith.constant 2784 : i32
    %jit3A_5 = arith.constant 3136 : i32
    %select_n3A = arith.select %eq3A_4, %jit3A, %jit3A_5 : i32
    %jit3A_6 = arith.constant 16 : i32
    %div3A = arith.divsi %select_n3A, %jit3A_6 : i32
    %sign3A = arith.constant 0 : i32
    %sign3A_7 = arith.cmpi sgt, %select_n3A, %sign3A : i32
    %sign3A_8 = arith.extui %sign3A_7 : i1 to i32
    %sign3A_9 = arith.constant 0 : i32
    %sign3A_10 = arith.cmpi slt, %select_n3A, %sign3A_9 : i32
    %sign3A_11 = arith.extui %sign3A_10 : i1 to i32
    %sign3A_12 = arith.subi %sign3A_8, %sign3A_11 : i32
    %sign3A_13 = arith.constant 0 : i32
    %sign3A_14 = arith.cmpi sgt, %jit3A_6, %sign3A_13 : i32
    %sign3A_15 = arith.extui %sign3A_14 : i1 to i32
    %sign3A_16 = arith.constant 0 : i32
    %sign3A_17 = arith.cmpi slt, %jit3A_6, %sign3A_16 : i32
    %sign3A_18 = arith.extui %sign3A_17 : i1 to i32
    %sign3A_19 = arith.subi %sign3A_15, %sign3A_18 : i32
    %ne3A = arith.cmpi ne, %sign3A_12, %sign3A_19 : i32
    %rem3A = arith.remsi %select_n3A, %jit3A_6 : i32
    %ne3A_20 = arith.constant 0 : i32
    %ne3A_21 = arith.cmpi ne, %rem3A, %ne3A_20 : i32
    %and3A = arith.andi %ne3A, %ne3A_21 : i1
    %sub3A = arith.constant 1 : i32
    %sub3A_22 = arith.subi %div3A, %sub3A : i32
    %select_n3A_23 = arith.select %and3A, %sub3A_22, %div3A : i32
    %eq3A_24 = arith.constant 31 : i32
    %eq3A_25 = arith.cmpi eq, %add3A, %eq3A_24 : i32
    %convert_element_type3A = arith.extui %eq3A_25 : i1 to i32
    %cond3A = arith.constant 0 : i32
    %cond3A_26 = arith.cmpi ne, %convert_element_type3A, %cond3A : i32
    scf.if %cond3A_26 {
      "tpu.region"() ({
        %run_scoped3A = tpu.sem_alloc : memref<!tpu.dma_semaphore, #tpu.memory_space<semaphore_mem>>
        %dma_start3A = arith.constant 0 : i32
        %dma_start3A_120 = tpu.memref_slice %arg6[%dma_start3A] : memref<3136xf32, #tpu.memory_space<vmem>> -> memref<2784xf32, #tpu.memory_space<vmem>>
        %dma_start3A_121 = tpu.memref_slice %arg3[%mul3A_2] : memref<100000xf32, #tpu.memory_space<hbm>> -> memref<2784xf32, #tpu.memory_space<hbm>>
        %dma_start3A_122 = arith.constant 0 : i32
        %dma_start3A_123 = tpu.memref_slice %arg6[%dma_start3A_122] : memref<3136xf32, #tpu.memory_space<vmem>> -> memref<2784xf32, #tpu.memory_space<vmem>>
        %dma_start3A_124 = tpu.memref_slice %arg3[%mul3A_2] : memref<100000xf32, #tpu.memory_space<hbm>> -> memref<2784xf32, #tpu.memory_space<hbm>>
        tpu.enqueue_dma source(%dma_start3A_124 : memref<2784xf32, #tpu.memory_space<hbm>>) target(%dma_start3A_123 : memref<2784xf32, #tpu.memory_space<vmem>>) target_semaphore(%run_scoped3A : memref<!tpu.dma_semaphore, #tpu.memory_space<semaphore_mem>>)
        %dma_wait3A = arith.constant 0 : i32
        %dma_wait3A_125 = tpu.memref_slice %arg6[%dma_wait3A] : memref<3136xf32, #tpu.memory_space<vmem>> -> memref<2784xf32, #tpu.memory_space<vmem>>
        %dma_wait3A_126 = tpu.memref_slice %arg3[%mul3A_2] : memref<100000xf32, #tpu.memory_space<hbm>> -> memref<2784xf32, #tpu.memory_space<hbm>>
        %dma_wait3A_127 = arith.constant 0 : i32
        %dma_wait3A_128 = tpu.memref_slice %arg6[%dma_wait3A_127] : memref<3136xf32, #tpu.memory_space<vmem>> -> memref<2784xf32, #tpu.memory_space<vmem>>
        %dma_wait3A_129 = tpu.memref_slice %arg3[%mul3A_2] : memref<100000xf32, #tpu.memory_space<hbm>> -> memref<2784xf32, #tpu.memory_space<hbm>>
        tpu.wait_dma2 semaphore(%run_scoped3A : memref<!tpu.dma_semaphore, #tpu.memory_space<semaphore_mem>>) src(%dma_wait3A_129 : memref<2784xf32, #tpu.memory_space<hbm>>) dst(%dma_wait3A_128 : memref<2784xf32, #tpu.memory_space<vmem>>)
        tpu.yield
      }) : () -> ()
    } else {
    }
    %ne3A_27 = arith.constant 31 : i32
    %ne3A_28 = arith.cmpi ne, %add3A, %ne3A_27 : i32
    %convert_element_type3A_29 = arith.extui %ne3A_28 : i1 to i32
    %cond3A_30 = arith.constant 0 : i32
    %cond3A_31 = arith.cmpi ne, %convert_element_type3A_29, %cond3A_30 : i32
    scf.if %cond3A_31 {
      "tpu.region"() ({
        %run_scoped3A = tpu.sem_alloc : memref<!tpu.dma_semaphore, #tpu.memory_space<semaphore_mem>>
        %dma_start3A = tpu.memref_slice %arg3[%mul3A_2] : memref<100000xf32, #tpu.memory_space<hbm>> -> memref<3136xf32, #tpu.memory_space<hbm>>
        %dma_start3A_120 = tpu.memref_slice %arg3[%mul3A_2] : memref<100000xf32, #tpu.memory_space<hbm>> -> memref<3136xf32, #tpu.memory_space<hbm>>
        tpu.enqueue_dma source(%dma_start3A_120 : memref<3136xf32, #tpu.memory_space<hbm>>) target(%arg6 : memref<3136xf32, #tpu.memory_space<vmem>>) target_semaphore(%run_scoped3A : memref<!tpu.dma_semaphore, #tpu.memory_space<semaphore_mem>>)
        %dma_wait3A = tpu.memref_slice %arg3[%mul3A_2] : memref<100000xf32, #tpu.memory_space<hbm>> -> memref<3136xf32, #tpu.memory_space<hbm>>
        %dma_wait3A_121 = tpu.memref_slice %arg3[%mul3A_2] : memref<100000xf32, #tpu.memory_space<hbm>> -> memref<3136xf32, #tpu.memory_space<hbm>>
        tpu.wait_dma2 semaphore(%run_scoped3A : memref<!tpu.dma_semaphore, #tpu.memory_space<semaphore_mem>>) src(%dma_wait3A_121 : memref<3136xf32, #tpu.memory_space<hbm>>) dst(%arg6 : memref<3136xf32, #tpu.memory_space<vmem>>)
        tpu.yield
      }) : () -> ()
    } else {
    }
    "tpu.region"() ({
      %run_scoped3A = tpu.sem_alloc : memref<!tpu.dma_semaphore, #tpu.memory_space<semaphore_mem>>
      tpu.enqueue_dma source(%arg2 : memref<1024xf32, #tpu.memory_space<hbm>>) target(%arg7 : memref<1024xf32, #tpu.memory_space<vmem>>) target_semaphore(%run_scoped3A : memref<!tpu.dma_semaphore, #tpu.memory_space<semaphore_mem>>)
      tpu.wait_dma2 semaphore(%run_scoped3A : memref<!tpu.dma_semaphore, #tpu.memory_space<semaphore_mem>>) src(%arg2 : memref<1024xf32, #tpu.memory_space<hbm>>) dst(%arg7 : memref<1024xf32, #tpu.memory_space<vmem>>)
      tpu.yield
    }) : () -> ()
    %broadcast_in_dim3A_32 = arith.constant 0x7F800000 : f32
    %broadcast_in_dim3A_33 = vector.broadcast %broadcast_in_dim3A_32 : f32 to vector<16xf32>
    %broadcast_in_dim3A_34 = arith.constant 0xFF800000 : f32
    %broadcast_in_dim3A_35 = vector.broadcast %broadcast_in_dim3A_34 : f32 to vector<16xf32>
    %while3A = arith.constant 0 : i32
    %while3A_36 = arith.subi %select_n3A_23, %while3A : i32
    %while3A_37 = arith.addi %while3A, %while3A_36 : i32
    %while3A_38 = arith.constant 1 : i32
    %while3A_39 = arith.divsi %while3A_36, %while3A_38 : i32
    %while3A_40 = arith.muli %while3A_39, %while3A_38 : i32
    %while3A_41 = arith.addi %while3A, %while3A_40 : i32
    %while3A_42 = arith.constant 1 : i32
    %while3A_43:2 = scf.for %while3A_120 = %while3A to %while3A_41 step %while3A_42 iter_args(%while3A_121 = %broadcast_in_dim3A_33, %while3A_122 = %broadcast_in_dim3A_35) -> (vector<16xf32>, vector<16xf32>)  : i32 {
      %mul3A_123 = arith.constant 16 : i32
      %mul3A_124 = arith.muli %while3A_120, %mul3A_123 : i32
      %get3A = arith.index_cast %mul3A_124 : i32 to index
      %get3A_125 = tpu.vector_load %arg6[%get3A] {strides = array<i32>} : memref<3136xf32, #tpu.memory_space<vmem>>, vector<16xf32>,
      %min3A = arith.minimumf %while3A_121, %get3A_125 : vector<16xf32>
      %max3A_126 = arith.maximumf %while3A_122, %get3A_125 : vector<16xf32>
      scf.yield %min3A, %max3A_126 : vector<16xf32>, vector<16xf32>
    }
    %while3A_44 = arith.constant 1 : i32
    %while3A_45:2 = scf.for %while3A_120 = %while3A_41 to %while3A_37 step %while3A_44 iter_args(%while3A_121 = %while3A_43#0, %while3A_122 = %while3A_43#1) -> (vector<16xf32>, vector<16xf32>)  : i32 {
      %mul3A_123 = arith.constant 16 : i32
      %mul3A_124 = arith.muli %while3A_120, %mul3A_123 : i32
      %get3A = arith.index_cast %mul3A_124 : i32 to index
      %get3A_125 = tpu.vector_load %arg6[%get3A] {strides = array<i32>} : memref<3136xf32, #tpu.memory_space<vmem>>, vector<16xf32>,
      %min3A = arith.minimumf %while3A_121, %get3A_125 : vector<16xf32>
      %max3A_126 = arith.maximumf %while3A_122, %get3A_125 : vector<16xf32>
      scf.yield %min3A, %max3A_126 : vector<16xf32>, vector<16xf32>
    }
    %reduce_min3A = arith.constant true
    %reduce_min3A_46 = vector.broadcast %reduce_min3A : i1 to vector<16xi1>
    %reduce_min3A_47 = tpu.scan <min>, %while3A_45#0 masked %reduce_min3A_46 : vector<16xf32>, vector<16xi1> -> vector<16xf32>
    %reduce_min3A_48 = vector.extract %reduce_min3A_47[15] : f32 from vector<16xf32>
    %reduce_max3A = arith.constant true
    %reduce_max3A_49 = vector.broadcast %reduce_max3A : i1 to vector<16xi1>
    %reduce_max3A_50 = tpu.scan <max>, %while3A_45#1 masked %reduce_max3A_49 : vector<16xf32>, vector<16xi1> -> vector<16xf32>
    %reduce_max3A_51 = vector.extract %reduce_max3A_50[15] : f32 from vector<16xf32>
    %sub3A_52 = arith.subf %reduce_max3A_51, %reduce_min3A_48 : f32
    %max3A = arith.constant 1.000000e-30 : f32
    %max3A_53 = arith.maximumf %sub3A_52, %max3A : f32
    %broadcast_in_dim3A_54 = vector.broadcast %max3A_53 : f32 to vector<16xf32>
    %bitcast_convert_type3A = tpu.bitcast %broadcast_in_dim3A_54 : vector<16xf32> -> vector<16xi32>
    %shift_right_arithmetic3A = arith.constant 23 : i32
    %shift_right_arithmetic3A_55 = vector.broadcast %shift_right_arithmetic3A : i32 to vector<16xi32>
    %shift_right_arithmetic3A_56 = arith.shrsi %bitcast_convert_type3A, %shift_right_arithmetic3A_55 : vector<16xi32>
    %and3A_57 = arith.constant 255 : i32
    %and3A_58 = vector.broadcast %and3A_57 : i32 to vector<16xi32>
    %and3A_59 = arith.andi %shift_right_arithmetic3A_56, %and3A_58 : vector<16xi32>
    %sub3A_60 = arith.constant 266 : i32
    %sub3A_61 = vector.broadcast %sub3A_60 : i32 to vector<16xi32>
    %sub3A_62 = arith.subi %sub3A_61, %and3A_59 : vector<16xi32>
    %shift_left3A = arith.constant 23 : i32
    %shift_left3A_63 = vector.broadcast %shift_left3A : i32 to vector<16xi32>
    %shift_left3A_64 = arith.shli %sub3A_62, %shift_left3A_63 : vector<16xi32>
    %bitcast_convert_type3A_65 = tpu.bitcast %shift_left3A_64 : vector<16xi32> -> vector<16xf32>
    %add3A_66 = arith.constant 1 : i32
    %add3A_67 = vector.broadcast %add3A_66 : i32 to vector<16xi32>
    %add3A_68 = arith.addi %and3A_59, %add3A_67 : vector<16xi32>
    %sub3A_69 = arith.constant 13 : i32
    %sub3A_70 = vector.broadcast %sub3A_69 : i32 to vector<16xi32>
    %sub3A_71 = arith.subi %add3A_68, %sub3A_70 : vector<16xi32>
    %shift_left3A_72 = arith.constant 23 : i32
    %shift_left3A_73 = vector.broadcast %shift_left3A_72 : i32 to vector<16xi32>
    %shift_left3A_74 = arith.shli %sub3A_71, %shift_left3A_73 : vector<16xi32>
    %bitcast_convert_type3A_75 = tpu.bitcast %shift_left3A_74 : vector<16xi32> -> vector<16xf32>
    %scan3A = arith.constant 0 : i32
    %scan3A_76 = arith.constant 0 : i32
    %scan3A_77 = arith.constant 128 : i32
    %scan3A_78 = arith.addi %scan3A_76, %scan3A_77 : i32
    %scan3A_79 = arith.constant 1 : i32
    %scan3A_80 = scf.for %scan3A_120 = %scan3A_76 to %scan3A_78 step %scan3A_79 iter_args(%scan3A_121 = %scan3A) -> (i32)  : i32 {
      %broadcast_in_dim3A_122 = arith.constant 0 : i32
      %broadcast_in_dim3A_123 = vector.broadcast %broadcast_in_dim3A_122 : i32 to vector<16xi32>
      %mul3A_124 = arith.constant 64 : i32
      %mul3A_125 = arith.muli %scan3A_120, %mul3A_124 : i32
      %swap3A = arith.index_cast %mul3A_125 : i32 to index
      %swap3A_126 = tpu.vector_load %arg11[%swap3A] {strides = array<i32>} : memref<8192xi32, #tpu.memory_space<vmem>>, vector<16xi32>,
      tpu.vector_store %arg11[%swap3A], %broadcast_in_dim3A_123 {strides = array<i32>} : memref<8192xi32, #tpu.memory_space<vmem>>, vector<16xi32>,
      %mul3A_127 = arith.constant 64 : i32
      %mul3A_128 = arith.muli %scan3A_120, %mul3A_127 : i32
      %add3A_129 = arith.constant 16 : i32
      %add3A_130 = arith.addi %mul3A_128, %add3A_129 : i32
      %swap3A_131 = arith.index_cast %add3A_130 : i32 to index
      %swap3A_132 = tpu.vector_load %arg11[%swap3A_131] {strides = array<i32>} : memref<8192xi32, #tpu.memory_space<vmem>>, vector<16xi32>,
      tpu.vector_store %arg11[%swap3A_131], %broadcast_in_dim3A_123 {strides = array<i32>} : memref<8192xi32, #tpu.memory_space<vmem>>, vector<16xi32>,
      %mul3A_133 = arith.constant 64 : i32
      %mul3A_134 = arith.muli %scan3A_120, %mul3A_133 : i32
      %add3A_135 = arith.constant 32 : i32
      %add3A_136 = arith.addi %mul3A_134, %add3A_135 : i32
      %swap3A_137 = arith.index_cast %add3A_136 : i32 to index
      %swap3A_138 = tpu.vector_load %arg11[%swap3A_137] {strides = array<i32>} : memref<8192xi32, #tpu.memory_space<vmem>>, vector<16xi32>,
      tpu.vector_store %arg11[%swap3A_137], %broadcast_in_dim3A_123 {strides = array<i32>} : memref<8192xi32, #tpu.memory_space<vmem>>, vector<16xi32>,
      %mul3A_139 = arith.constant 64 : i32
      %mul3A_140 = arith.muli %scan3A_120, %mul3A_139 : i32
      %add3A_141 = arith.constant 48 : i32
      %add3A_142 = arith.addi %mul3A_140, %add3A_141 : i32
      %swap3A_143 = arith.index_cast %add3A_142 : i32 to index
      %swap3A_144 = tpu.vector_load %arg11[%swap3A_143] {strides = array<i32>} : memref<8192xi32, #tpu.memory_space<vmem>>, vector<16xi32>,
      tpu.vector_store %arg11[%swap3A_143], %broadcast_in_dim3A_123 {strides = array<i32>} : memref<8192xi32, #tpu.memory_space<vmem>>, vector<16xi32>,
      %scan3A_145 = arith.constant 0 : i32
      scf.yield %scan3A_145 : i32
    }
    %scan3A_81 = arith.constant 128 : i32
    %while3A_82 = arith.constant 0 : i32
    %while3A_83 = arith.constant 0 : i32
    %while3A_84 = arith.subi %select_n3A_23, %while3A_82 : i32
    %while3A_85 = arith.addi %while3A_82, %while3A_84 : i32
    %while3A_86 = arith.constant 1 : i32
    %while3A_87 = arith.divsi %while3A_84, %while3A_86 : i32
    %while3A_88 = arith.muli %while3A_87, %while3A_86 : i32
    %while3A_89 = arith.addi %while3A_82, %while3A_88 : i32
    %while3A_90 = arith.constant 1 : i32
    %while3A_91 = scf.for %while3A_120 = %while3A_82 to %while3A_89 step %while3A_90 iter_args(%while3A_121 = %while3A_83) -> (i32)  : i32 {
      %mul3A_122 = arith.constant 16 : i32
      %mul3A_123 = arith.muli %while3A_120, %mul3A_122 : i32
      %get3A = arith.index_cast %mul3A_123 : i32 to index
      %get3A_124 = tpu.vector_load %arg6[%get3A] {strides = array<i32>} : memref<3136xf32, #tpu.memory_space<vmem>>, vector<16xf32>,
      %sub3A_125 = vector.broadcast %reduce_min3A_48 : f32 to vector<16xf32>
      %sub3A_126 = arith.subf %get3A_124, %sub3A_125 : vector<16xf32>
      %mul3A_127 = arith.mulf %sub3A_126, %bitcast_convert_type3A_65 : vector<16xf32>
      %jit3A_128 = arith.constant 0.000000e+00 : f32
      %jit3A_129 = arith.constant 8.191000e+03 : f32
      %max3A_130 = vector.broadcast %jit3A_128 : f32 to vector<16xf32>
      %max3A_131 = arith.maximumf %max3A_130, %mul3A_127 : vector<16xf32>
      %min3A = vector.broadcast %jit3A_129 : f32 to vector<16xf32>
      %min3A_132 = arith.minimumf %min3A, %max3A_131 : vector<16xf32>
      %convert_element_type3A_133 = arith.fptosi %min3A_132 : vector<16xf32> to vector<16xi32>
      tpu.vector_store_idx %arg11[%convert_element_type3A_133], %broadcast_in_dim3A_3 {add = true} : memref<8192xi32, #tpu.memory_space<vmem>>[vector<16xi32>], vector<16xi32>,
      %while3A_134 = arith.constant 0 : i32
      scf.yield %while3A_134 : i32
    }
    %while3A_92 = arith.constant 1 : i32
    %while3A_93 = scf.for %while3A_120 = %while3A_89 to %while3A_85 step %while3A_92 iter_args(%while3A_121 = %while3A_91) -> (i32)  : i32 {
      %mul3A_122 = arith.constant 16 : i32
      %mul3A_123 = arith.muli %while3A_120, %mul3A_122 : i32
      %get3A = arith.index_cast %mul3A_123 : i32 to index
      %get3A_124 = tpu.vector_load %arg6[%get3A] {strides = array<i32>} : memref<3136xf32, #tpu.memory_space<vmem>>, vector<16xf32>,
      %sub3A_125 = vector.broadcast %reduce_min3A_48 : f32 to vector<16xf32>
      %sub3A_126 = arith.subf %get3A_124, %sub3A_125 : vector<16xf32>
      %mul3A_127 = arith.mulf %sub3A_126, %bitcast_convert_type3A_65 : vector<16xf32>
      %jit3A_128 = arith.constant 0.000000e+00 : f32
      %jit3A_129 = arith.constant 8.191000e+03 : f32
      %max3A_130 = vector.broadcast %jit3A_128 : f32 to vector<16xf32>
      %max3A_131 = arith.maximumf %max3A_130, %mul3A_127 : vector<16xf32>
      %min3A = vector.broadcast %jit3A_129 : f32 to vector<16xf32>
      %min3A_132 = arith.minimumf %min3A, %max3A_131 : vector<16xf32>
      %convert_element_type3A_133 = arith.fptosi %min3A_132 : vector<16xf32> to vector<16xi32>
      tpu.vector_store_idx %arg11[%convert_element_type3A_133], %broadcast_in_dim3A_3 {add = true} : memref<8192xi32, #tpu.memory_space<vmem>>[vector<16xi32>], vector<16xi32>,
      %while3A_134 = arith.constant 0 : i32
      scf.yield %while3A_134 : i32
    }
    %scan3A_94 = arith.constant 0 : i32
    %scan3A_95 = arith.constant 0 : i32
    %scan3A_96 = arith.constant 128 : i32
    %scan3A_97 = arith.addi %scan3A_95, %scan3A_96 : i32
    %scan3A_98 = arith.constant 1 : i32
    %scan3A_99 = scf.for %scan3A_120 = %scan3A_95 to %scan3A_97 step %scan3A_98 iter_args(%scan3A_121 = %scan3A_94) -> (i32)  : i32 {
      %mul3A_122 = arith.constant 64 : i32
      %mul3A_123 = arith.muli %scan3A_120, %mul3A_122 : i32
      %add3A_124 = arith.constant 0 : i32
      %add3A_125 = arith.addi %mul3A_123, %add3A_124 : i32
      %get3A = arith.index_cast %add3A_125 : i32 to index
      %get3A_126 = tpu.vector_load %arg11[%get3A] {strides = array<i32>} : memref<8192xi32, #tpu.memory_space<vmem>>, vector<16xi32>,
      %mul3A_127 = arith.constant 64 : i32
      %mul3A_128 = arith.muli %scan3A_120, %mul3A_127 : i32
      %add3A_129 = arith.constant 16 : i32
      %add3A_130 = arith.addi %mul3A_128, %add3A_129 : i32
      %get3A_131 = arith.index_cast %add3A_130 : i32 to index
      %get3A_132 = tpu.vector_load %arg11[%get3A_131] {strides = array<i32>} : memref<8192xi32, #tpu.memory_space<vmem>>, vector<16xi32>,
      %mul3A_133 = arith.constant 64 : i32
      %mul3A_134 = arith.muli %scan3A_120, %mul3A_133 : i32
      %add3A_135 = arith.constant 32 : i32
      %add3A_136 = arith.addi %mul3A_134, %add3A_135 : i32
      %get3A_137 = arith.index_cast %add3A_136 : i32 to index
      %get3A_138 = tpu.vector_load %arg11[%get3A_137] {strides = array<i32>} : memref<8192xi32, #tpu.memory_space<vmem>>, vector<16xi32>,
      %mul3A_139 = arith.constant 64 : i32
      %mul3A_140 = arith.muli %scan3A_120, %mul3A_139 : i32
      %add3A_141 = arith.constant 48 : i32
      %add3A_142 = arith.addi %mul3A_140, %add3A_141 : i32
      %get3A_143 = arith.index_cast %add3A_142 : i32 to index
      %get3A_144 = tpu.vector_load %arg11[%get3A_143] {strides = array<i32>} : memref<8192xi32, #tpu.memory_space<vmem>>, vector<16xi32>,
      %broadcast_in_dim3A_145 = arith.constant true
      %broadcast_in_dim3A_146 = vector.broadcast %broadcast_in_dim3A_145 : i1 to vector<16xi1>
      %masked_cumsum3A = tpu.scan <sum>, %get3A_126 masked %broadcast_in_dim3A_146 : vector<16xi32>, vector<16xi1> -> vector<16xi32>
      %broadcast_in_dim3A_147 = arith.constant true
      %broadcast_in_dim3A_148 = vector.broadcast %broadcast_in_dim3A_147 : i1 to vector<16xi1>
      %masked_cumsum3A_149 = tpu.scan <sum>, %get3A_132 masked %broadcast_in_dim3A_148 : vector<16xi32>, vector<16xi1> -> vector<16xi32>
      %broadcast_in_dim3A_150 = arith.constant true
      %broadcast_in_dim3A_151 = vector.broadcast %broadcast_in_dim3A_150 : i1 to vector<16xi1>
      %masked_cumsum3A_152 = tpu.scan <sum>, %get3A_138 masked %broadcast_in_dim3A_151 : vector<16xi32>, vector<16xi1> -> vector<16xi32>
      %broadcast_in_dim3A_153 = arith.constant true
      %broadcast_in_dim3A_154 = vector.broadcast %broadcast_in_dim3A_153 : i1 to vector<16xi1>
      %masked_cumsum3A_155 = tpu.scan <sum>, %get3A_144 masked %broadcast_in_dim3A_154 : vector<16xi32>, vector<16xi1> -> vector<16xi32>
      %reduce_sum3A = arith.constant true
      %reduce_sum3A_156 = vector.broadcast %reduce_sum3A : i1 to vector<16xi1>
      %reduce_sum3A_157 = tpu.scan <sum>, %get3A_126 masked %reduce_sum3A_156 : vector<16xi32>, vector<16xi1> -> vector<16xi32>
      %reduce_sum3A_158 = vector.extract %reduce_sum3A_157[15] : i32 from vector<16xi32>
      %reduce_sum3A_159 = arith.constant true
      %reduce_sum3A_160 = vector.broadcast %reduce_sum3A_159 : i1 to vector<16xi1>
      %reduce_sum3A_161 = tpu.scan <sum>, %get3A_132 masked %reduce_sum3A_160 : vector<16xi32>, vector<16xi1> -> vector<16xi32>
      %reduce_sum3A_162 = vector.extract %reduce_sum3A_161[15] : i32 from vector<16xi32>
      %reduce_sum3A_163 = arith.constant true
      %reduce_sum3A_164 = vector.broadcast %reduce_sum3A_163 : i1 to vector<16xi1>
      %reduce_sum3A_165 = tpu.scan <sum>, %get3A_138 masked %reduce_sum3A_164 : vector<16xi32>, vector<16xi1> -> vector<16xi32>
      %reduce_sum3A_166 = vector.extract %reduce_sum3A_165[15] : i32 from vector<16xi32>
      %reduce_sum3A_167 = arith.constant true
      %reduce_sum3A_168 = vector.broadcast %reduce_sum3A_167 : i1 to vector<16xi1>
      %reduce_sum3A_169 = tpu.scan <sum>, %get3A_144 masked %reduce_sum3A_168 : vector<16xi32>, vector<16xi1> -> vector<16xi32>
      %reduce_sum3A_170 = vector.extract %reduce_sum3A_169[15] : i32 from vector<16xi32>
      %sub3A_171 = arith.subi %masked_cumsum3A, %get3A_126 : vector<16xi32>
      %add3A_172 = vector.broadcast %scan3A_121 : i32 to vector<16xi32>
      %add3A_173 = arith.addi %sub3A_171, %add3A_172 : vector<16xi32>
      %mul3A_174 = arith.constant 64 : i32
      %mul3A_175 = arith.muli %scan3A_120, %mul3A_174 : i32
      %add3A_176 = arith.constant 0 : i32
      %add3A_177 = arith.addi %mul3A_175, %add3A_176 : i32
      %swap3A = arith.index_cast %add3A_177 : i32 to index
      %swap3A_178 = tpu.vector_load %arg10[%swap3A] {strides = array<i32>} : memref<8192xi32, #tpu.memory_space<vmem>>, vector<16xi32>,
      tpu.vector_store %arg10[%swap3A], %add3A_173 {strides = array<i32>} : memref<8192xi32, #tpu.memory_space<vmem>>, vector<16xi32>,
      %mul3A_179 = arith.constant 64 : i32
      %mul3A_180 = arith.muli %scan3A_120, %mul3A_179 : i32
      %add3A_181 = arith.constant 0 : i32
      %add3A_182 = arith.addi %mul3A_180, %add3A_181 : i32
      %swap3A_183 = arith.index_cast %add3A_182 : i32 to index
      %swap3A_184 = tpu.vector_load %arg11[%swap3A_183] {strides = array<i32>} : memref<8192xi32, #tpu.memory_space<vmem>>, vector<16xi32>,
      tpu.vector_store %arg11[%swap3A_183], %add3A_173 {strides = array<i32>} : memref<8192xi32, #tpu.memory_space<vmem>>, vector<16xi32>,
      %add3A_185 = arith.addi %scan3A_121, %reduce_sum3A_158 : i32
      %sub3A_186 = arith.subi %masked_cumsum3A_149, %get3A_132 : vector<16xi32>
      %add3A_187 = vector.broadcast %add3A_185 : i32 to vector<16xi32>
      %add3A_188 = arith.addi %sub3A_186, %add3A_187 : vector<16xi32>
      %mul3A_189 = arith.constant 64 : i32
      %mul3A_190 = arith.muli %scan3A_120, %mul3A_189 : i32
      %add3A_191 = arith.constant 16 : i32
      %add3A_192 = arith.addi %mul3A_190, %add3A_191 : i32
      %swap3A_193 = arith.index_cast %add3A_192 : i32 to index
      %swap3A_194 = tpu.vector_load %arg10[%swap3A_193] {strides = array<i32>} : memref<8192xi32, #tpu.memory_space<vmem>>, vector<16xi32>,
      tpu.vector_store %arg10[%swap3A_193], %add3A_188 {strides = array<i32>} : memref<8192xi32, #tpu.memory_space<vmem>>, vector<16xi32>,
      %mul3A_195 = arith.constant 64 : i32
      %mul3A_196 = arith.muli %scan3A_120, %mul3A_195 : i32
      %add3A_197 = arith.constant 16 : i32
      %add3A_198 = arith.addi %mul3A_196, %add3A_197 : i32
      %swap3A_199 = arith.index_cast %add3A_198 : i32 to index
      %swap3A_200 = tpu.vector_load %arg11[%swap3A_199] {strides = array<i32>} : memref<8192xi32, #tpu.memory_space<vmem>>, vector<16xi32>,
      tpu.vector_store %arg11[%swap3A_199], %add3A_188 {strides = array<i32>} : memref<8192xi32, #tpu.memory_space<vmem>>, vector<16xi32>,
      %add3A_201 = arith.addi %add3A_185, %reduce_sum3A_162 : i32
      %sub3A_202 = arith.subi %masked_cumsum3A_152, %get3A_138 : vector<16xi32>
      %add3A_203 = vector.broadcast %add3A_201 : i32 to vector<16xi32>
      %add3A_204 = arith.addi %sub3A_202, %add3A_203 : vector<16xi32>
      %mul3A_205 = arith.constant 64 : i32
      %mul3A_206 = arith.muli %scan3A_120, %mul3A_205 : i32
      %add3A_207 = arith.constant 32 : i32
      %add3A_208 = arith.addi %mul3A_206, %add3A_207 : i32
      %swap3A_209 = arith.index_cast %add3A_208 : i32 to index
      %swap3A_210 = tpu.vector_load %arg10[%swap3A_209] {strides = array<i32>} : memref<8192xi32, #tpu.memory_space<vmem>>, vector<16xi32>,
      tpu.vector_store %arg10[%swap3A_209], %add3A_204 {strides = array<i32>} : memref<8192xi32, #tpu.memory_space<vmem>>, vector<16xi32>,
      %mul3A_211 = arith.constant 64 : i32
      %mul3A_212 = arith.muli %scan3A_120, %mul3A_211 : i32
      %add3A_213 = arith.constant 32 : i32
      %add3A_214 = arith.addi %mul3A_212, %add3A_213 : i32
      %swap3A_215 = arith.index_cast %add3A_214 : i32 to index
      %swap3A_216 = tpu.vector_load %arg11[%swap3A_215] {strides = array<i32>} : memref<8192xi32, #tpu.memory_space<vmem>>, vector<16xi32>,
      tpu.vector_store %arg11[%swap3A_215], %add3A_204 {strides = array<i32>} : memref<8192xi32, #tpu.memory_space<vmem>>, vector<16xi32>,
      %add3A_217 = arith.addi %add3A_201, %reduce_sum3A_166 : i32
      %sub3A_218 = arith.subi %masked_cumsum3A_155, %get3A_144 : vector<16xi32>
      %add3A_219 = vector.broadcast %add3A_217 : i32 to vector<16xi32>
      %add3A_220 = arith.addi %sub3A_218, %add3A_219 : vector<16xi32>
      %mul3A_221 = arith.constant 64 : i32
      %mul3A_222 = arith.muli %scan3A_120, %mul3A_221 : i32
      %add3A_223 = arith.constant 48 : i32
      %add3A_224 = arith.addi %mul3A_222, %add3A_223 : i32
      %swap3A_225 = arith.index_cast %add3A_224 : i32 to index
      %swap3A_226 = tpu.vector_load %arg10[%swap3A_225] {strides = array<i32>} : memref<8192xi32, #tpu.memory_space<vmem>>, vector<16xi32>,
      tpu.vector_store %arg10[%swap3A_225], %add3A_220 {strides = array<i32>} : memref<8192xi32, #tpu.memory_space<vmem>>, vector<16xi32>,
      %mul3A_227 = arith.constant 64 : i32
      %mul3A_228 = arith.muli %scan3A_120, %mul3A_227 : i32
      %add3A_229 = arith.constant 48 : i32
      %add3A_230 = arith.addi %mul3A_228, %add3A_229 : i32
      %swap3A_231 = arith.index_cast %add3A_230 : i32 to index
      %swap3A_232 = tpu.vector_load %arg11[%swap3A_231] {strides = array<i32>} : memref<8192xi32, #tpu.memory_space<vmem>>, vector<16xi32>,
      tpu.vector_store %arg11[%swap3A_231], %add3A_220 {strides = array<i32>} : memref<8192xi32, #tpu.memory_space<vmem>>, vector<16xi32>,
      %add3A_233 = arith.addi %add3A_217, %reduce_sum3A_170 : i32
      scf.yield %add3A_233 : i32
    }
    %scan3A_100 = arith.constant 128 : i32
    %while3A_101 = arith.constant 0 : i32
    %while3A_102 = arith.constant 0 : i32
    %while3A_103 = arith.subi %select_n3A_23, %while3A_101 : i32
    %while3A_104 = arith.addi %while3A_101, %while3A_103 : i32
    %while3A_105 = arith.constant 1 : i32
    %while3A_106 = arith.divsi %while3A_103, %while3A_105 : i32
    %while3A_107 = arith.muli %while3A_106, %while3A_105 : i32
    %while3A_108 = arith.addi %while3A_101, %while3A_107 : i32
    %while3A_109 = arith.constant 1 : i32
    %while3A_110 = scf.for %while3A_120 = %while3A_101 to %while3A_108 step %while3A_109 iter_args(%while3A_121 = %while3A_102) -> (i32)  : i32 {
      %mul3A_122 = arith.constant 16 : i32
      %mul3A_123 = arith.muli %while3A_120, %mul3A_122 : i32
      %get3A = arith.index_cast %mul3A_123 : i32 to index
      %get3A_124 = tpu.vector_load %arg6[%get3A] {strides = array<i32>} : memref<3136xf32, #tpu.memory_space<vmem>>, vector<16xf32>,
      %mul3A_125 = arith.constant 16 : i32
      %mul3A_126 = arith.muli %while3A_120, %mul3A_125 : i32
      %add3A_127 = arith.addi %mul3A_2, %mul3A_126 : i32
      %add3A_128 = vector.broadcast %add3A_127 : i32 to vector<16xi32>
      %add3A_129 = arith.addi %add3A_128, %iota3A : vector<16xi32>
      %sub3A_130 = vector.broadcast %reduce_min3A_48 : f32 to vector<16xf32>
      %sub3A_131 = arith.subf %get3A_124, %sub3A_130 : vector<16xf32>
      %mul3A_132 = arith.mulf %sub3A_131, %bitcast_convert_type3A_65 : vector<16xf32>
      %jit3A_133 = arith.constant 0.000000e+00 : f32
      %jit3A_134 = arith.constant 8.191000e+03 : f32
      %max3A_135 = vector.broadcast %jit3A_133 : f32 to vector<16xf32>
      %max3A_136 = arith.maximumf %max3A_135, %mul3A_132 : vector<16xf32>
      %min3A = vector.broadcast %jit3A_134 : f32 to vector<16xf32>
      %min3A_137 = arith.minimumf %min3A, %max3A_136 : vector<16xf32>
      %convert_element_type3A_138 = arith.fptosi %min3A_137 : vector<16xf32> to vector<16xi32>
      %broadcast_in_dim3A_139 = arith.constant true
      %broadcast_in_dim3A_140 = vector.broadcast %broadcast_in_dim3A_139 : i1 to vector<16xi1>
      %while3A_141 = scf.while (%while3A_143 = %broadcast_in_dim3A_140) : (vector<16xi1>) -> vector<16xi1> {
        %reduce_or3A = arith.constant 1.000000e+00 : f32
        %reduce_or3A_144 = arith.constant 0.000000e+00 : f32
        %reduce_or3A_145 = vector.broadcast %reduce_or3A : f32 to vector<16xf32>
        %reduce_or3A_146 = vector.broadcast %reduce_or3A_144 : f32 to vector<16xf32>
        %reduce_or3A_147 = arith.select %while3A_143, %reduce_or3A_145, %reduce_or3A_146 : vector<16xi1>, vector<16xf32>
        %reduce_or3A_148 = arith.constant true
        %reduce_or3A_149 = vector.broadcast %reduce_or3A_148 : i1 to vector<16xi1>
        %reduce_or3A_150 = tpu.scan <max>, %reduce_or3A_147 masked %reduce_or3A_149 : vector<16xf32>, vector<16xi1> -> vector<16xf32>
        %reduce_or3A_151 = vector.extract %reduce_or3A_150[15] : f32 from vector<16xf32>
        %reduce_or3A_152 = arith.constant 0.000000e+00 : f32
        %reduce_or3A_153 = arith.cmpf ogt, %reduce_or3A_151, %reduce_or3A_152 : f32
        scf.condition(%reduce_or3A_153) %while3A_143 : vector<16xi1>
      } do {
      ^bb0(%while3A_143: vector<16xi1>):
        tpu.vector_store_idx %arg12[%convert_element_type3A_138], %iota3A masked %while3A_143 : memref<8192xi32, #tpu.memory_space<vmem>>[vector<16xi32>], vector<16xi32>, vector<16xi1>
        %gather3A = tpu.vector_load_idx %arg12[%convert_element_type3A_138] : memref<8192xi32, #tpu.memory_space<vmem>>[vector<16xi32>], vector<16xi32>,
        %eq3A_144 = arith.cmpi eq, %gather3A, %iota3A : vector<16xi32>
        %and3A_145 = arith.andi %eq3A_144, %while3A_143 : vector<16xi1>
        %gather3A_146 = tpu.vector_load_idx %arg11[%convert_element_type3A_138] : memref<8192xi32, #tpu.memory_space<vmem>>[vector<16xi32>], vector<16xi32>,
        tpu.vector_store_idx %arg8[%gather3A_146], %get3A_124 masked %and3A_145 : memref<3136xf32, #tpu.memory_space<vmem>>[vector<16xi32>], vector<16xf32>, vector<16xi1>
        tpu.vector_store_idx %arg9[%gather3A_146], %add3A_129 masked %and3A_145 : memref<3136xi32, #tpu.memory_space<vmem>>[vector<16xi32>], vector<16xi32>, vector<16xi1>
        tpu.vector_store_idx %arg11[%convert_element_type3A_138], %broadcast_in_dim3A_3 masked %and3A_145 {add = true} : memref<8192xi32, #tpu.memory_space<vmem>>[vector<16xi32>], vector<16xi32>, vector<16xi1>
        %not3A = arith.constant dense<true> : vector<16xi1>
        %not3A_147 = arith.xori %and3A_145, %not3A : vector<16xi1>
        %and3A_148 = arith.andi %while3A_143, %not3A_147 : vector<16xi1>
        scf.yield %and3A_148 : vector<16xi1>
      }
      %while3A_142 = arith.constant 0 : i32
      scf.yield %while3A_142 : i32
    }
    %while3A_111 = arith.constant 1 : i32
    %while3A_112 = scf.for %while3A_120 = %while3A_108 to %while3A_104 step %while3A_111 iter_args(%while3A_121 = %while3A_110) -> (i32)  : i32 {
      %mul3A_122 = arith.constant 16 : i32
      %mul3A_123 = arith.muli %while3A_120, %mul3A_122 : i32
      %get3A = arith.index_cast %mul3A_123 : i32 to index
      %get3A_124 = tpu.vector_load %arg6[%get3A] {strides = array<i32>} : memref<3136xf32, #tpu.memory_space<vmem>>, vector<16xf32>,
      %mul3A_125 = arith.constant 16 : i32
      %mul3A_126 = arith.muli %while3A_120, %mul3A_125 : i32
      %add3A_127 = arith.addi %mul3A_2, %mul3A_126 : i32
      %add3A_128 = vector.broadcast %add3A_127 : i32 to vector<16xi32>
      %add3A_129 = arith.addi %add3A_128, %iota3A : vector<16xi32>
      %sub3A_130 = vector.broadcast %reduce_min3A_48 : f32 to vector<16xf32>
      %sub3A_131 = arith.subf %get3A_124, %sub3A_130 : vector<16xf32>
      %mul3A_132 = arith.mulf %sub3A_131, %bitcast_convert_type3A_65 : vector<16xf32>
      %jit3A_133 = arith.constant 0.000000e+00 : f32
      %jit3A_134 = arith.constant 8.191000e+03 : f32
      %max3A_135 = vector.broadcast %jit3A_133 : f32 to vector<16xf32>
      %max3A_136 = arith.maximumf %max3A_135, %mul3A_132 : vector<16xf32>
      %min3A = vector.broadcast %jit3A_134 : f32 to vector<16xf32>
      %min3A_137 = arith.minimumf %min3A, %max3A_136 : vector<16xf32>
      %convert_element_type3A_138 = arith.fptosi %min3A_137 : vector<16xf32> to vector<16xi32>
      %broadcast_in_dim3A_139 = arith.constant true
      %broadcast_in_dim3A_140 = vector.broadcast %broadcast_in_dim3A_139 : i1 to vector<16xi1>
      %while3A_141 = scf.while (%while3A_143 = %broadcast_in_dim3A_140) : (vector<16xi1>) -> vector<16xi1> {
        %reduce_or3A = arith.constant 1.000000e+00 : f32
        %reduce_or3A_144 = arith.constant 0.000000e+00 : f32
        %reduce_or3A_145 = vector.broadcast %reduce_or3A : f32 to vector<16xf32>
        %reduce_or3A_146 = vector.broadcast %reduce_or3A_144 : f32 to vector<16xf32>
        %reduce_or3A_147 = arith.select %while3A_143, %reduce_or3A_145, %reduce_or3A_146 : vector<16xi1>, vector<16xf32>
        %reduce_or3A_148 = arith.constant true
        %reduce_or3A_149 = vector.broadcast %reduce_or3A_148 : i1 to vector<16xi1>
        %reduce_or3A_150 = tpu.scan <max>, %reduce_or3A_147 masked %reduce_or3A_149 : vector<16xf32>, vector<16xi1> -> vector<16xf32>
        %reduce_or3A_151 = vector.extract %reduce_or3A_150[15] : f32 from vector<16xf32>
        %reduce_or3A_152 = arith.constant 0.000000e+00 : f32
        %reduce_or3A_153 = arith.cmpf ogt, %reduce_or3A_151, %reduce_or3A_152 : f32
        scf.condition(%reduce_or3A_153) %while3A_143 : vector<16xi1>
      } do {
      ^bb0(%while3A_143: vector<16xi1>):
        tpu.vector_store_idx %arg12[%convert_element_type3A_138], %iota3A masked %while3A_143 : memref<8192xi32, #tpu.memory_space<vmem>>[vector<16xi32>], vector<16xi32>, vector<16xi1>
        %gather3A = tpu.vector_load_idx %arg12[%convert_element_type3A_138] : memref<8192xi32, #tpu.memory_space<vmem>>[vector<16xi32>], vector<16xi32>,
        %eq3A_144 = arith.cmpi eq, %gather3A, %iota3A : vector<16xi32>
        %and3A_145 = arith.andi %eq3A_144, %while3A_143 : vector<16xi1>
        %gather3A_146 = tpu.vector_load_idx %arg11[%convert_element_type3A_138] : memref<8192xi32, #tpu.memory_space<vmem>>[vector<16xi32>], vector<16xi32>,
        tpu.vector_store_idx %arg8[%gather3A_146], %get3A_124 masked %and3A_145 : memref<3136xf32, #tpu.memory_space<vmem>>[vector<16xi32>], vector<16xf32>, vector<16xi1>
        tpu.vector_store_idx %arg9[%gather3A_146], %add3A_129 masked %and3A_145 : memref<3136xi32, #tpu.memory_space<vmem>>[vector<16xi32>], vector<16xi32>, vector<16xi1>
        tpu.vector_store_idx %arg11[%convert_element_type3A_138], %broadcast_in_dim3A_3 masked %and3A_145 {add = true} : memref<8192xi32, #tpu.memory_space<vmem>>[vector<16xi32>], vector<16xi32>, vector<16xi1>
        %not3A = arith.constant dense<true> : vector<16xi1>
        %not3A_147 = arith.xori %and3A_145, %not3A : vector<16xi1>
        %and3A_148 = arith.andi %while3A_143, %not3A_147 : vector<16xi1>
        scf.yield %and3A_148 : vector<16xi1>
      }
      %while3A_142 = arith.constant 0 : i32
      scf.yield %while3A_142 : i32
    }
    %scan3A_113 = arith.constant 0 : i32
    %scan3A_114 = arith.constant 0 : i32
    %scan3A_115 = arith.constant 16 : i32
    %scan3A_116 = arith.addi %scan3A_114, %scan3A_115 : i32
    %scan3A_117 = arith.constant 1 : i32
    %scan3A_118 = scf.for %scan3A_120 = %scan3A_114 to %scan3A_116 step %scan3A_117 iter_args(%scan3A_121 = %scan3A_113) -> (i32)  : i32 {
      %mul3A_122 = arith.constant 16 : i32
      %mul3A_123 = arith.muli %scan3A_120, %mul3A_122 : i32
      %mul3A_124 = arith.constant 4 : i32
      %mul3A_125 = arith.muli %mul3A_123, %mul3A_124 : i32
      %add3A_126 = arith.constant 0 : i32
      %add3A_127 = arith.addi %mul3A_125, %add3A_126 : i32
      %get3A = arith.index_cast %add3A_127 : i32 to index
      %get3A_128 = tpu.vector_load %arg7[%get3A] {strides = array<i32>} : memref<1024xf32, #tpu.memory_space<vmem>>, vector<16xf32>,
      %mul3A_129 = arith.constant 16 : i32
      %mul3A_130 = arith.muli %scan3A_120, %mul3A_129 : i32
      %mul3A_131 = arith.constant 4 : i32
      %mul3A_132 = arith.muli %mul3A_130, %mul3A_131 : i32
      %add3A_133 = arith.constant 16 : i32
      %add3A_134 = arith.addi %mul3A_132, %add3A_133 : i32
      %get3A_135 = arith.index_cast %add3A_134 : i32 to index
      %get3A_136 = tpu.vector_load %arg7[%get3A_135] {strides = array<i32>} : memref<1024xf32, #tpu.memory_space<vmem>>, vector<16xf32>,
      %mul3A_137 = arith.constant 16 : i32
      %mul3A_138 = arith.muli %scan3A_120, %mul3A_137 : i32
      %mul3A_139 = arith.constant 4 : i32
      %mul3A_140 = arith.muli %mul3A_138, %mul3A_139 : i32
      %add3A_141 = arith.constant 32 : i32
      %add3A_142 = arith.addi %mul3A_140, %add3A_141 : i32
      %get3A_143 = arith.index_cast %add3A_142 : i32 to index
      %get3A_144 = tpu.vector_load %arg7[%get3A_143] {strides = array<i32>} : memref<1024xf32, #tpu.memory_space<vmem>>, vector<16xf32>,
      %mul3A_145 = arith.constant 16 : i32
      %mul3A_146 = arith.muli %scan3A_120, %mul3A_145 : i32
      %mul3A_147 = arith.constant 4 : i32
      %mul3A_148 = arith.muli %mul3A_146, %mul3A_147 : i32
      %add3A_149 = arith.constant 48 : i32
      %add3A_150 = arith.addi %mul3A_148, %add3A_149 : i32
      %get3A_151 = arith.index_cast %add3A_150 : i32 to index
      %get3A_152 = tpu.vector_load %arg7[%get3A_151] {strides = array<i32>} : memref<1024xf32, #tpu.memory_space<vmem>>, vector<16xf32>,
      %sub3A_153 = vector.broadcast %reduce_min3A_48 : f32 to vector<16xf32>
      %sub3A_154 = arith.subf %get3A_128, %sub3A_153 : vector<16xf32>
      %mul3A_155 = arith.mulf %sub3A_154, %bitcast_convert_type3A_65 : vector<16xf32>
      %sub3A_156 = vector.broadcast %reduce_min3A_48 : f32 to vector<16xf32>
      %sub3A_157 = arith.subf %get3A_136, %sub3A_156 : vector<16xf32>
      %mul3A_158 = arith.mulf %sub3A_157, %bitcast_convert_type3A_65 : vector<16xf32>
      %sub3A_159 = vector.broadcast %reduce_min3A_48 : f32 to vector<16xf32>
      %sub3A_160 = arith.subf %get3A_144, %sub3A_159 : vector<16xf32>
      %mul3A_161 = arith.mulf %sub3A_160, %bitcast_convert_type3A_65 : vector<16xf32>
      %sub3A_162 = vector.broadcast %reduce_min3A_48 : f32 to vector<16xf32>
      %sub3A_163 = arith.subf %get3A_152, %sub3A_162 : vector<16xf32>
      %mul3A_164 = arith.mulf %sub3A_163, %bitcast_convert_type3A_65 : vector<16xf32>
      %sub3A_165 = vector.broadcast %reduce_min3A_48 : f32 to vector<16xf32>
      %sub3A_166 = arith.subf %get3A_128, %sub3A_165 : vector<16xf32>
      %mul3A_167 = arith.mulf %sub3A_166, %bitcast_convert_type3A_65 : vector<16xf32>
      %jit3A_168 = arith.constant 0.000000e+00 : f32
      %jit3A_169 = arith.constant 8.191000e+03 : f32
      %max3A_170 = vector.broadcast %jit3A_168 : f32 to vector<16xf32>
      %max3A_171 = arith.maximumf %max3A_170, %mul3A_167 : vector<16xf32>
      %min3A = vector.broadcast %jit3A_169 : f32 to vector<16xf32>
      %min3A_172 = arith.minimumf %min3A, %max3A_171 : vector<16xf32>
      %convert_element_type3A_173 = arith.fptosi %min3A_172 : vector<16xf32> to vector<16xi32>
      %gather3A = tpu.vector_load_idx %arg10[%convert_element_type3A_173] : memref<8192xi32, #tpu.memory_space<vmem>>[vector<16xi32>], vector<16xi32>,
      %sub3A_174 = vector.broadcast %reduce_min3A_48 : f32 to vector<16xf32>
      %sub3A_175 = arith.subf %get3A_136, %sub3A_174 : vector<16xf32>
      %mul3A_176 = arith.mulf %sub3A_175, %bitcast_convert_type3A_65 : vector<16xf32>
      %jit3A_177 = arith.constant 0.000000e+00 : f32
      %jit3A_178 = arith.constant 8.191000e+03 : f32
      %max3A_179 = vector.broadcast %jit3A_177 : f32 to vector<16xf32>
      %max3A_180 = arith.maximumf %max3A_179, %mul3A_176 : vector<16xf32>
      %min3A_181 = vector.broadcast %jit3A_178 : f32 to vector<16xf32>
      %min3A_182 = arith.minimumf %min3A_181, %max3A_180 : vector<16xf32>
      %convert_element_type3A_183 = arith.fptosi %min3A_182 : vector<16xf32> to vector<16xi32>
      %gather3A_184 = tpu.vector_load_idx %arg10[%convert_element_type3A_183] : memref<8192xi32, #tpu.memory_space<vmem>>[vector<16xi32>], vector<16xi32>,
      %sub3A_185 = vector.broadcast %reduce_min3A_48 : f32 to vector<16xf32>
      %sub3A_186 = arith.subf %get3A_144, %sub3A_185 : vector<16xf32>
      %mul3A_187 = arith.mulf %sub3A_186, %bitcast_convert_type3A_65 : vector<16xf32>
      %jit3A_188 = arith.constant 0.000000e+00 : f32
      %jit3A_189 = arith.constant 8.191000e+03 : f32
      %max3A_190 = vector.broadcast %jit3A_188 : f32 to vector<16xf32>
      %max3A_191 = arith.maximumf %max3A_190, %mul3A_187 : vector<16xf32>
      %min3A_192 = vector.broadcast %jit3A_189 : f32 to vector<16xf32>
      %min3A_193 = arith.minimumf %min3A_192, %max3A_191 : vector<16xf32>
      %convert_element_type3A_194 = arith.fptosi %min3A_193 : vector<16xf32> to vector<16xi32>
      %gather3A_195 = tpu.vector_load_idx %arg10[%convert_element_type3A_194] : memref<8192xi32, #tpu.memory_space<vmem>>[vector<16xi32>], vector<16xi32>,
      %sub3A_196 = vector.broadcast %reduce_min3A_48 : f32 to vector<16xf32>
      %sub3A_197 = arith.subf %get3A_152, %sub3A_196 : vector<16xf32>
      %mul3A_198 = arith.mulf %sub3A_197, %bitcast_convert_type3A_65 : vector<16xf32>
      %jit3A_199 = arith.constant 0.000000e+00 : f32
      %jit3A_200 = arith.constant 8.191000e+03 : f32
      %max3A_201 = vector.broadcast %jit3A_199 : f32 to vector<16xf32>
      %max3A_202 = arith.maximumf %max3A_201, %mul3A_198 : vector<16xf32>
      %min3A_203 = vector.broadcast %jit3A_200 : f32 to vector<16xf32>
      %min3A_204 = arith.minimumf %min3A_203, %max3A_202 : vector<16xf32>
      %convert_element_type3A_205 = arith.fptosi %min3A_204 : vector<16xf32> to vector<16xi32>
      %gather3A_206 = tpu.vector_load_idx %arg10[%convert_element_type3A_205] : memref<8192xi32, #tpu.memory_space<vmem>>[vector<16xi32>], vector<16xi32>,
      %broadcast_in_dim3A_207 = arith.constant 0x7F800000 : f32
      %broadcast_in_dim3A_208 = vector.broadcast %broadcast_in_dim3A_207 : f32 to vector<16xf32>
      %broadcast_in_dim3A_209 = arith.constant 1073741824 : i32
      %broadcast_in_dim3A_210 = vector.broadcast %broadcast_in_dim3A_209 : i32 to vector<16xi32>
      %lt3A = vector.broadcast %select_n3A : i32 to vector<16xi32>
      %lt3A_211 = arith.cmpi slt, %gather3A, %lt3A : vector<16xi32>
      %sub3A_212 = arith.constant 1 : i32
      %sub3A_213 = arith.subi %select_n3A, %sub3A_212 : i32
      %min3A_214 = vector.broadcast %sub3A_213 : i32 to vector<16xi32>
      %min3A_215 = arith.minsi %gather3A, %min3A_214 : vector<16xi32>
      %sub3A_216 = arith.constant 1 : i32
      %sub3A_217 = vector.broadcast %sub3A_216 : i32 to vector<16xi32>
      %sub3A_218 = arith.subi %gather3A, %sub3A_217 : vector<16xi32>
      %ge3A = arith.constant 0 : i32
      %ge3A_219 = vector.broadcast %ge3A : i32 to vector<16xi32>
      %ge3A_220 = arith.cmpi sge, %sub3A_218, %ge3A_219 : vector<16xi32>
      %sub3A_221 = arith.constant 1 : i32
      %sub3A_222 = vector.broadcast %sub3A_221 : i32 to vector<16xi32>
      %sub3A_223 = arith.subi %gather3A, %sub3A_222 : vector<16xi32>
      %max3A_224 = arith.constant 0 : i32
      %max3A_225 = vector.broadcast %max3A_224 : i32 to vector<16xi32>
      %max3A_226 = arith.maxsi %sub3A_223, %max3A_225 : vector<16xi32>
      %lt3A_227 = vector.broadcast %select_n3A : i32 to vector<16xi32>
      %lt3A_228 = arith.cmpi slt, %gather3A_184, %lt3A_227 : vector<16xi32>
      %sub3A_229 = arith.constant 1 : i32
      %sub3A_230 = arith.subi %select_n3A, %sub3A_229 : i32
      %min3A_231 = vector.broadcast %sub3A_230 : i32 to vector<16xi32>
      %min3A_232 = arith.minsi %gather3A_184, %min3A_231 : vector<16xi32>
      %sub3A_233 = arith.constant 1 : i32
      %sub3A_234 = vector.broadcast %sub3A_233 : i32 to vector<16xi32>
      %sub3A_235 = arith.subi %gather3A_184, %sub3A_234 : vector<16xi32>
      %ge3A_236 = arith.constant 0 : i32
      %ge3A_237 = vector.broadcast %ge3A_236 : i32 to vector<16xi32>
      %ge3A_238 = arith.cmpi sge, %sub3A_235, %ge3A_237 : vector<16xi32>
      %sub3A_239 = arith.constant 1 : i32
      %sub3A_240 = vector.broadcast %sub3A_239 : i32 to vector<16xi32>
      %sub3A_241 = arith.subi %gather3A_184, %sub3A_240 : vector<16xi32>
      %max3A_242 = arith.constant 0 : i32
      %max3A_243 = vector.broadcast %max3A_242 : i32 to vector<16xi32>
      %max3A_244 = arith.maxsi %sub3A_241, %max3A_243 : vector<16xi32>
      %lt3A_245 = vector.broadcast %select_n3A : i32 to vector<16xi32>
      %lt3A_246 = arith.cmpi slt, %gather3A_195, %lt3A_245 : vector<16xi32>
      %sub3A_247 = arith.constant 1 : i32
      %sub3A_248 = arith.subi %select_n3A, %sub3A_247 : i32
      %min3A_249 = vector.broadcast %sub3A_248 : i32 to vector<16xi32>
      %min3A_250 = arith.minsi %gather3A_195, %min3A_249 : vector<16xi32>
      %sub3A_251 = arith.constant 1 : i32
      %sub3A_252 = vector.broadcast %sub3A_251 : i32 to vector<16xi32>
      %sub3A_253 = arith.subi %gather3A_195, %sub3A_252 : vector<16xi32>
      %ge3A_254 = arith.constant 0 : i32
      %ge3A_255 = vector.broadcast %ge3A_254 : i32 to vector<16xi32>
      %ge3A_256 = arith.cmpi sge, %sub3A_253, %ge3A_255 : vector<16xi32>
      %sub3A_257 = arith.constant 1 : i32
      %sub3A_258 = vector.broadcast %sub3A_257 : i32 to vector<16xi32>
      %sub3A_259 = arith.subi %gather3A_195, %sub3A_258 : vector<16xi32>
      %max3A_260 = arith.constant 0 : i32
      %max3A_261 = vector.broadcast %max3A_260 : i32 to vector<16xi32>
      %max3A_262 = arith.maxsi %sub3A_259, %max3A_261 : vector<16xi32>
      %lt3A_263 = vector.broadcast %select_n3A : i32 to vector<16xi32>
      %lt3A_264 = arith.cmpi slt, %gather3A_206, %lt3A_263 : vector<16xi32>
      %sub3A_265 = arith.constant 1 : i32
      %sub3A_266 = arith.subi %select_n3A, %sub3A_265 : i32
      %min3A_267 = vector.broadcast %sub3A_266 : i32 to vector<16xi32>
      %min3A_268 = arith.minsi %gather3A_206, %min3A_267 : vector<16xi32>
      %sub3A_269 = arith.constant 1 : i32
      %sub3A_270 = vector.broadcast %sub3A_269 : i32 to vector<16xi32>
      %sub3A_271 = arith.subi %gather3A_206, %sub3A_270 : vector<16xi32>
      %ge3A_272 = arith.constant 0 : i32
      %ge3A_273 = vector.broadcast %ge3A_272 : i32 to vector<16xi32>
      %ge3A_274 = arith.cmpi sge, %sub3A_271, %ge3A_273 : vector<16xi32>
      %sub3A_275 = arith.constant 1 : i32
      %sub3A_276 = vector.broadcast %sub3A_275 : i32 to vector<16xi32>
      %sub3A_277 = arith.subi %gather3A_206, %sub3A_276 : vector<16xi32>
      %max3A_278 = arith.constant 0 : i32
      %max3A_279 = vector.broadcast %max3A_278 : i32 to vector<16xi32>
      %max3A_280 = arith.maxsi %sub3A_277, %max3A_279 : vector<16xi32>
      %while3A_281:24 = scf.while (%while3A_346 = %lt3A_211, %while3A_347 = %min3A_215, %while3A_348 = %ge3A_220, %while3A_349 = %max3A_226, %while3A_350 = %broadcast_in_dim3A_208, %while3A_351 = %broadcast_in_dim3A_210, %while3A_352 = %lt3A_228, %while3A_353 = %min3A_232, %while3A_354 = %ge3A_238, %while3A_355 = %max3A_244, %while3A_356 = %broadcast_in_dim3A_208, %while3A_357 = %broadcast_in_dim3A_210, %while3A_358 = %lt3A_246, %while3A_359 = %min3A_250, %while3A_360 = %ge3A_256, %while3A_361 = %max3A_262, %while3A_362 = %broadcast_in_dim3A_208, %while3A_363 = %broadcast_in_dim3A_210, %while3A_364 = %lt3A_264, %while3A_365 = %min3A_268, %while3A_366 = %ge3A_274, %while3A_367 = %max3A_280, %while3A_368 = %broadcast_in_dim3A_208, %while3A_369 = %broadcast_in_dim3A_210) : (vector<16xi1>, vector<16xi32>, vector<16xi1>, vector<16xi32>, vector<16xf32>, vector<16xi32>, vector<16xi1>, vector<16xi32>, vector<16xi1>, vector<16xi32>, vector<16xf32>, vector<16xi32>, vector<16xi1>, vector<16xi32>, vector<16xi1>, vector<16xi32>, vector<16xf32>, vector<16xi32>, vector<16xi1>, vector<16xi32>, vector<16xi1>, vector<16xi32>, vector<16xf32>, vector<16xi32>) -> (vector<16xi1>, vector<16xi32>, vector<16xi1>, vector<16xi32>, vector<16xf32>, vector<16xi32>, vector<16xi1>, vector<16xi32>, vector<16xi1>, vector<16xi32>, vector<16xf32>, vector<16xi32>, vector<16xi1>, vector<16xi32>, vector<16xi1>, vector<16xi32>, vector<16xf32>, vector<16xi32>, vector<16xi1>, vector<16xi32>, vector<16xi1>, vector<16xi32>, vector<16xf32>, vector<16xi32>) {
        %or3A = arith.ori %while3A_346, %while3A_348 : vector<16xi1>
        %or3A_370 = arith.ori %while3A_352, %while3A_354 : vector<16xi1>
        %or3A_371 = arith.ori %or3A, %or3A_370 : vector<16xi1>
        %or3A_372 = arith.ori %while3A_358, %while3A_360 : vector<16xi1>
        %or3A_373 = arith.ori %or3A_371, %or3A_372 : vector<16xi1>
        %or3A_374 = arith.ori %while3A_364, %while3A_366 : vector<16xi1>
        %or3A_375 = arith.ori %or3A_373, %or3A_374 : vector<16xi1>
        %reduce_or3A = arith.constant 1.000000e+00 : f32
        %reduce_or3A_376 = arith.constant 0.000000e+00 : f32
        %reduce_or3A_377 = vector.broadcast %reduce_or3A : f32 to vector<16xf32>
        %reduce_or3A_378 = vector.broadcast %reduce_or3A_376 : f32 to vector<16xf32>
        %reduce_or3A_379 = arith.select %or3A_375, %reduce_or3A_377, %reduce_or3A_378 : vector<16xi1>, vector<16xf32>
        %reduce_or3A_380 = arith.constant true
        %reduce_or3A_381 = vector.broadcast %reduce_or3A_380 : i1 to vector<16xi1>
        %reduce_or3A_382 = tpu.scan <max>, %reduce_or3A_379 masked %reduce_or3A_381 : vector<16xf32>, vector<16xi1> -> vector<16xf32>
        %reduce_or3A_383 = vector.extract %reduce_or3A_382[15] : f32 from vector<16xf32>
        %reduce_or3A_384 = arith.constant 0.000000e+00 : f32
        %reduce_or3A_385 = arith.cmpf ogt, %reduce_or3A_383, %reduce_or3A_384 : f32
        scf.condition(%reduce_or3A_385) %while3A_346, %while3A_347, %while3A_348, %while3A_349, %while3A_350, %while3A_351, %while3A_352, %while3A_353, %while3A_354, %while3A_355, %while3A_356, %while3A_357, %while3A_358, %while3A_359, %while3A_360, %while3A_361, %while3A_362, %while3A_363, %while3A_364, %while3A_365, %while3A_366, %while3A_367, %while3A_368, %while3A_369 : vector<16xi1>, vector<16xi32>, vector<16xi1>, vector<16xi32>, vector<16xf32>, vector<16xi32>, vector<16xi1>, vector<16xi32>, vector<16xi1>, vector<16xi32>, vector<16xf32>, vector<16xi32>, vector<16xi1>, vector<16xi32>, vector<16xi1>, vector<16xi32>, vector<16xf32>, vector<16xi32>, vector<16xi1>, vector<16xi32>, vector<16xi1>, vector<16xi32>, vector<16xf32>, vector<16xi32>
      } do {
      ^bb0(%while3A_346: vector<16xi1>, %while3A_347: vector<16xi32>, %while3A_348: vector<16xi1>, %while3A_349: vector<16xi32>, %while3A_350: vector<16xf32>, %while3A_351: vector<16xi32>, %while3A_352: vector<16xi1>, %while3A_353: vector<16xi32>, %while3A_354: vector<16xi1>, %while3A_355: vector<16xi32>, %while3A_356: vector<16xf32>, %while3A_357: vector<16xi32>, %while3A_358: vector<16xi1>, %while3A_359: vector<16xi32>, %while3A_360: vector<16xi1>, %while3A_361: vector<16xi32>, %while3A_362: vector<16xf32>, %while3A_363: vector<16xi32>, %while3A_364: vector<16xi1>, %while3A_365: vector<16xi32>, %while3A_366: vector<16xi1>, %while3A_367: vector<16xi32>, %while3A_368: vector<16xf32>, %while3A_369: vector<16xi32>):
        %gather3A_370 = tpu.vector_load_idx %arg8[%while3A_347] : memref<3136xf32, #tpu.memory_space<vmem>>[vector<16xi32>], vector<16xf32>,
        %gather3A_371 = tpu.vector_load_idx %arg9[%while3A_347] : memref<3136xi32, #tpu.memory_space<vmem>>[vector<16xi32>], vector<16xi32>,
        %gather3A_372 = tpu.vector_load_idx %arg8[%while3A_349] : memref<3136xf32, #tpu.memory_space<vmem>>[vector<16xi32>], vector<16xf32>,
        %gather3A_373 = tpu.vector_load_idx %arg9[%while3A_349] : memref<3136xi32, #tpu.memory_space<vmem>>[vector<16xi32>], vector<16xi32>,
        %sub3A_374 = arith.subf %get3A_128, %gather3A_370 : vector<16xf32>
        %abs3A = math.absf %sub3A_374 : vector<16xf32>
        %lt3A_375 = arith.cmpf olt, %abs3A, %while3A_350 : vector<16xf32>
        %eq3A_376 = arith.cmpf oeq, %abs3A, %while3A_350 : vector<16xf32>
        %lt3A_377 = arith.cmpi slt, %gather3A_371, %while3A_351 : vector<16xi32>
        %and3A_378 = arith.andi %eq3A_376, %lt3A_377 : vector<16xi1>
        %or3A = arith.ori %lt3A_375, %and3A_378 : vector<16xi1>
        %and3A_379 = arith.andi %while3A_346, %or3A : vector<16xi1>
        %select_n3A_380 = arith.select %and3A_379, %abs3A, %while3A_350 : vector<16xi1>, vector<16xf32>
        %select_n3A_381 = arith.select %and3A_379, %gather3A_371, %while3A_351 : vector<16xi1>, vector<16xi32>
        %sub3A_382 = arith.subf %get3A_128, %gather3A_372 : vector<16xf32>
        %abs3A_383 = math.absf %sub3A_382 : vector<16xf32>
        %lt3A_384 = arith.cmpf olt, %abs3A_383, %select_n3A_380 : vector<16xf32>
        %eq3A_385 = arith.cmpf oeq, %abs3A_383, %select_n3A_380 : vector<16xf32>
        %lt3A_386 = arith.cmpi slt, %gather3A_373, %select_n3A_381 : vector<16xi32>
        %and3A_387 = arith.andi %eq3A_385, %lt3A_386 : vector<16xi1>
        %or3A_388 = arith.ori %lt3A_384, %and3A_387 : vector<16xi1>
        %and3A_389 = arith.andi %while3A_348, %or3A_388 : vector<16xi1>
        %select_n3A_390 = arith.select %and3A_389, %abs3A_383, %select_n3A_380 : vector<16xi1>, vector<16xf32>
        %select_n3A_391 = arith.select %and3A_389, %gather3A_373, %select_n3A_381 : vector<16xi1>, vector<16xi32>
        %mul3A_392 = arith.mulf %select_n3A_390, %bitcast_convert_type3A_65 : vector<16xf32>
        %sub3A_393 = vector.broadcast %reduce_min3A_48 : f32 to vector<16xf32>
        %sub3A_394 = arith.subf %gather3A_370, %sub3A_393 : vector<16xf32>
        %mul3A_395 = arith.mulf %sub3A_394, %bitcast_convert_type3A_65 : vector<16xf32>
        %sub3A_396 = vector.broadcast %reduce_min3A_48 : f32 to vector<16xf32>
        %sub3A_397 = arith.subf %gather3A_372, %sub3A_396 : vector<16xf32>
        %mul3A_398 = arith.mulf %sub3A_397, %bitcast_convert_type3A_65 : vector<16xf32>
        %sub3A_399 = arith.subf %mul3A_395, %mul3A_155 : vector<16xf32>
        %sub3A_400 = arith.subf %sub3A_399, %mul3A_392 : vector<16xf32>
        %gt3A = arith.constant 1.050000e+00 : f32
        %gt3A_401 = vector.broadcast %gt3A : f32 to vector<16xf32>
        %gt3A_402 = arith.cmpf ogt, %sub3A_400, %gt3A_401 : vector<16xf32>
        %not3A = arith.constant dense<true> : vector<16xi1>
        %not3A_403 = arith.xori %gt3A_402, %not3A : vector<16xi1>
        %and3A_404 = arith.andi %while3A_346, %not3A_403 : vector<16xi1>
        %add3A_405 = arith.constant 1 : i32
        %add3A_406 = vector.broadcast %add3A_405 : i32 to vector<16xi32>
        %add3A_407 = arith.addi %while3A_347, %add3A_406 : vector<16xi32>
        %lt3A_408 = vector.broadcast %select_n3A : i32 to vector<16xi32>
        %lt3A_409 = arith.cmpi slt, %add3A_407, %lt3A_408 : vector<16xi32>
        %and3A_410 = arith.andi %and3A_404, %lt3A_409 : vector<16xi1>
        %sub3A_411 = arith.subf %mul3A_155, %mul3A_398 : vector<16xf32>
        %sub3A_412 = arith.subf %sub3A_411, %mul3A_392 : vector<16xf32>
        %gt3A_413 = arith.constant 1.050000e+00 : f32
        %gt3A_414 = vector.broadcast %gt3A_413 : f32 to vector<16xf32>
        %gt3A_415 = arith.cmpf ogt, %sub3A_412, %gt3A_414 : vector<16xf32>
        %not3A_416 = arith.constant dense<true> : vector<16xi1>
        %not3A_417 = arith.xori %gt3A_415, %not3A_416 : vector<16xi1>
        %and3A_418 = arith.andi %while3A_348, %not3A_417 : vector<16xi1>
        %sub3A_419 = arith.constant 1 : i32
        %sub3A_420 = vector.broadcast %sub3A_419 : i32 to vector<16xi32>
        %sub3A_421 = arith.subi %while3A_349, %sub3A_420 : vector<16xi32>
        %ge3A_422 = arith.constant 0 : i32
        %ge3A_423 = vector.broadcast %ge3A_422 : i32 to vector<16xi32>
        %ge3A_424 = arith.cmpi sge, %sub3A_421, %ge3A_423 : vector<16xi32>
        %and3A_425 = arith.andi %and3A_418, %ge3A_424 : vector<16xi1>
        %add3A_426 = arith.constant 1 : i32
        %add3A_427 = vector.broadcast %add3A_426 : i32 to vector<16xi32>
        %add3A_428 = arith.addi %while3A_347, %add3A_427 : vector<16xi32>
        %select_n3A_429 = arith.select %and3A_410, %add3A_428, %while3A_347 : vector<16xi1>, vector<16xi32>
        %sub3A_430 = arith.constant 1 : i32
        %sub3A_431 = vector.broadcast %sub3A_430 : i32 to vector<16xi32>
        %sub3A_432 = arith.subi %while3A_349, %sub3A_431 : vector<16xi32>
        %select_n3A_433 = arith.select %and3A_425, %sub3A_432, %while3A_349 : vector<16xi1>, vector<16xi32>
        %gather3A_434 = tpu.vector_load_idx %arg8[%while3A_353] : memref<3136xf32, #tpu.memory_space<vmem>>[vector<16xi32>], vector<16xf32>,
        %gather3A_435 = tpu.vector_load_idx %arg9[%while3A_353] : memref<3136xi32, #tpu.memory_space<vmem>>[vector<16xi32>], vector<16xi32>,
        %gather3A_436 = tpu.vector_load_idx %arg8[%while3A_355] : memref<3136xf32, #tpu.memory_space<vmem>>[vector<16xi32>], vector<16xf32>,
        %gather3A_437 = tpu.vector_load_idx %arg9[%while3A_355] : memref<3136xi32, #tpu.memory_space<vmem>>[vector<16xi32>], vector<16xi32>,
        %sub3A_438 = arith.subf %get3A_136, %gather3A_434 : vector<16xf32>
        %abs3A_439 = math.absf %sub3A_438 : vector<16xf32>
        %lt3A_440 = arith.cmpf olt, %abs3A_439, %while3A_356 : vector<16xf32>
        %eq3A_441 = arith.cmpf oeq, %abs3A_439, %while3A_356 : vector<16xf32>
        %lt3A_442 = arith.cmpi slt, %gather3A_435, %while3A_357 : vector<16xi32>
        %and3A_443 = arith.andi %eq3A_441, %lt3A_442 : vector<16xi1>
        %or3A_444 = arith.ori %lt3A_440, %and3A_443 : vector<16xi1>
        %and3A_445 = arith.andi %while3A_352, %or3A_444 : vector<16xi1>
        %select_n3A_446 = arith.select %and3A_445, %abs3A_439, %while3A_356 : vector<16xi1>, vector<16xf32>
        %select_n3A_447 = arith.select %and3A_445, %gather3A_435, %while3A_357 : vector<16xi1>, vector<16xi32>
        %sub3A_448 = arith.subf %get3A_136, %gather3A_436 : vector<16xf32>
        %abs3A_449 = math.absf %sub3A_448 : vector<16xf32>
        %lt3A_450 = arith.cmpf olt, %abs3A_449, %select_n3A_446 : vector<16xf32>
        %eq3A_451 = arith.cmpf oeq, %abs3A_449, %select_n3A_446 : vector<16xf32>
        %lt3A_452 = arith.cmpi slt, %gather3A_437, %select_n3A_447 : vector<16xi32>
        %and3A_453 = arith.andi %eq3A_451, %lt3A_452 : vector<16xi1>
        %or3A_454 = arith.ori %lt3A_450, %and3A_453 : vector<16xi1>
        %and3A_455 = arith.andi %while3A_354, %or3A_454 : vector<16xi1>
        %select_n3A_456 = arith.select %and3A_455, %abs3A_449, %select_n3A_446 : vector<16xi1>, vector<16xf32>
        %select_n3A_457 = arith.select %and3A_455, %gather3A_437, %select_n3A_447 : vector<16xi1>, vector<16xi32>
        %mul3A_458 = arith.mulf %select_n3A_456, %bitcast_convert_type3A_65 : vector<16xf32>
        %sub3A_459 = vector.broadcast %reduce_min3A_48 : f32 to vector<16xf32>
        %sub3A_460 = arith.subf %gather3A_434, %sub3A_459 : vector<16xf32>
        %mul3A_461 = arith.mulf %sub3A_460, %bitcast_convert_type3A_65 : vector<16xf32>
        %sub3A_462 = vector.broadcast %reduce_min3A_48 : f32 to vector<16xf32>
        %sub3A_463 = arith.subf %gather3A_436, %sub3A_462 : vector<16xf32>
        %mul3A_464 = arith.mulf %sub3A_463, %bitcast_convert_type3A_65 : vector<16xf32>
        %sub3A_465 = arith.subf %mul3A_461, %mul3A_158 : vector<16xf32>
        %sub3A_466 = arith.subf %sub3A_465, %mul3A_458 : vector<16xf32>
        %gt3A_467 = arith.constant 1.050000e+00 : f32
        %gt3A_468 = vector.broadcast %gt3A_467 : f32 to vector<16xf32>
        %gt3A_469 = arith.cmpf ogt, %sub3A_466, %gt3A_468 : vector<16xf32>
        %not3A_470 = arith.constant dense<true> : vector<16xi1>
        %not3A_471 = arith.xori %gt3A_469, %not3A_470 : vector<16xi1>
        %and3A_472 = arith.andi %while3A_352, %not3A_471 : vector<16xi1>
        %add3A_473 = arith.constant 1 : i32
        %add3A_474 = vector.broadcast %add3A_473 : i32 to vector<16xi32>
        %add3A_475 = arith.addi %while3A_353, %add3A_474 : vector<16xi32>
        %lt3A_476 = vector.broadcast %select_n3A : i32 to vector<16xi32>
        %lt3A_477 = arith.cmpi slt, %add3A_475, %lt3A_476 : vector<16xi32>
        %and3A_478 = arith.andi %and3A_472, %lt3A_477 : vector<16xi1>
        %sub3A_479 = arith.subf %mul3A_158, %mul3A_464 : vector<16xf32>
        %sub3A_480 = arith.subf %sub3A_479, %mul3A_458 : vector<16xf32>
        %gt3A_481 = arith.constant 1.050000e+00 : f32
        %gt3A_482 = vector.broadcast %gt3A_481 : f32 to vector<16xf32>
        %gt3A_483 = arith.cmpf ogt, %sub3A_480, %gt3A_482 : vector<16xf32>
        %not3A_484 = arith.constant dense<true> : vector<16xi1>
        %not3A_485 = arith.xori %gt3A_483, %not3A_484 : vector<16xi1>
        %and3A_486 = arith.andi %while3A_354, %not3A_485 : vector<16xi1>
        %sub3A_487 = arith.constant 1 : i32
        %sub3A_488 = vector.broadcast %sub3A_487 : i32 to vector<16xi32>
        %sub3A_489 = arith.subi %while3A_355, %sub3A_488 : vector<16xi32>
        %ge3A_490 = arith.constant 0 : i32
        %ge3A_491 = vector.broadcast %ge3A_490 : i32 to vector<16xi32>
        %ge3A_492 = arith.cmpi sge, %sub3A_489, %ge3A_491 : vector<16xi32>
        %and3A_493 = arith.andi %and3A_486, %ge3A_492 : vector<16xi1>
        %add3A_494 = arith.constant 1 : i32
        %add3A_495 = vector.broadcast %add3A_494 : i32 to vector<16xi32>
        %add3A_496 = arith.addi %while3A_353, %add3A_495 : vector<16xi32>
        %select_n3A_497 = arith.select %and3A_478, %add3A_496, %while3A_353 : vector<16xi1>, vector<16xi32>
        %sub3A_498 = arith.constant 1 : i32
        %sub3A_499 = vector.broadcast %sub3A_498 : i32 to vector<16xi32>
        %sub3A_500 = arith.subi %while3A_355, %sub3A_499 : vector<16xi32>
        %select_n3A_501 = arith.select %and3A_493, %sub3A_500, %while3A_355 : vector<16xi1>, vector<16xi32>
        %gather3A_502 = tpu.vector_load_idx %arg8[%while3A_359] : memref<3136xf32, #tpu.memory_space<vmem>>[vector<16xi32>], vector<16xf32>,
        %gather3A_503 = tpu.vector_load_idx %arg9[%while3A_359] : memref<3136xi32, #tpu.memory_space<vmem>>[vector<16xi32>], vector<16xi32>,
        %gather3A_504 = tpu.vector_load_idx %arg8[%while3A_361] : memref<3136xf32, #tpu.memory_space<vmem>>[vector<16xi32>], vector<16xf32>,
        %gather3A_505 = tpu.vector_load_idx %arg9[%while3A_361] : memref<3136xi32, #tpu.memory_space<vmem>>[vector<16xi32>], vector<16xi32>,
        %sub3A_506 = arith.subf %get3A_144, %gather3A_502 : vector<16xf32>
        %abs3A_507 = math.absf %sub3A_506 : vector<16xf32>
        %lt3A_508 = arith.cmpf olt, %abs3A_507, %while3A_362 : vector<16xf32>
        %eq3A_509 = arith.cmpf oeq, %abs3A_507, %while3A_362 : vector<16xf32>
        %lt3A_510 = arith.cmpi slt, %gather3A_503, %while3A_363 : vector<16xi32>
        %and3A_511 = arith.andi %eq3A_509, %lt3A_510 : vector<16xi1>
        %or3A_512 = arith.ori %lt3A_508, %and3A_511 : vector<16xi1>
        %and3A_513 = arith.andi %while3A_358, %or3A_512 : vector<16xi1>
        %select_n3A_514 = arith.select %and3A_513, %abs3A_507, %while3A_362 : vector<16xi1>, vector<16xf32>
        %select_n3A_515 = arith.select %and3A_513, %gather3A_503, %while3A_363 : vector<16xi1>, vector<16xi32>
        %sub3A_516 = arith.subf %get3A_144, %gather3A_504 : vector<16xf32>
        %abs3A_517 = math.absf %sub3A_516 : vector<16xf32>
        %lt3A_518 = arith.cmpf olt, %abs3A_517, %select_n3A_514 : vector<16xf32>
        %eq3A_519 = arith.cmpf oeq, %abs3A_517, %select_n3A_514 : vector<16xf32>
        %lt3A_520 = arith.cmpi slt, %gather3A_505, %select_n3A_515 : vector<16xi32>
        %and3A_521 = arith.andi %eq3A_519, %lt3A_520 : vector<16xi1>
        %or3A_522 = arith.ori %lt3A_518, %and3A_521 : vector<16xi1>
        %and3A_523 = arith.andi %while3A_360, %or3A_522 : vector<16xi1>
        %select_n3A_524 = arith.select %and3A_523, %abs3A_517, %select_n3A_514 : vector<16xi1>, vector<16xf32>
        %select_n3A_525 = arith.select %and3A_523, %gather3A_505, %select_n3A_515 : vector<16xi1>, vector<16xi32>
        %mul3A_526 = arith.mulf %select_n3A_524, %bitcast_convert_type3A_65 : vector<16xf32>
        %sub3A_527 = vector.broadcast %reduce_min3A_48 : f32 to vector<16xf32>
        %sub3A_528 = arith.subf %gather3A_502, %sub3A_527 : vector<16xf32>
        %mul3A_529 = arith.mulf %sub3A_528, %bitcast_convert_type3A_65 : vector<16xf32>
        %sub3A_530 = vector.broadcast %reduce_min3A_48 : f32 to vector<16xf32>
        %sub3A_531 = arith.subf %gather3A_504, %sub3A_530 : vector<16xf32>
        %mul3A_532 = arith.mulf %sub3A_531, %bitcast_convert_type3A_65 : vector<16xf32>
        %sub3A_533 = arith.subf %mul3A_529, %mul3A_161 : vector<16xf32>
        %sub3A_534 = arith.subf %sub3A_533, %mul3A_526 : vector<16xf32>
        %gt3A_535 = arith.constant 1.050000e+00 : f32
        %gt3A_536 = vector.broadcast %gt3A_535 : f32 to vector<16xf32>
        %gt3A_537 = arith.cmpf ogt, %sub3A_534, %gt3A_536 : vector<16xf32>
        %not3A_538 = arith.constant dense<true> : vector<16xi1>
        %not3A_539 = arith.xori %gt3A_537, %not3A_538 : vector<16xi1>
        %and3A_540 = arith.andi %while3A_358, %not3A_539 : vector<16xi1>
        %add3A_541 = arith.constant 1 : i32
        %add3A_542 = vector.broadcast %add3A_541 : i32 to vector<16xi32>
        %add3A_543 = arith.addi %while3A_359, %add3A_542 : vector<16xi32>
        %lt3A_544 = vector.broadcast %select_n3A : i32 to vector<16xi32>
        %lt3A_545 = arith.cmpi slt, %add3A_543, %lt3A_544 : vector<16xi32>
        %and3A_546 = arith.andi %and3A_540, %lt3A_545 : vector<16xi1>
        %sub3A_547 = arith.subf %mul3A_161, %mul3A_532 : vector<16xf32>
        %sub3A_548 = arith.subf %sub3A_547, %mul3A_526 : vector<16xf32>
        %gt3A_549 = arith.constant 1.050000e+00 : f32
        %gt3A_550 = vector.broadcast %gt3A_549 : f32 to vector<16xf32>
        %gt3A_551 = arith.cmpf ogt, %sub3A_548, %gt3A_550 : vector<16xf32>
        %not3A_552 = arith.constant dense<true> : vector<16xi1>
        %not3A_553 = arith.xori %gt3A_551, %not3A_552 : vector<16xi1>
        %and3A_554 = arith.andi %while3A_360, %not3A_553 : vector<16xi1>
        %sub3A_555 = arith.constant 1 : i32
        %sub3A_556 = vector.broadcast %sub3A_555 : i32 to vector<16xi32>
        %sub3A_557 = arith.subi %while3A_361, %sub3A_556 : vector<16xi32>
        %ge3A_558 = arith.constant 0 : i32
        %ge3A_559 = vector.broadcast %ge3A_558 : i32 to vector<16xi32>
        %ge3A_560 = arith.cmpi sge, %sub3A_557, %ge3A_559 : vector<16xi32>
        %and3A_561 = arith.andi %and3A_554, %ge3A_560 : vector<16xi1>
        %add3A_562 = arith.constant 1 : i32
        %add3A_563 = vector.broadcast %add3A_562 : i32 to vector<16xi32>
        %add3A_564 = arith.addi %while3A_359, %add3A_563 : vector<16xi32>
        %select_n3A_565 = arith.select %and3A_546, %add3A_564, %while3A_359 : vector<16xi1>, vector<16xi32>
        %sub3A_566 = arith.constant 1 : i32
        %sub3A_567 = vector.broadcast %sub3A_566 : i32 to vector<16xi32>
        %sub3A_568 = arith.subi %while3A_361, %sub3A_567 : vector<16xi32>
        %select_n3A_569 = arith.select %and3A_561, %sub3A_568, %while3A_361 : vector<16xi1>, vector<16xi32>
        %gather3A_570 = tpu.vector_load_idx %arg8[%while3A_365] : memref<3136xf32, #tpu.memory_space<vmem>>[vector<16xi32>], vector<16xf32>,
        %gather3A_571 = tpu.vector_load_idx %arg9[%while3A_365] : memref<3136xi32, #tpu.memory_space<vmem>>[vector<16xi32>], vector<16xi32>,
        %gather3A_572 = tpu.vector_load_idx %arg8[%while3A_367] : memref<3136xf32, #tpu.memory_space<vmem>>[vector<16xi32>], vector<16xf32>,
        %gather3A_573 = tpu.vector_load_idx %arg9[%while3A_367] : memref<3136xi32, #tpu.memory_space<vmem>>[vector<16xi32>], vector<16xi32>,
        %sub3A_574 = arith.subf %get3A_152, %gather3A_570 : vector<16xf32>
        %abs3A_575 = math.absf %sub3A_574 : vector<16xf32>
        %lt3A_576 = arith.cmpf olt, %abs3A_575, %while3A_368 : vector<16xf32>
        %eq3A_577 = arith.cmpf oeq, %abs3A_575, %while3A_368 : vector<16xf32>
        %lt3A_578 = arith.cmpi slt, %gather3A_571, %while3A_369 : vector<16xi32>
        %and3A_579 = arith.andi %eq3A_577, %lt3A_578 : vector<16xi1>
        %or3A_580 = arith.ori %lt3A_576, %and3A_579 : vector<16xi1>
        %and3A_581 = arith.andi %while3A_364, %or3A_580 : vector<16xi1>
        %select_n3A_582 = arith.select %and3A_581, %abs3A_575, %while3A_368 : vector<16xi1>, vector<16xf32>
        %select_n3A_583 = arith.select %and3A_581, %gather3A_571, %while3A_369 : vector<16xi1>, vector<16xi32>
        %sub3A_584 = arith.subf %get3A_152, %gather3A_572 : vector<16xf32>
        %abs3A_585 = math.absf %sub3A_584 : vector<16xf32>
        %lt3A_586 = arith.cmpf olt, %abs3A_585, %select_n3A_582 : vector<16xf32>
        %eq3A_587 = arith.cmpf oeq, %abs3A_585, %select_n3A_582 : vector<16xf32>
        %lt3A_588 = arith.cmpi slt, %gather3A_573, %select_n3A_583 : vector<16xi32>
        %and3A_589 = arith.andi %eq3A_587, %lt3A_588 : vector<16xi1>
        %or3A_590 = arith.ori %lt3A_586, %and3A_589 : vector<16xi1>
        %and3A_591 = arith.andi %while3A_366, %or3A_590 : vector<16xi1>
        %select_n3A_592 = arith.select %and3A_591, %abs3A_585, %select_n3A_582 : vector<16xi1>, vector<16xf32>
        %select_n3A_593 = arith.select %and3A_591, %gather3A_573, %select_n3A_583 : vector<16xi1>, vector<16xi32>
        %mul3A_594 = arith.mulf %select_n3A_592, %bitcast_convert_type3A_65 : vector<16xf32>
        %sub3A_595 = vector.broadcast %reduce_min3A_48 : f32 to vector<16xf32>
        %sub3A_596 = arith.subf %gather3A_570, %sub3A_595 : vector<16xf32>
        %mul3A_597 = arith.mulf %sub3A_596, %bitcast_convert_type3A_65 : vector<16xf32>
        %sub3A_598 = vector.broadcast %reduce_min3A_48 : f32 to vector<16xf32>
        %sub3A_599 = arith.subf %gather3A_572, %sub3A_598 : vector<16xf32>
        %mul3A_600 = arith.mulf %sub3A_599, %bitcast_convert_type3A_65 : vector<16xf32>
        %sub3A_601 = arith.subf %mul3A_597, %mul3A_164 : vector<16xf32>
        %sub3A_602 = arith.subf %sub3A_601, %mul3A_594 : vector<16xf32>
        %gt3A_603 = arith.constant 1.050000e+00 : f32
        %gt3A_604 = vector.broadcast %gt3A_603 : f32 to vector<16xf32>
        %gt3A_605 = arith.cmpf ogt, %sub3A_602, %gt3A_604 : vector<16xf32>
        %not3A_606 = arith.constant dense<true> : vector<16xi1>
        %not3A_607 = arith.xori %gt3A_605, %not3A_606 : vector<16xi1>
        %and3A_608 = arith.andi %while3A_364, %not3A_607 : vector<16xi1>
        %add3A_609 = arith.constant 1 : i32
        %add3A_610 = vector.broadcast %add3A_609 : i32 to vector<16xi32>
        %add3A_611 = arith.addi %while3A_365, %add3A_610 : vector<16xi32>
        %lt3A_612 = vector.broadcast %select_n3A : i32 to vector<16xi32>
        %lt3A_613 = arith.cmpi slt, %add3A_611, %lt3A_612 : vector<16xi32>
        %and3A_614 = arith.andi %and3A_608, %lt3A_613 : vector<16xi1>
        %sub3A_615 = arith.subf %mul3A_164, %mul3A_600 : vector<16xf32>
        %sub3A_616 = arith.subf %sub3A_615, %mul3A_594 : vector<16xf32>
        %gt3A_617 = arith.constant 1.050000e+00 : f32
        %gt3A_618 = vector.broadcast %gt3A_617 : f32 to vector<16xf32>
        %gt3A_619 = arith.cmpf ogt, %sub3A_616, %gt3A_618 : vector<16xf32>
        %not3A_620 = arith.constant dense<true> : vector<16xi1>
        %not3A_621 = arith.xori %gt3A_619, %not3A_620 : vector<16xi1>
        %and3A_622 = arith.andi %while3A_366, %not3A_621 : vector<16xi1>
        %sub3A_623 = arith.constant 1 : i32
        %sub3A_624 = vector.broadcast %sub3A_623 : i32 to vector<16xi32>
        %sub3A_625 = arith.subi %while3A_367, %sub3A_624 : vector<16xi32>
        %ge3A_626 = arith.constant 0 : i32
        %ge3A_627 = vector.broadcast %ge3A_626 : i32 to vector<16xi32>
        %ge3A_628 = arith.cmpi sge, %sub3A_625, %ge3A_627 : vector<16xi32>
        %and3A_629 = arith.andi %and3A_622, %ge3A_628 : vector<16xi1>
        %add3A_630 = arith.constant 1 : i32
        %add3A_631 = vector.broadcast %add3A_630 : i32 to vector<16xi32>
        %add3A_632 = arith.addi %while3A_365, %add3A_631 : vector<16xi32>
        %select_n3A_633 = arith.select %and3A_614, %add3A_632, %while3A_365 : vector<16xi1>, vector<16xi32>
        %sub3A_634 = arith.constant 1 : i32
        %sub3A_635 = vector.broadcast %sub3A_634 : i32 to vector<16xi32>
        %sub3A_636 = arith.subi %while3A_367, %sub3A_635 : vector<16xi32>
        %select_n3A_637 = arith.select %and3A_629, %sub3A_636, %while3A_367 : vector<16xi1>, vector<16xi32>
        scf.yield %and3A_410, %select_n3A_429, %and3A_425, %select_n3A_433, %select_n3A_390, %select_n3A_391, %and3A_478, %select_n3A_497, %and3A_493, %select_n3A_501, %select_n3A_456, %select_n3A_457, %and3A_546, %select_n3A_565, %and3A_561, %select_n3A_569, %select_n3A_524, %select_n3A_525, %and3A_614, %select_n3A_633, %and3A_629, %select_n3A_637, %select_n3A_592, %select_n3A_593 : vector<16xi1>, vector<16xi32>, vector<16xi1>, vector<16xi32>, vector<16xf32>, vector<16xi32>, vector<16xi1>, vector<16xi32>, vector<16xi1>, vector<16xi32>, vector<16xf32>, vector<16xi32>, vector<16xi1>, vector<16xi32>, vector<16xi1>, vector<16xi32>, vector<16xf32>, vector<16xi32>, vector<16xi1>, vector<16xi32>, vector<16xi1>, vector<16xi32>, vector<16xf32>, vector<16xi32>
      }
      %mul3A_282 = arith.constant 16 : i32
      %mul3A_283 = arith.muli %scan3A_120, %mul3A_282 : i32
      %mul3A_284 = arith.constant 4 : i32
      %mul3A_285 = arith.muli %mul3A_283, %mul3A_284 : i32
      %add3A_286 = arith.constant 0 : i32
      %add3A_287 = arith.addi %mul3A_285, %add3A_286 : i32
      %swap3A = arith.index_cast %add3A_287 : i32 to index
      %swap3A_288 = tpu.vector_load %arg13[%swap3A] {strides = array<i32>} : memref<1024xf32, #tpu.memory_space<vmem>>, vector<16xf32>,
      tpu.vector_store %arg13[%swap3A], %while3A_281#4 {strides = array<i32>} : memref<1024xf32, #tpu.memory_space<vmem>>, vector<16xf32>,
      %mul3A_289 = arith.constant 16 : i32
      %mul3A_290 = arith.muli %scan3A_120, %mul3A_289 : i32
      %mul3A_291 = arith.constant 4 : i32
      %mul3A_292 = arith.muli %mul3A_290, %mul3A_291 : i32
      %add3A_293 = arith.constant 0 : i32
      %add3A_294 = arith.addi %mul3A_292, %add3A_293 : i32
      %swap3A_295 = arith.index_cast %add3A_294 : i32 to index
      %swap3A_296 = tpu.vector_load %arg14[%swap3A_295] {strides = array<i32>} : memref<1024xi32, #tpu.memory_space<vmem>>, vector<16xi32>,
      tpu.vector_store %arg14[%swap3A_295], %while3A_281#5 {strides = array<i32>} : memref<1024xi32, #tpu.memory_space<vmem>>, vector<16xi32>,
      %mul3A_297 = arith.constant 16 : i32
      %mul3A_298 = arith.muli %scan3A_120, %mul3A_297 : i32
      %mul3A_299 = arith.constant 4 : i32
      %mul3A_300 = arith.muli %mul3A_298, %mul3A_299 : i32
      %add3A_301 = arith.constant 16 : i32
      %add3A_302 = arith.addi %mul3A_300, %add3A_301 : i32
      %swap3A_303 = arith.index_cast %add3A_302 : i32 to index
      %swap3A_304 = tpu.vector_load %arg13[%swap3A_303] {strides = array<i32>} : memref<1024xf32, #tpu.memory_space<vmem>>, vector<16xf32>,
      tpu.vector_store %arg13[%swap3A_303], %while3A_281#10 {strides = array<i32>} : memref<1024xf32, #tpu.memory_space<vmem>>, vector<16xf32>,
      %mul3A_305 = arith.constant 16 : i32
      %mul3A_306 = arith.muli %scan3A_120, %mul3A_305 : i32
      %mul3A_307 = arith.constant 4 : i32
      %mul3A_308 = arith.muli %mul3A_306, %mul3A_307 : i32
      %add3A_309 = arith.constant 16 : i32
      %add3A_310 = arith.addi %mul3A_308, %add3A_309 : i32
      %swap3A_311 = arith.index_cast %add3A_310 : i32 to index
      %swap3A_312 = tpu.vector_load %arg14[%swap3A_311] {strides = array<i32>} : memref<1024xi32, #tpu.memory_space<vmem>>, vector<16xi32>,
      tpu.vector_store %arg14[%swap3A_311], %while3A_281#11 {strides = array<i32>} : memref<1024xi32, #tpu.memory_space<vmem>>, vector<16xi32>,
      %mul3A_313 = arith.constant 16 : i32
      %mul3A_314 = arith.muli %scan3A_120, %mul3A_313 : i32
      %mul3A_315 = arith.constant 4 : i32
      %mul3A_316 = arith.muli %mul3A_314, %mul3A_315 : i32
      %add3A_317 = arith.constant 32 : i32
      %add3A_318 = arith.addi %mul3A_316, %add3A_317 : i32
      %swap3A_319 = arith.index_cast %add3A_318 : i32 to index
      %swap3A_320 = tpu.vector_load %arg13[%swap3A_319] {strides = array<i32>} : memref<1024xf32, #tpu.memory_space<vmem>>, vector<16xf32>,
      tpu.vector_store %arg13[%swap3A_319], %while3A_281#16 {strides = array<i32>} : memref<1024xf32, #tpu.memory_space<vmem>>, vector<16xf32>,
      %mul3A_321 = arith.constant 16 : i32
      %mul3A_322 = arith.muli %scan3A_120, %mul3A_321 : i32
      %mul3A_323 = arith.constant 4 : i32
      %mul3A_324 = arith.muli %mul3A_322, %mul3A_323 : i32
      %add3A_325 = arith.constant 32 : i32
      %add3A_326 = arith.addi %mul3A_324, %add3A_325 : i32
      %swap3A_327 = arith.index_cast %add3A_326 : i32 to index
      %swap3A_328 = tpu.vector_load %arg14[%swap3A_327] {strides = array<i32>} : memref<1024xi32, #tpu.memory_space<vmem>>, vector<16xi32>,
      tpu.vector_store %arg14[%swap3A_327], %while3A_281#17 {strides = array<i32>} : memref<1024xi32, #tpu.memory_space<vmem>>, vector<16xi32>,
      %mul3A_329 = arith.constant 16 : i32
      %mul3A_330 = arith.muli %scan3A_120, %mul3A_329 : i32
      %mul3A_331 = arith.constant 4 : i32
      %mul3A_332 = arith.muli %mul3A_330, %mul3A_331 : i32
      %add3A_333 = arith.constant 48 : i32
      %add3A_334 = arith.addi %mul3A_332, %add3A_333 : i32
      %swap3A_335 = arith.index_cast %add3A_334 : i32 to index
      %swap3A_336 = tpu.vector_load %arg13[%swap3A_335] {strides = array<i32>} : memref<1024xf32, #tpu.memory_space<vmem>>, vector<16xf32>,
      tpu.vector_store %arg13[%swap3A_335], %while3A_281#22 {strides = array<i32>} : memref<1024xf32, #tpu.memory_space<vmem>>, vector<16xf32>,
      %mul3A_337 = arith.constant 16 : i32
      %mul3A_338 = arith.muli %scan3A_120, %mul3A_337 : i32
      %mul3A_339 = arith.constant 4 : i32
      %mul3A_340 = arith.muli %mul3A_338, %mul3A_339 : i32
      %add3A_341 = arith.constant 48 : i32
      %add3A_342 = arith.addi %mul3A_340, %add3A_341 : i32
      %swap3A_343 = arith.index_cast %add3A_342 : i32 to index
      %swap3A_344 = tpu.vector_load %arg14[%swap3A_343] {strides = array<i32>} : memref<1024xi32, #tpu.memory_space<vmem>>, vector<16xi32>,
      tpu.vector_store %arg14[%swap3A_343], %while3A_281#23 {strides = array<i32>} : memref<1024xi32, #tpu.memory_space<vmem>>, vector<16xi32>,
      %scan3A_345 = arith.constant 0 : i32
      scf.yield %scan3A_345 : i32
    }
    %scan3A_119 = arith.constant 16 : i32
    "tpu.region"() ({
      %run_scoped3A = tpu.sem_alloc : memref<!tpu.dma_semaphore, #tpu.memory_space<semaphore_mem>>
      %dma_start3A = arith.constant 0 : i32
      %dma_start3A_120 = tpu.memref_slice %arg4[%add3A, %dma_start3A] : memref<32x1024xf32, #tpu.memory_space<hbm>> -> memref<1x1024xf32, #tpu.memory_space<hbm>>
      %dma_start3A_121 = tpu.memref_squeeze %dma_start3A_120 : memref<1x1024xf32, #tpu.memory_space<hbm>> -> memref<1024xf32, #tpu.memory_space<hbm>>
      %dma_start3A_122 = arith.constant 0 : i32
      %dma_start3A_123 = tpu.memref_slice %arg4[%add3A, %dma_start3A_122] : memref<32x1024xf32, #tpu.memory_space<hbm>> -> memref<1x1024xf32, #tpu.memory_space<hbm>>
      %dma_start3A_124 = tpu.memref_squeeze %dma_start3A_123 : memref<1x1024xf32, #tpu.memory_space<hbm>> -> memref<1024xf32, #tpu.memory_space<hbm>>
      tpu.enqueue_dma source(%arg13 : memref<1024xf32, #tpu.memory_space<vmem>>) target(%dma_start3A_124 : memref<1024xf32, #tpu.memory_space<hbm>>) target_semaphore(%run_scoped3A : memref<!tpu.dma_semaphore, #tpu.memory_space<semaphore_mem>>)
      %dma_wait3A = arith.constant 0 : i32
      %dma_wait3A_125 = tpu.memref_slice %arg4[%add3A, %dma_wait3A] : memref<32x1024xf32, #tpu.memory_space<hbm>> -> memref<1x1024xf32, #tpu.memory_space<hbm>>
      %dma_wait3A_126 = tpu.memref_squeeze %dma_wait3A_125 : memref<1x1024xf32, #tpu.memory_space<hbm>> -> memref<1024xf32, #tpu.memory_space<hbm>>
      %dma_wait3A_127 = arith.constant 0 : i32
      %dma_wait3A_128 = tpu.memref_slice %arg4[%add3A, %dma_wait3A_127] : memref<32x1024xf32, #tpu.memory_space<hbm>> -> memref<1x1024xf32, #tpu.memory_space<hbm>>
      %dma_wait3A_129 = tpu.memref_squeeze %dma_wait3A_128 : memref<1x1024xf32, #tpu.memory_space<hbm>> -> memref<1024xf32, #tpu.memory_space<hbm>>
      tpu.wait_dma2 semaphore(%run_scoped3A : memref<!tpu.dma_semaphore, #tpu.memory_space<semaphore_mem>>) src(%arg13 : memref<1024xf32, #tpu.memory_space<vmem>>) dst(%dma_wait3A_129 : memref<1024xf32, #tpu.memory_space<hbm>>)
      tpu.yield
    }) : () -> ()
    "tpu.region"() ({
      %run_scoped3A = tpu.sem_alloc : memref<!tpu.dma_semaphore, #tpu.memory_space<semaphore_mem>>
      %dma_start3A = arith.constant 0 : i32
      %dma_start3A_120 = tpu.memref_slice %arg5[%add3A, %dma_start3A] : memref<32x1024xi32, #tpu.memory_space<hbm>> -> memref<1x1024xi32, #tpu.memory_space<hbm>>
      %dma_start3A_121 = tpu.memref_squeeze %dma_start3A_120 : memref<1x1024xi32, #tpu.memory_space<hbm>> -> memref<1024xi32, #tpu.memory_space<hbm>>
      %dma_start3A_122 = arith.constant 0 : i32
      %dma_start3A_123 = tpu.memref_slice %arg5[%add3A, %dma_start3A_122] : memref<32x1024xi32, #tpu.memory_space<hbm>> -> memref<1x1024xi32, #tpu.memory_space<hbm>>
      %dma_start3A_124 = tpu.memref_squeeze %dma_start3A_123 : memref<1x1024xi32, #tpu.memory_space<hbm>> -> memref<1024xi32, #tpu.memory_space<hbm>>
      tpu.enqueue_dma source(%arg14 : memref<1024xi32, #tpu.memory_space<vmem>>) target(%dma_start3A_124 : memref<1024xi32, #tpu.memory_space<hbm>>) target_semaphore(%run_scoped3A : memref<!tpu.dma_semaphore, #tpu.memory_space<semaphore_mem>>)
      %dma_wait3A = arith.constant 0 : i32
      %dma_wait3A_125 = tpu.memref_slice %arg5[%add3A, %dma_wait3A] : memref<32x1024xi32, #tpu.memory_space<hbm>> -> memref<1x1024xi32, #tpu.memory_space<hbm>>
      %dma_wait3A_126 = tpu.memref_squeeze %dma_wait3A_125 : memref<1x1024xi32, #tpu.memory_space<hbm>> -> memref<1024xi32, #tpu.memory_space<hbm>>
      %dma_wait3A_127 = arith.constant 0 : i32
      %dma_wait3A_128 = tpu.memref_slice %arg5[%add3A, %dma_wait3A_127] : memref<32x1024xi32, #tpu.memory_space<hbm>> -> memref<1x1024xi32, #tpu.memory_space<hbm>>
      %dma_wait3A_129 = tpu.memref_squeeze %dma_wait3A_128 : memref<1x1024xi32, #tpu.memory_space<hbm>> -> memref<1024xi32, #tpu.memory_space<hbm>>
      tpu.wait_dma2 semaphore(%run_scoped3A : memref<!tpu.dma_semaphore, #tpu.memory_space<semaphore_mem>>) src(%arg14 : memref<1024xi32, #tpu.memory_space<vmem>>) dst(%dma_wait3A_129 : memref<1024xi32, #tpu.memory_space<hbm>>)
      tpu.yield
    }) : () -> ()
    return
  }
}

#map = affine_map<(d0, d1) -> (0, 0)>
#map1 = affine_map<(d0, d1) -> (0)>
module attributes {stable_mosaic.version = 14 : i64} {
  func.func @_merge_gather(%arg0: i32, %arg1: i32, %arg2: memref<32x1024xf32, #tpu.memory_space<hbm>>, %arg3: memref<32x1024xi32, #tpu.memory_space<hbm>>, %arg4: memref<100000xf32, #tpu.memory_space<hbm>>, %arg5: memref<1024xf32, #tpu.memory_space<hbm>>, %arg6: memref<32x32xf32, #tpu.memory_space<vmem>>, %arg7: memref<32x32xi32, #tpu.memory_space<vmem>>, %arg8: memref<32xi32, #tpu.memory_space<vmem>>, %arg9: memref<32xf32, #tpu.memory_space<vmem>>, %arg10: memref<!tpu.dma_semaphore, #tpu.memory_space<semaphore_mem>>) attributes {dimension_semantics = [#tpu.dimension_semantics<core_parallel>, #tpu.dimension_semantics<subcore_parallel>], iteration_bounds = array<i64: 2, 16>, scalar_prefetch = 0 : i64, scratch_operands = 5 : i64, tpu.core_type = #tpu.core_type<sc_vector_subcore>, window_params = [{transform_indices = #map}, {transform_indices = #map}, {transform_indices = #map1}, {transform_indices = #map1}]} {
    %mul3A = arith.constant 2 : i32
    %mul3A_0 = arith.muli %arg1, %mul3A : i32
    %add3A = arith.addi %mul3A_0, %arg0 : i32
    %mul3A_1 = arith.constant 32 : i32
    %mul3A_2 = arith.muli %add3A, %mul3A_1 : i32
    %dma_start3A = arith.constant 0 : i32
    %dma_start3A_3 = arith.constant 0 : i32
    %dma_start3A_4 = arith.constant 0 : i32
    %dma_start3A_5 = tpu.memref_slice %arg6[%dma_start3A_3, %dma_start3A_4] : memref<32x32xf32, #tpu.memory_space<vmem>> -> memref<1x32xf32, #tpu.memory_space<vmem>>
    %dma_start3A_6 = tpu.memref_squeeze %dma_start3A_5 : memref<1x32xf32, #tpu.memory_space<vmem>> -> memref<32xf32, #tpu.memory_space<vmem>>
    %dma_start3A_7 = tpu.memref_slice %arg2[%dma_start3A, %mul3A_2] : memref<32x1024xf32, #tpu.memory_space<hbm>> -> memref<1x32xf32, #tpu.memory_space<hbm>>
    %dma_start3A_8 = tpu.memref_squeeze %dma_start3A_7 : memref<1x32xf32, #tpu.memory_space<hbm>> -> memref<32xf32, #tpu.memory_space<hbm>>
    %dma_start3A_9 = arith.constant 0 : i32
    %dma_start3A_10 = tpu.memref_slice %arg6[%dma_start3A_3, %dma_start3A_9] : memref<32x32xf32, #tpu.memory_space<vmem>> -> memref<1x32xf32, #tpu.memory_space<vmem>>
    %dma_start3A_11 = tpu.memref_squeeze %dma_start3A_10 : memref<1x32xf32, #tpu.memory_space<vmem>> -> memref<32xf32, #tpu.memory_space<vmem>>
    %dma_start3A_12 = tpu.memref_slice %arg2[%dma_start3A, %mul3A_2] : memref<32x1024xf32, #tpu.memory_space<hbm>> -> memref<1x32xf32, #tpu.memory_space<hbm>>
    %dma_start3A_13 = tpu.memref_squeeze %dma_start3A_12 : memref<1x32xf32, #tpu.memory_space<hbm>> -> memref<32xf32, #tpu.memory_space<hbm>>
    tpu.enqueue_dma source(%dma_start3A_13 : memref<32xf32, #tpu.memory_space<hbm>>) target(%dma_start3A_11 : memref<32xf32, #tpu.memory_space<vmem>>) target_semaphore(%arg10 : memref<!tpu.dma_semaphore, #tpu.memory_space<semaphore_mem>>)
    %dma_start3A_14 = arith.constant 0 : i32
    %dma_start3A_15 = arith.constant 0 : i32
    %dma_start3A_16 = arith.constant 0 : i32
    %dma_start3A_17 = tpu.memref_slice %arg7[%dma_start3A_15, %dma_start3A_16] : memref<32x32xi32, #tpu.memory_space<vmem>> -> memref<1x32xi32, #tpu.memory_space<vmem>>
    %dma_start3A_18 = tpu.memref_squeeze %dma_start3A_17 : memref<1x32xi32, #tpu.memory_space<vmem>> -> memref<32xi32, #tpu.memory_space<vmem>>
    %dma_start3A_19 = tpu.memref_slice %arg3[%dma_start3A_14, %mul3A_2] : memref<32x1024xi32, #tpu.memory_space<hbm>> -> memref<1x32xi32, #tpu.memory_space<hbm>>
    %dma_start3A_20 = tpu.memref_squeeze %dma_start3A_19 : memref<1x32xi32, #tpu.memory_space<hbm>> -> memref<32xi32, #tpu.memory_space<hbm>>
    %dma_start3A_21 = arith.constant 0 : i32
    %dma_start3A_22 = tpu.memref_slice %arg7[%dma_start3A_15, %dma_start3A_21] : memref<32x32xi32, #tpu.memory_space<vmem>> -> memref<1x32xi32, #tpu.memory_space<vmem>>
    %dma_start3A_23 = tpu.memref_squeeze %dma_start3A_22 : memref<1x32xi32, #tpu.memory_space<vmem>> -> memref<32xi32, #tpu.memory_space<vmem>>
    %dma_start3A_24 = tpu.memref_slice %arg3[%dma_start3A_14, %mul3A_2] : memref<32x1024xi32, #tpu.memory_space<hbm>> -> memref<1x32xi32, #tpu.memory_space<hbm>>
    %dma_start3A_25 = tpu.memref_squeeze %dma_start3A_24 : memref<1x32xi32, #tpu.memory_space<hbm>> -> memref<32xi32, #tpu.memory_space<hbm>>
    tpu.enqueue_dma source(%dma_start3A_25 : memref<32xi32, #tpu.memory_space<hbm>>) target(%dma_start3A_23 : memref<32xi32, #tpu.memory_space<vmem>>) target_semaphore(%arg10 : memref<!tpu.dma_semaphore, #tpu.memory_space<semaphore_mem>>)
    %dma_start3A_26 = arith.constant 1 : i32
    %dma_start3A_27 = arith.constant 1 : i32
    %dma_start3A_28 = arith.constant 0 : i32
    %dma_start3A_29 = tpu.memref_slice %arg6[%dma_start3A_27, %dma_start3A_28] : memref<32x32xf32, #tpu.memory_space<vmem>> -> memref<1x32xf32, #tpu.memory_space<vmem>>
    %dma_start3A_30 = tpu.memref_squeeze %dma_start3A_29 : memref<1x32xf32, #tpu.memory_space<vmem>> -> memref<32xf32, #tpu.memory_space<vmem>>
    %dma_start3A_31 = tpu.memref_slice %arg2[%dma_start3A_26, %mul3A_2] : memref<32x1024xf32, #tpu.memory_space<hbm>> -> memref<1x32xf32, #tpu.memory_space<hbm>>
    %dma_start3A_32 = tpu.memref_squeeze %dma_start3A_31 : memref<1x32xf32, #tpu.memory_space<hbm>> -> memref<32xf32, #tpu.memory_space<hbm>>
    %dma_start3A_33 = arith.constant 0 : i32
    %dma_start3A_34 = tpu.memref_slice %arg6[%dma_start3A_27, %dma_start3A_33] : memref<32x32xf32, #tpu.memory_space<vmem>> -> memref<1x32xf32, #tpu.memory_space<vmem>>
    %dma_start3A_35 = tpu.memref_squeeze %dma_start3A_34 : memref<1x32xf32, #tpu.memory_space<vmem>> -> memref<32xf32, #tpu.memory_space<vmem>>
    %dma_start3A_36 = tpu.memref_slice %arg2[%dma_start3A_26, %mul3A_2] : memref<32x1024xf32, #tpu.memory_space<hbm>> -> memref<1x32xf32, #tpu.memory_space<hbm>>
    %dma_start3A_37 = tpu.memref_squeeze %dma_start3A_36 : memref<1x32xf32, #tpu.memory_space<hbm>> -> memref<32xf32, #tpu.memory_space<hbm>>
    tpu.enqueue_dma source(%dma_start3A_37 : memref<32xf32, #tpu.memory_space<hbm>>) target(%dma_start3A_35 : memref<32xf32, #tpu.memory_space<vmem>>) target_semaphore(%arg10 : memref<!tpu.dma_semaphore, #tpu.memory_space<semaphore_mem>>)
    %dma_start3A_38 = arith.constant 1 : i32
    %dma_start3A_39 = arith.constant 1 : i32
    %dma_start3A_40 = arith.constant 0 : i32
    %dma_start3A_41 = tpu.memref_slice %arg7[%dma_start3A_39, %dma_start3A_40] : memref<32x32xi32, #tpu.memory_space<vmem>> -> memref<1x32xi32, #tpu.memory_space<vmem>>
    %dma_start3A_42 = tpu.memref_squeeze %dma_start3A_41 : memref<1x32xi32, #tpu.memory_space<vmem>> -> memref<32xi32, #tpu.memory_space<vmem>>
    %dma_start3A_43 = tpu.memref_slice %arg3[%dma_start3A_38, %mul3A_2] : memref<32x1024xi32, #tpu.memory_space<hbm>> -> memref<1x32xi32, #tpu.memory_space<hbm>>
    %dma_start3A_44 = tpu.memref_squeeze %dma_start3A_43 : memref<1x32xi32, #tpu.memory_space<hbm>> -> memref<32xi32, #tpu.memory_space<hbm>>
    %dma_start3A_45 = arith.constant 0 : i32
    %dma_start3A_46 = tpu.memref_slice %arg7[%dma_start3A_39, %dma_start3A_45] : memref<32x32xi32, #tpu.memory_space<vmem>> -> memref<1x32xi32, #tpu.memory_space<vmem>>
    %dma_start3A_47 = tpu.memref_squeeze %dma_start3A_46 : memref<1x32xi32, #tpu.memory_space<vmem>> -> memref<32xi32, #tpu.memory_space<vmem>>
    %dma_start3A_48 = tpu.memref_slice %arg3[%dma_start3A_38, %mul3A_2] : memref<32x1024xi32, #tpu.memory_space<hbm>> -> memref<1x32xi32, #tpu.memory_space<hbm>>
    %dma_start3A_49 = tpu.memref_squeeze %dma_start3A_48 : memref<1x32xi32, #tpu.memory_space<hbm>> -> memref<32xi32, #tpu.memory_space<hbm>>
    tpu.enqueue_dma source(%dma_start3A_49 : memref<32xi32, #tpu.memory_space<hbm>>) target(%dma_start3A_47 : memref<32xi32, #tpu.memory_space<vmem>>) target_semaphore(%arg10 : memref<!tpu.dma_semaphore, #tpu.memory_space<semaphore_mem>>)
    %dma_start3A_50 = arith.constant 2 : i32
    %dma_start3A_51 = arith.constant 2 : i32
    %dma_start3A_52 = arith.constant 0 : i32
    %dma_start3A_53 = tpu.memref_slice %arg6[%dma_start3A_51, %dma_start3A_52] : memref<32x32xf32, #tpu.memory_space<vmem>> -> memref<1x32xf32, #tpu.memory_space<vmem>>
    %dma_start3A_54 = tpu.memref_squeeze %dma_start3A_53 : memref<1x32xf32, #tpu.memory_space<vmem>> -> memref<32xf32, #tpu.memory_space<vmem>>
    %dma_start3A_55 = tpu.memref_slice %arg2[%dma_start3A_50, %mul3A_2] : memref<32x1024xf32, #tpu.memory_space<hbm>> -> memref<1x32xf32, #tpu.memory_space<hbm>>
    %dma_start3A_56 = tpu.memref_squeeze %dma_start3A_55 : memref<1x32xf32, #tpu.memory_space<hbm>> -> memref<32xf32, #tpu.memory_space<hbm>>
    %dma_start3A_57 = arith.constant 0 : i32
    %dma_start3A_58 = tpu.memref_slice %arg6[%dma_start3A_51, %dma_start3A_57] : memref<32x32xf32, #tpu.memory_space<vmem>> -> memref<1x32xf32, #tpu.memory_space<vmem>>
    %dma_start3A_59 = tpu.memref_squeeze %dma_start3A_58 : memref<1x32xf32, #tpu.memory_space<vmem>> -> memref<32xf32, #tpu.memory_space<vmem>>
    %dma_start3A_60 = tpu.memref_slice %arg2[%dma_start3A_50, %mul3A_2] : memref<32x1024xf32, #tpu.memory_space<hbm>> -> memref<1x32xf32, #tpu.memory_space<hbm>>
    %dma_start3A_61 = tpu.memref_squeeze %dma_start3A_60 : memref<1x32xf32, #tpu.memory_space<hbm>> -> memref<32xf32, #tpu.memory_space<hbm>>
    tpu.enqueue_dma source(%dma_start3A_61 : memref<32xf32, #tpu.memory_space<hbm>>) target(%dma_start3A_59 : memref<32xf32, #tpu.memory_space<vmem>>) target_semaphore(%arg10 : memref<!tpu.dma_semaphore, #tpu.memory_space<semaphore_mem>>)
    %dma_start3A_62 = arith.constant 2 : i32
    %dma_start3A_63 = arith.constant 2 : i32
    %dma_start3A_64 = arith.constant 0 : i32
    %dma_start3A_65 = tpu.memref_slice %arg7[%dma_start3A_63, %dma_start3A_64] : memref<32x32xi32, #tpu.memory_space<vmem>> -> memref<1x32xi32, #tpu.memory_space<vmem>>
    %dma_start3A_66 = tpu.memref_squeeze %dma_start3A_65 : memref<1x32xi32, #tpu.memory_space<vmem>> -> memref<32xi32, #tpu.memory_space<vmem>>
    %dma_start3A_67 = tpu.memref_slice %arg3[%dma_start3A_62, %mul3A_2] : memref<32x1024xi32, #tpu.memory_space<hbm>> -> memref<1x32xi32, #tpu.memory_space<hbm>>
    %dma_start3A_68 = tpu.memref_squeeze %dma_start3A_67 : memref<1x32xi32, #tpu.memory_space<hbm>> -> memref<32xi32, #tpu.memory_space<hbm>>
    %dma_start3A_69 = arith.constant 0 : i32
    %dma_start3A_70 = tpu.memref_slice %arg7[%dma_start3A_63, %dma_start3A_69] : memref<32x32xi32, #tpu.memory_space<vmem>> -> memref<1x32xi32, #tpu.memory_space<vmem>>
    %dma_start3A_71 = tpu.memref_squeeze %dma_start3A_70 : memref<1x32xi32, #tpu.memory_space<vmem>> -> memref<32xi32, #tpu.memory_space<vmem>>
    %dma_start3A_72 = tpu.memref_slice %arg3[%dma_start3A_62, %mul3A_2] : memref<32x1024xi32, #tpu.memory_space<hbm>> -> memref<1x32xi32, #tpu.memory_space<hbm>>
    %dma_start3A_73 = tpu.memref_squeeze %dma_start3A_72 : memref<1x32xi32, #tpu.memory_space<hbm>> -> memref<32xi32, #tpu.memory_space<hbm>>
    tpu.enqueue_dma source(%dma_start3A_73 : memref<32xi32, #tpu.memory_space<hbm>>) target(%dma_start3A_71 : memref<32xi32, #tpu.memory_space<vmem>>) target_semaphore(%arg10 : memref<!tpu.dma_semaphore, #tpu.memory_space<semaphore_mem>>)
    %dma_start3A_74 = arith.constant 3 : i32
    %dma_start3A_75 = arith.constant 3 : i32
    %dma_start3A_76 = arith.constant 0 : i32
    %dma_start3A_77 = tpu.memref_slice %arg6[%dma_start3A_75, %dma_start3A_76] : memref<32x32xf32, #tpu.memory_space<vmem>> -> memref<1x32xf32, #tpu.memory_space<vmem>>
    %dma_start3A_78 = tpu.memref_squeeze %dma_start3A_77 : memref<1x32xf32, #tpu.memory_space<vmem>> -> memref<32xf32, #tpu.memory_space<vmem>>
    %dma_start3A_79 = tpu.memref_slice %arg2[%dma_start3A_74, %mul3A_2] : memref<32x1024xf32, #tpu.memory_space<hbm>> -> memref<1x32xf32, #tpu.memory_space<hbm>>
    %dma_start3A_80 = tpu.memref_squeeze %dma_start3A_79 : memref<1x32xf32, #tpu.memory_space<hbm>> -> memref<32xf32, #tpu.memory_space<hbm>>
    %dma_start3A_81 = arith.constant 0 : i32
    %dma_start3A_82 = tpu.memref_slice %arg6[%dma_start3A_75, %dma_start3A_81] : memref<32x32xf32, #tpu.memory_space<vmem>> -> memref<1x32xf32, #tpu.memory_space<vmem>>
    %dma_start3A_83 = tpu.memref_squeeze %dma_start3A_82 : memref<1x32xf32, #tpu.memory_space<vmem>> -> memref<32xf32, #tpu.memory_space<vmem>>
    %dma_start3A_84 = tpu.memref_slice %arg2[%dma_start3A_74, %mul3A_2] : memref<32x1024xf32, #tpu.memory_space<hbm>> -> memref<1x32xf32, #tpu.memory_space<hbm>>
    %dma_start3A_85 = tpu.memref_squeeze %dma_start3A_84 : memref<1x32xf32, #tpu.memory_space<hbm>> -> memref<32xf32, #tpu.memory_space<hbm>>
    tpu.enqueue_dma source(%dma_start3A_85 : memref<32xf32, #tpu.memory_space<hbm>>) target(%dma_start3A_83 : memref<32xf32, #tpu.memory_space<vmem>>) target_semaphore(%arg10 : memref<!tpu.dma_semaphore, #tpu.memory_space<semaphore_mem>>)
    %dma_start3A_86 = arith.constant 3 : i32
    %dma_start3A_87 = arith.constant 3 : i32
    %dma_start3A_88 = arith.constant 0 : i32
    %dma_start3A_89 = tpu.memref_slice %arg7[%dma_start3A_87, %dma_start3A_88] : memref<32x32xi32, #tpu.memory_space<vmem>> -> memref<1x32xi32, #tpu.memory_space<vmem>>
    %dma_start3A_90 = tpu.memref_squeeze %dma_start3A_89 : memref<1x32xi32, #tpu.memory_space<vmem>> -> memref<32xi32, #tpu.memory_space<vmem>>
    %dma_start3A_91 = tpu.memref_slice %arg3[%dma_start3A_86, %mul3A_2] : memref<32x1024xi32, #tpu.memory_space<hbm>> -> memref<1x32xi32, #tpu.memory_space<hbm>>
    %dma_start3A_92 = tpu.memref_squeeze %dma_start3A_91 : memref<1x32xi32, #tpu.memory_space<hbm>> -> memref<32xi32, #tpu.memory_space<hbm>>
    %dma_start3A_93 = arith.constant 0 : i32
    %dma_start3A_94 = tpu.memref_slice %arg7[%dma_start3A_87, %dma_start3A_93] : memref<32x32xi32, #tpu.memory_space<vmem>> -> memref<1x32xi32, #tpu.memory_space<vmem>>
    %dma_start3A_95 = tpu.memref_squeeze %dma_start3A_94 : memref<1x32xi32, #tpu.memory_space<vmem>> -> memref<32xi32, #tpu.memory_space<vmem>>
    %dma_start3A_96 = tpu.memref_slice %arg3[%dma_start3A_86, %mul3A_2] : memref<32x1024xi32, #tpu.memory_space<hbm>> -> memref<1x32xi32, #tpu.memory_space<hbm>>
    %dma_start3A_97 = tpu.memref_squeeze %dma_start3A_96 : memref<1x32xi32, #tpu.memory_space<hbm>> -> memref<32xi32, #tpu.memory_space<hbm>>
    tpu.enqueue_dma source(%dma_start3A_97 : memref<32xi32, #tpu.memory_space<hbm>>) target(%dma_start3A_95 : memref<32xi32, #tpu.memory_space<vmem>>) target_semaphore(%arg10 : memref<!tpu.dma_semaphore, #tpu.memory_space<semaphore_mem>>)
    %dma_start3A_98 = arith.constant 4 : i32
    %dma_start3A_99 = arith.constant 4 : i32
    %dma_start3A_100 = arith.constant 0 : i32
    %dma_start3A_101 = tpu.memref_slice %arg6[%dma_start3A_99, %dma_start3A_100] : memref<32x32xf32, #tpu.memory_space<vmem>> -> memref<1x32xf32, #tpu.memory_space<vmem>>
    %dma_start3A_102 = tpu.memref_squeeze %dma_start3A_101 : memref<1x32xf32, #tpu.memory_space<vmem>> -> memref<32xf32, #tpu.memory_space<vmem>>
    %dma_start3A_103 = tpu.memref_slice %arg2[%dma_start3A_98, %mul3A_2] : memref<32x1024xf32, #tpu.memory_space<hbm>> -> memref<1x32xf32, #tpu.memory_space<hbm>>
    %dma_start3A_104 = tpu.memref_squeeze %dma_start3A_103 : memref<1x32xf32, #tpu.memory_space<hbm>> -> memref<32xf32, #tpu.memory_space<hbm>>
    %dma_start3A_105 = arith.constant 0 : i32
    %dma_start3A_106 = tpu.memref_slice %arg6[%dma_start3A_99, %dma_start3A_105] : memref<32x32xf32, #tpu.memory_space<vmem>> -> memref<1x32xf32, #tpu.memory_space<vmem>>
    %dma_start3A_107 = tpu.memref_squeeze %dma_start3A_106 : memref<1x32xf32, #tpu.memory_space<vmem>> -> memref<32xf32, #tpu.memory_space<vmem>>
    %dma_start3A_108 = tpu.memref_slice %arg2[%dma_start3A_98, %mul3A_2] : memref<32x1024xf32, #tpu.memory_space<hbm>> -> memref<1x32xf32, #tpu.memory_space<hbm>>
    %dma_start3A_109 = tpu.memref_squeeze %dma_start3A_108 : memref<1x32xf32, #tpu.memory_space<hbm>> -> memref<32xf32, #tpu.memory_space<hbm>>
    tpu.enqueue_dma source(%dma_start3A_109 : memref<32xf32, #tpu.memory_space<hbm>>) target(%dma_start3A_107 : memref<32xf32, #tpu.memory_space<vmem>>) target_semaphore(%arg10 : memref<!tpu.dma_semaphore, #tpu.memory_space<semaphore_mem>>)
    %dma_start3A_110 = arith.constant 4 : i32
    %dma_start3A_111 = arith.constant 4 : i32
    %dma_start3A_112 = arith.constant 0 : i32
    %dma_start3A_113 = tpu.memref_slice %arg7[%dma_start3A_111, %dma_start3A_112] : memref<32x32xi32, #tpu.memory_space<vmem>> -> memref<1x32xi32, #tpu.memory_space<vmem>>
    %dma_start3A_114 = tpu.memref_squeeze %dma_start3A_113 : memref<1x32xi32, #tpu.memory_space<vmem>> -> memref<32xi32, #tpu.memory_space<vmem>>
    %dma_start3A_115 = tpu.memref_slice %arg3[%dma_start3A_110, %mul3A_2] : memref<32x1024xi32, #tpu.memory_space<hbm>> -> memref<1x32xi32, #tpu.memory_space<hbm>>
    %dma_start3A_116 = tpu.memref_squeeze %dma_start3A_115 : memref<1x32xi32, #tpu.memory_space<hbm>> -> memref<32xi32, #tpu.memory_space<hbm>>
    %dma_start3A_117 = arith.constant 0 : i32
    %dma_start3A_118 = tpu.memref_slice %arg7[%dma_start3A_111, %dma_start3A_117] : memref<32x32xi32, #tpu.memory_space<vmem>> -> memref<1x32xi32, #tpu.memory_space<vmem>>
    %dma_start3A_119 = tpu.memref_squeeze %dma_start3A_118 : memref<1x32xi32, #tpu.memory_space<vmem>> -> memref<32xi32, #tpu.memory_space<vmem>>
    %dma_start3A_120 = tpu.memref_slice %arg3[%dma_start3A_110, %mul3A_2] : memref<32x1024xi32, #tpu.memory_space<hbm>> -> memref<1x32xi32, #tpu.memory_space<hbm>>
    %dma_start3A_121 = tpu.memref_squeeze %dma_start3A_120 : memref<1x32xi32, #tpu.memory_space<hbm>> -> memref<32xi32, #tpu.memory_space<hbm>>
    tpu.enqueue_dma source(%dma_start3A_121 : memref<32xi32, #tpu.memory_space<hbm>>) target(%dma_start3A_119 : memref<32xi32, #tpu.memory_space<vmem>>) target_semaphore(%arg10 : memref<!tpu.dma_semaphore, #tpu.memory_space<semaphore_mem>>)
    %dma_start3A_122 = arith.constant 5 : i32
    %dma_start3A_123 = arith.constant 5 : i32
    %dma_start3A_124 = arith.constant 0 : i32
    %dma_start3A_125 = tpu.memref_slice %arg6[%dma_start3A_123, %dma_start3A_124] : memref<32x32xf32, #tpu.memory_space<vmem>> -> memref<1x32xf32, #tpu.memory_space<vmem>>
    %dma_start3A_126 = tpu.memref_squeeze %dma_start3A_125 : memref<1x32xf32, #tpu.memory_space<vmem>> -> memref<32xf32, #tpu.memory_space<vmem>>
    %dma_start3A_127 = tpu.memref_slice %arg2[%dma_start3A_122, %mul3A_2] : memref<32x1024xf32, #tpu.memory_space<hbm>> -> memref<1x32xf32, #tpu.memory_space<hbm>>
    %dma_start3A_128 = tpu.memref_squeeze %dma_start3A_127 : memref<1x32xf32, #tpu.memory_space<hbm>> -> memref<32xf32, #tpu.memory_space<hbm>>
    %dma_start3A_129 = arith.constant 0 : i32
    %dma_start3A_130 = tpu.memref_slice %arg6[%dma_start3A_123, %dma_start3A_129] : memref<32x32xf32, #tpu.memory_space<vmem>> -> memref<1x32xf32, #tpu.memory_space<vmem>>
    %dma_start3A_131 = tpu.memref_squeeze %dma_start3A_130 : memref<1x32xf32, #tpu.memory_space<vmem>> -> memref<32xf32, #tpu.memory_space<vmem>>
    %dma_start3A_132 = tpu.memref_slice %arg2[%dma_start3A_122, %mul3A_2] : memref<32x1024xf32, #tpu.memory_space<hbm>> -> memref<1x32xf32, #tpu.memory_space<hbm>>
    %dma_start3A_133 = tpu.memref_squeeze %dma_start3A_132 : memref<1x32xf32, #tpu.memory_space<hbm>> -> memref<32xf32, #tpu.memory_space<hbm>>
    tpu.enqueue_dma source(%dma_start3A_133 : memref<32xf32, #tpu.memory_space<hbm>>) target(%dma_start3A_131 : memref<32xf32, #tpu.memory_space<vmem>>) target_semaphore(%arg10 : memref<!tpu.dma_semaphore, #tpu.memory_space<semaphore_mem>>)
    %dma_start3A_134 = arith.constant 5 : i32
    %dma_start3A_135 = arith.constant 5 : i32
    %dma_start3A_136 = arith.constant 0 : i32
    %dma_start3A_137 = tpu.memref_slice %arg7[%dma_start3A_135, %dma_start3A_136] : memref<32x32xi32, #tpu.memory_space<vmem>> -> memref<1x32xi32, #tpu.memory_space<vmem>>
    %dma_start3A_138 = tpu.memref_squeeze %dma_start3A_137 : memref<1x32xi32, #tpu.memory_space<vmem>> -> memref<32xi32, #tpu.memory_space<vmem>>
    %dma_start3A_139 = tpu.memref_slice %arg3[%dma_start3A_134, %mul3A_2] : memref<32x1024xi32, #tpu.memory_space<hbm>> -> memref<1x32xi32, #tpu.memory_space<hbm>>
    %dma_start3A_140 = tpu.memref_squeeze %dma_start3A_139 : memref<1x32xi32, #tpu.memory_space<hbm>> -> memref<32xi32, #tpu.memory_space<hbm>>
    %dma_start3A_141 = arith.constant 0 : i32
    %dma_start3A_142 = tpu.memref_slice %arg7[%dma_start3A_135, %dma_start3A_141] : memref<32x32xi32, #tpu.memory_space<vmem>> -> memref<1x32xi32, #tpu.memory_space<vmem>>
    %dma_start3A_143 = tpu.memref_squeeze %dma_start3A_142 : memref<1x32xi32, #tpu.memory_space<vmem>> -> memref<32xi32, #tpu.memory_space<vmem>>
    %dma_start3A_144 = tpu.memref_slice %arg3[%dma_start3A_134, %mul3A_2] : memref<32x1024xi32, #tpu.memory_space<hbm>> -> memref<1x32xi32, #tpu.memory_space<hbm>>
    %dma_start3A_145 = tpu.memref_squeeze %dma_start3A_144 : memref<1x32xi32, #tpu.memory_space<hbm>> -> memref<32xi32, #tpu.memory_space<hbm>>
    tpu.enqueue_dma source(%dma_start3A_145 : memref<32xi32, #tpu.memory_space<hbm>>) target(%dma_start3A_143 : memref<32xi32, #tpu.memory_space<vmem>>) target_semaphore(%arg10 : memref<!tpu.dma_semaphore, #tpu.memory_space<semaphore_mem>>)
    %dma_start3A_146 = arith.constant 6 : i32
    %dma_start3A_147 = arith.constant 6 : i32
    %dma_start3A_148 = arith.constant 0 : i32
    %dma_start3A_149 = tpu.memref_slice %arg6[%dma_start3A_147, %dma_start3A_148] : memref<32x32xf32, #tpu.memory_space<vmem>> -> memref<1x32xf32, #tpu.memory_space<vmem>>
    %dma_start3A_150 = tpu.memref_squeeze %dma_start3A_149 : memref<1x32xf32, #tpu.memory_space<vmem>> -> memref<32xf32, #tpu.memory_space<vmem>>
    %dma_start3A_151 = tpu.memref_slice %arg2[%dma_start3A_146, %mul3A_2] : memref<32x1024xf32, #tpu.memory_space<hbm>> -> memref<1x32xf32, #tpu.memory_space<hbm>>
    %dma_start3A_152 = tpu.memref_squeeze %dma_start3A_151 : memref<1x32xf32, #tpu.memory_space<hbm>> -> memref<32xf32, #tpu.memory_space<hbm>>
    %dma_start3A_153 = arith.constant 0 : i32
    %dma_start3A_154 = tpu.memref_slice %arg6[%dma_start3A_147, %dma_start3A_153] : memref<32x32xf32, #tpu.memory_space<vmem>> -> memref<1x32xf32, #tpu.memory_space<vmem>>
    %dma_start3A_155 = tpu.memref_squeeze %dma_start3A_154 : memref<1x32xf32, #tpu.memory_space<vmem>> -> memref<32xf32, #tpu.memory_space<vmem>>
    %dma_start3A_156 = tpu.memref_slice %arg2[%dma_start3A_146, %mul3A_2] : memref<32x1024xf32, #tpu.memory_space<hbm>> -> memref<1x32xf32, #tpu.memory_space<hbm>>
    %dma_start3A_157 = tpu.memref_squeeze %dma_start3A_156 : memref<1x32xf32, #tpu.memory_space<hbm>> -> memref<32xf32, #tpu.memory_space<hbm>>
    tpu.enqueue_dma source(%dma_start3A_157 : memref<32xf32, #tpu.memory_space<hbm>>) target(%dma_start3A_155 : memref<32xf32, #tpu.memory_space<vmem>>) target_semaphore(%arg10 : memref<!tpu.dma_semaphore, #tpu.memory_space<semaphore_mem>>)
    %dma_start3A_158 = arith.constant 6 : i32
    %dma_start3A_159 = arith.constant 6 : i32
    %dma_start3A_160 = arith.constant 0 : i32
    %dma_start3A_161 = tpu.memref_slice %arg7[%dma_start3A_159, %dma_start3A_160] : memref<32x32xi32, #tpu.memory_space<vmem>> -> memref<1x32xi32, #tpu.memory_space<vmem>>
    %dma_start3A_162 = tpu.memref_squeeze %dma_start3A_161 : memref<1x32xi32, #tpu.memory_space<vmem>> -> memref<32xi32, #tpu.memory_space<vmem>>
    %dma_start3A_163 = tpu.memref_slice %arg3[%dma_start3A_158, %mul3A_2] : memref<32x1024xi32, #tpu.memory_space<hbm>> -> memref<1x32xi32, #tpu.memory_space<hbm>>
    %dma_start3A_164 = tpu.memref_squeeze %dma_start3A_163 : memref<1x32xi32, #tpu.memory_space<hbm>> -> memref<32xi32, #tpu.memory_space<hbm>>
    %dma_start3A_165 = arith.constant 0 : i32
    %dma_start3A_166 = tpu.memref_slice %arg7[%dma_start3A_159, %dma_start3A_165] : memref<32x32xi32, #tpu.memory_space<vmem>> -> memref<1x32xi32, #tpu.memory_space<vmem>>
    %dma_start3A_167 = tpu.memref_squeeze %dma_start3A_166 : memref<1x32xi32, #tpu.memory_space<vmem>> -> memref<32xi32, #tpu.memory_space<vmem>>
    %dma_start3A_168 = tpu.memref_slice %arg3[%dma_start3A_158, %mul3A_2] : memref<32x1024xi32, #tpu.memory_space<hbm>> -> memref<1x32xi32, #tpu.memory_space<hbm>>
    %dma_start3A_169 = tpu.memref_squeeze %dma_start3A_168 : memref<1x32xi32, #tpu.memory_space<hbm>> -> memref<32xi32, #tpu.memory_space<hbm>>
    tpu.enqueue_dma source(%dma_start3A_169 : memref<32xi32, #tpu.memory_space<hbm>>) target(%dma_start3A_167 : memref<32xi32, #tpu.memory_space<vmem>>) target_semaphore(%arg10 : memref<!tpu.dma_semaphore, #tpu.memory_space<semaphore_mem>>)
    %dma_start3A_170 = arith.constant 7 : i32
    %dma_start3A_171 = arith.constant 7 : i32
    %dma_start3A_172 = arith.constant 0 : i32
    %dma_start3A_173 = tpu.memref_slice %arg6[%dma_start3A_171, %dma_start3A_172] : memref<32x32xf32, #tpu.memory_space<vmem>> -> memref<1x32xf32, #tpu.memory_space<vmem>>
    %dma_start3A_174 = tpu.memref_squeeze %dma_start3A_173 : memref<1x32xf32, #tpu.memory_space<vmem>> -> memref<32xf32, #tpu.memory_space<vmem>>
    %dma_start3A_175 = tpu.memref_slice %arg2[%dma_start3A_170, %mul3A_2] : memref<32x1024xf32, #tpu.memory_space<hbm>> -> memref<1x32xf32, #tpu.memory_space<hbm>>
    %dma_start3A_176 = tpu.memref_squeeze %dma_start3A_175 : memref<1x32xf32, #tpu.memory_space<hbm>> -> memref<32xf32, #tpu.memory_space<hbm>>
    %dma_start3A_177 = arith.constant 0 : i32
    %dma_start3A_178 = tpu.memref_slice %arg6[%dma_start3A_171, %dma_start3A_177] : memref<32x32xf32, #tpu.memory_space<vmem>> -> memref<1x32xf32, #tpu.memory_space<vmem>>
    %dma_start3A_179 = tpu.memref_squeeze %dma_start3A_178 : memref<1x32xf32, #tpu.memory_space<vmem>> -> memref<32xf32, #tpu.memory_space<vmem>>
    %dma_start3A_180 = tpu.memref_slice %arg2[%dma_start3A_170, %mul3A_2] : memref<32x1024xf32, #tpu.memory_space<hbm>> -> memref<1x32xf32, #tpu.memory_space<hbm>>
    %dma_start3A_181 = tpu.memref_squeeze %dma_start3A_180 : memref<1x32xf32, #tpu.memory_space<hbm>> -> memref<32xf32, #tpu.memory_space<hbm>>
    tpu.enqueue_dma source(%dma_start3A_181 : memref<32xf32, #tpu.memory_space<hbm>>) target(%dma_start3A_179 : memref<32xf32, #tpu.memory_space<vmem>>) target_semaphore(%arg10 : memref<!tpu.dma_semaphore, #tpu.memory_space<semaphore_mem>>)
    %dma_start3A_182 = arith.constant 7 : i32
    %dma_start3A_183 = arith.constant 7 : i32
    %dma_start3A_184 = arith.constant 0 : i32
    %dma_start3A_185 = tpu.memref_slice %arg7[%dma_start3A_183, %dma_start3A_184] : memref<32x32xi32, #tpu.memory_space<vmem>> -> memref<1x32xi32, #tpu.memory_space<vmem>>
    %dma_start3A_186 = tpu.memref_squeeze %dma_start3A_185 : memref<1x32xi32, #tpu.memory_space<vmem>> -> memref<32xi32, #tpu.memory_space<vmem>>
    %dma_start3A_187 = tpu.memref_slice %arg3[%dma_start3A_182, %mul3A_2] : memref<32x1024xi32, #tpu.memory_space<hbm>> -> memref<1x32xi32, #tpu.memory_space<hbm>>
    %dma_start3A_188 = tpu.memref_squeeze %dma_start3A_187 : memref<1x32xi32, #tpu.memory_space<hbm>> -> memref<32xi32, #tpu.memory_space<hbm>>
    %dma_start3A_189 = arith.constant 0 : i32
    %dma_start3A_190 = tpu.memref_slice %arg7[%dma_start3A_183, %dma_start3A_189] : memref<32x32xi32, #tpu.memory_space<vmem>> -> memref<1x32xi32, #tpu.memory_space<vmem>>
    %dma_start3A_191 = tpu.memref_squeeze %dma_start3A_190 : memref<1x32xi32, #tpu.memory_space<vmem>> -> memref<32xi32, #tpu.memory_space<vmem>>
    %dma_start3A_192 = tpu.memref_slice %arg3[%dma_start3A_182, %mul3A_2] : memref<32x1024xi32, #tpu.memory_space<hbm>> -> memref<1x32xi32, #tpu.memory_space<hbm>>
    %dma_start3A_193 = tpu.memref_squeeze %dma_start3A_192 : memref<1x32xi32, #tpu.memory_space<hbm>> -> memref<32xi32, #tpu.memory_space<hbm>>
    tpu.enqueue_dma source(%dma_start3A_193 : memref<32xi32, #tpu.memory_space<hbm>>) target(%dma_start3A_191 : memref<32xi32, #tpu.memory_space<vmem>>) target_semaphore(%arg10 : memref<!tpu.dma_semaphore, #tpu.memory_space<semaphore_mem>>)
    %dma_start3A_194 = arith.constant 8 : i32
    %dma_start3A_195 = arith.constant 8 : i32
    %dma_start3A_196 = arith.constant 0 : i32
    %dma_start3A_197 = tpu.memref_slice %arg6[%dma_start3A_195, %dma_start3A_196] : memref<32x32xf32, #tpu.memory_space<vmem>> -> memref<1x32xf32, #tpu.memory_space<vmem>>
    %dma_start3A_198 = tpu.memref_squeeze %dma_start3A_197 : memref<1x32xf32, #tpu.memory_space<vmem>> -> memref<32xf32, #tpu.memory_space<vmem>>
    %dma_start3A_199 = tpu.memref_slice %arg2[%dma_start3A_194, %mul3A_2] : memref<32x1024xf32, #tpu.memory_space<hbm>> -> memref<1x32xf32, #tpu.memory_space<hbm>>
    %dma_start3A_200 = tpu.memref_squeeze %dma_start3A_199 : memref<1x32xf32, #tpu.memory_space<hbm>> -> memref<32xf32, #tpu.memory_space<hbm>>
    %dma_start3A_201 = arith.constant 0 : i32
    %dma_start3A_202 = tpu.memref_slice %arg6[%dma_start3A_195, %dma_start3A_201] : memref<32x32xf32, #tpu.memory_space<vmem>> -> memref<1x32xf32, #tpu.memory_space<vmem>>
    %dma_start3A_203 = tpu.memref_squeeze %dma_start3A_202 : memref<1x32xf32, #tpu.memory_space<vmem>> -> memref<32xf32, #tpu.memory_space<vmem>>
    %dma_start3A_204 = tpu.memref_slice %arg2[%dma_start3A_194, %mul3A_2] : memref<32x1024xf32, #tpu.memory_space<hbm>> -> memref<1x32xf32, #tpu.memory_space<hbm>>
    %dma_start3A_205 = tpu.memref_squeeze %dma_start3A_204 : memref<1x32xf32, #tpu.memory_space<hbm>> -> memref<32xf32, #tpu.memory_space<hbm>>
    tpu.enqueue_dma source(%dma_start3A_205 : memref<32xf32, #tpu.memory_space<hbm>>) target(%dma_start3A_203 : memref<32xf32, #tpu.memory_space<vmem>>) target_semaphore(%arg10 : memref<!tpu.dma_semaphore, #tpu.memory_space<semaphore_mem>>)
    %dma_start3A_206 = arith.constant 8 : i32
    %dma_start3A_207 = arith.constant 8 : i32
    %dma_start3A_208 = arith.constant 0 : i32
    %dma_start3A_209 = tpu.memref_slice %arg7[%dma_start3A_207, %dma_start3A_208] : memref<32x32xi32, #tpu.memory_space<vmem>> -> memref<1x32xi32, #tpu.memory_space<vmem>>
    %dma_start3A_210 = tpu.memref_squeeze %dma_start3A_209 : memref<1x32xi32, #tpu.memory_space<vmem>> -> memref<32xi32, #tpu.memory_space<vmem>>
    %dma_start3A_211 = tpu.memref_slice %arg3[%dma_start3A_206, %mul3A_2] : memref<32x1024xi32, #tpu.memory_space<hbm>> -> memref<1x32xi32, #tpu.memory_space<hbm>>
    %dma_start3A_212 = tpu.memref_squeeze %dma_start3A_211 : memref<1x32xi32, #tpu.memory_space<hbm>> -> memref<32xi32, #tpu.memory_space<hbm>>
    %dma_start3A_213 = arith.constant 0 : i32
    %dma_start3A_214 = tpu.memref_slice %arg7[%dma_start3A_207, %dma_start3A_213] : memref<32x32xi32, #tpu.memory_space<vmem>> -> memref<1x32xi32, #tpu.memory_space<vmem>>
    %dma_start3A_215 = tpu.memref_squeeze %dma_start3A_214 : memref<1x32xi32, #tpu.memory_space<vmem>> -> memref<32xi32, #tpu.memory_space<vmem>>
    %dma_start3A_216 = tpu.memref_slice %arg3[%dma_start3A_206, %mul3A_2] : memref<32x1024xi32, #tpu.memory_space<hbm>> -> memref<1x32xi32, #tpu.memory_space<hbm>>
    %dma_start3A_217 = tpu.memref_squeeze %dma_start3A_216 : memref<1x32xi32, #tpu.memory_space<hbm>> -> memref<32xi32, #tpu.memory_space<hbm>>
    tpu.enqueue_dma source(%dma_start3A_217 : memref<32xi32, #tpu.memory_space<hbm>>) target(%dma_start3A_215 : memref<32xi32, #tpu.memory_space<vmem>>) target_semaphore(%arg10 : memref<!tpu.dma_semaphore, #tpu.memory_space<semaphore_mem>>)
    %dma_start3A_218 = arith.constant 9 : i32
    %dma_start3A_219 = arith.constant 9 : i32
    %dma_start3A_220 = arith.constant 0 : i32
    %dma_start3A_221 = tpu.memref_slice %arg6[%dma_start3A_219, %dma_start3A_220] : memref<32x32xf32, #tpu.memory_space<vmem>> -> memref<1x32xf32, #tpu.memory_space<vmem>>
    %dma_start3A_222 = tpu.memref_squeeze %dma_start3A_221 : memref<1x32xf32, #tpu.memory_space<vmem>> -> memref<32xf32, #tpu.memory_space<vmem>>
    %dma_start3A_223 = tpu.memref_slice %arg2[%dma_start3A_218, %mul3A_2] : memref<32x1024xf32, #tpu.memory_space<hbm>> -> memref<1x32xf32, #tpu.memory_space<hbm>>
    %dma_start3A_224 = tpu.memref_squeeze %dma_start3A_223 : memref<1x32xf32, #tpu.memory_space<hbm>> -> memref<32xf32, #tpu.memory_space<hbm>>
    %dma_start3A_225 = arith.constant 0 : i32
    %dma_start3A_226 = tpu.memref_slice %arg6[%dma_start3A_219, %dma_start3A_225] : memref<32x32xf32, #tpu.memory_space<vmem>> -> memref<1x32xf32, #tpu.memory_space<vmem>>
    %dma_start3A_227 = tpu.memref_squeeze %dma_start3A_226 : memref<1x32xf32, #tpu.memory_space<vmem>> -> memref<32xf32, #tpu.memory_space<vmem>>
    %dma_start3A_228 = tpu.memref_slice %arg2[%dma_start3A_218, %mul3A_2] : memref<32x1024xf32, #tpu.memory_space<hbm>> -> memref<1x32xf32, #tpu.memory_space<hbm>>
    %dma_start3A_229 = tpu.memref_squeeze %dma_start3A_228 : memref<1x32xf32, #tpu.memory_space<hbm>> -> memref<32xf32, #tpu.memory_space<hbm>>
    tpu.enqueue_dma source(%dma_start3A_229 : memref<32xf32, #tpu.memory_space<hbm>>) target(%dma_start3A_227 : memref<32xf32, #tpu.memory_space<vmem>>) target_semaphore(%arg10 : memref<!tpu.dma_semaphore, #tpu.memory_space<semaphore_mem>>)
    %dma_start3A_230 = arith.constant 9 : i32
    %dma_start3A_231 = arith.constant 9 : i32
    %dma_start3A_232 = arith.constant 0 : i32
    %dma_start3A_233 = tpu.memref_slice %arg7[%dma_start3A_231, %dma_start3A_232] : memref<32x32xi32, #tpu.memory_space<vmem>> -> memref<1x32xi32, #tpu.memory_space<vmem>>
    %dma_start3A_234 = tpu.memref_squeeze %dma_start3A_233 : memref<1x32xi32, #tpu.memory_space<vmem>> -> memref<32xi32, #tpu.memory_space<vmem>>
    %dma_start3A_235 = tpu.memref_slice %arg3[%dma_start3A_230, %mul3A_2] : memref<32x1024xi32, #tpu.memory_space<hbm>> -> memref<1x32xi32, #tpu.memory_space<hbm>>
    %dma_start3A_236 = tpu.memref_squeeze %dma_start3A_235 : memref<1x32xi32, #tpu.memory_space<hbm>> -> memref<32xi32, #tpu.memory_space<hbm>>
    %dma_start3A_237 = arith.constant 0 : i32
    %dma_start3A_238 = tpu.memref_slice %arg7[%dma_start3A_231, %dma_start3A_237] : memref<32x32xi32, #tpu.memory_space<vmem>> -> memref<1x32xi32, #tpu.memory_space<vmem>>
    %dma_start3A_239 = tpu.memref_squeeze %dma_start3A_238 : memref<1x32xi32, #tpu.memory_space<vmem>> -> memref<32xi32, #tpu.memory_space<vmem>>
    %dma_start3A_240 = tpu.memref_slice %arg3[%dma_start3A_230, %mul3A_2] : memref<32x1024xi32, #tpu.memory_space<hbm>> -> memref<1x32xi32, #tpu.memory_space<hbm>>
    %dma_start3A_241 = tpu.memref_squeeze %dma_start3A_240 : memref<1x32xi32, #tpu.memory_space<hbm>> -> memref<32xi32, #tpu.memory_space<hbm>>
    tpu.enqueue_dma source(%dma_start3A_241 : memref<32xi32, #tpu.memory_space<hbm>>) target(%dma_start3A_239 : memref<32xi32, #tpu.memory_space<vmem>>) target_semaphore(%arg10 : memref<!tpu.dma_semaphore, #tpu.memory_space<semaphore_mem>>)
    %dma_start3A_242 = arith.constant 10 : i32
    %dma_start3A_243 = arith.constant 10 : i32
    %dma_start3A_244 = arith.constant 0 : i32
    %dma_start3A_245 = tpu.memref_slice %arg6[%dma_start3A_243, %dma_start3A_244] : memref<32x32xf32, #tpu.memory_space<vmem>> -> memref<1x32xf32, #tpu.memory_space<vmem>>
    %dma_start3A_246 = tpu.memref_squeeze %dma_start3A_245 : memref<1x32xf32, #tpu.memory_space<vmem>> -> memref<32xf32, #tpu.memory_space<vmem>>
    %dma_start3A_247 = tpu.memref_slice %arg2[%dma_start3A_242, %mul3A_2] : memref<32x1024xf32, #tpu.memory_space<hbm>> -> memref<1x32xf32, #tpu.memory_space<hbm>>
    %dma_start3A_248 = tpu.memref_squeeze %dma_start3A_247 : memref<1x32xf32, #tpu.memory_space<hbm>> -> memref<32xf32, #tpu.memory_space<hbm>>
    %dma_start3A_249 = arith.constant 0 : i32
    %dma_start3A_250 = tpu.memref_slice %arg6[%dma_start3A_243, %dma_start3A_249] : memref<32x32xf32, #tpu.memory_space<vmem>> -> memref<1x32xf32, #tpu.memory_space<vmem>>
    %dma_start3A_251 = tpu.memref_squeeze %dma_start3A_250 : memref<1x32xf32, #tpu.memory_space<vmem>> -> memref<32xf32, #tpu.memory_space<vmem>>
    %dma_start3A_252 = tpu.memref_slice %arg2[%dma_start3A_242, %mul3A_2] : memref<32x1024xf32, #tpu.memory_space<hbm>> -> memref<1x32xf32, #tpu.memory_space<hbm>>
    %dma_start3A_253 = tpu.memref_squeeze %dma_start3A_252 : memref<1x32xf32, #tpu.memory_space<hbm>> -> memref<32xf32, #tpu.memory_space<hbm>>
    tpu.enqueue_dma source(%dma_start3A_253 : memref<32xf32, #tpu.memory_space<hbm>>) target(%dma_start3A_251 : memref<32xf32, #tpu.memory_space<vmem>>) target_semaphore(%arg10 : memref<!tpu.dma_semaphore, #tpu.memory_space<semaphore_mem>>)
    %dma_start3A_254 = arith.constant 10 : i32
    %dma_start3A_255 = arith.constant 10 : i32
    %dma_start3A_256 = arith.constant 0 : i32
    %dma_start3A_257 = tpu.memref_slice %arg7[%dma_start3A_255, %dma_start3A_256] : memref<32x32xi32, #tpu.memory_space<vmem>> -> memref<1x32xi32, #tpu.memory_space<vmem>>
    %dma_start3A_258 = tpu.memref_squeeze %dma_start3A_257 : memref<1x32xi32, #tpu.memory_space<vmem>> -> memref<32xi32, #tpu.memory_space<vmem>>
    %dma_start3A_259 = tpu.memref_slice %arg3[%dma_start3A_254, %mul3A_2] : memref<32x1024xi32, #tpu.memory_space<hbm>> -> memref<1x32xi32, #tpu.memory_space<hbm>>
    %dma_start3A_260 = tpu.memref_squeeze %dma_start3A_259 : memref<1x32xi32, #tpu.memory_space<hbm>> -> memref<32xi32, #tpu.memory_space<hbm>>
    %dma_start3A_261 = arith.constant 0 : i32
    %dma_start3A_262 = tpu.memref_slice %arg7[%dma_start3A_255, %dma_start3A_261] : memref<32x32xi32, #tpu.memory_space<vmem>> -> memref<1x32xi32, #tpu.memory_space<vmem>>
    %dma_start3A_263 = tpu.memref_squeeze %dma_start3A_262 : memref<1x32xi32, #tpu.memory_space<vmem>> -> memref<32xi32, #tpu.memory_space<vmem>>
    %dma_start3A_264 = tpu.memref_slice %arg3[%dma_start3A_254, %mul3A_2] : memref<32x1024xi32, #tpu.memory_space<hbm>> -> memref<1x32xi32, #tpu.memory_space<hbm>>
    %dma_start3A_265 = tpu.memref_squeeze %dma_start3A_264 : memref<1x32xi32, #tpu.memory_space<hbm>> -> memref<32xi32, #tpu.memory_space<hbm>>
    tpu.enqueue_dma source(%dma_start3A_265 : memref<32xi32, #tpu.memory_space<hbm>>) target(%dma_start3A_263 : memref<32xi32, #tpu.memory_space<vmem>>) target_semaphore(%arg10 : memref<!tpu.dma_semaphore, #tpu.memory_space<semaphore_mem>>)
    %dma_start3A_266 = arith.constant 11 : i32
    %dma_start3A_267 = arith.constant 11 : i32
    %dma_start3A_268 = arith.constant 0 : i32
    %dma_start3A_269 = tpu.memref_slice %arg6[%dma_start3A_267, %dma_start3A_268] : memref<32x32xf32, #tpu.memory_space<vmem>> -> memref<1x32xf32, #tpu.memory_space<vmem>>
    %dma_start3A_270 = tpu.memref_squeeze %dma_start3A_269 : memref<1x32xf32, #tpu.memory_space<vmem>> -> memref<32xf32, #tpu.memory_space<vmem>>
    %dma_start3A_271 = tpu.memref_slice %arg2[%dma_start3A_266, %mul3A_2] : memref<32x1024xf32, #tpu.memory_space<hbm>> -> memref<1x32xf32, #tpu.memory_space<hbm>>
    %dma_start3A_272 = tpu.memref_squeeze %dma_start3A_271 : memref<1x32xf32, #tpu.memory_space<hbm>> -> memref<32xf32, #tpu.memory_space<hbm>>
    %dma_start3A_273 = arith.constant 0 : i32
    %dma_start3A_274 = tpu.memref_slice %arg6[%dma_start3A_267, %dma_start3A_273] : memref<32x32xf32, #tpu.memory_space<vmem>> -> memref<1x32xf32, #tpu.memory_space<vmem>>
    %dma_start3A_275 = tpu.memref_squeeze %dma_start3A_274 : memref<1x32xf32, #tpu.memory_space<vmem>> -> memref<32xf32, #tpu.memory_space<vmem>>
    %dma_start3A_276 = tpu.memref_slice %arg2[%dma_start3A_266, %mul3A_2] : memref<32x1024xf32, #tpu.memory_space<hbm>> -> memref<1x32xf32, #tpu.memory_space<hbm>>
    %dma_start3A_277 = tpu.memref_squeeze %dma_start3A_276 : memref<1x32xf32, #tpu.memory_space<hbm>> -> memref<32xf32, #tpu.memory_space<hbm>>
    tpu.enqueue_dma source(%dma_start3A_277 : memref<32xf32, #tpu.memory_space<hbm>>) target(%dma_start3A_275 : memref<32xf32, #tpu.memory_space<vmem>>) target_semaphore(%arg10 : memref<!tpu.dma_semaphore, #tpu.memory_space<semaphore_mem>>)
    %dma_start3A_278 = arith.constant 11 : i32
    %dma_start3A_279 = arith.constant 11 : i32
    %dma_start3A_280 = arith.constant 0 : i32
    %dma_start3A_281 = tpu.memref_slice %arg7[%dma_start3A_279, %dma_start3A_280] : memref<32x32xi32, #tpu.memory_space<vmem>> -> memref<1x32xi32, #tpu.memory_space<vmem>>
    %dma_start3A_282 = tpu.memref_squeeze %dma_start3A_281 : memref<1x32xi32, #tpu.memory_space<vmem>> -> memref<32xi32, #tpu.memory_space<vmem>>
    %dma_start3A_283 = tpu.memref_slice %arg3[%dma_start3A_278, %mul3A_2] : memref<32x1024xi32, #tpu.memory_space<hbm>> -> memref<1x32xi32, #tpu.memory_space<hbm>>
    %dma_start3A_284 = tpu.memref_squeeze %dma_start3A_283 : memref<1x32xi32, #tpu.memory_space<hbm>> -> memref<32xi32, #tpu.memory_space<hbm>>
    %dma_start3A_285 = arith.constant 0 : i32
    %dma_start3A_286 = tpu.memref_slice %arg7[%dma_start3A_279, %dma_start3A_285] : memref<32x32xi32, #tpu.memory_space<vmem>> -> memref<1x32xi32, #tpu.memory_space<vmem>>
    %dma_start3A_287 = tpu.memref_squeeze %dma_start3A_286 : memref<1x32xi32, #tpu.memory_space<vmem>> -> memref<32xi32, #tpu.memory_space<vmem>>
    %dma_start3A_288 = tpu.memref_slice %arg3[%dma_start3A_278, %mul3A_2] : memref<32x1024xi32, #tpu.memory_space<hbm>> -> memref<1x32xi32, #tpu.memory_space<hbm>>
    %dma_start3A_289 = tpu.memref_squeeze %dma_start3A_288 : memref<1x32xi32, #tpu.memory_space<hbm>> -> memref<32xi32, #tpu.memory_space<hbm>>
    tpu.enqueue_dma source(%dma_start3A_289 : memref<32xi32, #tpu.memory_space<hbm>>) target(%dma_start3A_287 : memref<32xi32, #tpu.memory_space<vmem>>) target_semaphore(%arg10 : memref<!tpu.dma_semaphore, #tpu.memory_space<semaphore_mem>>)
    %dma_start3A_290 = arith.constant 12 : i32
    %dma_start3A_291 = arith.constant 12 : i32
    %dma_start3A_292 = arith.constant 0 : i32
    %dma_start3A_293 = tpu.memref_slice %arg6[%dma_start3A_291, %dma_start3A_292] : memref<32x32xf32, #tpu.memory_space<vmem>> -> memref<1x32xf32, #tpu.memory_space<vmem>>
    %dma_start3A_294 = tpu.memref_squeeze %dma_start3A_293 : memref<1x32xf32, #tpu.memory_space<vmem>> -> memref<32xf32, #tpu.memory_space<vmem>>
    %dma_start3A_295 = tpu.memref_slice %arg2[%dma_start3A_290, %mul3A_2] : memref<32x1024xf32, #tpu.memory_space<hbm>> -> memref<1x32xf32, #tpu.memory_space<hbm>>
    %dma_start3A_296 = tpu.memref_squeeze %dma_start3A_295 : memref<1x32xf32, #tpu.memory_space<hbm>> -> memref<32xf32, #tpu.memory_space<hbm>>
    %dma_start3A_297 = arith.constant 0 : i32
    %dma_start3A_298 = tpu.memref_slice %arg6[%dma_start3A_291, %dma_start3A_297] : memref<32x32xf32, #tpu.memory_space<vmem>> -> memref<1x32xf32, #tpu.memory_space<vmem>>
    %dma_start3A_299 = tpu.memref_squeeze %dma_start3A_298 : memref<1x32xf32, #tpu.memory_space<vmem>> -> memref<32xf32, #tpu.memory_space<vmem>>
    %dma_start3A_300 = tpu.memref_slice %arg2[%dma_start3A_290, %mul3A_2] : memref<32x1024xf32, #tpu.memory_space<hbm>> -> memref<1x32xf32, #tpu.memory_space<hbm>>
    %dma_start3A_301 = tpu.memref_squeeze %dma_start3A_300 : memref<1x32xf32, #tpu.memory_space<hbm>> -> memref<32xf32, #tpu.memory_space<hbm>>
    tpu.enqueue_dma source(%dma_start3A_301 : memref<32xf32, #tpu.memory_space<hbm>>) target(%dma_start3A_299 : memref<32xf32, #tpu.memory_space<vmem>>) target_semaphore(%arg10 : memref<!tpu.dma_semaphore, #tpu.memory_space<semaphore_mem>>)
    %dma_start3A_302 = arith.constant 12 : i32
    %dma_start3A_303 = arith.constant 12 : i32
    %dma_start3A_304 = arith.constant 0 : i32
    %dma_start3A_305 = tpu.memref_slice %arg7[%dma_start3A_303, %dma_start3A_304] : memref<32x32xi32, #tpu.memory_space<vmem>> -> memref<1x32xi32, #tpu.memory_space<vmem>>
    %dma_start3A_306 = tpu.memref_squeeze %dma_start3A_305 : memref<1x32xi32, #tpu.memory_space<vmem>> -> memref<32xi32, #tpu.memory_space<vmem>>
    %dma_start3A_307 = tpu.memref_slice %arg3[%dma_start3A_302, %mul3A_2] : memref<32x1024xi32, #tpu.memory_space<hbm>> -> memref<1x32xi32, #tpu.memory_space<hbm>>
    %dma_start3A_308 = tpu.memref_squeeze %dma_start3A_307 : memref<1x32xi32, #tpu.memory_space<hbm>> -> memref<32xi32, #tpu.memory_space<hbm>>
    %dma_start3A_309 = arith.constant 0 : i32
    %dma_start3A_310 = tpu.memref_slice %arg7[%dma_start3A_303, %dma_start3A_309] : memref<32x32xi32, #tpu.memory_space<vmem>> -> memref<1x32xi32, #tpu.memory_space<vmem>>
    %dma_start3A_311 = tpu.memref_squeeze %dma_start3A_310 : memref<1x32xi32, #tpu.memory_space<vmem>> -> memref<32xi32, #tpu.memory_space<vmem>>
    %dma_start3A_312 = tpu.memref_slice %arg3[%dma_start3A_302, %mul3A_2] : memref<32x1024xi32, #tpu.memory_space<hbm>> -> memref<1x32xi32, #tpu.memory_space<hbm>>
    %dma_start3A_313 = tpu.memref_squeeze %dma_start3A_312 : memref<1x32xi32, #tpu.memory_space<hbm>> -> memref<32xi32, #tpu.memory_space<hbm>>
    tpu.enqueue_dma source(%dma_start3A_313 : memref<32xi32, #tpu.memory_space<hbm>>) target(%dma_start3A_311 : memref<32xi32, #tpu.memory_space<vmem>>) target_semaphore(%arg10 : memref<!tpu.dma_semaphore, #tpu.memory_space<semaphore_mem>>)
    %dma_start3A_314 = arith.constant 13 : i32
    %dma_start3A_315 = arith.constant 13 : i32
    %dma_start3A_316 = arith.constant 0 : i32
    %dma_start3A_317 = tpu.memref_slice %arg6[%dma_start3A_315, %dma_start3A_316] : memref<32x32xf32, #tpu.memory_space<vmem>> -> memref<1x32xf32, #tpu.memory_space<vmem>>
    %dma_start3A_318 = tpu.memref_squeeze %dma_start3A_317 : memref<1x32xf32, #tpu.memory_space<vmem>> -> memref<32xf32, #tpu.memory_space<vmem>>
    %dma_start3A_319 = tpu.memref_slice %arg2[%dma_start3A_314, %mul3A_2] : memref<32x1024xf32, #tpu.memory_space<hbm>> -> memref<1x32xf32, #tpu.memory_space<hbm>>
    %dma_start3A_320 = tpu.memref_squeeze %dma_start3A_319 : memref<1x32xf32, #tpu.memory_space<hbm>> -> memref<32xf32, #tpu.memory_space<hbm>>
    %dma_start3A_321 = arith.constant 0 : i32
    %dma_start3A_322 = tpu.memref_slice %arg6[%dma_start3A_315, %dma_start3A_321] : memref<32x32xf32, #tpu.memory_space<vmem>> -> memref<1x32xf32, #tpu.memory_space<vmem>>
    %dma_start3A_323 = tpu.memref_squeeze %dma_start3A_322 : memref<1x32xf32, #tpu.memory_space<vmem>> -> memref<32xf32, #tpu.memory_space<vmem>>
    %dma_start3A_324 = tpu.memref_slice %arg2[%dma_start3A_314, %mul3A_2] : memref<32x1024xf32, #tpu.memory_space<hbm>> -> memref<1x32xf32, #tpu.memory_space<hbm>>
    %dma_start3A_325 = tpu.memref_squeeze %dma_start3A_324 : memref<1x32xf32, #tpu.memory_space<hbm>> -> memref<32xf32, #tpu.memory_space<hbm>>
    tpu.enqueue_dma source(%dma_start3A_325 : memref<32xf32, #tpu.memory_space<hbm>>) target(%dma_start3A_323 : memref<32xf32, #tpu.memory_space<vmem>>) target_semaphore(%arg10 : memref<!tpu.dma_semaphore, #tpu.memory_space<semaphore_mem>>)
    %dma_start3A_326 = arith.constant 13 : i32
    %dma_start3A_327 = arith.constant 13 : i32
    %dma_start3A_328 = arith.constant 0 : i32
    %dma_start3A_329 = tpu.memref_slice %arg7[%dma_start3A_327, %dma_start3A_328] : memref<32x32xi32, #tpu.memory_space<vmem>> -> memref<1x32xi32, #tpu.memory_space<vmem>>
    %dma_start3A_330 = tpu.memref_squeeze %dma_start3A_329 : memref<1x32xi32, #tpu.memory_space<vmem>> -> memref<32xi32, #tpu.memory_space<vmem>>
    %dma_start3A_331 = tpu.memref_slice %arg3[%dma_start3A_326, %mul3A_2] : memref<32x1024xi32, #tpu.memory_space<hbm>> -> memref<1x32xi32, #tpu.memory_space<hbm>>
    %dma_start3A_332 = tpu.memref_squeeze %dma_start3A_331 : memref<1x32xi32, #tpu.memory_space<hbm>> -> memref<32xi32, #tpu.memory_space<hbm>>
    %dma_start3A_333 = arith.constant 0 : i32
    %dma_start3A_334 = tpu.memref_slice %arg7[%dma_start3A_327, %dma_start3A_333] : memref<32x32xi32, #tpu.memory_space<vmem>> -> memref<1x32xi32, #tpu.memory_space<vmem>>
    %dma_start3A_335 = tpu.memref_squeeze %dma_start3A_334 : memref<1x32xi32, #tpu.memory_space<vmem>> -> memref<32xi32, #tpu.memory_space<vmem>>
    %dma_start3A_336 = tpu.memref_slice %arg3[%dma_start3A_326, %mul3A_2] : memref<32x1024xi32, #tpu.memory_space<hbm>> -> memref<1x32xi32, #tpu.memory_space<hbm>>
    %dma_start3A_337 = tpu.memref_squeeze %dma_start3A_336 : memref<1x32xi32, #tpu.memory_space<hbm>> -> memref<32xi32, #tpu.memory_space<hbm>>
    tpu.enqueue_dma source(%dma_start3A_337 : memref<32xi32, #tpu.memory_space<hbm>>) target(%dma_start3A_335 : memref<32xi32, #tpu.memory_space<vmem>>) target_semaphore(%arg10 : memref<!tpu.dma_semaphore, #tpu.memory_space<semaphore_mem>>)
    %dma_start3A_338 = arith.constant 14 : i32
    %dma_start3A_339 = arith.constant 14 : i32
    %dma_start3A_340 = arith.constant 0 : i32
    %dma_start3A_341 = tpu.memref_slice %arg6[%dma_start3A_339, %dma_start3A_340] : memref<32x32xf32, #tpu.memory_space<vmem>> -> memref<1x32xf32, #tpu.memory_space<vmem>>
    %dma_start3A_342 = tpu.memref_squeeze %dma_start3A_341 : memref<1x32xf32, #tpu.memory_space<vmem>> -> memref<32xf32, #tpu.memory_space<vmem>>
    %dma_start3A_343 = tpu.memref_slice %arg2[%dma_start3A_338, %mul3A_2] : memref<32x1024xf32, #tpu.memory_space<hbm>> -> memref<1x32xf32, #tpu.memory_space<hbm>>
    %dma_start3A_344 = tpu.memref_squeeze %dma_start3A_343 : memref<1x32xf32, #tpu.memory_space<hbm>> -> memref<32xf32, #tpu.memory_space<hbm>>
    %dma_start3A_345 = arith.constant 0 : i32
    %dma_start3A_346 = tpu.memref_slice %arg6[%dma_start3A_339, %dma_start3A_345] : memref<32x32xf32, #tpu.memory_space<vmem>> -> memref<1x32xf32, #tpu.memory_space<vmem>>
    %dma_start3A_347 = tpu.memref_squeeze %dma_start3A_346 : memref<1x32xf32, #tpu.memory_space<vmem>> -> memref<32xf32, #tpu.memory_space<vmem>>
    %dma_start3A_348 = tpu.memref_slice %arg2[%dma_start3A_338, %mul3A_2] : memref<32x1024xf32, #tpu.memory_space<hbm>> -> memref<1x32xf32, #tpu.memory_space<hbm>>
    %dma_start3A_349 = tpu.memref_squeeze %dma_start3A_348 : memref<1x32xf32, #tpu.memory_space<hbm>> -> memref<32xf32, #tpu.memory_space<hbm>>
    tpu.enqueue_dma source(%dma_start3A_349 : memref<32xf32, #tpu.memory_space<hbm>>) target(%dma_start3A_347 : memref<32xf32, #tpu.memory_space<vmem>>) target_semaphore(%arg10 : memref<!tpu.dma_semaphore, #tpu.memory_space<semaphore_mem>>)
    %dma_start3A_350 = arith.constant 14 : i32
    %dma_start3A_351 = arith.constant 14 : i32
    %dma_start3A_352 = arith.constant 0 : i32
    %dma_start3A_353 = tpu.memref_slice %arg7[%dma_start3A_351, %dma_start3A_352] : memref<32x32xi32, #tpu.memory_space<vmem>> -> memref<1x32xi32, #tpu.memory_space<vmem>>
    %dma_start3A_354 = tpu.memref_squeeze %dma_start3A_353 : memref<1x32xi32, #tpu.memory_space<vmem>> -> memref<32xi32, #tpu.memory_space<vmem>>
    %dma_start3A_355 = tpu.memref_slice %arg3[%dma_start3A_350, %mul3A_2] : memref<32x1024xi32, #tpu.memory_space<hbm>> -> memref<1x32xi32, #tpu.memory_space<hbm>>
    %dma_start3A_356 = tpu.memref_squeeze %dma_start3A_355 : memref<1x32xi32, #tpu.memory_space<hbm>> -> memref<32xi32, #tpu.memory_space<hbm>>
    %dma_start3A_357 = arith.constant 0 : i32
    %dma_start3A_358 = tpu.memref_slice %arg7[%dma_start3A_351, %dma_start3A_357] : memref<32x32xi32, #tpu.memory_space<vmem>> -> memref<1x32xi32, #tpu.memory_space<vmem>>
    %dma_start3A_359 = tpu.memref_squeeze %dma_start3A_358 : memref<1x32xi32, #tpu.memory_space<vmem>> -> memref<32xi32, #tpu.memory_space<vmem>>
    %dma_start3A_360 = tpu.memref_slice %arg3[%dma_start3A_350, %mul3A_2] : memref<32x1024xi32, #tpu.memory_space<hbm>> -> memref<1x32xi32, #tpu.memory_space<hbm>>
    %dma_start3A_361 = tpu.memref_squeeze %dma_start3A_360 : memref<1x32xi32, #tpu.memory_space<hbm>> -> memref<32xi32, #tpu.memory_space<hbm>>
    tpu.enqueue_dma source(%dma_start3A_361 : memref<32xi32, #tpu.memory_space<hbm>>) target(%dma_start3A_359 : memref<32xi32, #tpu.memory_space<vmem>>) target_semaphore(%arg10 : memref<!tpu.dma_semaphore, #tpu.memory_space<semaphore_mem>>)
    %dma_start3A_362 = arith.constant 15 : i32
    %dma_start3A_363 = arith.constant 15 : i32
    %dma_start3A_364 = arith.constant 0 : i32
    %dma_start3A_365 = tpu.memref_slice %arg6[%dma_start3A_363, %dma_start3A_364] : memref<32x32xf32, #tpu.memory_space<vmem>> -> memref<1x32xf32, #tpu.memory_space<vmem>>
    %dma_start3A_366 = tpu.memref_squeeze %dma_start3A_365 : memref<1x32xf32, #tpu.memory_space<vmem>> -> memref<32xf32, #tpu.memory_space<vmem>>
    %dma_start3A_367 = tpu.memref_slice %arg2[%dma_start3A_362, %mul3A_2] : memref<32x1024xf32, #tpu.memory_space<hbm>> -> memref<1x32xf32, #tpu.memory_space<hbm>>
    %dma_start3A_368 = tpu.memref_squeeze %dma_start3A_367 : memref<1x32xf32, #tpu.memory_space<hbm>> -> memref<32xf32, #tpu.memory_space<hbm>>
    %dma_start3A_369 = arith.constant 0 : i32
    %dma_start3A_370 = tpu.memref_slice %arg6[%dma_start3A_363, %dma_start3A_369] : memref<32x32xf32, #tpu.memory_space<vmem>> -> memref<1x32xf32, #tpu.memory_space<vmem>>
    %dma_start3A_371 = tpu.memref_squeeze %dma_start3A_370 : memref<1x32xf32, #tpu.memory_space<vmem>> -> memref<32xf32, #tpu.memory_space<vmem>>
    %dma_start3A_372 = tpu.memref_slice %arg2[%dma_start3A_362, %mul3A_2] : memref<32x1024xf32, #tpu.memory_space<hbm>> -> memref<1x32xf32, #tpu.memory_space<hbm>>
    %dma_start3A_373 = tpu.memref_squeeze %dma_start3A_372 : memref<1x32xf32, #tpu.memory_space<hbm>> -> memref<32xf32, #tpu.memory_space<hbm>>
    tpu.enqueue_dma source(%dma_start3A_373 : memref<32xf32, #tpu.memory_space<hbm>>) target(%dma_start3A_371 : memref<32xf32, #tpu.memory_space<vmem>>) target_semaphore(%arg10 : memref<!tpu.dma_semaphore, #tpu.memory_space<semaphore_mem>>)
    %dma_start3A_374 = arith.constant 15 : i32
    %dma_start3A_375 = arith.constant 15 : i32
    %dma_start3A_376 = arith.constant 0 : i32
    %dma_start3A_377 = tpu.memref_slice %arg7[%dma_start3A_375, %dma_start3A_376] : memref<32x32xi32, #tpu.memory_space<vmem>> -> memref<1x32xi32, #tpu.memory_space<vmem>>
    %dma_start3A_378 = tpu.memref_squeeze %dma_start3A_377 : memref<1x32xi32, #tpu.memory_space<vmem>> -> memref<32xi32, #tpu.memory_space<vmem>>
    %dma_start3A_379 = tpu.memref_slice %arg3[%dma_start3A_374, %mul3A_2] : memref<32x1024xi32, #tpu.memory_space<hbm>> -> memref<1x32xi32, #tpu.memory_space<hbm>>
    %dma_start3A_380 = tpu.memref_squeeze %dma_start3A_379 : memref<1x32xi32, #tpu.memory_space<hbm>> -> memref<32xi32, #tpu.memory_space<hbm>>
    %dma_start3A_381 = arith.constant 0 : i32
    %dma_start3A_382 = tpu.memref_slice %arg7[%dma_start3A_375, %dma_start3A_381] : memref<32x32xi32, #tpu.memory_space<vmem>> -> memref<1x32xi32, #tpu.memory_space<vmem>>
    %dma_start3A_383 = tpu.memref_squeeze %dma_start3A_382 : memref<1x32xi32, #tpu.memory_space<vmem>> -> memref<32xi32, #tpu.memory_space<vmem>>
    %dma_start3A_384 = tpu.memref_slice %arg3[%dma_start3A_374, %mul3A_2] : memref<32x1024xi32, #tpu.memory_space<hbm>> -> memref<1x32xi32, #tpu.memory_space<hbm>>
    %dma_start3A_385 = tpu.memref_squeeze %dma_start3A_384 : memref<1x32xi32, #tpu.memory_space<hbm>> -> memref<32xi32, #tpu.memory_space<hbm>>
    tpu.enqueue_dma source(%dma_start3A_385 : memref<32xi32, #tpu.memory_space<hbm>>) target(%dma_start3A_383 : memref<32xi32, #tpu.memory_space<vmem>>) target_semaphore(%arg10 : memref<!tpu.dma_semaphore, #tpu.memory_space<semaphore_mem>>)
    %dma_start3A_386 = arith.constant 16 : i32
    %dma_start3A_387 = arith.constant 16 : i32
    %dma_start3A_388 = arith.constant 0 : i32
    %dma_start3A_389 = tpu.memref_slice %arg6[%dma_start3A_387, %dma_start3A_388] : memref<32x32xf32, #tpu.memory_space<vmem>> -> memref<1x32xf32, #tpu.memory_space<vmem>>
    %dma_start3A_390 = tpu.memref_squeeze %dma_start3A_389 : memref<1x32xf32, #tpu.memory_space<vmem>> -> memref<32xf32, #tpu.memory_space<vmem>>
    %dma_start3A_391 = tpu.memref_slice %arg2[%dma_start3A_386, %mul3A_2] : memref<32x1024xf32, #tpu.memory_space<hbm>> -> memref<1x32xf32, #tpu.memory_space<hbm>>
    %dma_start3A_392 = tpu.memref_squeeze %dma_start3A_391 : memref<1x32xf32, #tpu.memory_space<hbm>> -> memref<32xf32, #tpu.memory_space<hbm>>
    %dma_start3A_393 = arith.constant 0 : i32
    %dma_start3A_394 = tpu.memref_slice %arg6[%dma_start3A_387, %dma_start3A_393] : memref<32x32xf32, #tpu.memory_space<vmem>> -> memref<1x32xf32, #tpu.memory_space<vmem>>
    %dma_start3A_395 = tpu.memref_squeeze %dma_start3A_394 : memref<1x32xf32, #tpu.memory_space<vmem>> -> memref<32xf32, #tpu.memory_space<vmem>>
    %dma_start3A_396 = tpu.memref_slice %arg2[%dma_start3A_386, %mul3A_2] : memref<32x1024xf32, #tpu.memory_space<hbm>> -> memref<1x32xf32, #tpu.memory_space<hbm>>
    %dma_start3A_397 = tpu.memref_squeeze %dma_start3A_396 : memref<1x32xf32, #tpu.memory_space<hbm>> -> memref<32xf32, #tpu.memory_space<hbm>>
    tpu.enqueue_dma source(%dma_start3A_397 : memref<32xf32, #tpu.memory_space<hbm>>) target(%dma_start3A_395 : memref<32xf32, #tpu.memory_space<vmem>>) target_semaphore(%arg10 : memref<!tpu.dma_semaphore, #tpu.memory_space<semaphore_mem>>)
    %dma_start3A_398 = arith.constant 16 : i32
    %dma_start3A_399 = arith.constant 16 : i32
    %dma_start3A_400 = arith.constant 0 : i32
    %dma_start3A_401 = tpu.memref_slice %arg7[%dma_start3A_399, %dma_start3A_400] : memref<32x32xi32, #tpu.memory_space<vmem>> -> memref<1x32xi32, #tpu.memory_space<vmem>>
    %dma_start3A_402 = tpu.memref_squeeze %dma_start3A_401 : memref<1x32xi32, #tpu.memory_space<vmem>> -> memref<32xi32, #tpu.memory_space<vmem>>
    %dma_start3A_403 = tpu.memref_slice %arg3[%dma_start3A_398, %mul3A_2] : memref<32x1024xi32, #tpu.memory_space<hbm>> -> memref<1x32xi32, #tpu.memory_space<hbm>>
    %dma_start3A_404 = tpu.memref_squeeze %dma_start3A_403 : memref<1x32xi32, #tpu.memory_space<hbm>> -> memref<32xi32, #tpu.memory_space<hbm>>
    %dma_start3A_405 = arith.constant 0 : i32
    %dma_start3A_406 = tpu.memref_slice %arg7[%dma_start3A_399, %dma_start3A_405] : memref<32x32xi32, #tpu.memory_space<vmem>> -> memref<1x32xi32, #tpu.memory_space<vmem>>
    %dma_start3A_407 = tpu.memref_squeeze %dma_start3A_406 : memref<1x32xi32, #tpu.memory_space<vmem>> -> memref<32xi32, #tpu.memory_space<vmem>>
    %dma_start3A_408 = tpu.memref_slice %arg3[%dma_start3A_398, %mul3A_2] : memref<32x1024xi32, #tpu.memory_space<hbm>> -> memref<1x32xi32, #tpu.memory_space<hbm>>
    %dma_start3A_409 = tpu.memref_squeeze %dma_start3A_408 : memref<1x32xi32, #tpu.memory_space<hbm>> -> memref<32xi32, #tpu.memory_space<hbm>>
    tpu.enqueue_dma source(%dma_start3A_409 : memref<32xi32, #tpu.memory_space<hbm>>) target(%dma_start3A_407 : memref<32xi32, #tpu.memory_space<vmem>>) target_semaphore(%arg10 : memref<!tpu.dma_semaphore, #tpu.memory_space<semaphore_mem>>)
    %dma_start3A_410 = arith.constant 17 : i32
    %dma_start3A_411 = arith.constant 17 : i32
    %dma_start3A_412 = arith.constant 0 : i32
    %dma_start3A_413 = tpu.memref_slice %arg6[%dma_start3A_411, %dma_start3A_412] : memref<32x32xf32, #tpu.memory_space<vmem>> -> memref<1x32xf32, #tpu.memory_space<vmem>>
    %dma_start3A_414 = tpu.memref_squeeze %dma_start3A_413 : memref<1x32xf32, #tpu.memory_space<vmem>> -> memref<32xf32, #tpu.memory_space<vmem>>
    %dma_start3A_415 = tpu.memref_slice %arg2[%dma_start3A_410, %mul3A_2] : memref<32x1024xf32, #tpu.memory_space<hbm>> -> memref<1x32xf32, #tpu.memory_space<hbm>>
    %dma_start3A_416 = tpu.memref_squeeze %dma_start3A_415 : memref<1x32xf32, #tpu.memory_space<hbm>> -> memref<32xf32, #tpu.memory_space<hbm>>
    %dma_start3A_417 = arith.constant 0 : i32
    %dma_start3A_418 = tpu.memref_slice %arg6[%dma_start3A_411, %dma_start3A_417] : memref<32x32xf32, #tpu.memory_space<vmem>> -> memref<1x32xf32, #tpu.memory_space<vmem>>
    %dma_start3A_419 = tpu.memref_squeeze %dma_start3A_418 : memref<1x32xf32, #tpu.memory_space<vmem>> -> memref<32xf32, #tpu.memory_space<vmem>>
    %dma_start3A_420 = tpu.memref_slice %arg2[%dma_start3A_410, %mul3A_2] : memref<32x1024xf32, #tpu.memory_space<hbm>> -> memref<1x32xf32, #tpu.memory_space<hbm>>
    %dma_start3A_421 = tpu.memref_squeeze %dma_start3A_420 : memref<1x32xf32, #tpu.memory_space<hbm>> -> memref<32xf32, #tpu.memory_space<hbm>>
    tpu.enqueue_dma source(%dma_start3A_421 : memref<32xf32, #tpu.memory_space<hbm>>) target(%dma_start3A_419 : memref<32xf32, #tpu.memory_space<vmem>>) target_semaphore(%arg10 : memref<!tpu.dma_semaphore, #tpu.memory_space<semaphore_mem>>)
    %dma_start3A_422 = arith.constant 17 : i32
    %dma_start3A_423 = arith.constant 17 : i32
    %dma_start3A_424 = arith.constant 0 : i32
    %dma_start3A_425 = tpu.memref_slice %arg7[%dma_start3A_423, %dma_start3A_424] : memref<32x32xi32, #tpu.memory_space<vmem>> -> memref<1x32xi32, #tpu.memory_space<vmem>>
    %dma_start3A_426 = tpu.memref_squeeze %dma_start3A_425 : memref<1x32xi32, #tpu.memory_space<vmem>> -> memref<32xi32, #tpu.memory_space<vmem>>
    %dma_start3A_427 = tpu.memref_slice %arg3[%dma_start3A_422, %mul3A_2] : memref<32x1024xi32, #tpu.memory_space<hbm>> -> memref<1x32xi32, #tpu.memory_space<hbm>>
    %dma_start3A_428 = tpu.memref_squeeze %dma_start3A_427 : memref<1x32xi32, #tpu.memory_space<hbm>> -> memref<32xi32, #tpu.memory_space<hbm>>
    %dma_start3A_429 = arith.constant 0 : i32
    %dma_start3A_430 = tpu.memref_slice %arg7[%dma_start3A_423, %dma_start3A_429] : memref<32x32xi32, #tpu.memory_space<vmem>> -> memref<1x32xi32, #tpu.memory_space<vmem>>
    %dma_start3A_431 = tpu.memref_squeeze %dma_start3A_430 : memref<1x32xi32, #tpu.memory_space<vmem>> -> memref<32xi32, #tpu.memory_space<vmem>>
    %dma_start3A_432 = tpu.memref_slice %arg3[%dma_start3A_422, %mul3A_2] : memref<32x1024xi32, #tpu.memory_space<hbm>> -> memref<1x32xi32, #tpu.memory_space<hbm>>
    %dma_start3A_433 = tpu.memref_squeeze %dma_start3A_432 : memref<1x32xi32, #tpu.memory_space<hbm>> -> memref<32xi32, #tpu.memory_space<hbm>>
    tpu.enqueue_dma source(%dma_start3A_433 : memref<32xi32, #tpu.memory_space<hbm>>) target(%dma_start3A_431 : memref<32xi32, #tpu.memory_space<vmem>>) target_semaphore(%arg10 : memref<!tpu.dma_semaphore, #tpu.memory_space<semaphore_mem>>)
    %dma_start3A_434 = arith.constant 18 : i32
    %dma_start3A_435 = arith.constant 18 : i32
    %dma_start3A_436 = arith.constant 0 : i32
    %dma_start3A_437 = tpu.memref_slice %arg6[%dma_start3A_435, %dma_start3A_436] : memref<32x32xf32, #tpu.memory_space<vmem>> -> memref<1x32xf32, #tpu.memory_space<vmem>>
    %dma_start3A_438 = tpu.memref_squeeze %dma_start3A_437 : memref<1x32xf32, #tpu.memory_space<vmem>> -> memref<32xf32, #tpu.memory_space<vmem>>
    %dma_start3A_439 = tpu.memref_slice %arg2[%dma_start3A_434, %mul3A_2] : memref<32x1024xf32, #tpu.memory_space<hbm>> -> memref<1x32xf32, #tpu.memory_space<hbm>>
    %dma_start3A_440 = tpu.memref_squeeze %dma_start3A_439 : memref<1x32xf32, #tpu.memory_space<hbm>> -> memref<32xf32, #tpu.memory_space<hbm>>
    %dma_start3A_441 = arith.constant 0 : i32
    %dma_start3A_442 = tpu.memref_slice %arg6[%dma_start3A_435, %dma_start3A_441] : memref<32x32xf32, #tpu.memory_space<vmem>> -> memref<1x32xf32, #tpu.memory_space<vmem>>
    %dma_start3A_443 = tpu.memref_squeeze %dma_start3A_442 : memref<1x32xf32, #tpu.memory_space<vmem>> -> memref<32xf32, #tpu.memory_space<vmem>>
    %dma_start3A_444 = tpu.memref_slice %arg2[%dma_start3A_434, %mul3A_2] : memref<32x1024xf32, #tpu.memory_space<hbm>> -> memref<1x32xf32, #tpu.memory_space<hbm>>
    %dma_start3A_445 = tpu.memref_squeeze %dma_start3A_444 : memref<1x32xf32, #tpu.memory_space<hbm>> -> memref<32xf32, #tpu.memory_space<hbm>>
    tpu.enqueue_dma source(%dma_start3A_445 : memref<32xf32, #tpu.memory_space<hbm>>) target(%dma_start3A_443 : memref<32xf32, #tpu.memory_space<vmem>>) target_semaphore(%arg10 : memref<!tpu.dma_semaphore, #tpu.memory_space<semaphore_mem>>)
    %dma_start3A_446 = arith.constant 18 : i32
    %dma_start3A_447 = arith.constant 18 : i32
    %dma_start3A_448 = arith.constant 0 : i32
    %dma_start3A_449 = tpu.memref_slice %arg7[%dma_start3A_447, %dma_start3A_448] : memref<32x32xi32, #tpu.memory_space<vmem>> -> memref<1x32xi32, #tpu.memory_space<vmem>>
    %dma_start3A_450 = tpu.memref_squeeze %dma_start3A_449 : memref<1x32xi32, #tpu.memory_space<vmem>> -> memref<32xi32, #tpu.memory_space<vmem>>
    %dma_start3A_451 = tpu.memref_slice %arg3[%dma_start3A_446, %mul3A_2] : memref<32x1024xi32, #tpu.memory_space<hbm>> -> memref<1x32xi32, #tpu.memory_space<hbm>>
    %dma_start3A_452 = tpu.memref_squeeze %dma_start3A_451 : memref<1x32xi32, #tpu.memory_space<hbm>> -> memref<32xi32, #tpu.memory_space<hbm>>
    %dma_start3A_453 = arith.constant 0 : i32
    %dma_start3A_454 = tpu.memref_slice %arg7[%dma_start3A_447, %dma_start3A_453] : memref<32x32xi32, #tpu.memory_space<vmem>> -> memref<1x32xi32, #tpu.memory_space<vmem>>
    %dma_start3A_455 = tpu.memref_squeeze %dma_start3A_454 : memref<1x32xi32, #tpu.memory_space<vmem>> -> memref<32xi32, #tpu.memory_space<vmem>>
    %dma_start3A_456 = tpu.memref_slice %arg3[%dma_start3A_446, %mul3A_2] : memref<32x1024xi32, #tpu.memory_space<hbm>> -> memref<1x32xi32, #tpu.memory_space<hbm>>
    %dma_start3A_457 = tpu.memref_squeeze %dma_start3A_456 : memref<1x32xi32, #tpu.memory_space<hbm>> -> memref<32xi32, #tpu.memory_space<hbm>>
    tpu.enqueue_dma source(%dma_start3A_457 : memref<32xi32, #tpu.memory_space<hbm>>) target(%dma_start3A_455 : memref<32xi32, #tpu.memory_space<vmem>>) target_semaphore(%arg10 : memref<!tpu.dma_semaphore, #tpu.memory_space<semaphore_mem>>)
    %dma_start3A_458 = arith.constant 19 : i32
    %dma_start3A_459 = arith.constant 19 : i32
    %dma_start3A_460 = arith.constant 0 : i32
    %dma_start3A_461 = tpu.memref_slice %arg6[%dma_start3A_459, %dma_start3A_460] : memref<32x32xf32, #tpu.memory_space<vmem>> -> memref<1x32xf32, #tpu.memory_space<vmem>>
    %dma_start3A_462 = tpu.memref_squeeze %dma_start3A_461 : memref<1x32xf32, #tpu.memory_space<vmem>> -> memref<32xf32, #tpu.memory_space<vmem>>
    %dma_start3A_463 = tpu.memref_slice %arg2[%dma_start3A_458, %mul3A_2] : memref<32x1024xf32, #tpu.memory_space<hbm>> -> memref<1x32xf32, #tpu.memory_space<hbm>>
    %dma_start3A_464 = tpu.memref_squeeze %dma_start3A_463 : memref<1x32xf32, #tpu.memory_space<hbm>> -> memref<32xf32, #tpu.memory_space<hbm>>
    %dma_start3A_465 = arith.constant 0 : i32
    %dma_start3A_466 = tpu.memref_slice %arg6[%dma_start3A_459, %dma_start3A_465] : memref<32x32xf32, #tpu.memory_space<vmem>> -> memref<1x32xf32, #tpu.memory_space<vmem>>
    %dma_start3A_467 = tpu.memref_squeeze %dma_start3A_466 : memref<1x32xf32, #tpu.memory_space<vmem>> -> memref<32xf32, #tpu.memory_space<vmem>>
    %dma_start3A_468 = tpu.memref_slice %arg2[%dma_start3A_458, %mul3A_2] : memref<32x1024xf32, #tpu.memory_space<hbm>> -> memref<1x32xf32, #tpu.memory_space<hbm>>
    %dma_start3A_469 = tpu.memref_squeeze %dma_start3A_468 : memref<1x32xf32, #tpu.memory_space<hbm>> -> memref<32xf32, #tpu.memory_space<hbm>>
    tpu.enqueue_dma source(%dma_start3A_469 : memref<32xf32, #tpu.memory_space<hbm>>) target(%dma_start3A_467 : memref<32xf32, #tpu.memory_space<vmem>>) target_semaphore(%arg10 : memref<!tpu.dma_semaphore, #tpu.memory_space<semaphore_mem>>)
    %dma_start3A_470 = arith.constant 19 : i32
    %dma_start3A_471 = arith.constant 19 : i32
    %dma_start3A_472 = arith.constant 0 : i32
    %dma_start3A_473 = tpu.memref_slice %arg7[%dma_start3A_471, %dma_start3A_472] : memref<32x32xi32, #tpu.memory_space<vmem>> -> memref<1x32xi32, #tpu.memory_space<vmem>>
    %dma_start3A_474 = tpu.memref_squeeze %dma_start3A_473 : memref<1x32xi32, #tpu.memory_space<vmem>> -> memref<32xi32, #tpu.memory_space<vmem>>
    %dma_start3A_475 = tpu.memref_slice %arg3[%dma_start3A_470, %mul3A_2] : memref<32x1024xi32, #tpu.memory_space<hbm>> -> memref<1x32xi32, #tpu.memory_space<hbm>>
    %dma_start3A_476 = tpu.memref_squeeze %dma_start3A_475 : memref<1x32xi32, #tpu.memory_space<hbm>> -> memref<32xi32, #tpu.memory_space<hbm>>
    %dma_start3A_477 = arith.constant 0 : i32
    %dma_start3A_478 = tpu.memref_slice %arg7[%dma_start3A_471, %dma_start3A_477] : memref<32x32xi32, #tpu.memory_space<vmem>> -> memref<1x32xi32, #tpu.memory_space<vmem>>
    %dma_start3A_479 = tpu.memref_squeeze %dma_start3A_478 : memref<1x32xi32, #tpu.memory_space<vmem>> -> memref<32xi32, #tpu.memory_space<vmem>>
    %dma_start3A_480 = tpu.memref_slice %arg3[%dma_start3A_470, %mul3A_2] : memref<32x1024xi32, #tpu.memory_space<hbm>> -> memref<1x32xi32, #tpu.memory_space<hbm>>
    %dma_start3A_481 = tpu.memref_squeeze %dma_start3A_480 : memref<1x32xi32, #tpu.memory_space<hbm>> -> memref<32xi32, #tpu.memory_space<hbm>>
    tpu.enqueue_dma source(%dma_start3A_481 : memref<32xi32, #tpu.memory_space<hbm>>) target(%dma_start3A_479 : memref<32xi32, #tpu.memory_space<vmem>>) target_semaphore(%arg10 : memref<!tpu.dma_semaphore, #tpu.memory_space<semaphore_mem>>)
    %dma_start3A_482 = arith.constant 20 : i32
    %dma_start3A_483 = arith.constant 20 : i32
    %dma_start3A_484 = arith.constant 0 : i32
    %dma_start3A_485 = tpu.memref_slice %arg6[%dma_start3A_483, %dma_start3A_484] : memref<32x32xf32, #tpu.memory_space<vmem>> -> memref<1x32xf32, #tpu.memory_space<vmem>>
    %dma_start3A_486 = tpu.memref_squeeze %dma_start3A_485 : memref<1x32xf32, #tpu.memory_space<vmem>> -> memref<32xf32, #tpu.memory_space<vmem>>
    %dma_start3A_487 = tpu.memref_slice %arg2[%dma_start3A_482, %mul3A_2] : memref<32x1024xf32, #tpu.memory_space<hbm>> -> memref<1x32xf32, #tpu.memory_space<hbm>>
    %dma_start3A_488 = tpu.memref_squeeze %dma_start3A_487 : memref<1x32xf32, #tpu.memory_space<hbm>> -> memref<32xf32, #tpu.memory_space<hbm>>
    %dma_start3A_489 = arith.constant 0 : i32
    %dma_start3A_490 = tpu.memref_slice %arg6[%dma_start3A_483, %dma_start3A_489] : memref<32x32xf32, #tpu.memory_space<vmem>> -> memref<1x32xf32, #tpu.memory_space<vmem>>
    %dma_start3A_491 = tpu.memref_squeeze %dma_start3A_490 : memref<1x32xf32, #tpu.memory_space<vmem>> -> memref<32xf32, #tpu.memory_space<vmem>>
    %dma_start3A_492 = tpu.memref_slice %arg2[%dma_start3A_482, %mul3A_2] : memref<32x1024xf32, #tpu.memory_space<hbm>> -> memref<1x32xf32, #tpu.memory_space<hbm>>
    %dma_start3A_493 = tpu.memref_squeeze %dma_start3A_492 : memref<1x32xf32, #tpu.memory_space<hbm>> -> memref<32xf32, #tpu.memory_space<hbm>>
    tpu.enqueue_dma source(%dma_start3A_493 : memref<32xf32, #tpu.memory_space<hbm>>) target(%dma_start3A_491 : memref<32xf32, #tpu.memory_space<vmem>>) target_semaphore(%arg10 : memref<!tpu.dma_semaphore, #tpu.memory_space<semaphore_mem>>)
    %dma_start3A_494 = arith.constant 20 : i32
    %dma_start3A_495 = arith.constant 20 : i32
    %dma_start3A_496 = arith.constant 0 : i32
    %dma_start3A_497 = tpu.memref_slice %arg7[%dma_start3A_495, %dma_start3A_496] : memref<32x32xi32, #tpu.memory_space<vmem>> -> memref<1x32xi32, #tpu.memory_space<vmem>>
    %dma_start3A_498 = tpu.memref_squeeze %dma_start3A_497 : memref<1x32xi32, #tpu.memory_space<vmem>> -> memref<32xi32, #tpu.memory_space<vmem>>
    %dma_start3A_499 = tpu.memref_slice %arg3[%dma_start3A_494, %mul3A_2] : memref<32x1024xi32, #tpu.memory_space<hbm>> -> memref<1x32xi32, #tpu.memory_space<hbm>>
    %dma_start3A_500 = tpu.memref_squeeze %dma_start3A_499 : memref<1x32xi32, #tpu.memory_space<hbm>> -> memref<32xi32, #tpu.memory_space<hbm>>
    %dma_start3A_501 = arith.constant 0 : i32
    %dma_start3A_502 = tpu.memref_slice %arg7[%dma_start3A_495, %dma_start3A_501] : memref<32x32xi32, #tpu.memory_space<vmem>> -> memref<1x32xi32, #tpu.memory_space<vmem>>
    %dma_start3A_503 = tpu.memref_squeeze %dma_start3A_502 : memref<1x32xi32, #tpu.memory_space<vmem>> -> memref<32xi32, #tpu.memory_space<vmem>>
    %dma_start3A_504 = tpu.memref_slice %arg3[%dma_start3A_494, %mul3A_2] : memref<32x1024xi32, #tpu.memory_space<hbm>> -> memref<1x32xi32, #tpu.memory_space<hbm>>
    %dma_start3A_505 = tpu.memref_squeeze %dma_start3A_504 : memref<1x32xi32, #tpu.memory_space<hbm>> -> memref<32xi32, #tpu.memory_space<hbm>>
    tpu.enqueue_dma source(%dma_start3A_505 : memref<32xi32, #tpu.memory_space<hbm>>) target(%dma_start3A_503 : memref<32xi32, #tpu.memory_space<vmem>>) target_semaphore(%arg10 : memref<!tpu.dma_semaphore, #tpu.memory_space<semaphore_mem>>)
    %dma_start3A_506 = arith.constant 21 : i32
    %dma_start3A_507 = arith.constant 21 : i32
    %dma_start3A_508 = arith.constant 0 : i32
    %dma_start3A_509 = tpu.memref_slice %arg6[%dma_start3A_507, %dma_start3A_508] : memref<32x32xf32, #tpu.memory_space<vmem>> -> memref<1x32xf32, #tpu.memory_space<vmem>>
    %dma_start3A_510 = tpu.memref_squeeze %dma_start3A_509 : memref<1x32xf32, #tpu.memory_space<vmem>> -> memref<32xf32, #tpu.memory_space<vmem>>
    %dma_start3A_511 = tpu.memref_slice %arg2[%dma_start3A_506, %mul3A_2] : memref<32x1024xf32, #tpu.memory_space<hbm>> -> memref<1x32xf32, #tpu.memory_space<hbm>>
    %dma_start3A_512 = tpu.memref_squeeze %dma_start3A_511 : memref<1x32xf32, #tpu.memory_space<hbm>> -> memref<32xf32, #tpu.memory_space<hbm>>
    %dma_start3A_513 = arith.constant 0 : i32
    %dma_start3A_514 = tpu.memref_slice %arg6[%dma_start3A_507, %dma_start3A_513] : memref<32x32xf32, #tpu.memory_space<vmem>> -> memref<1x32xf32, #tpu.memory_space<vmem>>
    %dma_start3A_515 = tpu.memref_squeeze %dma_start3A_514 : memref<1x32xf32, #tpu.memory_space<vmem>> -> memref<32xf32, #tpu.memory_space<vmem>>
    %dma_start3A_516 = tpu.memref_slice %arg2[%dma_start3A_506, %mul3A_2] : memref<32x1024xf32, #tpu.memory_space<hbm>> -> memref<1x32xf32, #tpu.memory_space<hbm>>
    %dma_start3A_517 = tpu.memref_squeeze %dma_start3A_516 : memref<1x32xf32, #tpu.memory_space<hbm>> -> memref<32xf32, #tpu.memory_space<hbm>>
    tpu.enqueue_dma source(%dma_start3A_517 : memref<32xf32, #tpu.memory_space<hbm>>) target(%dma_start3A_515 : memref<32xf32, #tpu.memory_space<vmem>>) target_semaphore(%arg10 : memref<!tpu.dma_semaphore, #tpu.memory_space<semaphore_mem>>)
    %dma_start3A_518 = arith.constant 21 : i32
    %dma_start3A_519 = arith.constant 21 : i32
    %dma_start3A_520 = arith.constant 0 : i32
    %dma_start3A_521 = tpu.memref_slice %arg7[%dma_start3A_519, %dma_start3A_520] : memref<32x32xi32, #tpu.memory_space<vmem>> -> memref<1x32xi32, #tpu.memory_space<vmem>>
    %dma_start3A_522 = tpu.memref_squeeze %dma_start3A_521 : memref<1x32xi32, #tpu.memory_space<vmem>> -> memref<32xi32, #tpu.memory_space<vmem>>
    %dma_start3A_523 = tpu.memref_slice %arg3[%dma_start3A_518, %mul3A_2] : memref<32x1024xi32, #tpu.memory_space<hbm>> -> memref<1x32xi32, #tpu.memory_space<hbm>>
    %dma_start3A_524 = tpu.memref_squeeze %dma_start3A_523 : memref<1x32xi32, #tpu.memory_space<hbm>> -> memref<32xi32, #tpu.memory_space<hbm>>
    %dma_start3A_525 = arith.constant 0 : i32
    %dma_start3A_526 = tpu.memref_slice %arg7[%dma_start3A_519, %dma_start3A_525] : memref<32x32xi32, #tpu.memory_space<vmem>> -> memref<1x32xi32, #tpu.memory_space<vmem>>
    %dma_start3A_527 = tpu.memref_squeeze %dma_start3A_526 : memref<1x32xi32, #tpu.memory_space<vmem>> -> memref<32xi32, #tpu.memory_space<vmem>>
    %dma_start3A_528 = tpu.memref_slice %arg3[%dma_start3A_518, %mul3A_2] : memref<32x1024xi32, #tpu.memory_space<hbm>> -> memref<1x32xi32, #tpu.memory_space<hbm>>
    %dma_start3A_529 = tpu.memref_squeeze %dma_start3A_528 : memref<1x32xi32, #tpu.memory_space<hbm>> -> memref<32xi32, #tpu.memory_space<hbm>>
    tpu.enqueue_dma source(%dma_start3A_529 : memref<32xi32, #tpu.memory_space<hbm>>) target(%dma_start3A_527 : memref<32xi32, #tpu.memory_space<vmem>>) target_semaphore(%arg10 : memref<!tpu.dma_semaphore, #tpu.memory_space<semaphore_mem>>)
    %dma_start3A_530 = arith.constant 22 : i32
    %dma_start3A_531 = arith.constant 22 : i32
    %dma_start3A_532 = arith.constant 0 : i32
    %dma_start3A_533 = tpu.memref_slice %arg6[%dma_start3A_531, %dma_start3A_532] : memref<32x32xf32, #tpu.memory_space<vmem>> -> memref<1x32xf32, #tpu.memory_space<vmem>>
    %dma_start3A_534 = tpu.memref_squeeze %dma_start3A_533 : memref<1x32xf32, #tpu.memory_space<vmem>> -> memref<32xf32, #tpu.memory_space<vmem>>
    %dma_start3A_535 = tpu.memref_slice %arg2[%dma_start3A_530, %mul3A_2] : memref<32x1024xf32, #tpu.memory_space<hbm>> -> memref<1x32xf32, #tpu.memory_space<hbm>>
    %dma_start3A_536 = tpu.memref_squeeze %dma_start3A_535 : memref<1x32xf32, #tpu.memory_space<hbm>> -> memref<32xf32, #tpu.memory_space<hbm>>
    %dma_start3A_537 = arith.constant 0 : i32
    %dma_start3A_538 = tpu.memref_slice %arg6[%dma_start3A_531, %dma_start3A_537] : memref<32x32xf32, #tpu.memory_space<vmem>> -> memref<1x32xf32, #tpu.memory_space<vmem>>
    %dma_start3A_539 = tpu.memref_squeeze %dma_start3A_538 : memref<1x32xf32, #tpu.memory_space<vmem>> -> memref<32xf32, #tpu.memory_space<vmem>>
    %dma_start3A_540 = tpu.memref_slice %arg2[%dma_start3A_530, %mul3A_2] : memref<32x1024xf32, #tpu.memory_space<hbm>> -> memref<1x32xf32, #tpu.memory_space<hbm>>
    %dma_start3A_541 = tpu.memref_squeeze %dma_start3A_540 : memref<1x32xf32, #tpu.memory_space<hbm>> -> memref<32xf32, #tpu.memory_space<hbm>>
    tpu.enqueue_dma source(%dma_start3A_541 : memref<32xf32, #tpu.memory_space<hbm>>) target(%dma_start3A_539 : memref<32xf32, #tpu.memory_space<vmem>>) target_semaphore(%arg10 : memref<!tpu.dma_semaphore, #tpu.memory_space<semaphore_mem>>)
    %dma_start3A_542 = arith.constant 22 : i32
    %dma_start3A_543 = arith.constant 22 : i32
    %dma_start3A_544 = arith.constant 0 : i32
    %dma_start3A_545 = tpu.memref_slice %arg7[%dma_start3A_543, %dma_start3A_544] : memref<32x32xi32, #tpu.memory_space<vmem>> -> memref<1x32xi32, #tpu.memory_space<vmem>>
    %dma_start3A_546 = tpu.memref_squeeze %dma_start3A_545 : memref<1x32xi32, #tpu.memory_space<vmem>> -> memref<32xi32, #tpu.memory_space<vmem>>
    %dma_start3A_547 = tpu.memref_slice %arg3[%dma_start3A_542, %mul3A_2] : memref<32x1024xi32, #tpu.memory_space<hbm>> -> memref<1x32xi32, #tpu.memory_space<hbm>>
    %dma_start3A_548 = tpu.memref_squeeze %dma_start3A_547 : memref<1x32xi32, #tpu.memory_space<hbm>> -> memref<32xi32, #tpu.memory_space<hbm>>
    %dma_start3A_549 = arith.constant 0 : i32
    %dma_start3A_550 = tpu.memref_slice %arg7[%dma_start3A_543, %dma_start3A_549] : memref<32x32xi32, #tpu.memory_space<vmem>> -> memref<1x32xi32, #tpu.memory_space<vmem>>
    %dma_start3A_551 = tpu.memref_squeeze %dma_start3A_550 : memref<1x32xi32, #tpu.memory_space<vmem>> -> memref<32xi32, #tpu.memory_space<vmem>>
    %dma_start3A_552 = tpu.memref_slice %arg3[%dma_start3A_542, %mul3A_2] : memref<32x1024xi32, #tpu.memory_space<hbm>> -> memref<1x32xi32, #tpu.memory_space<hbm>>
    %dma_start3A_553 = tpu.memref_squeeze %dma_start3A_552 : memref<1x32xi32, #tpu.memory_space<hbm>> -> memref<32xi32, #tpu.memory_space<hbm>>
    tpu.enqueue_dma source(%dma_start3A_553 : memref<32xi32, #tpu.memory_space<hbm>>) target(%dma_start3A_551 : memref<32xi32, #tpu.memory_space<vmem>>) target_semaphore(%arg10 : memref<!tpu.dma_semaphore, #tpu.memory_space<semaphore_mem>>)
    %dma_start3A_554 = arith.constant 23 : i32
    %dma_start3A_555 = arith.constant 23 : i32
    %dma_start3A_556 = arith.constant 0 : i32
    %dma_start3A_557 = tpu.memref_slice %arg6[%dma_start3A_555, %dma_start3A_556] : memref<32x32xf32, #tpu.memory_space<vmem>> -> memref<1x32xf32, #tpu.memory_space<vmem>>
    %dma_start3A_558 = tpu.memref_squeeze %dma_start3A_557 : memref<1x32xf32, #tpu.memory_space<vmem>> -> memref<32xf32, #tpu.memory_space<vmem>>
    %dma_start3A_559 = tpu.memref_slice %arg2[%dma_start3A_554, %mul3A_2] : memref<32x1024xf32, #tpu.memory_space<hbm>> -> memref<1x32xf32, #tpu.memory_space<hbm>>
    %dma_start3A_560 = tpu.memref_squeeze %dma_start3A_559 : memref<1x32xf32, #tpu.memory_space<hbm>> -> memref<32xf32, #tpu.memory_space<hbm>>
    %dma_start3A_561 = arith.constant 0 : i32
    %dma_start3A_562 = tpu.memref_slice %arg6[%dma_start3A_555, %dma_start3A_561] : memref<32x32xf32, #tpu.memory_space<vmem>> -> memref<1x32xf32, #tpu.memory_space<vmem>>
    %dma_start3A_563 = tpu.memref_squeeze %dma_start3A_562 : memref<1x32xf32, #tpu.memory_space<vmem>> -> memref<32xf32, #tpu.memory_space<vmem>>
    %dma_start3A_564 = tpu.memref_slice %arg2[%dma_start3A_554, %mul3A_2] : memref<32x1024xf32, #tpu.memory_space<hbm>> -> memref<1x32xf32, #tpu.memory_space<hbm>>
    %dma_start3A_565 = tpu.memref_squeeze %dma_start3A_564 : memref<1x32xf32, #tpu.memory_space<hbm>> -> memref<32xf32, #tpu.memory_space<hbm>>
    tpu.enqueue_dma source(%dma_start3A_565 : memref<32xf32, #tpu.memory_space<hbm>>) target(%dma_start3A_563 : memref<32xf32, #tpu.memory_space<vmem>>) target_semaphore(%arg10 : memref<!tpu.dma_semaphore, #tpu.memory_space<semaphore_mem>>)
    %dma_start3A_566 = arith.constant 23 : i32
    %dma_start3A_567 = arith.constant 23 : i32
    %dma_start3A_568 = arith.constant 0 : i32
    %dma_start3A_569 = tpu.memref_slice %arg7[%dma_start3A_567, %dma_start3A_568] : memref<32x32xi32, #tpu.memory_space<vmem>> -> memref<1x32xi32, #tpu.memory_space<vmem>>
    %dma_start3A_570 = tpu.memref_squeeze %dma_start3A_569 : memref<1x32xi32, #tpu.memory_space<vmem>> -> memref<32xi32, #tpu.memory_space<vmem>>
    %dma_start3A_571 = tpu.memref_slice %arg3[%dma_start3A_566, %mul3A_2] : memref<32x1024xi32, #tpu.memory_space<hbm>> -> memref<1x32xi32, #tpu.memory_space<hbm>>
    %dma_start3A_572 = tpu.memref_squeeze %dma_start3A_571 : memref<1x32xi32, #tpu.memory_space<hbm>> -> memref<32xi32, #tpu.memory_space<hbm>>
    %dma_start3A_573 = arith.constant 0 : i32
    %dma_start3A_574 = tpu.memref_slice %arg7[%dma_start3A_567, %dma_start3A_573] : memref<32x32xi32, #tpu.memory_space<vmem>> -> memref<1x32xi32, #tpu.memory_space<vmem>>
    %dma_start3A_575 = tpu.memref_squeeze %dma_start3A_574 : memref<1x32xi32, #tpu.memory_space<vmem>> -> memref<32xi32, #tpu.memory_space<vmem>>
    %dma_start3A_576 = tpu.memref_slice %arg3[%dma_start3A_566, %mul3A_2] : memref<32x1024xi32, #tpu.memory_space<hbm>> -> memref<1x32xi32, #tpu.memory_space<hbm>>
    %dma_start3A_577 = tpu.memref_squeeze %dma_start3A_576 : memref<1x32xi32, #tpu.memory_space<hbm>> -> memref<32xi32, #tpu.memory_space<hbm>>
    tpu.enqueue_dma source(%dma_start3A_577 : memref<32xi32, #tpu.memory_space<hbm>>) target(%dma_start3A_575 : memref<32xi32, #tpu.memory_space<vmem>>) target_semaphore(%arg10 : memref<!tpu.dma_semaphore, #tpu.memory_space<semaphore_mem>>)
    %dma_start3A_578 = arith.constant 24 : i32
    %dma_start3A_579 = arith.constant 24 : i32
    %dma_start3A_580 = arith.constant 0 : i32
    %dma_start3A_581 = tpu.memref_slice %arg6[%dma_start3A_579, %dma_start3A_580] : memref<32x32xf32, #tpu.memory_space<vmem>> -> memref<1x32xf32, #tpu.memory_space<vmem>>
    %dma_start3A_582 = tpu.memref_squeeze %dma_start3A_581 : memref<1x32xf32, #tpu.memory_space<vmem>> -> memref<32xf32, #tpu.memory_space<vmem>>
    %dma_start3A_583 = tpu.memref_slice %arg2[%dma_start3A_578, %mul3A_2] : memref<32x1024xf32, #tpu.memory_space<hbm>> -> memref<1x32xf32, #tpu.memory_space<hbm>>
    %dma_start3A_584 = tpu.memref_squeeze %dma_start3A_583 : memref<1x32xf32, #tpu.memory_space<hbm>> -> memref<32xf32, #tpu.memory_space<hbm>>
    %dma_start3A_585 = arith.constant 0 : i32
    %dma_start3A_586 = tpu.memref_slice %arg6[%dma_start3A_579, %dma_start3A_585] : memref<32x32xf32, #tpu.memory_space<vmem>> -> memref<1x32xf32, #tpu.memory_space<vmem>>
    %dma_start3A_587 = tpu.memref_squeeze %dma_start3A_586 : memref<1x32xf32, #tpu.memory_space<vmem>> -> memref<32xf32, #tpu.memory_space<vmem>>
    %dma_start3A_588 = tpu.memref_slice %arg2[%dma_start3A_578, %mul3A_2] : memref<32x1024xf32, #tpu.memory_space<hbm>> -> memref<1x32xf32, #tpu.memory_space<hbm>>
    %dma_start3A_589 = tpu.memref_squeeze %dma_start3A_588 : memref<1x32xf32, #tpu.memory_space<hbm>> -> memref<32xf32, #tpu.memory_space<hbm>>
    tpu.enqueue_dma source(%dma_start3A_589 : memref<32xf32, #tpu.memory_space<hbm>>) target(%dma_start3A_587 : memref<32xf32, #tpu.memory_space<vmem>>) target_semaphore(%arg10 : memref<!tpu.dma_semaphore, #tpu.memory_space<semaphore_mem>>)
    %dma_start3A_590 = arith.constant 24 : i32
    %dma_start3A_591 = arith.constant 24 : i32
    %dma_start3A_592 = arith.constant 0 : i32
    %dma_start3A_593 = tpu.memref_slice %arg7[%dma_start3A_591, %dma_start3A_592] : memref<32x32xi32, #tpu.memory_space<vmem>> -> memref<1x32xi32, #tpu.memory_space<vmem>>
    %dma_start3A_594 = tpu.memref_squeeze %dma_start3A_593 : memref<1x32xi32, #tpu.memory_space<vmem>> -> memref<32xi32, #tpu.memory_space<vmem>>
    %dma_start3A_595 = tpu.memref_slice %arg3[%dma_start3A_590, %mul3A_2] : memref<32x1024xi32, #tpu.memory_space<hbm>> -> memref<1x32xi32, #tpu.memory_space<hbm>>
    %dma_start3A_596 = tpu.memref_squeeze %dma_start3A_595 : memref<1x32xi32, #tpu.memory_space<hbm>> -> memref<32xi32, #tpu.memory_space<hbm>>
    %dma_start3A_597 = arith.constant 0 : i32
    %dma_start3A_598 = tpu.memref_slice %arg7[%dma_start3A_591, %dma_start3A_597] : memref<32x32xi32, #tpu.memory_space<vmem>> -> memref<1x32xi32, #tpu.memory_space<vmem>>
    %dma_start3A_599 = tpu.memref_squeeze %dma_start3A_598 : memref<1x32xi32, #tpu.memory_space<vmem>> -> memref<32xi32, #tpu.memory_space<vmem>>
    %dma_start3A_600 = tpu.memref_slice %arg3[%dma_start3A_590, %mul3A_2] : memref<32x1024xi32, #tpu.memory_space<hbm>> -> memref<1x32xi32, #tpu.memory_space<hbm>>
    %dma_start3A_601 = tpu.memref_squeeze %dma_start3A_600 : memref<1x32xi32, #tpu.memory_space<hbm>> -> memref<32xi32, #tpu.memory_space<hbm>>
    tpu.enqueue_dma source(%dma_start3A_601 : memref<32xi32, #tpu.memory_space<hbm>>) target(%dma_start3A_599 : memref<32xi32, #tpu.memory_space<vmem>>) target_semaphore(%arg10 : memref<!tpu.dma_semaphore, #tpu.memory_space<semaphore_mem>>)
    %dma_start3A_602 = arith.constant 25 : i32
    %dma_start3A_603 = arith.constant 25 : i32
    %dma_start3A_604 = arith.constant 0 : i32
    %dma_start3A_605 = tpu.memref_slice %arg6[%dma_start3A_603, %dma_start3A_604] : memref<32x32xf32, #tpu.memory_space<vmem>> -> memref<1x32xf32, #tpu.memory_space<vmem>>
    %dma_start3A_606 = tpu.memref_squeeze %dma_start3A_605 : memref<1x32xf32, #tpu.memory_space<vmem>> -> memref<32xf32, #tpu.memory_space<vmem>>
    %dma_start3A_607 = tpu.memref_slice %arg2[%dma_start3A_602, %mul3A_2] : memref<32x1024xf32, #tpu.memory_space<hbm>> -> memref<1x32xf32, #tpu.memory_space<hbm>>
    %dma_start3A_608 = tpu.memref_squeeze %dma_start3A_607 : memref<1x32xf32, #tpu.memory_space<hbm>> -> memref<32xf32, #tpu.memory_space<hbm>>
    %dma_start3A_609 = arith.constant 0 : i32
    %dma_start3A_610 = tpu.memref_slice %arg6[%dma_start3A_603, %dma_start3A_609] : memref<32x32xf32, #tpu.memory_space<vmem>> -> memref<1x32xf32, #tpu.memory_space<vmem>>
    %dma_start3A_611 = tpu.memref_squeeze %dma_start3A_610 : memref<1x32xf32, #tpu.memory_space<vmem>> -> memref<32xf32, #tpu.memory_space<vmem>>
    %dma_start3A_612 = tpu.memref_slice %arg2[%dma_start3A_602, %mul3A_2] : memref<32x1024xf32, #tpu.memory_space<hbm>> -> memref<1x32xf32, #tpu.memory_space<hbm>>
    %dma_start3A_613 = tpu.memref_squeeze %dma_start3A_612 : memref<1x32xf32, #tpu.memory_space<hbm>> -> memref<32xf32, #tpu.memory_space<hbm>>
    tpu.enqueue_dma source(%dma_start3A_613 : memref<32xf32, #tpu.memory_space<hbm>>) target(%dma_start3A_611 : memref<32xf32, #tpu.memory_space<vmem>>) target_semaphore(%arg10 : memref<!tpu.dma_semaphore, #tpu.memory_space<semaphore_mem>>)
    %dma_start3A_614 = arith.constant 25 : i32
    %dma_start3A_615 = arith.constant 25 : i32
    %dma_start3A_616 = arith.constant 0 : i32
    %dma_start3A_617 = tpu.memref_slice %arg7[%dma_start3A_615, %dma_start3A_616] : memref<32x32xi32, #tpu.memory_space<vmem>> -> memref<1x32xi32, #tpu.memory_space<vmem>>
    %dma_start3A_618 = tpu.memref_squeeze %dma_start3A_617 : memref<1x32xi32, #tpu.memory_space<vmem>> -> memref<32xi32, #tpu.memory_space<vmem>>
    %dma_start3A_619 = tpu.memref_slice %arg3[%dma_start3A_614, %mul3A_2] : memref<32x1024xi32, #tpu.memory_space<hbm>> -> memref<1x32xi32, #tpu.memory_space<hbm>>
    %dma_start3A_620 = tpu.memref_squeeze %dma_start3A_619 : memref<1x32xi32, #tpu.memory_space<hbm>> -> memref<32xi32, #tpu.memory_space<hbm>>
    %dma_start3A_621 = arith.constant 0 : i32
    %dma_start3A_622 = tpu.memref_slice %arg7[%dma_start3A_615, %dma_start3A_621] : memref<32x32xi32, #tpu.memory_space<vmem>> -> memref<1x32xi32, #tpu.memory_space<vmem>>
    %dma_start3A_623 = tpu.memref_squeeze %dma_start3A_622 : memref<1x32xi32, #tpu.memory_space<vmem>> -> memref<32xi32, #tpu.memory_space<vmem>>
    %dma_start3A_624 = tpu.memref_slice %arg3[%dma_start3A_614, %mul3A_2] : memref<32x1024xi32, #tpu.memory_space<hbm>> -> memref<1x32xi32, #tpu.memory_space<hbm>>
    %dma_start3A_625 = tpu.memref_squeeze %dma_start3A_624 : memref<1x32xi32, #tpu.memory_space<hbm>> -> memref<32xi32, #tpu.memory_space<hbm>>
    tpu.enqueue_dma source(%dma_start3A_625 : memref<32xi32, #tpu.memory_space<hbm>>) target(%dma_start3A_623 : memref<32xi32, #tpu.memory_space<vmem>>) target_semaphore(%arg10 : memref<!tpu.dma_semaphore, #tpu.memory_space<semaphore_mem>>)
    %dma_start3A_626 = arith.constant 26 : i32
    %dma_start3A_627 = arith.constant 26 : i32
    %dma_start3A_628 = arith.constant 0 : i32
    %dma_start3A_629 = tpu.memref_slice %arg6[%dma_start3A_627, %dma_start3A_628] : memref<32x32xf32, #tpu.memory_space<vmem>> -> memref<1x32xf32, #tpu.memory_space<vmem>>
    %dma_start3A_630 = tpu.memref_squeeze %dma_start3A_629 : memref<1x32xf32, #tpu.memory_space<vmem>> -> memref<32xf32, #tpu.memory_space<vmem>>
    %dma_start3A_631 = tpu.memref_slice %arg2[%dma_start3A_626, %mul3A_2] : memref<32x1024xf32, #tpu.memory_space<hbm>> -> memref<1x32xf32, #tpu.memory_space<hbm>>
    %dma_start3A_632 = tpu.memref_squeeze %dma_start3A_631 : memref<1x32xf32, #tpu.memory_space<hbm>> -> memref<32xf32, #tpu.memory_space<hbm>>
    %dma_start3A_633 = arith.constant 0 : i32
    %dma_start3A_634 = tpu.memref_slice %arg6[%dma_start3A_627, %dma_start3A_633] : memref<32x32xf32, #tpu.memory_space<vmem>> -> memref<1x32xf32, #tpu.memory_space<vmem>>
    %dma_start3A_635 = tpu.memref_squeeze %dma_start3A_634 : memref<1x32xf32, #tpu.memory_space<vmem>> -> memref<32xf32, #tpu.memory_space<vmem>>
    %dma_start3A_636 = tpu.memref_slice %arg2[%dma_start3A_626, %mul3A_2] : memref<32x1024xf32, #tpu.memory_space<hbm>> -> memref<1x32xf32, #tpu.memory_space<hbm>>
    %dma_start3A_637 = tpu.memref_squeeze %dma_start3A_636 : memref<1x32xf32, #tpu.memory_space<hbm>> -> memref<32xf32, #tpu.memory_space<hbm>>
    tpu.enqueue_dma source(%dma_start3A_637 : memref<32xf32, #tpu.memory_space<hbm>>) target(%dma_start3A_635 : memref<32xf32, #tpu.memory_space<vmem>>) target_semaphore(%arg10 : memref<!tpu.dma_semaphore, #tpu.memory_space<semaphore_mem>>)
    %dma_start3A_638 = arith.constant 26 : i32
    %dma_start3A_639 = arith.constant 26 : i32
    %dma_start3A_640 = arith.constant 0 : i32
    %dma_start3A_641 = tpu.memref_slice %arg7[%dma_start3A_639, %dma_start3A_640] : memref<32x32xi32, #tpu.memory_space<vmem>> -> memref<1x32xi32, #tpu.memory_space<vmem>>
    %dma_start3A_642 = tpu.memref_squeeze %dma_start3A_641 : memref<1x32xi32, #tpu.memory_space<vmem>> -> memref<32xi32, #tpu.memory_space<vmem>>
    %dma_start3A_643 = tpu.memref_slice %arg3[%dma_start3A_638, %mul3A_2] : memref<32x1024xi32, #tpu.memory_space<hbm>> -> memref<1x32xi32, #tpu.memory_space<hbm>>
    %dma_start3A_644 = tpu.memref_squeeze %dma_start3A_643 : memref<1x32xi32, #tpu.memory_space<hbm>> -> memref<32xi32, #tpu.memory_space<hbm>>
    %dma_start3A_645 = arith.constant 0 : i32
    %dma_start3A_646 = tpu.memref_slice %arg7[%dma_start3A_639, %dma_start3A_645] : memref<32x32xi32, #tpu.memory_space<vmem>> -> memref<1x32xi32, #tpu.memory_space<vmem>>
    %dma_start3A_647 = tpu.memref_squeeze %dma_start3A_646 : memref<1x32xi32, #tpu.memory_space<vmem>> -> memref<32xi32, #tpu.memory_space<vmem>>
    %dma_start3A_648 = tpu.memref_slice %arg3[%dma_start3A_638, %mul3A_2] : memref<32x1024xi32, #tpu.memory_space<hbm>> -> memref<1x32xi32, #tpu.memory_space<hbm>>
    %dma_start3A_649 = tpu.memref_squeeze %dma_start3A_648 : memref<1x32xi32, #tpu.memory_space<hbm>> -> memref<32xi32, #tpu.memory_space<hbm>>
    tpu.enqueue_dma source(%dma_start3A_649 : memref<32xi32, #tpu.memory_space<hbm>>) target(%dma_start3A_647 : memref<32xi32, #tpu.memory_space<vmem>>) target_semaphore(%arg10 : memref<!tpu.dma_semaphore, #tpu.memory_space<semaphore_mem>>)
    %dma_start3A_650 = arith.constant 27 : i32
    %dma_start3A_651 = arith.constant 27 : i32
    %dma_start3A_652 = arith.constant 0 : i32
    %dma_start3A_653 = tpu.memref_slice %arg6[%dma_start3A_651, %dma_start3A_652] : memref<32x32xf32, #tpu.memory_space<vmem>> -> memref<1x32xf32, #tpu.memory_space<vmem>>
    %dma_start3A_654 = tpu.memref_squeeze %dma_start3A_653 : memref<1x32xf32, #tpu.memory_space<vmem>> -> memref<32xf32, #tpu.memory_space<vmem>>
    %dma_start3A_655 = tpu.memref_slice %arg2[%dma_start3A_650, %mul3A_2] : memref<32x1024xf32, #tpu.memory_space<hbm>> -> memref<1x32xf32, #tpu.memory_space<hbm>>
    %dma_start3A_656 = tpu.memref_squeeze %dma_start3A_655 : memref<1x32xf32, #tpu.memory_space<hbm>> -> memref<32xf32, #tpu.memory_space<hbm>>
    %dma_start3A_657 = arith.constant 0 : i32
    %dma_start3A_658 = tpu.memref_slice %arg6[%dma_start3A_651, %dma_start3A_657] : memref<32x32xf32, #tpu.memory_space<vmem>> -> memref<1x32xf32, #tpu.memory_space<vmem>>
    %dma_start3A_659 = tpu.memref_squeeze %dma_start3A_658 : memref<1x32xf32, #tpu.memory_space<vmem>> -> memref<32xf32, #tpu.memory_space<vmem>>
    %dma_start3A_660 = tpu.memref_slice %arg2[%dma_start3A_650, %mul3A_2] : memref<32x1024xf32, #tpu.memory_space<hbm>> -> memref<1x32xf32, #tpu.memory_space<hbm>>
    %dma_start3A_661 = tpu.memref_squeeze %dma_start3A_660 : memref<1x32xf32, #tpu.memory_space<hbm>> -> memref<32xf32, #tpu.memory_space<hbm>>
    tpu.enqueue_dma source(%dma_start3A_661 : memref<32xf32, #tpu.memory_space<hbm>>) target(%dma_start3A_659 : memref<32xf32, #tpu.memory_space<vmem>>) target_semaphore(%arg10 : memref<!tpu.dma_semaphore, #tpu.memory_space<semaphore_mem>>)
    %dma_start3A_662 = arith.constant 27 : i32
    %dma_start3A_663 = arith.constant 27 : i32
    %dma_start3A_664 = arith.constant 0 : i32
    %dma_start3A_665 = tpu.memref_slice %arg7[%dma_start3A_663, %dma_start3A_664] : memref<32x32xi32, #tpu.memory_space<vmem>> -> memref<1x32xi32, #tpu.memory_space<vmem>>
    %dma_start3A_666 = tpu.memref_squeeze %dma_start3A_665 : memref<1x32xi32, #tpu.memory_space<vmem>> -> memref<32xi32, #tpu.memory_space<vmem>>
    %dma_start3A_667 = tpu.memref_slice %arg3[%dma_start3A_662, %mul3A_2] : memref<32x1024xi32, #tpu.memory_space<hbm>> -> memref<1x32xi32, #tpu.memory_space<hbm>>
    %dma_start3A_668 = tpu.memref_squeeze %dma_start3A_667 : memref<1x32xi32, #tpu.memory_space<hbm>> -> memref<32xi32, #tpu.memory_space<hbm>>
    %dma_start3A_669 = arith.constant 0 : i32
    %dma_start3A_670 = tpu.memref_slice %arg7[%dma_start3A_663, %dma_start3A_669] : memref<32x32xi32, #tpu.memory_space<vmem>> -> memref<1x32xi32, #tpu.memory_space<vmem>>
    %dma_start3A_671 = tpu.memref_squeeze %dma_start3A_670 : memref<1x32xi32, #tpu.memory_space<vmem>> -> memref<32xi32, #tpu.memory_space<vmem>>
    %dma_start3A_672 = tpu.memref_slice %arg3[%dma_start3A_662, %mul3A_2] : memref<32x1024xi32, #tpu.memory_space<hbm>> -> memref<1x32xi32, #tpu.memory_space<hbm>>
    %dma_start3A_673 = tpu.memref_squeeze %dma_start3A_672 : memref<1x32xi32, #tpu.memory_space<hbm>> -> memref<32xi32, #tpu.memory_space<hbm>>
    tpu.enqueue_dma source(%dma_start3A_673 : memref<32xi32, #tpu.memory_space<hbm>>) target(%dma_start3A_671 : memref<32xi32, #tpu.memory_space<vmem>>) target_semaphore(%arg10 : memref<!tpu.dma_semaphore, #tpu.memory_space<semaphore_mem>>)
    %dma_start3A_674 = arith.constant 28 : i32
    %dma_start3A_675 = arith.constant 28 : i32
    %dma_start3A_676 = arith.constant 0 : i32
    %dma_start3A_677 = tpu.memref_slice %arg6[%dma_start3A_675, %dma_start3A_676] : memref<32x32xf32, #tpu.memory_space<vmem>> -> memref<1x32xf32, #tpu.memory_space<vmem>>
    %dma_start3A_678 = tpu.memref_squeeze %dma_start3A_677 : memref<1x32xf32, #tpu.memory_space<vmem>> -> memref<32xf32, #tpu.memory_space<vmem>>
    %dma_start3A_679 = tpu.memref_slice %arg2[%dma_start3A_674, %mul3A_2] : memref<32x1024xf32, #tpu.memory_space<hbm>> -> memref<1x32xf32, #tpu.memory_space<hbm>>
    %dma_start3A_680 = tpu.memref_squeeze %dma_start3A_679 : memref<1x32xf32, #tpu.memory_space<hbm>> -> memref<32xf32, #tpu.memory_space<hbm>>
    %dma_start3A_681 = arith.constant 0 : i32
    %dma_start3A_682 = tpu.memref_slice %arg6[%dma_start3A_675, %dma_start3A_681] : memref<32x32xf32, #tpu.memory_space<vmem>> -> memref<1x32xf32, #tpu.memory_space<vmem>>
    %dma_start3A_683 = tpu.memref_squeeze %dma_start3A_682 : memref<1x32xf32, #tpu.memory_space<vmem>> -> memref<32xf32, #tpu.memory_space<vmem>>
    %dma_start3A_684 = tpu.memref_slice %arg2[%dma_start3A_674, %mul3A_2] : memref<32x1024xf32, #tpu.memory_space<hbm>> -> memref<1x32xf32, #tpu.memory_space<hbm>>
    %dma_start3A_685 = tpu.memref_squeeze %dma_start3A_684 : memref<1x32xf32, #tpu.memory_space<hbm>> -> memref<32xf32, #tpu.memory_space<hbm>>
    tpu.enqueue_dma source(%dma_start3A_685 : memref<32xf32, #tpu.memory_space<hbm>>) target(%dma_start3A_683 : memref<32xf32, #tpu.memory_space<vmem>>) target_semaphore(%arg10 : memref<!tpu.dma_semaphore, #tpu.memory_space<semaphore_mem>>)
    %dma_start3A_686 = arith.constant 28 : i32
    %dma_start3A_687 = arith.constant 28 : i32
    %dma_start3A_688 = arith.constant 0 : i32
    %dma_start3A_689 = tpu.memref_slice %arg7[%dma_start3A_687, %dma_start3A_688] : memref<32x32xi32, #tpu.memory_space<vmem>> -> memref<1x32xi32, #tpu.memory_space<vmem>>
    %dma_start3A_690 = tpu.memref_squeeze %dma_start3A_689 : memref<1x32xi32, #tpu.memory_space<vmem>> -> memref<32xi32, #tpu.memory_space<vmem>>
    %dma_start3A_691 = tpu.memref_slice %arg3[%dma_start3A_686, %mul3A_2] : memref<32x1024xi32, #tpu.memory_space<hbm>> -> memref<1x32xi32, #tpu.memory_space<hbm>>
    %dma_start3A_692 = tpu.memref_squeeze %dma_start3A_691 : memref<1x32xi32, #tpu.memory_space<hbm>> -> memref<32xi32, #tpu.memory_space<hbm>>
    %dma_start3A_693 = arith.constant 0 : i32
    %dma_start3A_694 = tpu.memref_slice %arg7[%dma_start3A_687, %dma_start3A_693] : memref<32x32xi32, #tpu.memory_space<vmem>> -> memref<1x32xi32, #tpu.memory_space<vmem>>
    %dma_start3A_695 = tpu.memref_squeeze %dma_start3A_694 : memref<1x32xi32, #tpu.memory_space<vmem>> -> memref<32xi32, #tpu.memory_space<vmem>>
    %dma_start3A_696 = tpu.memref_slice %arg3[%dma_start3A_686, %mul3A_2] : memref<32x1024xi32, #tpu.memory_space<hbm>> -> memref<1x32xi32, #tpu.memory_space<hbm>>
    %dma_start3A_697 = tpu.memref_squeeze %dma_start3A_696 : memref<1x32xi32, #tpu.memory_space<hbm>> -> memref<32xi32, #tpu.memory_space<hbm>>
    tpu.enqueue_dma source(%dma_start3A_697 : memref<32xi32, #tpu.memory_space<hbm>>) target(%dma_start3A_695 : memref<32xi32, #tpu.memory_space<vmem>>) target_semaphore(%arg10 : memref<!tpu.dma_semaphore, #tpu.memory_space<semaphore_mem>>)
    %dma_start3A_698 = arith.constant 29 : i32
    %dma_start3A_699 = arith.constant 29 : i32
    %dma_start3A_700 = arith.constant 0 : i32
    %dma_start3A_701 = tpu.memref_slice %arg6[%dma_start3A_699, %dma_start3A_700] : memref<32x32xf32, #tpu.memory_space<vmem>> -> memref<1x32xf32, #tpu.memory_space<vmem>>
    %dma_start3A_702 = tpu.memref_squeeze %dma_start3A_701 : memref<1x32xf32, #tpu.memory_space<vmem>> -> memref<32xf32, #tpu.memory_space<vmem>>
    %dma_start3A_703 = tpu.memref_slice %arg2[%dma_start3A_698, %mul3A_2] : memref<32x1024xf32, #tpu.memory_space<hbm>> -> memref<1x32xf32, #tpu.memory_space<hbm>>
    %dma_start3A_704 = tpu.memref_squeeze %dma_start3A_703 : memref<1x32xf32, #tpu.memory_space<hbm>> -> memref<32xf32, #tpu.memory_space<hbm>>
    %dma_start3A_705 = arith.constant 0 : i32
    %dma_start3A_706 = tpu.memref_slice %arg6[%dma_start3A_699, %dma_start3A_705] : memref<32x32xf32, #tpu.memory_space<vmem>> -> memref<1x32xf32, #tpu.memory_space<vmem>>
    %dma_start3A_707 = tpu.memref_squeeze %dma_start3A_706 : memref<1x32xf32, #tpu.memory_space<vmem>> -> memref<32xf32, #tpu.memory_space<vmem>>
    %dma_start3A_708 = tpu.memref_slice %arg2[%dma_start3A_698, %mul3A_2] : memref<32x1024xf32, #tpu.memory_space<hbm>> -> memref<1x32xf32, #tpu.memory_space<hbm>>
    %dma_start3A_709 = tpu.memref_squeeze %dma_start3A_708 : memref<1x32xf32, #tpu.memory_space<hbm>> -> memref<32xf32, #tpu.memory_space<hbm>>
    tpu.enqueue_dma source(%dma_start3A_709 : memref<32xf32, #tpu.memory_space<hbm>>) target(%dma_start3A_707 : memref<32xf32, #tpu.memory_space<vmem>>) target_semaphore(%arg10 : memref<!tpu.dma_semaphore, #tpu.memory_space<semaphore_mem>>)
    %dma_start3A_710 = arith.constant 29 : i32
    %dma_start3A_711 = arith.constant 29 : i32
    %dma_start3A_712 = arith.constant 0 : i32
    %dma_start3A_713 = tpu.memref_slice %arg7[%dma_start3A_711, %dma_start3A_712] : memref<32x32xi32, #tpu.memory_space<vmem>> -> memref<1x32xi32, #tpu.memory_space<vmem>>
    %dma_start3A_714 = tpu.memref_squeeze %dma_start3A_713 : memref<1x32xi32, #tpu.memory_space<vmem>> -> memref<32xi32, #tpu.memory_space<vmem>>
    %dma_start3A_715 = tpu.memref_slice %arg3[%dma_start3A_710, %mul3A_2] : memref<32x1024xi32, #tpu.memory_space<hbm>> -> memref<1x32xi32, #tpu.memory_space<hbm>>
    %dma_start3A_716 = tpu.memref_squeeze %dma_start3A_715 : memref<1x32xi32, #tpu.memory_space<hbm>> -> memref<32xi32, #tpu.memory_space<hbm>>
    %dma_start3A_717 = arith.constant 0 : i32
    %dma_start3A_718 = tpu.memref_slice %arg7[%dma_start3A_711, %dma_start3A_717] : memref<32x32xi32, #tpu.memory_space<vmem>> -> memref<1x32xi32, #tpu.memory_space<vmem>>
    %dma_start3A_719 = tpu.memref_squeeze %dma_start3A_718 : memref<1x32xi32, #tpu.memory_space<vmem>> -> memref<32xi32, #tpu.memory_space<vmem>>
    %dma_start3A_720 = tpu.memref_slice %arg3[%dma_start3A_710, %mul3A_2] : memref<32x1024xi32, #tpu.memory_space<hbm>> -> memref<1x32xi32, #tpu.memory_space<hbm>>
    %dma_start3A_721 = tpu.memref_squeeze %dma_start3A_720 : memref<1x32xi32, #tpu.memory_space<hbm>> -> memref<32xi32, #tpu.memory_space<hbm>>
    tpu.enqueue_dma source(%dma_start3A_721 : memref<32xi32, #tpu.memory_space<hbm>>) target(%dma_start3A_719 : memref<32xi32, #tpu.memory_space<vmem>>) target_semaphore(%arg10 : memref<!tpu.dma_semaphore, #tpu.memory_space<semaphore_mem>>)
    %dma_start3A_722 = arith.constant 30 : i32
    %dma_start3A_723 = arith.constant 30 : i32
    %dma_start3A_724 = arith.constant 0 : i32
    %dma_start3A_725 = tpu.memref_slice %arg6[%dma_start3A_723, %dma_start3A_724] : memref<32x32xf32, #tpu.memory_space<vmem>> -> memref<1x32xf32, #tpu.memory_space<vmem>>
    %dma_start3A_726 = tpu.memref_squeeze %dma_start3A_725 : memref<1x32xf32, #tpu.memory_space<vmem>> -> memref<32xf32, #tpu.memory_space<vmem>>
    %dma_start3A_727 = tpu.memref_slice %arg2[%dma_start3A_722, %mul3A_2] : memref<32x1024xf32, #tpu.memory_space<hbm>> -> memref<1x32xf32, #tpu.memory_space<hbm>>
    %dma_start3A_728 = tpu.memref_squeeze %dma_start3A_727 : memref<1x32xf32, #tpu.memory_space<hbm>> -> memref<32xf32, #tpu.memory_space<hbm>>
    %dma_start3A_729 = arith.constant 0 : i32
    %dma_start3A_730 = tpu.memref_slice %arg6[%dma_start3A_723, %dma_start3A_729] : memref<32x32xf32, #tpu.memory_space<vmem>> -> memref<1x32xf32, #tpu.memory_space<vmem>>
    %dma_start3A_731 = tpu.memref_squeeze %dma_start3A_730 : memref<1x32xf32, #tpu.memory_space<vmem>> -> memref<32xf32, #tpu.memory_space<vmem>>
    %dma_start3A_732 = tpu.memref_slice %arg2[%dma_start3A_722, %mul3A_2] : memref<32x1024xf32, #tpu.memory_space<hbm>> -> memref<1x32xf32, #tpu.memory_space<hbm>>
    %dma_start3A_733 = tpu.memref_squeeze %dma_start3A_732 : memref<1x32xf32, #tpu.memory_space<hbm>> -> memref<32xf32, #tpu.memory_space<hbm>>
    tpu.enqueue_dma source(%dma_start3A_733 : memref<32xf32, #tpu.memory_space<hbm>>) target(%dma_start3A_731 : memref<32xf32, #tpu.memory_space<vmem>>) target_semaphore(%arg10 : memref<!tpu.dma_semaphore, #tpu.memory_space<semaphore_mem>>)
    %dma_start3A_734 = arith.constant 30 : i32
    %dma_start3A_735 = arith.constant 30 : i32
    %dma_start3A_736 = arith.constant 0 : i32
    %dma_start3A_737 = tpu.memref_slice %arg7[%dma_start3A_735, %dma_start3A_736] : memref<32x32xi32, #tpu.memory_space<vmem>> -> memref<1x32xi32, #tpu.memory_space<vmem>>
    %dma_start3A_738 = tpu.memref_squeeze %dma_start3A_737 : memref<1x32xi32, #tpu.memory_space<vmem>> -> memref<32xi32, #tpu.memory_space<vmem>>
    %dma_start3A_739 = tpu.memref_slice %arg3[%dma_start3A_734, %mul3A_2] : memref<32x1024xi32, #tpu.memory_space<hbm>> -> memref<1x32xi32, #tpu.memory_space<hbm>>
    %dma_start3A_740 = tpu.memref_squeeze %dma_start3A_739 : memref<1x32xi32, #tpu.memory_space<hbm>> -> memref<32xi32, #tpu.memory_space<hbm>>
    %dma_start3A_741 = arith.constant 0 : i32
    %dma_start3A_742 = tpu.memref_slice %arg7[%dma_start3A_735, %dma_start3A_741] : memref<32x32xi32, #tpu.memory_space<vmem>> -> memref<1x32xi32, #tpu.memory_space<vmem>>
    %dma_start3A_743 = tpu.memref_squeeze %dma_start3A_742 : memref<1x32xi32, #tpu.memory_space<vmem>> -> memref<32xi32, #tpu.memory_space<vmem>>
    %dma_start3A_744 = tpu.memref_slice %arg3[%dma_start3A_734, %mul3A_2] : memref<32x1024xi32, #tpu.memory_space<hbm>> -> memref<1x32xi32, #tpu.memory_space<hbm>>
    %dma_start3A_745 = tpu.memref_squeeze %dma_start3A_744 : memref<1x32xi32, #tpu.memory_space<hbm>> -> memref<32xi32, #tpu.memory_space<hbm>>
    tpu.enqueue_dma source(%dma_start3A_745 : memref<32xi32, #tpu.memory_space<hbm>>) target(%dma_start3A_743 : memref<32xi32, #tpu.memory_space<vmem>>) target_semaphore(%arg10 : memref<!tpu.dma_semaphore, #tpu.memory_space<semaphore_mem>>)
    %dma_start3A_746 = arith.constant 31 : i32
    %dma_start3A_747 = arith.constant 31 : i32
    %dma_start3A_748 = arith.constant 0 : i32
    %dma_start3A_749 = tpu.memref_slice %arg6[%dma_start3A_747, %dma_start3A_748] : memref<32x32xf32, #tpu.memory_space<vmem>> -> memref<1x32xf32, #tpu.memory_space<vmem>>
    %dma_start3A_750 = tpu.memref_squeeze %dma_start3A_749 : memref<1x32xf32, #tpu.memory_space<vmem>> -> memref<32xf32, #tpu.memory_space<vmem>>
    %dma_start3A_751 = tpu.memref_slice %arg2[%dma_start3A_746, %mul3A_2] : memref<32x1024xf32, #tpu.memory_space<hbm>> -> memref<1x32xf32, #tpu.memory_space<hbm>>
    %dma_start3A_752 = tpu.memref_squeeze %dma_start3A_751 : memref<1x32xf32, #tpu.memory_space<hbm>> -> memref<32xf32, #tpu.memory_space<hbm>>
    %dma_start3A_753 = arith.constant 0 : i32
    %dma_start3A_754 = tpu.memref_slice %arg6[%dma_start3A_747, %dma_start3A_753] : memref<32x32xf32, #tpu.memory_space<vmem>> -> memref<1x32xf32, #tpu.memory_space<vmem>>
    %dma_start3A_755 = tpu.memref_squeeze %dma_start3A_754 : memref<1x32xf32, #tpu.memory_space<vmem>> -> memref<32xf32, #tpu.memory_space<vmem>>
    %dma_start3A_756 = tpu.memref_slice %arg2[%dma_start3A_746, %mul3A_2] : memref<32x1024xf32, #tpu.memory_space<hbm>> -> memref<1x32xf32, #tpu.memory_space<hbm>>
    %dma_start3A_757 = tpu.memref_squeeze %dma_start3A_756 : memref<1x32xf32, #tpu.memory_space<hbm>> -> memref<32xf32, #tpu.memory_space<hbm>>
    tpu.enqueue_dma source(%dma_start3A_757 : memref<32xf32, #tpu.memory_space<hbm>>) target(%dma_start3A_755 : memref<32xf32, #tpu.memory_space<vmem>>) target_semaphore(%arg10 : memref<!tpu.dma_semaphore, #tpu.memory_space<semaphore_mem>>)
    %dma_start3A_758 = arith.constant 31 : i32
    %dma_start3A_759 = arith.constant 31 : i32
    %dma_start3A_760 = arith.constant 0 : i32
    %dma_start3A_761 = tpu.memref_slice %arg7[%dma_start3A_759, %dma_start3A_760] : memref<32x32xi32, #tpu.memory_space<vmem>> -> memref<1x32xi32, #tpu.memory_space<vmem>>
    %dma_start3A_762 = tpu.memref_squeeze %dma_start3A_761 : memref<1x32xi32, #tpu.memory_space<vmem>> -> memref<32xi32, #tpu.memory_space<vmem>>
    %dma_start3A_763 = tpu.memref_slice %arg3[%dma_start3A_758, %mul3A_2] : memref<32x1024xi32, #tpu.memory_space<hbm>> -> memref<1x32xi32, #tpu.memory_space<hbm>>
    %dma_start3A_764 = tpu.memref_squeeze %dma_start3A_763 : memref<1x32xi32, #tpu.memory_space<hbm>> -> memref<32xi32, #tpu.memory_space<hbm>>
    %dma_start3A_765 = arith.constant 0 : i32
    %dma_start3A_766 = tpu.memref_slice %arg7[%dma_start3A_759, %dma_start3A_765] : memref<32x32xi32, #tpu.memory_space<vmem>> -> memref<1x32xi32, #tpu.memory_space<vmem>>
    %dma_start3A_767 = tpu.memref_squeeze %dma_start3A_766 : memref<1x32xi32, #tpu.memory_space<vmem>> -> memref<32xi32, #tpu.memory_space<vmem>>
    %dma_start3A_768 = tpu.memref_slice %arg3[%dma_start3A_758, %mul3A_2] : memref<32x1024xi32, #tpu.memory_space<hbm>> -> memref<1x32xi32, #tpu.memory_space<hbm>>
    %dma_start3A_769 = tpu.memref_squeeze %dma_start3A_768 : memref<1x32xi32, #tpu.memory_space<hbm>> -> memref<32xi32, #tpu.memory_space<hbm>>
    tpu.enqueue_dma source(%dma_start3A_769 : memref<32xi32, #tpu.memory_space<hbm>>) target(%dma_start3A_767 : memref<32xi32, #tpu.memory_space<vmem>>) target_semaphore(%arg10 : memref<!tpu.dma_semaphore, #tpu.memory_space<semaphore_mem>>)
    %dma_wait3A = arith.constant 0 : i32
    %dma_wait3A_770 = arith.constant 0 : i32
    %dma_wait3A_771 = arith.constant 0 : i32
    %dma_wait3A_772 = tpu.memref_slice %arg6[%dma_wait3A_770, %dma_wait3A_771] : memref<32x32xf32, #tpu.memory_space<vmem>> -> memref<1x32xf32, #tpu.memory_space<vmem>>
    %dma_wait3A_773 = tpu.memref_squeeze %dma_wait3A_772 : memref<1x32xf32, #tpu.memory_space<vmem>> -> memref<32xf32, #tpu.memory_space<vmem>>
    %dma_wait3A_774 = tpu.memref_slice %arg2[%dma_wait3A, %mul3A_2] : memref<32x1024xf32, #tpu.memory_space<hbm>> -> memref<1x32xf32, #tpu.memory_space<hbm>>
    %dma_wait3A_775 = tpu.memref_squeeze %dma_wait3A_774 : memref<1x32xf32, #tpu.memory_space<hbm>> -> memref<32xf32, #tpu.memory_space<hbm>>
    %dma_wait3A_776 = arith.constant 0 : i32
    %dma_wait3A_777 = tpu.memref_slice %arg6[%dma_wait3A_770, %dma_wait3A_776] : memref<32x32xf32, #tpu.memory_space<vmem>> -> memref<1x32xf32, #tpu.memory_space<vmem>>
    %dma_wait3A_778 = tpu.memref_squeeze %dma_wait3A_777 : memref<1x32xf32, #tpu.memory_space<vmem>> -> memref<32xf32, #tpu.memory_space<vmem>>
    %dma_wait3A_779 = tpu.memref_slice %arg2[%dma_wait3A, %mul3A_2] : memref<32x1024xf32, #tpu.memory_space<hbm>> -> memref<1x32xf32, #tpu.memory_space<hbm>>
    %dma_wait3A_780 = tpu.memref_squeeze %dma_wait3A_779 : memref<1x32xf32, #tpu.memory_space<hbm>> -> memref<32xf32, #tpu.memory_space<hbm>>
    tpu.wait_dma2 semaphore(%arg10 : memref<!tpu.dma_semaphore, #tpu.memory_space<semaphore_mem>>) src(%dma_wait3A_780 : memref<32xf32, #tpu.memory_space<hbm>>) dst(%dma_wait3A_778 : memref<32xf32, #tpu.memory_space<vmem>>)
    %dma_wait3A_781 = arith.constant 0 : i32
    %dma_wait3A_782 = arith.constant 0 : i32
    %dma_wait3A_783 = arith.constant 0 : i32
    %dma_wait3A_784 = tpu.memref_slice %arg7[%dma_wait3A_782, %dma_wait3A_783] : memref<32x32xi32, #tpu.memory_space<vmem>> -> memref<1x32xi32, #tpu.memory_space<vmem>>
    %dma_wait3A_785 = tpu.memref_squeeze %dma_wait3A_784 : memref<1x32xi32, #tpu.memory_space<vmem>> -> memref<32xi32, #tpu.memory_space<vmem>>
    %dma_wait3A_786 = tpu.memref_slice %arg3[%dma_wait3A_781, %mul3A_2] : memref<32x1024xi32, #tpu.memory_space<hbm>> -> memref<1x32xi32, #tpu.memory_space<hbm>>
    %dma_wait3A_787 = tpu.memref_squeeze %dma_wait3A_786 : memref<1x32xi32, #tpu.memory_space<hbm>> -> memref<32xi32, #tpu.memory_space<hbm>>
    %dma_wait3A_788 = arith.constant 0 : i32
    %dma_wait3A_789 = tpu.memref_slice %arg7[%dma_wait3A_782, %dma_wait3A_788] : memref<32x32xi32, #tpu.memory_space<vmem>> -> memref<1x32xi32, #tpu.memory_space<vmem>>
    %dma_wait3A_790 = tpu.memref_squeeze %dma_wait3A_789 : memref<1x32xi32, #tpu.memory_space<vmem>> -> memref<32xi32, #tpu.memory_space<vmem>>
    %dma_wait3A_791 = tpu.memref_slice %arg3[%dma_wait3A_781, %mul3A_2] : memref<32x1024xi32, #tpu.memory_space<hbm>> -> memref<1x32xi32, #tpu.memory_space<hbm>>
    %dma_wait3A_792 = tpu.memref_squeeze %dma_wait3A_791 : memref<1x32xi32, #tpu.memory_space<hbm>> -> memref<32xi32, #tpu.memory_space<hbm>>
    tpu.wait_dma2 semaphore(%arg10 : memref<!tpu.dma_semaphore, #tpu.memory_space<semaphore_mem>>) src(%dma_wait3A_792 : memref<32xi32, #tpu.memory_space<hbm>>) dst(%dma_wait3A_790 : memref<32xi32, #tpu.memory_space<vmem>>)
    %dma_wait3A_793 = arith.constant 1 : i32
    %dma_wait3A_794 = arith.constant 1 : i32
    %dma_wait3A_795 = arith.constant 0 : i32
    %dma_wait3A_796 = tpu.memref_slice %arg6[%dma_wait3A_794, %dma_wait3A_795] : memref<32x32xf32, #tpu.memory_space<vmem>> -> memref<1x32xf32, #tpu.memory_space<vmem>>
    %dma_wait3A_797 = tpu.memref_squeeze %dma_wait3A_796 : memref<1x32xf32, #tpu.memory_space<vmem>> -> memref<32xf32, #tpu.memory_space<vmem>>
    %dma_wait3A_798 = tpu.memref_slice %arg2[%dma_wait3A_793, %mul3A_2] : memref<32x1024xf32, #tpu.memory_space<hbm>> -> memref<1x32xf32, #tpu.memory_space<hbm>>
    %dma_wait3A_799 = tpu.memref_squeeze %dma_wait3A_798 : memref<1x32xf32, #tpu.memory_space<hbm>> -> memref<32xf32, #tpu.memory_space<hbm>>
    %dma_wait3A_800 = arith.constant 0 : i32
    %dma_wait3A_801 = tpu.memref_slice %arg6[%dma_wait3A_794, %dma_wait3A_800] : memref<32x32xf32, #tpu.memory_space<vmem>> -> memref<1x32xf32, #tpu.memory_space<vmem>>
    %dma_wait3A_802 = tpu.memref_squeeze %dma_wait3A_801 : memref<1x32xf32, #tpu.memory_space<vmem>> -> memref<32xf32, #tpu.memory_space<vmem>>
    %dma_wait3A_803 = tpu.memref_slice %arg2[%dma_wait3A_793, %mul3A_2] : memref<32x1024xf32, #tpu.memory_space<hbm>> -> memref<1x32xf32, #tpu.memory_space<hbm>>
    %dma_wait3A_804 = tpu.memref_squeeze %dma_wait3A_803 : memref<1x32xf32, #tpu.memory_space<hbm>> -> memref<32xf32, #tpu.memory_space<hbm>>
    tpu.wait_dma2 semaphore(%arg10 : memref<!tpu.dma_semaphore, #tpu.memory_space<semaphore_mem>>) src(%dma_wait3A_804 : memref<32xf32, #tpu.memory_space<hbm>>) dst(%dma_wait3A_802 : memref<32xf32, #tpu.memory_space<vmem>>)
    %dma_wait3A_805 = arith.constant 1 : i32
    %dma_wait3A_806 = arith.constant 1 : i32
    %dma_wait3A_807 = arith.constant 0 : i32
    %dma_wait3A_808 = tpu.memref_slice %arg7[%dma_wait3A_806, %dma_wait3A_807] : memref<32x32xi32, #tpu.memory_space<vmem>> -> memref<1x32xi32, #tpu.memory_space<vmem>>
    %dma_wait3A_809 = tpu.memref_squeeze %dma_wait3A_808 : memref<1x32xi32, #tpu.memory_space<vmem>> -> memref<32xi32, #tpu.memory_space<vmem>>
    %dma_wait3A_810 = tpu.memref_slice %arg3[%dma_wait3A_805, %mul3A_2] : memref<32x1024xi32, #tpu.memory_space<hbm>> -> memref<1x32xi32, #tpu.memory_space<hbm>>
    %dma_wait3A_811 = tpu.memref_squeeze %dma_wait3A_810 : memref<1x32xi32, #tpu.memory_space<hbm>> -> memref<32xi32, #tpu.memory_space<hbm>>
    %dma_wait3A_812 = arith.constant 0 : i32
    %dma_wait3A_813 = tpu.memref_slice %arg7[%dma_wait3A_806, %dma_wait3A_812] : memref<32x32xi32, #tpu.memory_space<vmem>> -> memref<1x32xi32, #tpu.memory_space<vmem>>
    %dma_wait3A_814 = tpu.memref_squeeze %dma_wait3A_813 : memref<1x32xi32, #tpu.memory_space<vmem>> -> memref<32xi32, #tpu.memory_space<vmem>>
    %dma_wait3A_815 = tpu.memref_slice %arg3[%dma_wait3A_805, %mul3A_2] : memref<32x1024xi32, #tpu.memory_space<hbm>> -> memref<1x32xi32, #tpu.memory_space<hbm>>
    %dma_wait3A_816 = tpu.memref_squeeze %dma_wait3A_815 : memref<1x32xi32, #tpu.memory_space<hbm>> -> memref<32xi32, #tpu.memory_space<hbm>>
    tpu.wait_dma2 semaphore(%arg10 : memref<!tpu.dma_semaphore, #tpu.memory_space<semaphore_mem>>) src(%dma_wait3A_816 : memref<32xi32, #tpu.memory_space<hbm>>) dst(%dma_wait3A_814 : memref<32xi32, #tpu.memory_space<vmem>>)
    %dma_wait3A_817 = arith.constant 2 : i32
    %dma_wait3A_818 = arith.constant 2 : i32
    %dma_wait3A_819 = arith.constant 0 : i32
    %dma_wait3A_820 = tpu.memref_slice %arg6[%dma_wait3A_818, %dma_wait3A_819] : memref<32x32xf32, #tpu.memory_space<vmem>> -> memref<1x32xf32, #tpu.memory_space<vmem>>
    %dma_wait3A_821 = tpu.memref_squeeze %dma_wait3A_820 : memref<1x32xf32, #tpu.memory_space<vmem>> -> memref<32xf32, #tpu.memory_space<vmem>>
    %dma_wait3A_822 = tpu.memref_slice %arg2[%dma_wait3A_817, %mul3A_2] : memref<32x1024xf32, #tpu.memory_space<hbm>> -> memref<1x32xf32, #tpu.memory_space<hbm>>
    %dma_wait3A_823 = tpu.memref_squeeze %dma_wait3A_822 : memref<1x32xf32, #tpu.memory_space<hbm>> -> memref<32xf32, #tpu.memory_space<hbm>>
    %dma_wait3A_824 = arith.constant 0 : i32
    %dma_wait3A_825 = tpu.memref_slice %arg6[%dma_wait3A_818, %dma_wait3A_824] : memref<32x32xf32, #tpu.memory_space<vmem>> -> memref<1x32xf32, #tpu.memory_space<vmem>>
    %dma_wait3A_826 = tpu.memref_squeeze %dma_wait3A_825 : memref<1x32xf32, #tpu.memory_space<vmem>> -> memref<32xf32, #tpu.memory_space<vmem>>
    %dma_wait3A_827 = tpu.memref_slice %arg2[%dma_wait3A_817, %mul3A_2] : memref<32x1024xf32, #tpu.memory_space<hbm>> -> memref<1x32xf32, #tpu.memory_space<hbm>>
    %dma_wait3A_828 = tpu.memref_squeeze %dma_wait3A_827 : memref<1x32xf32, #tpu.memory_space<hbm>> -> memref<32xf32, #tpu.memory_space<hbm>>
    tpu.wait_dma2 semaphore(%arg10 : memref<!tpu.dma_semaphore, #tpu.memory_space<semaphore_mem>>) src(%dma_wait3A_828 : memref<32xf32, #tpu.memory_space<hbm>>) dst(%dma_wait3A_826 : memref<32xf32, #tpu.memory_space<vmem>>)
    %dma_wait3A_829 = arith.constant 2 : i32
    %dma_wait3A_830 = arith.constant 2 : i32
    %dma_wait3A_831 = arith.constant 0 : i32
    %dma_wait3A_832 = tpu.memref_slice %arg7[%dma_wait3A_830, %dma_wait3A_831] : memref<32x32xi32, #tpu.memory_space<vmem>> -> memref<1x32xi32, #tpu.memory_space<vmem>>
    %dma_wait3A_833 = tpu.memref_squeeze %dma_wait3A_832 : memref<1x32xi32, #tpu.memory_space<vmem>> -> memref<32xi32, #tpu.memory_space<vmem>>
    %dma_wait3A_834 = tpu.memref_slice %arg3[%dma_wait3A_829, %mul3A_2] : memref<32x1024xi32, #tpu.memory_space<hbm>> -> memref<1x32xi32, #tpu.memory_space<hbm>>
    %dma_wait3A_835 = tpu.memref_squeeze %dma_wait3A_834 : memref<1x32xi32, #tpu.memory_space<hbm>> -> memref<32xi32, #tpu.memory_space<hbm>>
    %dma_wait3A_836 = arith.constant 0 : i32
    %dma_wait3A_837 = tpu.memref_slice %arg7[%dma_wait3A_830, %dma_wait3A_836] : memref<32x32xi32, #tpu.memory_space<vmem>> -> memref<1x32xi32, #tpu.memory_space<vmem>>
    %dma_wait3A_838 = tpu.memref_squeeze %dma_wait3A_837 : memref<1x32xi32, #tpu.memory_space<vmem>> -> memref<32xi32, #tpu.memory_space<vmem>>
    %dma_wait3A_839 = tpu.memref_slice %arg3[%dma_wait3A_829, %mul3A_2] : memref<32x1024xi32, #tpu.memory_space<hbm>> -> memref<1x32xi32, #tpu.memory_space<hbm>>
    %dma_wait3A_840 = tpu.memref_squeeze %dma_wait3A_839 : memref<1x32xi32, #tpu.memory_space<hbm>> -> memref<32xi32, #tpu.memory_space<hbm>>
    tpu.wait_dma2 semaphore(%arg10 : memref<!tpu.dma_semaphore, #tpu.memory_space<semaphore_mem>>) src(%dma_wait3A_840 : memref<32xi32, #tpu.memory_space<hbm>>) dst(%dma_wait3A_838 : memref<32xi32, #tpu.memory_space<vmem>>)
    %dma_wait3A_841 = arith.constant 3 : i32
    %dma_wait3A_842 = arith.constant 3 : i32
    %dma_wait3A_843 = arith.constant 0 : i32
    %dma_wait3A_844 = tpu.memref_slice %arg6[%dma_wait3A_842, %dma_wait3A_843] : memref<32x32xf32, #tpu.memory_space<vmem>> -> memref<1x32xf32, #tpu.memory_space<vmem>>
    %dma_wait3A_845 = tpu.memref_squeeze %dma_wait3A_844 : memref<1x32xf32, #tpu.memory_space<vmem>> -> memref<32xf32, #tpu.memory_space<vmem>>
    %dma_wait3A_846 = tpu.memref_slice %arg2[%dma_wait3A_841, %mul3A_2] : memref<32x1024xf32, #tpu.memory_space<hbm>> -> memref<1x32xf32, #tpu.memory_space<hbm>>
    %dma_wait3A_847 = tpu.memref_squeeze %dma_wait3A_846 : memref<1x32xf32, #tpu.memory_space<hbm>> -> memref<32xf32, #tpu.memory_space<hbm>>
    %dma_wait3A_848 = arith.constant 0 : i32
    %dma_wait3A_849 = tpu.memref_slice %arg6[%dma_wait3A_842, %dma_wait3A_848] : memref<32x32xf32, #tpu.memory_space<vmem>> -> memref<1x32xf32, #tpu.memory_space<vmem>>
    %dma_wait3A_850 = tpu.memref_squeeze %dma_wait3A_849 : memref<1x32xf32, #tpu.memory_space<vmem>> -> memref<32xf32, #tpu.memory_space<vmem>>
    %dma_wait3A_851 = tpu.memref_slice %arg2[%dma_wait3A_841, %mul3A_2] : memref<32x1024xf32, #tpu.memory_space<hbm>> -> memref<1x32xf32, #tpu.memory_space<hbm>>
    %dma_wait3A_852 = tpu.memref_squeeze %dma_wait3A_851 : memref<1x32xf32, #tpu.memory_space<hbm>> -> memref<32xf32, #tpu.memory_space<hbm>>
    tpu.wait_dma2 semaphore(%arg10 : memref<!tpu.dma_semaphore, #tpu.memory_space<semaphore_mem>>) src(%dma_wait3A_852 : memref<32xf32, #tpu.memory_space<hbm>>) dst(%dma_wait3A_850 : memref<32xf32, #tpu.memory_space<vmem>>)
    %dma_wait3A_853 = arith.constant 3 : i32
    %dma_wait3A_854 = arith.constant 3 : i32
    %dma_wait3A_855 = arith.constant 0 : i32
    %dma_wait3A_856 = tpu.memref_slice %arg7[%dma_wait3A_854, %dma_wait3A_855] : memref<32x32xi32, #tpu.memory_space<vmem>> -> memref<1x32xi32, #tpu.memory_space<vmem>>
    %dma_wait3A_857 = tpu.memref_squeeze %dma_wait3A_856 : memref<1x32xi32, #tpu.memory_space<vmem>> -> memref<32xi32, #tpu.memory_space<vmem>>
    %dma_wait3A_858 = tpu.memref_slice %arg3[%dma_wait3A_853, %mul3A_2] : memref<32x1024xi32, #tpu.memory_space<hbm>> -> memref<1x32xi32, #tpu.memory_space<hbm>>
    %dma_wait3A_859 = tpu.memref_squeeze %dma_wait3A_858 : memref<1x32xi32, #tpu.memory_space<hbm>> -> memref<32xi32, #tpu.memory_space<hbm>>
    %dma_wait3A_860 = arith.constant 0 : i32
    %dma_wait3A_861 = tpu.memref_slice %arg7[%dma_wait3A_854, %dma_wait3A_860] : memref<32x32xi32, #tpu.memory_space<vmem>> -> memref<1x32xi32, #tpu.memory_space<vmem>>
    %dma_wait3A_862 = tpu.memref_squeeze %dma_wait3A_861 : memref<1x32xi32, #tpu.memory_space<vmem>> -> memref<32xi32, #tpu.memory_space<vmem>>
    %dma_wait3A_863 = tpu.memref_slice %arg3[%dma_wait3A_853, %mul3A_2] : memref<32x1024xi32, #tpu.memory_space<hbm>> -> memref<1x32xi32, #tpu.memory_space<hbm>>
    %dma_wait3A_864 = tpu.memref_squeeze %dma_wait3A_863 : memref<1x32xi32, #tpu.memory_space<hbm>> -> memref<32xi32, #tpu.memory_space<hbm>>
    tpu.wait_dma2 semaphore(%arg10 : memref<!tpu.dma_semaphore, #tpu.memory_space<semaphore_mem>>) src(%dma_wait3A_864 : memref<32xi32, #tpu.memory_space<hbm>>) dst(%dma_wait3A_862 : memref<32xi32, #tpu.memory_space<vmem>>)
    %dma_wait3A_865 = arith.constant 4 : i32
    %dma_wait3A_866 = arith.constant 4 : i32
    %dma_wait3A_867 = arith.constant 0 : i32
    %dma_wait3A_868 = tpu.memref_slice %arg6[%dma_wait3A_866, %dma_wait3A_867] : memref<32x32xf32, #tpu.memory_space<vmem>> -> memref<1x32xf32, #tpu.memory_space<vmem>>
    %dma_wait3A_869 = tpu.memref_squeeze %dma_wait3A_868 : memref<1x32xf32, #tpu.memory_space<vmem>> -> memref<32xf32, #tpu.memory_space<vmem>>
    %dma_wait3A_870 = tpu.memref_slice %arg2[%dma_wait3A_865, %mul3A_2] : memref<32x1024xf32, #tpu.memory_space<hbm>> -> memref<1x32xf32, #tpu.memory_space<hbm>>
    %dma_wait3A_871 = tpu.memref_squeeze %dma_wait3A_870 : memref<1x32xf32, #tpu.memory_space<hbm>> -> memref<32xf32, #tpu.memory_space<hbm>>
    %dma_wait3A_872 = arith.constant 0 : i32
    %dma_wait3A_873 = tpu.memref_slice %arg6[%dma_wait3A_866, %dma_wait3A_872] : memref<32x32xf32, #tpu.memory_space<vmem>> -> memref<1x32xf32, #tpu.memory_space<vmem>>
    %dma_wait3A_874 = tpu.memref_squeeze %dma_wait3A_873 : memref<1x32xf32, #tpu.memory_space<vmem>> -> memref<32xf32, #tpu.memory_space<vmem>>
    %dma_wait3A_875 = tpu.memref_slice %arg2[%dma_wait3A_865, %mul3A_2] : memref<32x1024xf32, #tpu.memory_space<hbm>> -> memref<1x32xf32, #tpu.memory_space<hbm>>
    %dma_wait3A_876 = tpu.memref_squeeze %dma_wait3A_875 : memref<1x32xf32, #tpu.memory_space<hbm>> -> memref<32xf32, #tpu.memory_space<hbm>>
    tpu.wait_dma2 semaphore(%arg10 : memref<!tpu.dma_semaphore, #tpu.memory_space<semaphore_mem>>) src(%dma_wait3A_876 : memref<32xf32, #tpu.memory_space<hbm>>) dst(%dma_wait3A_874 : memref<32xf32, #tpu.memory_space<vmem>>)
    %dma_wait3A_877 = arith.constant 4 : i32
    %dma_wait3A_878 = arith.constant 4 : i32
    %dma_wait3A_879 = arith.constant 0 : i32
    %dma_wait3A_880 = tpu.memref_slice %arg7[%dma_wait3A_878, %dma_wait3A_879] : memref<32x32xi32, #tpu.memory_space<vmem>> -> memref<1x32xi32, #tpu.memory_space<vmem>>
    %dma_wait3A_881 = tpu.memref_squeeze %dma_wait3A_880 : memref<1x32xi32, #tpu.memory_space<vmem>> -> memref<32xi32, #tpu.memory_space<vmem>>
    %dma_wait3A_882 = tpu.memref_slice %arg3[%dma_wait3A_877, %mul3A_2] : memref<32x1024xi32, #tpu.memory_space<hbm>> -> memref<1x32xi32, #tpu.memory_space<hbm>>
    %dma_wait3A_883 = tpu.memref_squeeze %dma_wait3A_882 : memref<1x32xi32, #tpu.memory_space<hbm>> -> memref<32xi32, #tpu.memory_space<hbm>>
    %dma_wait3A_884 = arith.constant 0 : i32
    %dma_wait3A_885 = tpu.memref_slice %arg7[%dma_wait3A_878, %dma_wait3A_884] : memref<32x32xi32, #tpu.memory_space<vmem>> -> memref<1x32xi32, #tpu.memory_space<vmem>>
    %dma_wait3A_886 = tpu.memref_squeeze %dma_wait3A_885 : memref<1x32xi32, #tpu.memory_space<vmem>> -> memref<32xi32, #tpu.memory_space<vmem>>
    %dma_wait3A_887 = tpu.memref_slice %arg3[%dma_wait3A_877, %mul3A_2] : memref<32x1024xi32, #tpu.memory_space<hbm>> -> memref<1x32xi32, #tpu.memory_space<hbm>>
    %dma_wait3A_888 = tpu.memref_squeeze %dma_wait3A_887 : memref<1x32xi32, #tpu.memory_space<hbm>> -> memref<32xi32, #tpu.memory_space<hbm>>
    tpu.wait_dma2 semaphore(%arg10 : memref<!tpu.dma_semaphore, #tpu.memory_space<semaphore_mem>>) src(%dma_wait3A_888 : memref<32xi32, #tpu.memory_space<hbm>>) dst(%dma_wait3A_886 : memref<32xi32, #tpu.memory_space<vmem>>)
    %dma_wait3A_889 = arith.constant 5 : i32
    %dma_wait3A_890 = arith.constant 5 : i32
    %dma_wait3A_891 = arith.constant 0 : i32
    %dma_wait3A_892 = tpu.memref_slice %arg6[%dma_wait3A_890, %dma_wait3A_891] : memref<32x32xf32, #tpu.memory_space<vmem>> -> memref<1x32xf32, #tpu.memory_space<vmem>>
    %dma_wait3A_893 = tpu.memref_squeeze %dma_wait3A_892 : memref<1x32xf32, #tpu.memory_space<vmem>> -> memref<32xf32, #tpu.memory_space<vmem>>
    %dma_wait3A_894 = tpu.memref_slice %arg2[%dma_wait3A_889, %mul3A_2] : memref<32x1024xf32, #tpu.memory_space<hbm>> -> memref<1x32xf32, #tpu.memory_space<hbm>>
    %dma_wait3A_895 = tpu.memref_squeeze %dma_wait3A_894 : memref<1x32xf32, #tpu.memory_space<hbm>> -> memref<32xf32, #tpu.memory_space<hbm>>
    %dma_wait3A_896 = arith.constant 0 : i32
    %dma_wait3A_897 = tpu.memref_slice %arg6[%dma_wait3A_890, %dma_wait3A_896] : memref<32x32xf32, #tpu.memory_space<vmem>> -> memref<1x32xf32, #tpu.memory_space<vmem>>
    %dma_wait3A_898 = tpu.memref_squeeze %dma_wait3A_897 : memref<1x32xf32, #tpu.memory_space<vmem>> -> memref<32xf32, #tpu.memory_space<vmem>>
    %dma_wait3A_899 = tpu.memref_slice %arg2[%dma_wait3A_889, %mul3A_2] : memref<32x1024xf32, #tpu.memory_space<hbm>> -> memref<1x32xf32, #tpu.memory_space<hbm>>
    %dma_wait3A_900 = tpu.memref_squeeze %dma_wait3A_899 : memref<1x32xf32, #tpu.memory_space<hbm>> -> memref<32xf32, #tpu.memory_space<hbm>>
    tpu.wait_dma2 semaphore(%arg10 : memref<!tpu.dma_semaphore, #tpu.memory_space<semaphore_mem>>) src(%dma_wait3A_900 : memref<32xf32, #tpu.memory_space<hbm>>) dst(%dma_wait3A_898 : memref<32xf32, #tpu.memory_space<vmem>>)
    %dma_wait3A_901 = arith.constant 5 : i32
    %dma_wait3A_902 = arith.constant 5 : i32
    %dma_wait3A_903 = arith.constant 0 : i32
    %dma_wait3A_904 = tpu.memref_slice %arg7[%dma_wait3A_902, %dma_wait3A_903] : memref<32x32xi32, #tpu.memory_space<vmem>> -> memref<1x32xi32, #tpu.memory_space<vmem>>
    %dma_wait3A_905 = tpu.memref_squeeze %dma_wait3A_904 : memref<1x32xi32, #tpu.memory_space<vmem>> -> memref<32xi32, #tpu.memory_space<vmem>>
    %dma_wait3A_906 = tpu.memref_slice %arg3[%dma_wait3A_901, %mul3A_2] : memref<32x1024xi32, #tpu.memory_space<hbm>> -> memref<1x32xi32, #tpu.memory_space<hbm>>
    %dma_wait3A_907 = tpu.memref_squeeze %dma_wait3A_906 : memref<1x32xi32, #tpu.memory_space<hbm>> -> memref<32xi32, #tpu.memory_space<hbm>>
    %dma_wait3A_908 = arith.constant 0 : i32
    %dma_wait3A_909 = tpu.memref_slice %arg7[%dma_wait3A_902, %dma_wait3A_908] : memref<32x32xi32, #tpu.memory_space<vmem>> -> memref<1x32xi32, #tpu.memory_space<vmem>>
    %dma_wait3A_910 = tpu.memref_squeeze %dma_wait3A_909 : memref<1x32xi32, #tpu.memory_space<vmem>> -> memref<32xi32, #tpu.memory_space<vmem>>
    %dma_wait3A_911 = tpu.memref_slice %arg3[%dma_wait3A_901, %mul3A_2] : memref<32x1024xi32, #tpu.memory_space<hbm>> -> memref<1x32xi32, #tpu.memory_space<hbm>>
    %dma_wait3A_912 = tpu.memref_squeeze %dma_wait3A_911 : memref<1x32xi32, #tpu.memory_space<hbm>> -> memref<32xi32, #tpu.memory_space<hbm>>
    tpu.wait_dma2 semaphore(%arg10 : memref<!tpu.dma_semaphore, #tpu.memory_space<semaphore_mem>>) src(%dma_wait3A_912 : memref<32xi32, #tpu.memory_space<hbm>>) dst(%dma_wait3A_910 : memref<32xi32, #tpu.memory_space<vmem>>)
    %dma_wait3A_913 = arith.constant 6 : i32
    %dma_wait3A_914 = arith.constant 6 : i32
    %dma_wait3A_915 = arith.constant 0 : i32
    %dma_wait3A_916 = tpu.memref_slice %arg6[%dma_wait3A_914, %dma_wait3A_915] : memref<32x32xf32, #tpu.memory_space<vmem>> -> memref<1x32xf32, #tpu.memory_space<vmem>>
    %dma_wait3A_917 = tpu.memref_squeeze %dma_wait3A_916 : memref<1x32xf32, #tpu.memory_space<vmem>> -> memref<32xf32, #tpu.memory_space<vmem>>
    %dma_wait3A_918 = tpu.memref_slice %arg2[%dma_wait3A_913, %mul3A_2] : memref<32x1024xf32, #tpu.memory_space<hbm>> -> memref<1x32xf32, #tpu.memory_space<hbm>>
    %dma_wait3A_919 = tpu.memref_squeeze %dma_wait3A_918 : memref<1x32xf32, #tpu.memory_space<hbm>> -> memref<32xf32, #tpu.memory_space<hbm>>
    %dma_wait3A_920 = arith.constant 0 : i32
    %dma_wait3A_921 = tpu.memref_slice %arg6[%dma_wait3A_914, %dma_wait3A_920] : memref<32x32xf32, #tpu.memory_space<vmem>> -> memref<1x32xf32, #tpu.memory_space<vmem>>
    %dma_wait3A_922 = tpu.memref_squeeze %dma_wait3A_921 : memref<1x32xf32, #tpu.memory_space<vmem>> -> memref<32xf32, #tpu.memory_space<vmem>>
    %dma_wait3A_923 = tpu.memref_slice %arg2[%dma_wait3A_913, %mul3A_2] : memref<32x1024xf32, #tpu.memory_space<hbm>> -> memref<1x32xf32, #tpu.memory_space<hbm>>
    %dma_wait3A_924 = tpu.memref_squeeze %dma_wait3A_923 : memref<1x32xf32, #tpu.memory_space<hbm>> -> memref<32xf32, #tpu.memory_space<hbm>>
    tpu.wait_dma2 semaphore(%arg10 : memref<!tpu.dma_semaphore, #tpu.memory_space<semaphore_mem>>) src(%dma_wait3A_924 : memref<32xf32, #tpu.memory_space<hbm>>) dst(%dma_wait3A_922 : memref<32xf32, #tpu.memory_space<vmem>>)
    %dma_wait3A_925 = arith.constant 6 : i32
    %dma_wait3A_926 = arith.constant 6 : i32
    %dma_wait3A_927 = arith.constant 0 : i32
    %dma_wait3A_928 = tpu.memref_slice %arg7[%dma_wait3A_926, %dma_wait3A_927] : memref<32x32xi32, #tpu.memory_space<vmem>> -> memref<1x32xi32, #tpu.memory_space<vmem>>
    %dma_wait3A_929 = tpu.memref_squeeze %dma_wait3A_928 : memref<1x32xi32, #tpu.memory_space<vmem>> -> memref<32xi32, #tpu.memory_space<vmem>>
    %dma_wait3A_930 = tpu.memref_slice %arg3[%dma_wait3A_925, %mul3A_2] : memref<32x1024xi32, #tpu.memory_space<hbm>> -> memref<1x32xi32, #tpu.memory_space<hbm>>
    %dma_wait3A_931 = tpu.memref_squeeze %dma_wait3A_930 : memref<1x32xi32, #tpu.memory_space<hbm>> -> memref<32xi32, #tpu.memory_space<hbm>>
    %dma_wait3A_932 = arith.constant 0 : i32
    %dma_wait3A_933 = tpu.memref_slice %arg7[%dma_wait3A_926, %dma_wait3A_932] : memref<32x32xi32, #tpu.memory_space<vmem>> -> memref<1x32xi32, #tpu.memory_space<vmem>>
    %dma_wait3A_934 = tpu.memref_squeeze %dma_wait3A_933 : memref<1x32xi32, #tpu.memory_space<vmem>> -> memref<32xi32, #tpu.memory_space<vmem>>
    %dma_wait3A_935 = tpu.memref_slice %arg3[%dma_wait3A_925, %mul3A_2] : memref<32x1024xi32, #tpu.memory_space<hbm>> -> memref<1x32xi32, #tpu.memory_space<hbm>>
    %dma_wait3A_936 = tpu.memref_squeeze %dma_wait3A_935 : memref<1x32xi32, #tpu.memory_space<hbm>> -> memref<32xi32, #tpu.memory_space<hbm>>
    tpu.wait_dma2 semaphore(%arg10 : memref<!tpu.dma_semaphore, #tpu.memory_space<semaphore_mem>>) src(%dma_wait3A_936 : memref<32xi32, #tpu.memory_space<hbm>>) dst(%dma_wait3A_934 : memref<32xi32, #tpu.memory_space<vmem>>)
    %dma_wait3A_937 = arith.constant 7 : i32
    %dma_wait3A_938 = arith.constant 7 : i32
    %dma_wait3A_939 = arith.constant 0 : i32
    %dma_wait3A_940 = tpu.memref_slice %arg6[%dma_wait3A_938, %dma_wait3A_939] : memref<32x32xf32, #tpu.memory_space<vmem>> -> memref<1x32xf32, #tpu.memory_space<vmem>>
    %dma_wait3A_941 = tpu.memref_squeeze %dma_wait3A_940 : memref<1x32xf32, #tpu.memory_space<vmem>> -> memref<32xf32, #tpu.memory_space<vmem>>
    %dma_wait3A_942 = tpu.memref_slice %arg2[%dma_wait3A_937, %mul3A_2] : memref<32x1024xf32, #tpu.memory_space<hbm>> -> memref<1x32xf32, #tpu.memory_space<hbm>>
    %dma_wait3A_943 = tpu.memref_squeeze %dma_wait3A_942 : memref<1x32xf32, #tpu.memory_space<hbm>> -> memref<32xf32, #tpu.memory_space<hbm>>
    %dma_wait3A_944 = arith.constant 0 : i32
    %dma_wait3A_945 = tpu.memref_slice %arg6[%dma_wait3A_938, %dma_wait3A_944] : memref<32x32xf32, #tpu.memory_space<vmem>> -> memref<1x32xf32, #tpu.memory_space<vmem>>
    %dma_wait3A_946 = tpu.memref_squeeze %dma_wait3A_945 : memref<1x32xf32, #tpu.memory_space<vmem>> -> memref<32xf32, #tpu.memory_space<vmem>>
    %dma_wait3A_947 = tpu.memref_slice %arg2[%dma_wait3A_937, %mul3A_2] : memref<32x1024xf32, #tpu.memory_space<hbm>> -> memref<1x32xf32, #tpu.memory_space<hbm>>
    %dma_wait3A_948 = tpu.memref_squeeze %dma_wait3A_947 : memref<1x32xf32, #tpu.memory_space<hbm>> -> memref<32xf32, #tpu.memory_space<hbm>>
    tpu.wait_dma2 semaphore(%arg10 : memref<!tpu.dma_semaphore, #tpu.memory_space<semaphore_mem>>) src(%dma_wait3A_948 : memref<32xf32, #tpu.memory_space<hbm>>) dst(%dma_wait3A_946 : memref<32xf32, #tpu.memory_space<vmem>>)
    %dma_wait3A_949 = arith.constant 7 : i32
    %dma_wait3A_950 = arith.constant 7 : i32
    %dma_wait3A_951 = arith.constant 0 : i32
    %dma_wait3A_952 = tpu.memref_slice %arg7[%dma_wait3A_950, %dma_wait3A_951] : memref<32x32xi32, #tpu.memory_space<vmem>> -> memref<1x32xi32, #tpu.memory_space<vmem>>
    %dma_wait3A_953 = tpu.memref_squeeze %dma_wait3A_952 : memref<1x32xi32, #tpu.memory_space<vmem>> -> memref<32xi32, #tpu.memory_space<vmem>>
    %dma_wait3A_954 = tpu.memref_slice %arg3[%dma_wait3A_949, %mul3A_2] : memref<32x1024xi32, #tpu.memory_space<hbm>> -> memref<1x32xi32, #tpu.memory_space<hbm>>
    %dma_wait3A_955 = tpu.memref_squeeze %dma_wait3A_954 : memref<1x32xi32, #tpu.memory_space<hbm>> -> memref<32xi32, #tpu.memory_space<hbm>>
    %dma_wait3A_956 = arith.constant 0 : i32
    %dma_wait3A_957 = tpu.memref_slice %arg7[%dma_wait3A_950, %dma_wait3A_956] : memref<32x32xi32, #tpu.memory_space<vmem>> -> memref<1x32xi32, #tpu.memory_space<vmem>>
    %dma_wait3A_958 = tpu.memref_squeeze %dma_wait3A_957 : memref<1x32xi32, #tpu.memory_space<vmem>> -> memref<32xi32, #tpu.memory_space<vmem>>
    %dma_wait3A_959 = tpu.memref_slice %arg3[%dma_wait3A_949, %mul3A_2] : memref<32x1024xi32, #tpu.memory_space<hbm>> -> memref<1x32xi32, #tpu.memory_space<hbm>>
    %dma_wait3A_960 = tpu.memref_squeeze %dma_wait3A_959 : memref<1x32xi32, #tpu.memory_space<hbm>> -> memref<32xi32, #tpu.memory_space<hbm>>
    tpu.wait_dma2 semaphore(%arg10 : memref<!tpu.dma_semaphore, #tpu.memory_space<semaphore_mem>>) src(%dma_wait3A_960 : memref<32xi32, #tpu.memory_space<hbm>>) dst(%dma_wait3A_958 : memref<32xi32, #tpu.memory_space<vmem>>)
    %dma_wait3A_961 = arith.constant 8 : i32
    %dma_wait3A_962 = arith.constant 8 : i32
    %dma_wait3A_963 = arith.constant 0 : i32
    %dma_wait3A_964 = tpu.memref_slice %arg6[%dma_wait3A_962, %dma_wait3A_963] : memref<32x32xf32, #tpu.memory_space<vmem>> -> memref<1x32xf32, #tpu.memory_space<vmem>>
    %dma_wait3A_965 = tpu.memref_squeeze %dma_wait3A_964 : memref<1x32xf32, #tpu.memory_space<vmem>> -> memref<32xf32, #tpu.memory_space<vmem>>
    %dma_wait3A_966 = tpu.memref_slice %arg2[%dma_wait3A_961, %mul3A_2] : memref<32x1024xf32, #tpu.memory_space<hbm>> -> memref<1x32xf32, #tpu.memory_space<hbm>>
    %dma_wait3A_967 = tpu.memref_squeeze %dma_wait3A_966 : memref<1x32xf32, #tpu.memory_space<hbm>> -> memref<32xf32, #tpu.memory_space<hbm>>
    %dma_wait3A_968 = arith.constant 0 : i32
    %dma_wait3A_969 = tpu.memref_slice %arg6[%dma_wait3A_962, %dma_wait3A_968] : memref<32x32xf32, #tpu.memory_space<vmem>> -> memref<1x32xf32, #tpu.memory_space<vmem>>
    %dma_wait3A_970 = tpu.memref_squeeze %dma_wait3A_969 : memref<1x32xf32, #tpu.memory_space<vmem>> -> memref<32xf32, #tpu.memory_space<vmem>>
    %dma_wait3A_971 = tpu.memref_slice %arg2[%dma_wait3A_961, %mul3A_2] : memref<32x1024xf32, #tpu.memory_space<hbm>> -> memref<1x32xf32, #tpu.memory_space<hbm>>
    %dma_wait3A_972 = tpu.memref_squeeze %dma_wait3A_971 : memref<1x32xf32, #tpu.memory_space<hbm>> -> memref<32xf32, #tpu.memory_space<hbm>>
    tpu.wait_dma2 semaphore(%arg10 : memref<!tpu.dma_semaphore, #tpu.memory_space<semaphore_mem>>) src(%dma_wait3A_972 : memref<32xf32, #tpu.memory_space<hbm>>) dst(%dma_wait3A_970 : memref<32xf32, #tpu.memory_space<vmem>>)
    %dma_wait3A_973 = arith.constant 8 : i32
    %dma_wait3A_974 = arith.constant 8 : i32
    %dma_wait3A_975 = arith.constant 0 : i32
    %dma_wait3A_976 = tpu.memref_slice %arg7[%dma_wait3A_974, %dma_wait3A_975] : memref<32x32xi32, #tpu.memory_space<vmem>> -> memref<1x32xi32, #tpu.memory_space<vmem>>
    %dma_wait3A_977 = tpu.memref_squeeze %dma_wait3A_976 : memref<1x32xi32, #tpu.memory_space<vmem>> -> memref<32xi32, #tpu.memory_space<vmem>>
    %dma_wait3A_978 = tpu.memref_slice %arg3[%dma_wait3A_973, %mul3A_2] : memref<32x1024xi32, #tpu.memory_space<hbm>> -> memref<1x32xi32, #tpu.memory_space<hbm>>
    %dma_wait3A_979 = tpu.memref_squeeze %dma_wait3A_978 : memref<1x32xi32, #tpu.memory_space<hbm>> -> memref<32xi32, #tpu.memory_space<hbm>>
    %dma_wait3A_980 = arith.constant 0 : i32
    %dma_wait3A_981 = tpu.memref_slice %arg7[%dma_wait3A_974, %dma_wait3A_980] : memref<32x32xi32, #tpu.memory_space<vmem>> -> memref<1x32xi32, #tpu.memory_space<vmem>>
    %dma_wait3A_982 = tpu.memref_squeeze %dma_wait3A_981 : memref<1x32xi32, #tpu.memory_space<vmem>> -> memref<32xi32, #tpu.memory_space<vmem>>
    %dma_wait3A_983 = tpu.memref_slice %arg3[%dma_wait3A_973, %mul3A_2] : memref<32x1024xi32, #tpu.memory_space<hbm>> -> memref<1x32xi32, #tpu.memory_space<hbm>>
    %dma_wait3A_984 = tpu.memref_squeeze %dma_wait3A_983 : memref<1x32xi32, #tpu.memory_space<hbm>> -> memref<32xi32, #tpu.memory_space<hbm>>
    tpu.wait_dma2 semaphore(%arg10 : memref<!tpu.dma_semaphore, #tpu.memory_space<semaphore_mem>>) src(%dma_wait3A_984 : memref<32xi32, #tpu.memory_space<hbm>>) dst(%dma_wait3A_982 : memref<32xi32, #tpu.memory_space<vmem>>)
    %dma_wait3A_985 = arith.constant 9 : i32
    %dma_wait3A_986 = arith.constant 9 : i32
    %dma_wait3A_987 = arith.constant 0 : i32
    %dma_wait3A_988 = tpu.memref_slice %arg6[%dma_wait3A_986, %dma_wait3A_987] : memref<32x32xf32, #tpu.memory_space<vmem>> -> memref<1x32xf32, #tpu.memory_space<vmem>>
    %dma_wait3A_989 = tpu.memref_squeeze %dma_wait3A_988 : memref<1x32xf32, #tpu.memory_space<vmem>> -> memref<32xf32, #tpu.memory_space<vmem>>
    %dma_wait3A_990 = tpu.memref_slice %arg2[%dma_wait3A_985, %mul3A_2] : memref<32x1024xf32, #tpu.memory_space<hbm>> -> memref<1x32xf32, #tpu.memory_space<hbm>>
    %dma_wait3A_991 = tpu.memref_squeeze %dma_wait3A_990 : memref<1x32xf32, #tpu.memory_space<hbm>> -> memref<32xf32, #tpu.memory_space<hbm>>
    %dma_wait3A_992 = arith.constant 0 : i32
    %dma_wait3A_993 = tpu.memref_slice %arg6[%dma_wait3A_986, %dma_wait3A_992] : memref<32x32xf32, #tpu.memory_space<vmem>> -> memref<1x32xf32, #tpu.memory_space<vmem>>
    %dma_wait3A_994 = tpu.memref_squeeze %dma_wait3A_993 : memref<1x32xf32, #tpu.memory_space<vmem>> -> memref<32xf32, #tpu.memory_space<vmem>>
    %dma_wait3A_995 = tpu.memref_slice %arg2[%dma_wait3A_985, %mul3A_2] : memref<32x1024xf32, #tpu.memory_space<hbm>> -> memref<1x32xf32, #tpu.memory_space<hbm>>
    %dma_wait3A_996 = tpu.memref_squeeze %dma_wait3A_995 : memref<1x32xf32, #tpu.memory_space<hbm>> -> memref<32xf32, #tpu.memory_space<hbm>>
    tpu.wait_dma2 semaphore(%arg10 : memref<!tpu.dma_semaphore, #tpu.memory_space<semaphore_mem>>) src(%dma_wait3A_996 : memref<32xf32, #tpu.memory_space<hbm>>) dst(%dma_wait3A_994 : memref<32xf32, #tpu.memory_space<vmem>>)
    %dma_wait3A_997 = arith.constant 9 : i32
    %dma_wait3A_998 = arith.constant 9 : i32
    %dma_wait3A_999 = arith.constant 0 : i32
    %dma_wait3A_1000 = tpu.memref_slice %arg7[%dma_wait3A_998, %dma_wait3A_999] : memref<32x32xi32, #tpu.memory_space<vmem>> -> memref<1x32xi32, #tpu.memory_space<vmem>>
    %dma_wait3A_1001 = tpu.memref_squeeze %dma_wait3A_1000 : memref<1x32xi32, #tpu.memory_space<vmem>> -> memref<32xi32, #tpu.memory_space<vmem>>
    %dma_wait3A_1002 = tpu.memref_slice %arg3[%dma_wait3A_997, %mul3A_2] : memref<32x1024xi32, #tpu.memory_space<hbm>> -> memref<1x32xi32, #tpu.memory_space<hbm>>
    %dma_wait3A_1003 = tpu.memref_squeeze %dma_wait3A_1002 : memref<1x32xi32, #tpu.memory_space<hbm>> -> memref<32xi32, #tpu.memory_space<hbm>>
    %dma_wait3A_1004 = arith.constant 0 : i32
    %dma_wait3A_1005 = tpu.memref_slice %arg7[%dma_wait3A_998, %dma_wait3A_1004] : memref<32x32xi32, #tpu.memory_space<vmem>> -> memref<1x32xi32, #tpu.memory_space<vmem>>
    %dma_wait3A_1006 = tpu.memref_squeeze %dma_wait3A_1005 : memref<1x32xi32, #tpu.memory_space<vmem>> -> memref<32xi32, #tpu.memory_space<vmem>>
    %dma_wait3A_1007 = tpu.memref_slice %arg3[%dma_wait3A_997, %mul3A_2] : memref<32x1024xi32, #tpu.memory_space<hbm>> -> memref<1x32xi32, #tpu.memory_space<hbm>>
    %dma_wait3A_1008 = tpu.memref_squeeze %dma_wait3A_1007 : memref<1x32xi32, #tpu.memory_space<hbm>> -> memref<32xi32, #tpu.memory_space<hbm>>
    tpu.wait_dma2 semaphore(%arg10 : memref<!tpu.dma_semaphore, #tpu.memory_space<semaphore_mem>>) src(%dma_wait3A_1008 : memref<32xi32, #tpu.memory_space<hbm>>) dst(%dma_wait3A_1006 : memref<32xi32, #tpu.memory_space<vmem>>)
    %dma_wait3A_1009 = arith.constant 10 : i32
    %dma_wait3A_1010 = arith.constant 10 : i32
    %dma_wait3A_1011 = arith.constant 0 : i32
    %dma_wait3A_1012 = tpu.memref_slice %arg6[%dma_wait3A_1010, %dma_wait3A_1011] : memref<32x32xf32, #tpu.memory_space<vmem>> -> memref<1x32xf32, #tpu.memory_space<vmem>>
    %dma_wait3A_1013 = tpu.memref_squeeze %dma_wait3A_1012 : memref<1x32xf32, #tpu.memory_space<vmem>> -> memref<32xf32, #tpu.memory_space<vmem>>
    %dma_wait3A_1014 = tpu.memref_slice %arg2[%dma_wait3A_1009, %mul3A_2] : memref<32x1024xf32, #tpu.memory_space<hbm>> -> memref<1x32xf32, #tpu.memory_space<hbm>>
    %dma_wait3A_1015 = tpu.memref_squeeze %dma_wait3A_1014 : memref<1x32xf32, #tpu.memory_space<hbm>> -> memref<32xf32, #tpu.memory_space<hbm>>
    %dma_wait3A_1016 = arith.constant 0 : i32
    %dma_wait3A_1017 = tpu.memref_slice %arg6[%dma_wait3A_1010, %dma_wait3A_1016] : memref<32x32xf32, #tpu.memory_space<vmem>> -> memref<1x32xf32, #tpu.memory_space<vmem>>
    %dma_wait3A_1018 = tpu.memref_squeeze %dma_wait3A_1017 : memref<1x32xf32, #tpu.memory_space<vmem>> -> memref<32xf32, #tpu.memory_space<vmem>>
    %dma_wait3A_1019 = tpu.memref_slice %arg2[%dma_wait3A_1009, %mul3A_2] : memref<32x1024xf32, #tpu.memory_space<hbm>> -> memref<1x32xf32, #tpu.memory_space<hbm>>
    %dma_wait3A_1020 = tpu.memref_squeeze %dma_wait3A_1019 : memref<1x32xf32, #tpu.memory_space<hbm>> -> memref<32xf32, #tpu.memory_space<hbm>>
    tpu.wait_dma2 semaphore(%arg10 : memref<!tpu.dma_semaphore, #tpu.memory_space<semaphore_mem>>) src(%dma_wait3A_1020 : memref<32xf32, #tpu.memory_space<hbm>>) dst(%dma_wait3A_1018 : memref<32xf32, #tpu.memory_space<vmem>>)
    %dma_wait3A_1021 = arith.constant 10 : i32
    %dma_wait3A_1022 = arith.constant 10 : i32
    %dma_wait3A_1023 = arith.constant 0 : i32
    %dma_wait3A_1024 = tpu.memref_slice %arg7[%dma_wait3A_1022, %dma_wait3A_1023] : memref<32x32xi32, #tpu.memory_space<vmem>> -> memref<1x32xi32, #tpu.memory_space<vmem>>
    %dma_wait3A_1025 = tpu.memref_squeeze %dma_wait3A_1024 : memref<1x32xi32, #tpu.memory_space<vmem>> -> memref<32xi32, #tpu.memory_space<vmem>>
    %dma_wait3A_1026 = tpu.memref_slice %arg3[%dma_wait3A_1021, %mul3A_2] : memref<32x1024xi32, #tpu.memory_space<hbm>> -> memref<1x32xi32, #tpu.memory_space<hbm>>
    %dma_wait3A_1027 = tpu.memref_squeeze %dma_wait3A_1026 : memref<1x32xi32, #tpu.memory_space<hbm>> -> memref<32xi32, #tpu.memory_space<hbm>>
    %dma_wait3A_1028 = arith.constant 0 : i32
    %dma_wait3A_1029 = tpu.memref_slice %arg7[%dma_wait3A_1022, %dma_wait3A_1028] : memref<32x32xi32, #tpu.memory_space<vmem>> -> memref<1x32xi32, #tpu.memory_space<vmem>>
    %dma_wait3A_1030 = tpu.memref_squeeze %dma_wait3A_1029 : memref<1x32xi32, #tpu.memory_space<vmem>> -> memref<32xi32, #tpu.memory_space<vmem>>
    %dma_wait3A_1031 = tpu.memref_slice %arg3[%dma_wait3A_1021, %mul3A_2] : memref<32x1024xi32, #tpu.memory_space<hbm>> -> memref<1x32xi32, #tpu.memory_space<hbm>>
    %dma_wait3A_1032 = tpu.memref_squeeze %dma_wait3A_1031 : memref<1x32xi32, #tpu.memory_space<hbm>> -> memref<32xi32, #tpu.memory_space<hbm>>
    tpu.wait_dma2 semaphore(%arg10 : memref<!tpu.dma_semaphore, #tpu.memory_space<semaphore_mem>>) src(%dma_wait3A_1032 : memref<32xi32, #tpu.memory_space<hbm>>) dst(%dma_wait3A_1030 : memref<32xi32, #tpu.memory_space<vmem>>)
    %dma_wait3A_1033 = arith.constant 11 : i32
    %dma_wait3A_1034 = arith.constant 11 : i32
    %dma_wait3A_1035 = arith.constant 0 : i32
    %dma_wait3A_1036 = tpu.memref_slice %arg6[%dma_wait3A_1034, %dma_wait3A_1035] : memref<32x32xf32, #tpu.memory_space<vmem>> -> memref<1x32xf32, #tpu.memory_space<vmem>>
    %dma_wait3A_1037 = tpu.memref_squeeze %dma_wait3A_1036 : memref<1x32xf32, #tpu.memory_space<vmem>> -> memref<32xf32, #tpu.memory_space<vmem>>
    %dma_wait3A_1038 = tpu.memref_slice %arg2[%dma_wait3A_1033, %mul3A_2] : memref<32x1024xf32, #tpu.memory_space<hbm>> -> memref<1x32xf32, #tpu.memory_space<hbm>>
    %dma_wait3A_1039 = tpu.memref_squeeze %dma_wait3A_1038 : memref<1x32xf32, #tpu.memory_space<hbm>> -> memref<32xf32, #tpu.memory_space<hbm>>
    %dma_wait3A_1040 = arith.constant 0 : i32
    %dma_wait3A_1041 = tpu.memref_slice %arg6[%dma_wait3A_1034, %dma_wait3A_1040] : memref<32x32xf32, #tpu.memory_space<vmem>> -> memref<1x32xf32, #tpu.memory_space<vmem>>
    %dma_wait3A_1042 = tpu.memref_squeeze %dma_wait3A_1041 : memref<1x32xf32, #tpu.memory_space<vmem>> -> memref<32xf32, #tpu.memory_space<vmem>>
    %dma_wait3A_1043 = tpu.memref_slice %arg2[%dma_wait3A_1033, %mul3A_2] : memref<32x1024xf32, #tpu.memory_space<hbm>> -> memref<1x32xf32, #tpu.memory_space<hbm>>
    %dma_wait3A_1044 = tpu.memref_squeeze %dma_wait3A_1043 : memref<1x32xf32, #tpu.memory_space<hbm>> -> memref<32xf32, #tpu.memory_space<hbm>>
    tpu.wait_dma2 semaphore(%arg10 : memref<!tpu.dma_semaphore, #tpu.memory_space<semaphore_mem>>) src(%dma_wait3A_1044 : memref<32xf32, #tpu.memory_space<hbm>>) dst(%dma_wait3A_1042 : memref<32xf32, #tpu.memory_space<vmem>>)
    %dma_wait3A_1045 = arith.constant 11 : i32
    %dma_wait3A_1046 = arith.constant 11 : i32
    %dma_wait3A_1047 = arith.constant 0 : i32
    %dma_wait3A_1048 = tpu.memref_slice %arg7[%dma_wait3A_1046, %dma_wait3A_1047] : memref<32x32xi32, #tpu.memory_space<vmem>> -> memref<1x32xi32, #tpu.memory_space<vmem>>
    %dma_wait3A_1049 = tpu.memref_squeeze %dma_wait3A_1048 : memref<1x32xi32, #tpu.memory_space<vmem>> -> memref<32xi32, #tpu.memory_space<vmem>>
    %dma_wait3A_1050 = tpu.memref_slice %arg3[%dma_wait3A_1045, %mul3A_2] : memref<32x1024xi32, #tpu.memory_space<hbm>> -> memref<1x32xi32, #tpu.memory_space<hbm>>
    %dma_wait3A_1051 = tpu.memref_squeeze %dma_wait3A_1050 : memref<1x32xi32, #tpu.memory_space<hbm>> -> memref<32xi32, #tpu.memory_space<hbm>>
    %dma_wait3A_1052 = arith.constant 0 : i32
    %dma_wait3A_1053 = tpu.memref_slice %arg7[%dma_wait3A_1046, %dma_wait3A_1052] : memref<32x32xi32, #tpu.memory_space<vmem>> -> memref<1x32xi32, #tpu.memory_space<vmem>>
    %dma_wait3A_1054 = tpu.memref_squeeze %dma_wait3A_1053 : memref<1x32xi32, #tpu.memory_space<vmem>> -> memref<32xi32, #tpu.memory_space<vmem>>
    %dma_wait3A_1055 = tpu.memref_slice %arg3[%dma_wait3A_1045, %mul3A_2] : memref<32x1024xi32, #tpu.memory_space<hbm>> -> memref<1x32xi32, #tpu.memory_space<hbm>>
    %dma_wait3A_1056 = tpu.memref_squeeze %dma_wait3A_1055 : memref<1x32xi32, #tpu.memory_space<hbm>> -> memref<32xi32, #tpu.memory_space<hbm>>
    tpu.wait_dma2 semaphore(%arg10 : memref<!tpu.dma_semaphore, #tpu.memory_space<semaphore_mem>>) src(%dma_wait3A_1056 : memref<32xi32, #tpu.memory_space<hbm>>) dst(%dma_wait3A_1054 : memref<32xi32, #tpu.memory_space<vmem>>)
    %dma_wait3A_1057 = arith.constant 12 : i32
    %dma_wait3A_1058 = arith.constant 12 : i32
    %dma_wait3A_1059 = arith.constant 0 : i32
    %dma_wait3A_1060 = tpu.memref_slice %arg6[%dma_wait3A_1058, %dma_wait3A_1059] : memref<32x32xf32, #tpu.memory_space<vmem>> -> memref<1x32xf32, #tpu.memory_space<vmem>>
    %dma_wait3A_1061 = tpu.memref_squeeze %dma_wait3A_1060 : memref<1x32xf32, #tpu.memory_space<vmem>> -> memref<32xf32, #tpu.memory_space<vmem>>
    %dma_wait3A_1062 = tpu.memref_slice %arg2[%dma_wait3A_1057, %mul3A_2] : memref<32x1024xf32, #tpu.memory_space<hbm>> -> memref<1x32xf32, #tpu.memory_space<hbm>>
    %dma_wait3A_1063 = tpu.memref_squeeze %dma_wait3A_1062 : memref<1x32xf32, #tpu.memory_space<hbm>> -> memref<32xf32, #tpu.memory_space<hbm>>
    %dma_wait3A_1064 = arith.constant 0 : i32
    %dma_wait3A_1065 = tpu.memref_slice %arg6[%dma_wait3A_1058, %dma_wait3A_1064] : memref<32x32xf32, #tpu.memory_space<vmem>> -> memref<1x32xf32, #tpu.memory_space<vmem>>
    %dma_wait3A_1066 = tpu.memref_squeeze %dma_wait3A_1065 : memref<1x32xf32, #tpu.memory_space<vmem>> -> memref<32xf32, #tpu.memory_space<vmem>>
    %dma_wait3A_1067 = tpu.memref_slice %arg2[%dma_wait3A_1057, %mul3A_2] : memref<32x1024xf32, #tpu.memory_space<hbm>> -> memref<1x32xf32, #tpu.memory_space<hbm>>
    %dma_wait3A_1068 = tpu.memref_squeeze %dma_wait3A_1067 : memref<1x32xf32, #tpu.memory_space<hbm>> -> memref<32xf32, #tpu.memory_space<hbm>>
    tpu.wait_dma2 semaphore(%arg10 : memref<!tpu.dma_semaphore, #tpu.memory_space<semaphore_mem>>) src(%dma_wait3A_1068 : memref<32xf32, #tpu.memory_space<hbm>>) dst(%dma_wait3A_1066 : memref<32xf32, #tpu.memory_space<vmem>>)
    %dma_wait3A_1069 = arith.constant 12 : i32
    %dma_wait3A_1070 = arith.constant 12 : i32
    %dma_wait3A_1071 = arith.constant 0 : i32
    %dma_wait3A_1072 = tpu.memref_slice %arg7[%dma_wait3A_1070, %dma_wait3A_1071] : memref<32x32xi32, #tpu.memory_space<vmem>> -> memref<1x32xi32, #tpu.memory_space<vmem>>
    %dma_wait3A_1073 = tpu.memref_squeeze %dma_wait3A_1072 : memref<1x32xi32, #tpu.memory_space<vmem>> -> memref<32xi32, #tpu.memory_space<vmem>>
    %dma_wait3A_1074 = tpu.memref_slice %arg3[%dma_wait3A_1069, %mul3A_2] : memref<32x1024xi32, #tpu.memory_space<hbm>> -> memref<1x32xi32, #tpu.memory_space<hbm>>
    %dma_wait3A_1075 = tpu.memref_squeeze %dma_wait3A_1074 : memref<1x32xi32, #tpu.memory_space<hbm>> -> memref<32xi32, #tpu.memory_space<hbm>>
    %dma_wait3A_1076 = arith.constant 0 : i32
    %dma_wait3A_1077 = tpu.memref_slice %arg7[%dma_wait3A_1070, %dma_wait3A_1076] : memref<32x32xi32, #tpu.memory_space<vmem>> -> memref<1x32xi32, #tpu.memory_space<vmem>>
    %dma_wait3A_1078 = tpu.memref_squeeze %dma_wait3A_1077 : memref<1x32xi32, #tpu.memory_space<vmem>> -> memref<32xi32, #tpu.memory_space<vmem>>
    %dma_wait3A_1079 = tpu.memref_slice %arg3[%dma_wait3A_1069, %mul3A_2] : memref<32x1024xi32, #tpu.memory_space<hbm>> -> memref<1x32xi32, #tpu.memory_space<hbm>>
    %dma_wait3A_1080 = tpu.memref_squeeze %dma_wait3A_1079 : memref<1x32xi32, #tpu.memory_space<hbm>> -> memref<32xi32, #tpu.memory_space<hbm>>
    tpu.wait_dma2 semaphore(%arg10 : memref<!tpu.dma_semaphore, #tpu.memory_space<semaphore_mem>>) src(%dma_wait3A_1080 : memref<32xi32, #tpu.memory_space<hbm>>) dst(%dma_wait3A_1078 : memref<32xi32, #tpu.memory_space<vmem>>)
    %dma_wait3A_1081 = arith.constant 13 : i32
    %dma_wait3A_1082 = arith.constant 13 : i32
    %dma_wait3A_1083 = arith.constant 0 : i32
    %dma_wait3A_1084 = tpu.memref_slice %arg6[%dma_wait3A_1082, %dma_wait3A_1083] : memref<32x32xf32, #tpu.memory_space<vmem>> -> memref<1x32xf32, #tpu.memory_space<vmem>>
    %dma_wait3A_1085 = tpu.memref_squeeze %dma_wait3A_1084 : memref<1x32xf32, #tpu.memory_space<vmem>> -> memref<32xf32, #tpu.memory_space<vmem>>
    %dma_wait3A_1086 = tpu.memref_slice %arg2[%dma_wait3A_1081, %mul3A_2] : memref<32x1024xf32, #tpu.memory_space<hbm>> -> memref<1x32xf32, #tpu.memory_space<hbm>>
    %dma_wait3A_1087 = tpu.memref_squeeze %dma_wait3A_1086 : memref<1x32xf32, #tpu.memory_space<hbm>> -> memref<32xf32, #tpu.memory_space<hbm>>
    %dma_wait3A_1088 = arith.constant 0 : i32
    %dma_wait3A_1089 = tpu.memref_slice %arg6[%dma_wait3A_1082, %dma_wait3A_1088] : memref<32x32xf32, #tpu.memory_space<vmem>> -> memref<1x32xf32, #tpu.memory_space<vmem>>
    %dma_wait3A_1090 = tpu.memref_squeeze %dma_wait3A_1089 : memref<1x32xf32, #tpu.memory_space<vmem>> -> memref<32xf32, #tpu.memory_space<vmem>>
    %dma_wait3A_1091 = tpu.memref_slice %arg2[%dma_wait3A_1081, %mul3A_2] : memref<32x1024xf32, #tpu.memory_space<hbm>> -> memref<1x32xf32, #tpu.memory_space<hbm>>
    %dma_wait3A_1092 = tpu.memref_squeeze %dma_wait3A_1091 : memref<1x32xf32, #tpu.memory_space<hbm>> -> memref<32xf32, #tpu.memory_space<hbm>>
    tpu.wait_dma2 semaphore(%arg10 : memref<!tpu.dma_semaphore, #tpu.memory_space<semaphore_mem>>) src(%dma_wait3A_1092 : memref<32xf32, #tpu.memory_space<hbm>>) dst(%dma_wait3A_1090 : memref<32xf32, #tpu.memory_space<vmem>>)
    %dma_wait3A_1093 = arith.constant 13 : i32
    %dma_wait3A_1094 = arith.constant 13 : i32
    %dma_wait3A_1095 = arith.constant 0 : i32
    %dma_wait3A_1096 = tpu.memref_slice %arg7[%dma_wait3A_1094, %dma_wait3A_1095] : memref<32x32xi32, #tpu.memory_space<vmem>> -> memref<1x32xi32, #tpu.memory_space<vmem>>
    %dma_wait3A_1097 = tpu.memref_squeeze %dma_wait3A_1096 : memref<1x32xi32, #tpu.memory_space<vmem>> -> memref<32xi32, #tpu.memory_space<vmem>>
    %dma_wait3A_1098 = tpu.memref_slice %arg3[%dma_wait3A_1093, %mul3A_2] : memref<32x1024xi32, #tpu.memory_space<hbm>> -> memref<1x32xi32, #tpu.memory_space<hbm>>
    %dma_wait3A_1099 = tpu.memref_squeeze %dma_wait3A_1098 : memref<1x32xi32, #tpu.memory_space<hbm>> -> memref<32xi32, #tpu.memory_space<hbm>>
    %dma_wait3A_1100 = arith.constant 0 : i32
    %dma_wait3A_1101 = tpu.memref_slice %arg7[%dma_wait3A_1094, %dma_wait3A_1100] : memref<32x32xi32, #tpu.memory_space<vmem>> -> memref<1x32xi32, #tpu.memory_space<vmem>>
    %dma_wait3A_1102 = tpu.memref_squeeze %dma_wait3A_1101 : memref<1x32xi32, #tpu.memory_space<vmem>> -> memref<32xi32, #tpu.memory_space<vmem>>
    %dma_wait3A_1103 = tpu.memref_slice %arg3[%dma_wait3A_1093, %mul3A_2] : memref<32x1024xi32, #tpu.memory_space<hbm>> -> memref<1x32xi32, #tpu.memory_space<hbm>>
    %dma_wait3A_1104 = tpu.memref_squeeze %dma_wait3A_1103 : memref<1x32xi32, #tpu.memory_space<hbm>> -> memref<32xi32, #tpu.memory_space<hbm>>
    tpu.wait_dma2 semaphore(%arg10 : memref<!tpu.dma_semaphore, #tpu.memory_space<semaphore_mem>>) src(%dma_wait3A_1104 : memref<32xi32, #tpu.memory_space<hbm>>) dst(%dma_wait3A_1102 : memref<32xi32, #tpu.memory_space<vmem>>)
    %dma_wait3A_1105 = arith.constant 14 : i32
    %dma_wait3A_1106 = arith.constant 14 : i32
    %dma_wait3A_1107 = arith.constant 0 : i32
    %dma_wait3A_1108 = tpu.memref_slice %arg6[%dma_wait3A_1106, %dma_wait3A_1107] : memref<32x32xf32, #tpu.memory_space<vmem>> -> memref<1x32xf32, #tpu.memory_space<vmem>>
    %dma_wait3A_1109 = tpu.memref_squeeze %dma_wait3A_1108 : memref<1x32xf32, #tpu.memory_space<vmem>> -> memref<32xf32, #tpu.memory_space<vmem>>
    %dma_wait3A_1110 = tpu.memref_slice %arg2[%dma_wait3A_1105, %mul3A_2] : memref<32x1024xf32, #tpu.memory_space<hbm>> -> memref<1x32xf32, #tpu.memory_space<hbm>>
    %dma_wait3A_1111 = tpu.memref_squeeze %dma_wait3A_1110 : memref<1x32xf32, #tpu.memory_space<hbm>> -> memref<32xf32, #tpu.memory_space<hbm>>
    %dma_wait3A_1112 = arith.constant 0 : i32
    %dma_wait3A_1113 = tpu.memref_slice %arg6[%dma_wait3A_1106, %dma_wait3A_1112] : memref<32x32xf32, #tpu.memory_space<vmem>> -> memref<1x32xf32, #tpu.memory_space<vmem>>
    %dma_wait3A_1114 = tpu.memref_squeeze %dma_wait3A_1113 : memref<1x32xf32, #tpu.memory_space<vmem>> -> memref<32xf32, #tpu.memory_space<vmem>>
    %dma_wait3A_1115 = tpu.memref_slice %arg2[%dma_wait3A_1105, %mul3A_2] : memref<32x1024xf32, #tpu.memory_space<hbm>> -> memref<1x32xf32, #tpu.memory_space<hbm>>
    %dma_wait3A_1116 = tpu.memref_squeeze %dma_wait3A_1115 : memref<1x32xf32, #tpu.memory_space<hbm>> -> memref<32xf32, #tpu.memory_space<hbm>>
    tpu.wait_dma2 semaphore(%arg10 : memref<!tpu.dma_semaphore, #tpu.memory_space<semaphore_mem>>) src(%dma_wait3A_1116 : memref<32xf32, #tpu.memory_space<hbm>>) dst(%dma_wait3A_1114 : memref<32xf32, #tpu.memory_space<vmem>>)
    %dma_wait3A_1117 = arith.constant 14 : i32
    %dma_wait3A_1118 = arith.constant 14 : i32
    %dma_wait3A_1119 = arith.constant 0 : i32
    %dma_wait3A_1120 = tpu.memref_slice %arg7[%dma_wait3A_1118, %dma_wait3A_1119] : memref<32x32xi32, #tpu.memory_space<vmem>> -> memref<1x32xi32, #tpu.memory_space<vmem>>
    %dma_wait3A_1121 = tpu.memref_squeeze %dma_wait3A_1120 : memref<1x32xi32, #tpu.memory_space<vmem>> -> memref<32xi32, #tpu.memory_space<vmem>>
    %dma_wait3A_1122 = tpu.memref_slice %arg3[%dma_wait3A_1117, %mul3A_2] : memref<32x1024xi32, #tpu.memory_space<hbm>> -> memref<1x32xi32, #tpu.memory_space<hbm>>
    %dma_wait3A_1123 = tpu.memref_squeeze %dma_wait3A_1122 : memref<1x32xi32, #tpu.memory_space<hbm>> -> memref<32xi32, #tpu.memory_space<hbm>>
    %dma_wait3A_1124 = arith.constant 0 : i32
    %dma_wait3A_1125 = tpu.memref_slice %arg7[%dma_wait3A_1118, %dma_wait3A_1124] : memref<32x32xi32, #tpu.memory_space<vmem>> -> memref<1x32xi32, #tpu.memory_space<vmem>>
    %dma_wait3A_1126 = tpu.memref_squeeze %dma_wait3A_1125 : memref<1x32xi32, #tpu.memory_space<vmem>> -> memref<32xi32, #tpu.memory_space<vmem>>
    %dma_wait3A_1127 = tpu.memref_slice %arg3[%dma_wait3A_1117, %mul3A_2] : memref<32x1024xi32, #tpu.memory_space<hbm>> -> memref<1x32xi32, #tpu.memory_space<hbm>>
    %dma_wait3A_1128 = tpu.memref_squeeze %dma_wait3A_1127 : memref<1x32xi32, #tpu.memory_space<hbm>> -> memref<32xi32, #tpu.memory_space<hbm>>
    tpu.wait_dma2 semaphore(%arg10 : memref<!tpu.dma_semaphore, #tpu.memory_space<semaphore_mem>>) src(%dma_wait3A_1128 : memref<32xi32, #tpu.memory_space<hbm>>) dst(%dma_wait3A_1126 : memref<32xi32, #tpu.memory_space<vmem>>)
    %dma_wait3A_1129 = arith.constant 15 : i32
    %dma_wait3A_1130 = arith.constant 15 : i32
    %dma_wait3A_1131 = arith.constant 0 : i32
    %dma_wait3A_1132 = tpu.memref_slice %arg6[%dma_wait3A_1130, %dma_wait3A_1131] : memref<32x32xf32, #tpu.memory_space<vmem>> -> memref<1x32xf32, #tpu.memory_space<vmem>>
    %dma_wait3A_1133 = tpu.memref_squeeze %dma_wait3A_1132 : memref<1x32xf32, #tpu.memory_space<vmem>> -> memref<32xf32, #tpu.memory_space<vmem>>
    %dma_wait3A_1134 = tpu.memref_slice %arg2[%dma_wait3A_1129, %mul3A_2] : memref<32x1024xf32, #tpu.memory_space<hbm>> -> memref<1x32xf32, #tpu.memory_space<hbm>>
    %dma_wait3A_1135 = tpu.memref_squeeze %dma_wait3A_1134 : memref<1x32xf32, #tpu.memory_space<hbm>> -> memref<32xf32, #tpu.memory_space<hbm>>
    %dma_wait3A_1136 = arith.constant 0 : i32
    %dma_wait3A_1137 = tpu.memref_slice %arg6[%dma_wait3A_1130, %dma_wait3A_1136] : memref<32x32xf32, #tpu.memory_space<vmem>> -> memref<1x32xf32, #tpu.memory_space<vmem>>
    %dma_wait3A_1138 = tpu.memref_squeeze %dma_wait3A_1137 : memref<1x32xf32, #tpu.memory_space<vmem>> -> memref<32xf32, #tpu.memory_space<vmem>>
    %dma_wait3A_1139 = tpu.memref_slice %arg2[%dma_wait3A_1129, %mul3A_2] : memref<32x1024xf32, #tpu.memory_space<hbm>> -> memref<1x32xf32, #tpu.memory_space<hbm>>
    %dma_wait3A_1140 = tpu.memref_squeeze %dma_wait3A_1139 : memref<1x32xf32, #tpu.memory_space<hbm>> -> memref<32xf32, #tpu.memory_space<hbm>>
    tpu.wait_dma2 semaphore(%arg10 : memref<!tpu.dma_semaphore, #tpu.memory_space<semaphore_mem>>) src(%dma_wait3A_1140 : memref<32xf32, #tpu.memory_space<hbm>>) dst(%dma_wait3A_1138 : memref<32xf32, #tpu.memory_space<vmem>>)
    %dma_wait3A_1141 = arith.constant 15 : i32
    %dma_wait3A_1142 = arith.constant 15 : i32
    %dma_wait3A_1143 = arith.constant 0 : i32
    %dma_wait3A_1144 = tpu.memref_slice %arg7[%dma_wait3A_1142, %dma_wait3A_1143] : memref<32x32xi32, #tpu.memory_space<vmem>> -> memref<1x32xi32, #tpu.memory_space<vmem>>
    %dma_wait3A_1145 = tpu.memref_squeeze %dma_wait3A_1144 : memref<1x32xi32, #tpu.memory_space<vmem>> -> memref<32xi32, #tpu.memory_space<vmem>>
    %dma_wait3A_1146 = tpu.memref_slice %arg3[%dma_wait3A_1141, %mul3A_2] : memref<32x1024xi32, #tpu.memory_space<hbm>> -> memref<1x32xi32, #tpu.memory_space<hbm>>
    %dma_wait3A_1147 = tpu.memref_squeeze %dma_wait3A_1146 : memref<1x32xi32, #tpu.memory_space<hbm>> -> memref<32xi32, #tpu.memory_space<hbm>>
    %dma_wait3A_1148 = arith.constant 0 : i32
    %dma_wait3A_1149 = tpu.memref_slice %arg7[%dma_wait3A_1142, %dma_wait3A_1148] : memref<32x32xi32, #tpu.memory_space<vmem>> -> memref<1x32xi32, #tpu.memory_space<vmem>>
    %dma_wait3A_1150 = tpu.memref_squeeze %dma_wait3A_1149 : memref<1x32xi32, #tpu.memory_space<vmem>> -> memref<32xi32, #tpu.memory_space<vmem>>
    %dma_wait3A_1151 = tpu.memref_slice %arg3[%dma_wait3A_1141, %mul3A_2] : memref<32x1024xi32, #tpu.memory_space<hbm>> -> memref<1x32xi32, #tpu.memory_space<hbm>>
    %dma_wait3A_1152 = tpu.memref_squeeze %dma_wait3A_1151 : memref<1x32xi32, #tpu.memory_space<hbm>> -> memref<32xi32, #tpu.memory_space<hbm>>
    tpu.wait_dma2 semaphore(%arg10 : memref<!tpu.dma_semaphore, #tpu.memory_space<semaphore_mem>>) src(%dma_wait3A_1152 : memref<32xi32, #tpu.memory_space<hbm>>) dst(%dma_wait3A_1150 : memref<32xi32, #tpu.memory_space<vmem>>)
    %dma_wait3A_1153 = arith.constant 16 : i32
    %dma_wait3A_1154 = arith.constant 16 : i32
    %dma_wait3A_1155 = arith.constant 0 : i32
    %dma_wait3A_1156 = tpu.memref_slice %arg6[%dma_wait3A_1154, %dma_wait3A_1155] : memref<32x32xf32, #tpu.memory_space<vmem>> -> memref<1x32xf32, #tpu.memory_space<vmem>>
    %dma_wait3A_1157 = tpu.memref_squeeze %dma_wait3A_1156 : memref<1x32xf32, #tpu.memory_space<vmem>> -> memref<32xf32, #tpu.memory_space<vmem>>
    %dma_wait3A_1158 = tpu.memref_slice %arg2[%dma_wait3A_1153, %mul3A_2] : memref<32x1024xf32, #tpu.memory_space<hbm>> -> memref<1x32xf32, #tpu.memory_space<hbm>>
    %dma_wait3A_1159 = tpu.memref_squeeze %dma_wait3A_1158 : memref<1x32xf32, #tpu.memory_space<hbm>> -> memref<32xf32, #tpu.memory_space<hbm>>
    %dma_wait3A_1160 = arith.constant 0 : i32
    %dma_wait3A_1161 = tpu.memref_slice %arg6[%dma_wait3A_1154, %dma_wait3A_1160] : memref<32x32xf32, #tpu.memory_space<vmem>> -> memref<1x32xf32, #tpu.memory_space<vmem>>
    %dma_wait3A_1162 = tpu.memref_squeeze %dma_wait3A_1161 : memref<1x32xf32, #tpu.memory_space<vmem>> -> memref<32xf32, #tpu.memory_space<vmem>>
    %dma_wait3A_1163 = tpu.memref_slice %arg2[%dma_wait3A_1153, %mul3A_2] : memref<32x1024xf32, #tpu.memory_space<hbm>> -> memref<1x32xf32, #tpu.memory_space<hbm>>
    %dma_wait3A_1164 = tpu.memref_squeeze %dma_wait3A_1163 : memref<1x32xf32, #tpu.memory_space<hbm>> -> memref<32xf32, #tpu.memory_space<hbm>>
    tpu.wait_dma2 semaphore(%arg10 : memref<!tpu.dma_semaphore, #tpu.memory_space<semaphore_mem>>) src(%dma_wait3A_1164 : memref<32xf32, #tpu.memory_space<hbm>>) dst(%dma_wait3A_1162 : memref<32xf32, #tpu.memory_space<vmem>>)
    %dma_wait3A_1165 = arith.constant 16 : i32
    %dma_wait3A_1166 = arith.constant 16 : i32
    %dma_wait3A_1167 = arith.constant 0 : i32
    %dma_wait3A_1168 = tpu.memref_slice %arg7[%dma_wait3A_1166, %dma_wait3A_1167] : memref<32x32xi32, #tpu.memory_space<vmem>> -> memref<1x32xi32, #tpu.memory_space<vmem>>
    %dma_wait3A_1169 = tpu.memref_squeeze %dma_wait3A_1168 : memref<1x32xi32, #tpu.memory_space<vmem>> -> memref<32xi32, #tpu.memory_space<vmem>>
    %dma_wait3A_1170 = tpu.memref_slice %arg3[%dma_wait3A_1165, %mul3A_2] : memref<32x1024xi32, #tpu.memory_space<hbm>> -> memref<1x32xi32, #tpu.memory_space<hbm>>
    %dma_wait3A_1171 = tpu.memref_squeeze %dma_wait3A_1170 : memref<1x32xi32, #tpu.memory_space<hbm>> -> memref<32xi32, #tpu.memory_space<hbm>>
    %dma_wait3A_1172 = arith.constant 0 : i32
    %dma_wait3A_1173 = tpu.memref_slice %arg7[%dma_wait3A_1166, %dma_wait3A_1172] : memref<32x32xi32, #tpu.memory_space<vmem>> -> memref<1x32xi32, #tpu.memory_space<vmem>>
    %dma_wait3A_1174 = tpu.memref_squeeze %dma_wait3A_1173 : memref<1x32xi32, #tpu.memory_space<vmem>> -> memref<32xi32, #tpu.memory_space<vmem>>
    %dma_wait3A_1175 = tpu.memref_slice %arg3[%dma_wait3A_1165, %mul3A_2] : memref<32x1024xi32, #tpu.memory_space<hbm>> -> memref<1x32xi32, #tpu.memory_space<hbm>>
    %dma_wait3A_1176 = tpu.memref_squeeze %dma_wait3A_1175 : memref<1x32xi32, #tpu.memory_space<hbm>> -> memref<32xi32, #tpu.memory_space<hbm>>
    tpu.wait_dma2 semaphore(%arg10 : memref<!tpu.dma_semaphore, #tpu.memory_space<semaphore_mem>>) src(%dma_wait3A_1176 : memref<32xi32, #tpu.memory_space<hbm>>) dst(%dma_wait3A_1174 : memref<32xi32, #tpu.memory_space<vmem>>)
    %dma_wait3A_1177 = arith.constant 17 : i32
    %dma_wait3A_1178 = arith.constant 17 : i32
    %dma_wait3A_1179 = arith.constant 0 : i32
    %dma_wait3A_1180 = tpu.memref_slice %arg6[%dma_wait3A_1178, %dma_wait3A_1179] : memref<32x32xf32, #tpu.memory_space<vmem>> -> memref<1x32xf32, #tpu.memory_space<vmem>>
    %dma_wait3A_1181 = tpu.memref_squeeze %dma_wait3A_1180 : memref<1x32xf32, #tpu.memory_space<vmem>> -> memref<32xf32, #tpu.memory_space<vmem>>
    %dma_wait3A_1182 = tpu.memref_slice %arg2[%dma_wait3A_1177, %mul3A_2] : memref<32x1024xf32, #tpu.memory_space<hbm>> -> memref<1x32xf32, #tpu.memory_space<hbm>>
    %dma_wait3A_1183 = tpu.memref_squeeze %dma_wait3A_1182 : memref<1x32xf32, #tpu.memory_space<hbm>> -> memref<32xf32, #tpu.memory_space<hbm>>
    %dma_wait3A_1184 = arith.constant 0 : i32
    %dma_wait3A_1185 = tpu.memref_slice %arg6[%dma_wait3A_1178, %dma_wait3A_1184] : memref<32x32xf32, #tpu.memory_space<vmem>> -> memref<1x32xf32, #tpu.memory_space<vmem>>
    %dma_wait3A_1186 = tpu.memref_squeeze %dma_wait3A_1185 : memref<1x32xf32, #tpu.memory_space<vmem>> -> memref<32xf32, #tpu.memory_space<vmem>>
    %dma_wait3A_1187 = tpu.memref_slice %arg2[%dma_wait3A_1177, %mul3A_2] : memref<32x1024xf32, #tpu.memory_space<hbm>> -> memref<1x32xf32, #tpu.memory_space<hbm>>
    %dma_wait3A_1188 = tpu.memref_squeeze %dma_wait3A_1187 : memref<1x32xf32, #tpu.memory_space<hbm>> -> memref<32xf32, #tpu.memory_space<hbm>>
    tpu.wait_dma2 semaphore(%arg10 : memref<!tpu.dma_semaphore, #tpu.memory_space<semaphore_mem>>) src(%dma_wait3A_1188 : memref<32xf32, #tpu.memory_space<hbm>>) dst(%dma_wait3A_1186 : memref<32xf32, #tpu.memory_space<vmem>>)
    %dma_wait3A_1189 = arith.constant 17 : i32
    %dma_wait3A_1190 = arith.constant 17 : i32
    %dma_wait3A_1191 = arith.constant 0 : i32
    %dma_wait3A_1192 = tpu.memref_slice %arg7[%dma_wait3A_1190, %dma_wait3A_1191] : memref<32x32xi32, #tpu.memory_space<vmem>> -> memref<1x32xi32, #tpu.memory_space<vmem>>
    %dma_wait3A_1193 = tpu.memref_squeeze %dma_wait3A_1192 : memref<1x32xi32, #tpu.memory_space<vmem>> -> memref<32xi32, #tpu.memory_space<vmem>>
    %dma_wait3A_1194 = tpu.memref_slice %arg3[%dma_wait3A_1189, %mul3A_2] : memref<32x1024xi32, #tpu.memory_space<hbm>> -> memref<1x32xi32, #tpu.memory_space<hbm>>
    %dma_wait3A_1195 = tpu.memref_squeeze %dma_wait3A_1194 : memref<1x32xi32, #tpu.memory_space<hbm>> -> memref<32xi32, #tpu.memory_space<hbm>>
    %dma_wait3A_1196 = arith.constant 0 : i32
    %dma_wait3A_1197 = tpu.memref_slice %arg7[%dma_wait3A_1190, %dma_wait3A_1196] : memref<32x32xi32, #tpu.memory_space<vmem>> -> memref<1x32xi32, #tpu.memory_space<vmem>>
    %dma_wait3A_1198 = tpu.memref_squeeze %dma_wait3A_1197 : memref<1x32xi32, #tpu.memory_space<vmem>> -> memref<32xi32, #tpu.memory_space<vmem>>
    %dma_wait3A_1199 = tpu.memref_slice %arg3[%dma_wait3A_1189, %mul3A_2] : memref<32x1024xi32, #tpu.memory_space<hbm>> -> memref<1x32xi32, #tpu.memory_space<hbm>>
    %dma_wait3A_1200 = tpu.memref_squeeze %dma_wait3A_1199 : memref<1x32xi32, #tpu.memory_space<hbm>> -> memref<32xi32, #tpu.memory_space<hbm>>
    tpu.wait_dma2 semaphore(%arg10 : memref<!tpu.dma_semaphore, #tpu.memory_space<semaphore_mem>>) src(%dma_wait3A_1200 : memref<32xi32, #tpu.memory_space<hbm>>) dst(%dma_wait3A_1198 : memref<32xi32, #tpu.memory_space<vmem>>)
    %dma_wait3A_1201 = arith.constant 18 : i32
    %dma_wait3A_1202 = arith.constant 18 : i32
    %dma_wait3A_1203 = arith.constant 0 : i32
    %dma_wait3A_1204 = tpu.memref_slice %arg6[%dma_wait3A_1202, %dma_wait3A_1203] : memref<32x32xf32, #tpu.memory_space<vmem>> -> memref<1x32xf32, #tpu.memory_space<vmem>>
    %dma_wait3A_1205 = tpu.memref_squeeze %dma_wait3A_1204 : memref<1x32xf32, #tpu.memory_space<vmem>> -> memref<32xf32, #tpu.memory_space<vmem>>
    %dma_wait3A_1206 = tpu.memref_slice %arg2[%dma_wait3A_1201, %mul3A_2] : memref<32x1024xf32, #tpu.memory_space<hbm>> -> memref<1x32xf32, #tpu.memory_space<hbm>>
    %dma_wait3A_1207 = tpu.memref_squeeze %dma_wait3A_1206 : memref<1x32xf32, #tpu.memory_space<hbm>> -> memref<32xf32, #tpu.memory_space<hbm>>
    %dma_wait3A_1208 = arith.constant 0 : i32
    %dma_wait3A_1209 = tpu.memref_slice %arg6[%dma_wait3A_1202, %dma_wait3A_1208] : memref<32x32xf32, #tpu.memory_space<vmem>> -> memref<1x32xf32, #tpu.memory_space<vmem>>
    %dma_wait3A_1210 = tpu.memref_squeeze %dma_wait3A_1209 : memref<1x32xf32, #tpu.memory_space<vmem>> -> memref<32xf32, #tpu.memory_space<vmem>>
    %dma_wait3A_1211 = tpu.memref_slice %arg2[%dma_wait3A_1201, %mul3A_2] : memref<32x1024xf32, #tpu.memory_space<hbm>> -> memref<1x32xf32, #tpu.memory_space<hbm>>
    %dma_wait3A_1212 = tpu.memref_squeeze %dma_wait3A_1211 : memref<1x32xf32, #tpu.memory_space<hbm>> -> memref<32xf32, #tpu.memory_space<hbm>>
    tpu.wait_dma2 semaphore(%arg10 : memref<!tpu.dma_semaphore, #tpu.memory_space<semaphore_mem>>) src(%dma_wait3A_1212 : memref<32xf32, #tpu.memory_space<hbm>>) dst(%dma_wait3A_1210 : memref<32xf32, #tpu.memory_space<vmem>>)
    %dma_wait3A_1213 = arith.constant 18 : i32
    %dma_wait3A_1214 = arith.constant 18 : i32
    %dma_wait3A_1215 = arith.constant 0 : i32
    %dma_wait3A_1216 = tpu.memref_slice %arg7[%dma_wait3A_1214, %dma_wait3A_1215] : memref<32x32xi32, #tpu.memory_space<vmem>> -> memref<1x32xi32, #tpu.memory_space<vmem>>
    %dma_wait3A_1217 = tpu.memref_squeeze %dma_wait3A_1216 : memref<1x32xi32, #tpu.memory_space<vmem>> -> memref<32xi32, #tpu.memory_space<vmem>>
    %dma_wait3A_1218 = tpu.memref_slice %arg3[%dma_wait3A_1213, %mul3A_2] : memref<32x1024xi32, #tpu.memory_space<hbm>> -> memref<1x32xi32, #tpu.memory_space<hbm>>
    %dma_wait3A_1219 = tpu.memref_squeeze %dma_wait3A_1218 : memref<1x32xi32, #tpu.memory_space<hbm>> -> memref<32xi32, #tpu.memory_space<hbm>>
    %dma_wait3A_1220 = arith.constant 0 : i32
    %dma_wait3A_1221 = tpu.memref_slice %arg7[%dma_wait3A_1214, %dma_wait3A_1220] : memref<32x32xi32, #tpu.memory_space<vmem>> -> memref<1x32xi32, #tpu.memory_space<vmem>>
    %dma_wait3A_1222 = tpu.memref_squeeze %dma_wait3A_1221 : memref<1x32xi32, #tpu.memory_space<vmem>> -> memref<32xi32, #tpu.memory_space<vmem>>
    %dma_wait3A_1223 = tpu.memref_slice %arg3[%dma_wait3A_1213, %mul3A_2] : memref<32x1024xi32, #tpu.memory_space<hbm>> -> memref<1x32xi32, #tpu.memory_space<hbm>>
    %dma_wait3A_1224 = tpu.memref_squeeze %dma_wait3A_1223 : memref<1x32xi32, #tpu.memory_space<hbm>> -> memref<32xi32, #tpu.memory_space<hbm>>
    tpu.wait_dma2 semaphore(%arg10 : memref<!tpu.dma_semaphore, #tpu.memory_space<semaphore_mem>>) src(%dma_wait3A_1224 : memref<32xi32, #tpu.memory_space<hbm>>) dst(%dma_wait3A_1222 : memref<32xi32, #tpu.memory_space<vmem>>)
    %dma_wait3A_1225 = arith.constant 19 : i32
    %dma_wait3A_1226 = arith.constant 19 : i32
    %dma_wait3A_1227 = arith.constant 0 : i32
    %dma_wait3A_1228 = tpu.memref_slice %arg6[%dma_wait3A_1226, %dma_wait3A_1227] : memref<32x32xf32, #tpu.memory_space<vmem>> -> memref<1x32xf32, #tpu.memory_space<vmem>>
    %dma_wait3A_1229 = tpu.memref_squeeze %dma_wait3A_1228 : memref<1x32xf32, #tpu.memory_space<vmem>> -> memref<32xf32, #tpu.memory_space<vmem>>
    %dma_wait3A_1230 = tpu.memref_slice %arg2[%dma_wait3A_1225, %mul3A_2] : memref<32x1024xf32, #tpu.memory_space<hbm>> -> memref<1x32xf32, #tpu.memory_space<hbm>>
    %dma_wait3A_1231 = tpu.memref_squeeze %dma_wait3A_1230 : memref<1x32xf32, #tpu.memory_space<hbm>> -> memref<32xf32, #tpu.memory_space<hbm>>
    %dma_wait3A_1232 = arith.constant 0 : i32
    %dma_wait3A_1233 = tpu.memref_slice %arg6[%dma_wait3A_1226, %dma_wait3A_1232] : memref<32x32xf32, #tpu.memory_space<vmem>> -> memref<1x32xf32, #tpu.memory_space<vmem>>
    %dma_wait3A_1234 = tpu.memref_squeeze %dma_wait3A_1233 : memref<1x32xf32, #tpu.memory_space<vmem>> -> memref<32xf32, #tpu.memory_space<vmem>>
    %dma_wait3A_1235 = tpu.memref_slice %arg2[%dma_wait3A_1225, %mul3A_2] : memref<32x1024xf32, #tpu.memory_space<hbm>> -> memref<1x32xf32, #tpu.memory_space<hbm>>
    %dma_wait3A_1236 = tpu.memref_squeeze %dma_wait3A_1235 : memref<1x32xf32, #tpu.memory_space<hbm>> -> memref<32xf32, #tpu.memory_space<hbm>>
    tpu.wait_dma2 semaphore(%arg10 : memref<!tpu.dma_semaphore, #tpu.memory_space<semaphore_mem>>) src(%dma_wait3A_1236 : memref<32xf32, #tpu.memory_space<hbm>>) dst(%dma_wait3A_1234 : memref<32xf32, #tpu.memory_space<vmem>>)
    %dma_wait3A_1237 = arith.constant 19 : i32
    %dma_wait3A_1238 = arith.constant 19 : i32
    %dma_wait3A_1239 = arith.constant 0 : i32
    %dma_wait3A_1240 = tpu.memref_slice %arg7[%dma_wait3A_1238, %dma_wait3A_1239] : memref<32x32xi32, #tpu.memory_space<vmem>> -> memref<1x32xi32, #tpu.memory_space<vmem>>
    %dma_wait3A_1241 = tpu.memref_squeeze %dma_wait3A_1240 : memref<1x32xi32, #tpu.memory_space<vmem>> -> memref<32xi32, #tpu.memory_space<vmem>>
    %dma_wait3A_1242 = tpu.memref_slice %arg3[%dma_wait3A_1237, %mul3A_2] : memref<32x1024xi32, #tpu.memory_space<hbm>> -> memref<1x32xi32, #tpu.memory_space<hbm>>
    %dma_wait3A_1243 = tpu.memref_squeeze %dma_wait3A_1242 : memref<1x32xi32, #tpu.memory_space<hbm>> -> memref<32xi32, #tpu.memory_space<hbm>>
    %dma_wait3A_1244 = arith.constant 0 : i32
    %dma_wait3A_1245 = tpu.memref_slice %arg7[%dma_wait3A_1238, %dma_wait3A_1244] : memref<32x32xi32, #tpu.memory_space<vmem>> -> memref<1x32xi32, #tpu.memory_space<vmem>>
    %dma_wait3A_1246 = tpu.memref_squeeze %dma_wait3A_1245 : memref<1x32xi32, #tpu.memory_space<vmem>> -> memref<32xi32, #tpu.memory_space<vmem>>
    %dma_wait3A_1247 = tpu.memref_slice %arg3[%dma_wait3A_1237, %mul3A_2] : memref<32x1024xi32, #tpu.memory_space<hbm>> -> memref<1x32xi32, #tpu.memory_space<hbm>>
    %dma_wait3A_1248 = tpu.memref_squeeze %dma_wait3A_1247 : memref<1x32xi32, #tpu.memory_space<hbm>> -> memref<32xi32, #tpu.memory_space<hbm>>
    tpu.wait_dma2 semaphore(%arg10 : memref<!tpu.dma_semaphore, #tpu.memory_space<semaphore_mem>>) src(%dma_wait3A_1248 : memref<32xi32, #tpu.memory_space<hbm>>) dst(%dma_wait3A_1246 : memref<32xi32, #tpu.memory_space<vmem>>)
    %dma_wait3A_1249 = arith.constant 20 : i32
    %dma_wait3A_1250 = arith.constant 20 : i32
    %dma_wait3A_1251 = arith.constant 0 : i32
    %dma_wait3A_1252 = tpu.memref_slice %arg6[%dma_wait3A_1250, %dma_wait3A_1251] : memref<32x32xf32, #tpu.memory_space<vmem>> -> memref<1x32xf32, #tpu.memory_space<vmem>>
    %dma_wait3A_1253 = tpu.memref_squeeze %dma_wait3A_1252 : memref<1x32xf32, #tpu.memory_space<vmem>> -> memref<32xf32, #tpu.memory_space<vmem>>
    %dma_wait3A_1254 = tpu.memref_slice %arg2[%dma_wait3A_1249, %mul3A_2] : memref<32x1024xf32, #tpu.memory_space<hbm>> -> memref<1x32xf32, #tpu.memory_space<hbm>>
    %dma_wait3A_1255 = tpu.memref_squeeze %dma_wait3A_1254 : memref<1x32xf32, #tpu.memory_space<hbm>> -> memref<32xf32, #tpu.memory_space<hbm>>
    %dma_wait3A_1256 = arith.constant 0 : i32
    %dma_wait3A_1257 = tpu.memref_slice %arg6[%dma_wait3A_1250, %dma_wait3A_1256] : memref<32x32xf32, #tpu.memory_space<vmem>> -> memref<1x32xf32, #tpu.memory_space<vmem>>
    %dma_wait3A_1258 = tpu.memref_squeeze %dma_wait3A_1257 : memref<1x32xf32, #tpu.memory_space<vmem>> -> memref<32xf32, #tpu.memory_space<vmem>>
    %dma_wait3A_1259 = tpu.memref_slice %arg2[%dma_wait3A_1249, %mul3A_2] : memref<32x1024xf32, #tpu.memory_space<hbm>> -> memref<1x32xf32, #tpu.memory_space<hbm>>
    %dma_wait3A_1260 = tpu.memref_squeeze %dma_wait3A_1259 : memref<1x32xf32, #tpu.memory_space<hbm>> -> memref<32xf32, #tpu.memory_space<hbm>>
    tpu.wait_dma2 semaphore(%arg10 : memref<!tpu.dma_semaphore, #tpu.memory_space<semaphore_mem>>) src(%dma_wait3A_1260 : memref<32xf32, #tpu.memory_space<hbm>>) dst(%dma_wait3A_1258 : memref<32xf32, #tpu.memory_space<vmem>>)
    %dma_wait3A_1261 = arith.constant 20 : i32
    %dma_wait3A_1262 = arith.constant 20 : i32
    %dma_wait3A_1263 = arith.constant 0 : i32
    %dma_wait3A_1264 = tpu.memref_slice %arg7[%dma_wait3A_1262, %dma_wait3A_1263] : memref<32x32xi32, #tpu.memory_space<vmem>> -> memref<1x32xi32, #tpu.memory_space<vmem>>
    %dma_wait3A_1265 = tpu.memref_squeeze %dma_wait3A_1264 : memref<1x32xi32, #tpu.memory_space<vmem>> -> memref<32xi32, #tpu.memory_space<vmem>>
    %dma_wait3A_1266 = tpu.memref_slice %arg3[%dma_wait3A_1261, %mul3A_2] : memref<32x1024xi32, #tpu.memory_space<hbm>> -> memref<1x32xi32, #tpu.memory_space<hbm>>
    %dma_wait3A_1267 = tpu.memref_squeeze %dma_wait3A_1266 : memref<1x32xi32, #tpu.memory_space<hbm>> -> memref<32xi32, #tpu.memory_space<hbm>>
    %dma_wait3A_1268 = arith.constant 0 : i32
    %dma_wait3A_1269 = tpu.memref_slice %arg7[%dma_wait3A_1262, %dma_wait3A_1268] : memref<32x32xi32, #tpu.memory_space<vmem>> -> memref<1x32xi32, #tpu.memory_space<vmem>>
    %dma_wait3A_1270 = tpu.memref_squeeze %dma_wait3A_1269 : memref<1x32xi32, #tpu.memory_space<vmem>> -> memref<32xi32, #tpu.memory_space<vmem>>
    %dma_wait3A_1271 = tpu.memref_slice %arg3[%dma_wait3A_1261, %mul3A_2] : memref<32x1024xi32, #tpu.memory_space<hbm>> -> memref<1x32xi32, #tpu.memory_space<hbm>>
    %dma_wait3A_1272 = tpu.memref_squeeze %dma_wait3A_1271 : memref<1x32xi32, #tpu.memory_space<hbm>> -> memref<32xi32, #tpu.memory_space<hbm>>
    tpu.wait_dma2 semaphore(%arg10 : memref<!tpu.dma_semaphore, #tpu.memory_space<semaphore_mem>>) src(%dma_wait3A_1272 : memref<32xi32, #tpu.memory_space<hbm>>) dst(%dma_wait3A_1270 : memref<32xi32, #tpu.memory_space<vmem>>)
    %dma_wait3A_1273 = arith.constant 21 : i32
    %dma_wait3A_1274 = arith.constant 21 : i32
    %dma_wait3A_1275 = arith.constant 0 : i32
    %dma_wait3A_1276 = tpu.memref_slice %arg6[%dma_wait3A_1274, %dma_wait3A_1275] : memref<32x32xf32, #tpu.memory_space<vmem>> -> memref<1x32xf32, #tpu.memory_space<vmem>>
    %dma_wait3A_1277 = tpu.memref_squeeze %dma_wait3A_1276 : memref<1x32xf32, #tpu.memory_space<vmem>> -> memref<32xf32, #tpu.memory_space<vmem>>
    %dma_wait3A_1278 = tpu.memref_slice %arg2[%dma_wait3A_1273, %mul3A_2] : memref<32x1024xf32, #tpu.memory_space<hbm>> -> memref<1x32xf32, #tpu.memory_space<hbm>>
    %dma_wait3A_1279 = tpu.memref_squeeze %dma_wait3A_1278 : memref<1x32xf32, #tpu.memory_space<hbm>> -> memref<32xf32, #tpu.memory_space<hbm>>
    %dma_wait3A_1280 = arith.constant 0 : i32
    %dma_wait3A_1281 = tpu.memref_slice %arg6[%dma_wait3A_1274, %dma_wait3A_1280] : memref<32x32xf32, #tpu.memory_space<vmem>> -> memref<1x32xf32, #tpu.memory_space<vmem>>
    %dma_wait3A_1282 = tpu.memref_squeeze %dma_wait3A_1281 : memref<1x32xf32, #tpu.memory_space<vmem>> -> memref<32xf32, #tpu.memory_space<vmem>>
    %dma_wait3A_1283 = tpu.memref_slice %arg2[%dma_wait3A_1273, %mul3A_2] : memref<32x1024xf32, #tpu.memory_space<hbm>> -> memref<1x32xf32, #tpu.memory_space<hbm>>
    %dma_wait3A_1284 = tpu.memref_squeeze %dma_wait3A_1283 : memref<1x32xf32, #tpu.memory_space<hbm>> -> memref<32xf32, #tpu.memory_space<hbm>>
    tpu.wait_dma2 semaphore(%arg10 : memref<!tpu.dma_semaphore, #tpu.memory_space<semaphore_mem>>) src(%dma_wait3A_1284 : memref<32xf32, #tpu.memory_space<hbm>>) dst(%dma_wait3A_1282 : memref<32xf32, #tpu.memory_space<vmem>>)
    %dma_wait3A_1285 = arith.constant 21 : i32
    %dma_wait3A_1286 = arith.constant 21 : i32
    %dma_wait3A_1287 = arith.constant 0 : i32
    %dma_wait3A_1288 = tpu.memref_slice %arg7[%dma_wait3A_1286, %dma_wait3A_1287] : memref<32x32xi32, #tpu.memory_space<vmem>> -> memref<1x32xi32, #tpu.memory_space<vmem>>
    %dma_wait3A_1289 = tpu.memref_squeeze %dma_wait3A_1288 : memref<1x32xi32, #tpu.memory_space<vmem>> -> memref<32xi32, #tpu.memory_space<vmem>>
    %dma_wait3A_1290 = tpu.memref_slice %arg3[%dma_wait3A_1285, %mul3A_2] : memref<32x1024xi32, #tpu.memory_space<hbm>> -> memref<1x32xi32, #tpu.memory_space<hbm>>
    %dma_wait3A_1291 = tpu.memref_squeeze %dma_wait3A_1290 : memref<1x32xi32, #tpu.memory_space<hbm>> -> memref<32xi32, #tpu.memory_space<hbm>>
    %dma_wait3A_1292 = arith.constant 0 : i32
    %dma_wait3A_1293 = tpu.memref_slice %arg7[%dma_wait3A_1286, %dma_wait3A_1292] : memref<32x32xi32, #tpu.memory_space<vmem>> -> memref<1x32xi32, #tpu.memory_space<vmem>>
    %dma_wait3A_1294 = tpu.memref_squeeze %dma_wait3A_1293 : memref<1x32xi32, #tpu.memory_space<vmem>> -> memref<32xi32, #tpu.memory_space<vmem>>
    %dma_wait3A_1295 = tpu.memref_slice %arg3[%dma_wait3A_1285, %mul3A_2] : memref<32x1024xi32, #tpu.memory_space<hbm>> -> memref<1x32xi32, #tpu.memory_space<hbm>>
    %dma_wait3A_1296 = tpu.memref_squeeze %dma_wait3A_1295 : memref<1x32xi32, #tpu.memory_space<hbm>> -> memref<32xi32, #tpu.memory_space<hbm>>
    tpu.wait_dma2 semaphore(%arg10 : memref<!tpu.dma_semaphore, #tpu.memory_space<semaphore_mem>>) src(%dma_wait3A_1296 : memref<32xi32, #tpu.memory_space<hbm>>) dst(%dma_wait3A_1294 : memref<32xi32, #tpu.memory_space<vmem>>)
    %dma_wait3A_1297 = arith.constant 22 : i32
    %dma_wait3A_1298 = arith.constant 22 : i32
    %dma_wait3A_1299 = arith.constant 0 : i32
    %dma_wait3A_1300 = tpu.memref_slice %arg6[%dma_wait3A_1298, %dma_wait3A_1299] : memref<32x32xf32, #tpu.memory_space<vmem>> -> memref<1x32xf32, #tpu.memory_space<vmem>>
    %dma_wait3A_1301 = tpu.memref_squeeze %dma_wait3A_1300 : memref<1x32xf32, #tpu.memory_space<vmem>> -> memref<32xf32, #tpu.memory_space<vmem>>
    %dma_wait3A_1302 = tpu.memref_slice %arg2[%dma_wait3A_1297, %mul3A_2] : memref<32x1024xf32, #tpu.memory_space<hbm>> -> memref<1x32xf32, #tpu.memory_space<hbm>>
    %dma_wait3A_1303 = tpu.memref_squeeze %dma_wait3A_1302 : memref<1x32xf32, #tpu.memory_space<hbm>> -> memref<32xf32, #tpu.memory_space<hbm>>
    %dma_wait3A_1304 = arith.constant 0 : i32
    %dma_wait3A_1305 = tpu.memref_slice %arg6[%dma_wait3A_1298, %dma_wait3A_1304] : memref<32x32xf32, #tpu.memory_space<vmem>> -> memref<1x32xf32, #tpu.memory_space<vmem>>
    %dma_wait3A_1306 = tpu.memref_squeeze %dma_wait3A_1305 : memref<1x32xf32, #tpu.memory_space<vmem>> -> memref<32xf32, #tpu.memory_space<vmem>>
    %dma_wait3A_1307 = tpu.memref_slice %arg2[%dma_wait3A_1297, %mul3A_2] : memref<32x1024xf32, #tpu.memory_space<hbm>> -> memref<1x32xf32, #tpu.memory_space<hbm>>
    %dma_wait3A_1308 = tpu.memref_squeeze %dma_wait3A_1307 : memref<1x32xf32, #tpu.memory_space<hbm>> -> memref<32xf32, #tpu.memory_space<hbm>>
    tpu.wait_dma2 semaphore(%arg10 : memref<!tpu.dma_semaphore, #tpu.memory_space<semaphore_mem>>) src(%dma_wait3A_1308 : memref<32xf32, #tpu.memory_space<hbm>>) dst(%dma_wait3A_1306 : memref<32xf32, #tpu.memory_space<vmem>>)
    %dma_wait3A_1309 = arith.constant 22 : i32
    %dma_wait3A_1310 = arith.constant 22 : i32
    %dma_wait3A_1311 = arith.constant 0 : i32
    %dma_wait3A_1312 = tpu.memref_slice %arg7[%dma_wait3A_1310, %dma_wait3A_1311] : memref<32x32xi32, #tpu.memory_space<vmem>> -> memref<1x32xi32, #tpu.memory_space<vmem>>
    %dma_wait3A_1313 = tpu.memref_squeeze %dma_wait3A_1312 : memref<1x32xi32, #tpu.memory_space<vmem>> -> memref<32xi32, #tpu.memory_space<vmem>>
    %dma_wait3A_1314 = tpu.memref_slice %arg3[%dma_wait3A_1309, %mul3A_2] : memref<32x1024xi32, #tpu.memory_space<hbm>> -> memref<1x32xi32, #tpu.memory_space<hbm>>
    %dma_wait3A_1315 = tpu.memref_squeeze %dma_wait3A_1314 : memref<1x32xi32, #tpu.memory_space<hbm>> -> memref<32xi32, #tpu.memory_space<hbm>>
    %dma_wait3A_1316 = arith.constant 0 : i32
    %dma_wait3A_1317 = tpu.memref_slice %arg7[%dma_wait3A_1310, %dma_wait3A_1316] : memref<32x32xi32, #tpu.memory_space<vmem>> -> memref<1x32xi32, #tpu.memory_space<vmem>>
    %dma_wait3A_1318 = tpu.memref_squeeze %dma_wait3A_1317 : memref<1x32xi32, #tpu.memory_space<vmem>> -> memref<32xi32, #tpu.memory_space<vmem>>
    %dma_wait3A_1319 = tpu.memref_slice %arg3[%dma_wait3A_1309, %mul3A_2] : memref<32x1024xi32, #tpu.memory_space<hbm>> -> memref<1x32xi32, #tpu.memory_space<hbm>>
    %dma_wait3A_1320 = tpu.memref_squeeze %dma_wait3A_1319 : memref<1x32xi32, #tpu.memory_space<hbm>> -> memref<32xi32, #tpu.memory_space<hbm>>
    tpu.wait_dma2 semaphore(%arg10 : memref<!tpu.dma_semaphore, #tpu.memory_space<semaphore_mem>>) src(%dma_wait3A_1320 : memref<32xi32, #tpu.memory_space<hbm>>) dst(%dma_wait3A_1318 : memref<32xi32, #tpu.memory_space<vmem>>)
    %dma_wait3A_1321 = arith.constant 23 : i32
    %dma_wait3A_1322 = arith.constant 23 : i32
    %dma_wait3A_1323 = arith.constant 0 : i32
    %dma_wait3A_1324 = tpu.memref_slice %arg6[%dma_wait3A_1322, %dma_wait3A_1323] : memref<32x32xf32, #tpu.memory_space<vmem>> -> memref<1x32xf32, #tpu.memory_space<vmem>>
    %dma_wait3A_1325 = tpu.memref_squeeze %dma_wait3A_1324 : memref<1x32xf32, #tpu.memory_space<vmem>> -> memref<32xf32, #tpu.memory_space<vmem>>
    %dma_wait3A_1326 = tpu.memref_slice %arg2[%dma_wait3A_1321, %mul3A_2] : memref<32x1024xf32, #tpu.memory_space<hbm>> -> memref<1x32xf32, #tpu.memory_space<hbm>>
    %dma_wait3A_1327 = tpu.memref_squeeze %dma_wait3A_1326 : memref<1x32xf32, #tpu.memory_space<hbm>> -> memref<32xf32, #tpu.memory_space<hbm>>
    %dma_wait3A_1328 = arith.constant 0 : i32
    %dma_wait3A_1329 = tpu.memref_slice %arg6[%dma_wait3A_1322, %dma_wait3A_1328] : memref<32x32xf32, #tpu.memory_space<vmem>> -> memref<1x32xf32, #tpu.memory_space<vmem>>
    %dma_wait3A_1330 = tpu.memref_squeeze %dma_wait3A_1329 : memref<1x32xf32, #tpu.memory_space<vmem>> -> memref<32xf32, #tpu.memory_space<vmem>>
    %dma_wait3A_1331 = tpu.memref_slice %arg2[%dma_wait3A_1321, %mul3A_2] : memref<32x1024xf32, #tpu.memory_space<hbm>> -> memref<1x32xf32, #tpu.memory_space<hbm>>
    %dma_wait3A_1332 = tpu.memref_squeeze %dma_wait3A_1331 : memref<1x32xf32, #tpu.memory_space<hbm>> -> memref<32xf32, #tpu.memory_space<hbm>>
    tpu.wait_dma2 semaphore(%arg10 : memref<!tpu.dma_semaphore, #tpu.memory_space<semaphore_mem>>) src(%dma_wait3A_1332 : memref<32xf32, #tpu.memory_space<hbm>>) dst(%dma_wait3A_1330 : memref<32xf32, #tpu.memory_space<vmem>>)
    %dma_wait3A_1333 = arith.constant 23 : i32
    %dma_wait3A_1334 = arith.constant 23 : i32
    %dma_wait3A_1335 = arith.constant 0 : i32
    %dma_wait3A_1336 = tpu.memref_slice %arg7[%dma_wait3A_1334, %dma_wait3A_1335] : memref<32x32xi32, #tpu.memory_space<vmem>> -> memref<1x32xi32, #tpu.memory_space<vmem>>
    %dma_wait3A_1337 = tpu.memref_squeeze %dma_wait3A_1336 : memref<1x32xi32, #tpu.memory_space<vmem>> -> memref<32xi32, #tpu.memory_space<vmem>>
    %dma_wait3A_1338 = tpu.memref_slice %arg3[%dma_wait3A_1333, %mul3A_2] : memref<32x1024xi32, #tpu.memory_space<hbm>> -> memref<1x32xi32, #tpu.memory_space<hbm>>
    %dma_wait3A_1339 = tpu.memref_squeeze %dma_wait3A_1338 : memref<1x32xi32, #tpu.memory_space<hbm>> -> memref<32xi32, #tpu.memory_space<hbm>>
    %dma_wait3A_1340 = arith.constant 0 : i32
    %dma_wait3A_1341 = tpu.memref_slice %arg7[%dma_wait3A_1334, %dma_wait3A_1340] : memref<32x32xi32, #tpu.memory_space<vmem>> -> memref<1x32xi32, #tpu.memory_space<vmem>>
    %dma_wait3A_1342 = tpu.memref_squeeze %dma_wait3A_1341 : memref<1x32xi32, #tpu.memory_space<vmem>> -> memref<32xi32, #tpu.memory_space<vmem>>
    %dma_wait3A_1343 = tpu.memref_slice %arg3[%dma_wait3A_1333, %mul3A_2] : memref<32x1024xi32, #tpu.memory_space<hbm>> -> memref<1x32xi32, #tpu.memory_space<hbm>>
    %dma_wait3A_1344 = tpu.memref_squeeze %dma_wait3A_1343 : memref<1x32xi32, #tpu.memory_space<hbm>> -> memref<32xi32, #tpu.memory_space<hbm>>
    tpu.wait_dma2 semaphore(%arg10 : memref<!tpu.dma_semaphore, #tpu.memory_space<semaphore_mem>>) src(%dma_wait3A_1344 : memref<32xi32, #tpu.memory_space<hbm>>) dst(%dma_wait3A_1342 : memref<32xi32, #tpu.memory_space<vmem>>)
    %dma_wait3A_1345 = arith.constant 24 : i32
    %dma_wait3A_1346 = arith.constant 24 : i32
    %dma_wait3A_1347 = arith.constant 0 : i32
    %dma_wait3A_1348 = tpu.memref_slice %arg6[%dma_wait3A_1346, %dma_wait3A_1347] : memref<32x32xf32, #tpu.memory_space<vmem>> -> memref<1x32xf32, #tpu.memory_space<vmem>>
    %dma_wait3A_1349 = tpu.memref_squeeze %dma_wait3A_1348 : memref<1x32xf32, #tpu.memory_space<vmem>> -> memref<32xf32, #tpu.memory_space<vmem>>
    %dma_wait3A_1350 = tpu.memref_slice %arg2[%dma_wait3A_1345, %mul3A_2] : memref<32x1024xf32, #tpu.memory_space<hbm>> -> memref<1x32xf32, #tpu.memory_space<hbm>>
    %dma_wait3A_1351 = tpu.memref_squeeze %dma_wait3A_1350 : memref<1x32xf32, #tpu.memory_space<hbm>> -> memref<32xf32, #tpu.memory_space<hbm>>
    %dma_wait3A_1352 = arith.constant 0 : i32
    %dma_wait3A_1353 = tpu.memref_slice %arg6[%dma_wait3A_1346, %dma_wait3A_1352] : memref<32x32xf32, #tpu.memory_space<vmem>> -> memref<1x32xf32, #tpu.memory_space<vmem>>
    %dma_wait3A_1354 = tpu.memref_squeeze %dma_wait3A_1353 : memref<1x32xf32, #tpu.memory_space<vmem>> -> memref<32xf32, #tpu.memory_space<vmem>>
    %dma_wait3A_1355 = tpu.memref_slice %arg2[%dma_wait3A_1345, %mul3A_2] : memref<32x1024xf32, #tpu.memory_space<hbm>> -> memref<1x32xf32, #tpu.memory_space<hbm>>
    %dma_wait3A_1356 = tpu.memref_squeeze %dma_wait3A_1355 : memref<1x32xf32, #tpu.memory_space<hbm>> -> memref<32xf32, #tpu.memory_space<hbm>>
    tpu.wait_dma2 semaphore(%arg10 : memref<!tpu.dma_semaphore, #tpu.memory_space<semaphore_mem>>) src(%dma_wait3A_1356 : memref<32xf32, #tpu.memory_space<hbm>>) dst(%dma_wait3A_1354 : memref<32xf32, #tpu.memory_space<vmem>>)
    %dma_wait3A_1357 = arith.constant 24 : i32
    %dma_wait3A_1358 = arith.constant 24 : i32
    %dma_wait3A_1359 = arith.constant 0 : i32
    %dma_wait3A_1360 = tpu.memref_slice %arg7[%dma_wait3A_1358, %dma_wait3A_1359] : memref<32x32xi32, #tpu.memory_space<vmem>> -> memref<1x32xi32, #tpu.memory_space<vmem>>
    %dma_wait3A_1361 = tpu.memref_squeeze %dma_wait3A_1360 : memref<1x32xi32, #tpu.memory_space<vmem>> -> memref<32xi32, #tpu.memory_space<vmem>>
    %dma_wait3A_1362 = tpu.memref_slice %arg3[%dma_wait3A_1357, %mul3A_2] : memref<32x1024xi32, #tpu.memory_space<hbm>> -> memref<1x32xi32, #tpu.memory_space<hbm>>
    %dma_wait3A_1363 = tpu.memref_squeeze %dma_wait3A_1362 : memref<1x32xi32, #tpu.memory_space<hbm>> -> memref<32xi32, #tpu.memory_space<hbm>>
    %dma_wait3A_1364 = arith.constant 0 : i32
    %dma_wait3A_1365 = tpu.memref_slice %arg7[%dma_wait3A_1358, %dma_wait3A_1364] : memref<32x32xi32, #tpu.memory_space<vmem>> -> memref<1x32xi32, #tpu.memory_space<vmem>>
    %dma_wait3A_1366 = tpu.memref_squeeze %dma_wait3A_1365 : memref<1x32xi32, #tpu.memory_space<vmem>> -> memref<32xi32, #tpu.memory_space<vmem>>
    %dma_wait3A_1367 = tpu.memref_slice %arg3[%dma_wait3A_1357, %mul3A_2] : memref<32x1024xi32, #tpu.memory_space<hbm>> -> memref<1x32xi32, #tpu.memory_space<hbm>>
    %dma_wait3A_1368 = tpu.memref_squeeze %dma_wait3A_1367 : memref<1x32xi32, #tpu.memory_space<hbm>> -> memref<32xi32, #tpu.memory_space<hbm>>
    tpu.wait_dma2 semaphore(%arg10 : memref<!tpu.dma_semaphore, #tpu.memory_space<semaphore_mem>>) src(%dma_wait3A_1368 : memref<32xi32, #tpu.memory_space<hbm>>) dst(%dma_wait3A_1366 : memref<32xi32, #tpu.memory_space<vmem>>)
    %dma_wait3A_1369 = arith.constant 25 : i32
    %dma_wait3A_1370 = arith.constant 25 : i32
    %dma_wait3A_1371 = arith.constant 0 : i32
    %dma_wait3A_1372 = tpu.memref_slice %arg6[%dma_wait3A_1370, %dma_wait3A_1371] : memref<32x32xf32, #tpu.memory_space<vmem>> -> memref<1x32xf32, #tpu.memory_space<vmem>>
    %dma_wait3A_1373 = tpu.memref_squeeze %dma_wait3A_1372 : memref<1x32xf32, #tpu.memory_space<vmem>> -> memref<32xf32, #tpu.memory_space<vmem>>
    %dma_wait3A_1374 = tpu.memref_slice %arg2[%dma_wait3A_1369, %mul3A_2] : memref<32x1024xf32, #tpu.memory_space<hbm>> -> memref<1x32xf32, #tpu.memory_space<hbm>>
    %dma_wait3A_1375 = tpu.memref_squeeze %dma_wait3A_1374 : memref<1x32xf32, #tpu.memory_space<hbm>> -> memref<32xf32, #tpu.memory_space<hbm>>
    %dma_wait3A_1376 = arith.constant 0 : i32
    %dma_wait3A_1377 = tpu.memref_slice %arg6[%dma_wait3A_1370, %dma_wait3A_1376] : memref<32x32xf32, #tpu.memory_space<vmem>> -> memref<1x32xf32, #tpu.memory_space<vmem>>
    %dma_wait3A_1378 = tpu.memref_squeeze %dma_wait3A_1377 : memref<1x32xf32, #tpu.memory_space<vmem>> -> memref<32xf32, #tpu.memory_space<vmem>>
    %dma_wait3A_1379 = tpu.memref_slice %arg2[%dma_wait3A_1369, %mul3A_2] : memref<32x1024xf32, #tpu.memory_space<hbm>> -> memref<1x32xf32, #tpu.memory_space<hbm>>
    %dma_wait3A_1380 = tpu.memref_squeeze %dma_wait3A_1379 : memref<1x32xf32, #tpu.memory_space<hbm>> -> memref<32xf32, #tpu.memory_space<hbm>>
    tpu.wait_dma2 semaphore(%arg10 : memref<!tpu.dma_semaphore, #tpu.memory_space<semaphore_mem>>) src(%dma_wait3A_1380 : memref<32xf32, #tpu.memory_space<hbm>>) dst(%dma_wait3A_1378 : memref<32xf32, #tpu.memory_space<vmem>>)
    %dma_wait3A_1381 = arith.constant 25 : i32
    %dma_wait3A_1382 = arith.constant 25 : i32
    %dma_wait3A_1383 = arith.constant 0 : i32
    %dma_wait3A_1384 = tpu.memref_slice %arg7[%dma_wait3A_1382, %dma_wait3A_1383] : memref<32x32xi32, #tpu.memory_space<vmem>> -> memref<1x32xi32, #tpu.memory_space<vmem>>
    %dma_wait3A_1385 = tpu.memref_squeeze %dma_wait3A_1384 : memref<1x32xi32, #tpu.memory_space<vmem>> -> memref<32xi32, #tpu.memory_space<vmem>>
    %dma_wait3A_1386 = tpu.memref_slice %arg3[%dma_wait3A_1381, %mul3A_2] : memref<32x1024xi32, #tpu.memory_space<hbm>> -> memref<1x32xi32, #tpu.memory_space<hbm>>
    %dma_wait3A_1387 = tpu.memref_squeeze %dma_wait3A_1386 : memref<1x32xi32, #tpu.memory_space<hbm>> -> memref<32xi32, #tpu.memory_space<hbm>>
    %dma_wait3A_1388 = arith.constant 0 : i32
    %dma_wait3A_1389 = tpu.memref_slice %arg7[%dma_wait3A_1382, %dma_wait3A_1388] : memref<32x32xi32, #tpu.memory_space<vmem>> -> memref<1x32xi32, #tpu.memory_space<vmem>>
    %dma_wait3A_1390 = tpu.memref_squeeze %dma_wait3A_1389 : memref<1x32xi32, #tpu.memory_space<vmem>> -> memref<32xi32, #tpu.memory_space<vmem>>
    %dma_wait3A_1391 = tpu.memref_slice %arg3[%dma_wait3A_1381, %mul3A_2] : memref<32x1024xi32, #tpu.memory_space<hbm>> -> memref<1x32xi32, #tpu.memory_space<hbm>>
    %dma_wait3A_1392 = tpu.memref_squeeze %dma_wait3A_1391 : memref<1x32xi32, #tpu.memory_space<hbm>> -> memref<32xi32, #tpu.memory_space<hbm>>
    tpu.wait_dma2 semaphore(%arg10 : memref<!tpu.dma_semaphore, #tpu.memory_space<semaphore_mem>>) src(%dma_wait3A_1392 : memref<32xi32, #tpu.memory_space<hbm>>) dst(%dma_wait3A_1390 : memref<32xi32, #tpu.memory_space<vmem>>)
    %dma_wait3A_1393 = arith.constant 26 : i32
    %dma_wait3A_1394 = arith.constant 26 : i32
    %dma_wait3A_1395 = arith.constant 0 : i32
    %dma_wait3A_1396 = tpu.memref_slice %arg6[%dma_wait3A_1394, %dma_wait3A_1395] : memref<32x32xf32, #tpu.memory_space<vmem>> -> memref<1x32xf32, #tpu.memory_space<vmem>>
    %dma_wait3A_1397 = tpu.memref_squeeze %dma_wait3A_1396 : memref<1x32xf32, #tpu.memory_space<vmem>> -> memref<32xf32, #tpu.memory_space<vmem>>
    %dma_wait3A_1398 = tpu.memref_slice %arg2[%dma_wait3A_1393, %mul3A_2] : memref<32x1024xf32, #tpu.memory_space<hbm>> -> memref<1x32xf32, #tpu.memory_space<hbm>>
    %dma_wait3A_1399 = tpu.memref_squeeze %dma_wait3A_1398 : memref<1x32xf32, #tpu.memory_space<hbm>> -> memref<32xf32, #tpu.memory_space<hbm>>
    %dma_wait3A_1400 = arith.constant 0 : i32
    %dma_wait3A_1401 = tpu.memref_slice %arg6[%dma_wait3A_1394, %dma_wait3A_1400] : memref<32x32xf32, #tpu.memory_space<vmem>> -> memref<1x32xf32, #tpu.memory_space<vmem>>
    %dma_wait3A_1402 = tpu.memref_squeeze %dma_wait3A_1401 : memref<1x32xf32, #tpu.memory_space<vmem>> -> memref<32xf32, #tpu.memory_space<vmem>>
    %dma_wait3A_1403 = tpu.memref_slice %arg2[%dma_wait3A_1393, %mul3A_2] : memref<32x1024xf32, #tpu.memory_space<hbm>> -> memref<1x32xf32, #tpu.memory_space<hbm>>
    %dma_wait3A_1404 = tpu.memref_squeeze %dma_wait3A_1403 : memref<1x32xf32, #tpu.memory_space<hbm>> -> memref<32xf32, #tpu.memory_space<hbm>>
    tpu.wait_dma2 semaphore(%arg10 : memref<!tpu.dma_semaphore, #tpu.memory_space<semaphore_mem>>) src(%dma_wait3A_1404 : memref<32xf32, #tpu.memory_space<hbm>>) dst(%dma_wait3A_1402 : memref<32xf32, #tpu.memory_space<vmem>>)
    %dma_wait3A_1405 = arith.constant 26 : i32
    %dma_wait3A_1406 = arith.constant 26 : i32
    %dma_wait3A_1407 = arith.constant 0 : i32
    %dma_wait3A_1408 = tpu.memref_slice %arg7[%dma_wait3A_1406, %dma_wait3A_1407] : memref<32x32xi32, #tpu.memory_space<vmem>> -> memref<1x32xi32, #tpu.memory_space<vmem>>
    %dma_wait3A_1409 = tpu.memref_squeeze %dma_wait3A_1408 : memref<1x32xi32, #tpu.memory_space<vmem>> -> memref<32xi32, #tpu.memory_space<vmem>>
    %dma_wait3A_1410 = tpu.memref_slice %arg3[%dma_wait3A_1405, %mul3A_2] : memref<32x1024xi32, #tpu.memory_space<hbm>> -> memref<1x32xi32, #tpu.memory_space<hbm>>
    %dma_wait3A_1411 = tpu.memref_squeeze %dma_wait3A_1410 : memref<1x32xi32, #tpu.memory_space<hbm>> -> memref<32xi32, #tpu.memory_space<hbm>>
    %dma_wait3A_1412 = arith.constant 0 : i32
    %dma_wait3A_1413 = tpu.memref_slice %arg7[%dma_wait3A_1406, %dma_wait3A_1412] : memref<32x32xi32, #tpu.memory_space<vmem>> -> memref<1x32xi32, #tpu.memory_space<vmem>>
    %dma_wait3A_1414 = tpu.memref_squeeze %dma_wait3A_1413 : memref<1x32xi32, #tpu.memory_space<vmem>> -> memref<32xi32, #tpu.memory_space<vmem>>
    %dma_wait3A_1415 = tpu.memref_slice %arg3[%dma_wait3A_1405, %mul3A_2] : memref<32x1024xi32, #tpu.memory_space<hbm>> -> memref<1x32xi32, #tpu.memory_space<hbm>>
    %dma_wait3A_1416 = tpu.memref_squeeze %dma_wait3A_1415 : memref<1x32xi32, #tpu.memory_space<hbm>> -> memref<32xi32, #tpu.memory_space<hbm>>
    tpu.wait_dma2 semaphore(%arg10 : memref<!tpu.dma_semaphore, #tpu.memory_space<semaphore_mem>>) src(%dma_wait3A_1416 : memref<32xi32, #tpu.memory_space<hbm>>) dst(%dma_wait3A_1414 : memref<32xi32, #tpu.memory_space<vmem>>)
    %dma_wait3A_1417 = arith.constant 27 : i32
    %dma_wait3A_1418 = arith.constant 27 : i32
    %dma_wait3A_1419 = arith.constant 0 : i32
    %dma_wait3A_1420 = tpu.memref_slice %arg6[%dma_wait3A_1418, %dma_wait3A_1419] : memref<32x32xf32, #tpu.memory_space<vmem>> -> memref<1x32xf32, #tpu.memory_space<vmem>>
    %dma_wait3A_1421 = tpu.memref_squeeze %dma_wait3A_1420 : memref<1x32xf32, #tpu.memory_space<vmem>> -> memref<32xf32, #tpu.memory_space<vmem>>
    %dma_wait3A_1422 = tpu.memref_slice %arg2[%dma_wait3A_1417, %mul3A_2] : memref<32x1024xf32, #tpu.memory_space<hbm>> -> memref<1x32xf32, #tpu.memory_space<hbm>>
    %dma_wait3A_1423 = tpu.memref_squeeze %dma_wait3A_1422 : memref<1x32xf32, #tpu.memory_space<hbm>> -> memref<32xf32, #tpu.memory_space<hbm>>
    %dma_wait3A_1424 = arith.constant 0 : i32
    %dma_wait3A_1425 = tpu.memref_slice %arg6[%dma_wait3A_1418, %dma_wait3A_1424] : memref<32x32xf32, #tpu.memory_space<vmem>> -> memref<1x32xf32, #tpu.memory_space<vmem>>
    %dma_wait3A_1426 = tpu.memref_squeeze %dma_wait3A_1425 : memref<1x32xf32, #tpu.memory_space<vmem>> -> memref<32xf32, #tpu.memory_space<vmem>>
    %dma_wait3A_1427 = tpu.memref_slice %arg2[%dma_wait3A_1417, %mul3A_2] : memref<32x1024xf32, #tpu.memory_space<hbm>> -> memref<1x32xf32, #tpu.memory_space<hbm>>
    %dma_wait3A_1428 = tpu.memref_squeeze %dma_wait3A_1427 : memref<1x32xf32, #tpu.memory_space<hbm>> -> memref<32xf32, #tpu.memory_space<hbm>>
    tpu.wait_dma2 semaphore(%arg10 : memref<!tpu.dma_semaphore, #tpu.memory_space<semaphore_mem>>) src(%dma_wait3A_1428 : memref<32xf32, #tpu.memory_space<hbm>>) dst(%dma_wait3A_1426 : memref<32xf32, #tpu.memory_space<vmem>>)
    %dma_wait3A_1429 = arith.constant 27 : i32
    %dma_wait3A_1430 = arith.constant 27 : i32
    %dma_wait3A_1431 = arith.constant 0 : i32
    %dma_wait3A_1432 = tpu.memref_slice %arg7[%dma_wait3A_1430, %dma_wait3A_1431] : memref<32x32xi32, #tpu.memory_space<vmem>> -> memref<1x32xi32, #tpu.memory_space<vmem>>
    %dma_wait3A_1433 = tpu.memref_squeeze %dma_wait3A_1432 : memref<1x32xi32, #tpu.memory_space<vmem>> -> memref<32xi32, #tpu.memory_space<vmem>>
    %dma_wait3A_1434 = tpu.memref_slice %arg3[%dma_wait3A_1429, %mul3A_2] : memref<32x1024xi32, #tpu.memory_space<hbm>> -> memref<1x32xi32, #tpu.memory_space<hbm>>
    %dma_wait3A_1435 = tpu.memref_squeeze %dma_wait3A_1434 : memref<1x32xi32, #tpu.memory_space<hbm>> -> memref<32xi32, #tpu.memory_space<hbm>>
    %dma_wait3A_1436 = arith.constant 0 : i32
    %dma_wait3A_1437 = tpu.memref_slice %arg7[%dma_wait3A_1430, %dma_wait3A_1436] : memref<32x32xi32, #tpu.memory_space<vmem>> -> memref<1x32xi32, #tpu.memory_space<vmem>>
    %dma_wait3A_1438 = tpu.memref_squeeze %dma_wait3A_1437 : memref<1x32xi32, #tpu.memory_space<vmem>> -> memref<32xi32, #tpu.memory_space<vmem>>
    %dma_wait3A_1439 = tpu.memref_slice %arg3[%dma_wait3A_1429, %mul3A_2] : memref<32x1024xi32, #tpu.memory_space<hbm>> -> memref<1x32xi32, #tpu.memory_space<hbm>>
    %dma_wait3A_1440 = tpu.memref_squeeze %dma_wait3A_1439 : memref<1x32xi32, #tpu.memory_space<hbm>> -> memref<32xi32, #tpu.memory_space<hbm>>
    tpu.wait_dma2 semaphore(%arg10 : memref<!tpu.dma_semaphore, #tpu.memory_space<semaphore_mem>>) src(%dma_wait3A_1440 : memref<32xi32, #tpu.memory_space<hbm>>) dst(%dma_wait3A_1438 : memref<32xi32, #tpu.memory_space<vmem>>)
    %dma_wait3A_1441 = arith.constant 28 : i32
    %dma_wait3A_1442 = arith.constant 28 : i32
    %dma_wait3A_1443 = arith.constant 0 : i32
    %dma_wait3A_1444 = tpu.memref_slice %arg6[%dma_wait3A_1442, %dma_wait3A_1443] : memref<32x32xf32, #tpu.memory_space<vmem>> -> memref<1x32xf32, #tpu.memory_space<vmem>>
    %dma_wait3A_1445 = tpu.memref_squeeze %dma_wait3A_1444 : memref<1x32xf32, #tpu.memory_space<vmem>> -> memref<32xf32, #tpu.memory_space<vmem>>
    %dma_wait3A_1446 = tpu.memref_slice %arg2[%dma_wait3A_1441, %mul3A_2] : memref<32x1024xf32, #tpu.memory_space<hbm>> -> memref<1x32xf32, #tpu.memory_space<hbm>>
    %dma_wait3A_1447 = tpu.memref_squeeze %dma_wait3A_1446 : memref<1x32xf32, #tpu.memory_space<hbm>> -> memref<32xf32, #tpu.memory_space<hbm>>
    %dma_wait3A_1448 = arith.constant 0 : i32
    %dma_wait3A_1449 = tpu.memref_slice %arg6[%dma_wait3A_1442, %dma_wait3A_1448] : memref<32x32xf32, #tpu.memory_space<vmem>> -> memref<1x32xf32, #tpu.memory_space<vmem>>
    %dma_wait3A_1450 = tpu.memref_squeeze %dma_wait3A_1449 : memref<1x32xf32, #tpu.memory_space<vmem>> -> memref<32xf32, #tpu.memory_space<vmem>>
    %dma_wait3A_1451 = tpu.memref_slice %arg2[%dma_wait3A_1441, %mul3A_2] : memref<32x1024xf32, #tpu.memory_space<hbm>> -> memref<1x32xf32, #tpu.memory_space<hbm>>
    %dma_wait3A_1452 = tpu.memref_squeeze %dma_wait3A_1451 : memref<1x32xf32, #tpu.memory_space<hbm>> -> memref<32xf32, #tpu.memory_space<hbm>>
    tpu.wait_dma2 semaphore(%arg10 : memref<!tpu.dma_semaphore, #tpu.memory_space<semaphore_mem>>) src(%dma_wait3A_1452 : memref<32xf32, #tpu.memory_space<hbm>>) dst(%dma_wait3A_1450 : memref<32xf32, #tpu.memory_space<vmem>>)
    %dma_wait3A_1453 = arith.constant 28 : i32
    %dma_wait3A_1454 = arith.constant 28 : i32
    %dma_wait3A_1455 = arith.constant 0 : i32
    %dma_wait3A_1456 = tpu.memref_slice %arg7[%dma_wait3A_1454, %dma_wait3A_1455] : memref<32x32xi32, #tpu.memory_space<vmem>> -> memref<1x32xi32, #tpu.memory_space<vmem>>
    %dma_wait3A_1457 = tpu.memref_squeeze %dma_wait3A_1456 : memref<1x32xi32, #tpu.memory_space<vmem>> -> memref<32xi32, #tpu.memory_space<vmem>>
    %dma_wait3A_1458 = tpu.memref_slice %arg3[%dma_wait3A_1453, %mul3A_2] : memref<32x1024xi32, #tpu.memory_space<hbm>> -> memref<1x32xi32, #tpu.memory_space<hbm>>
    %dma_wait3A_1459 = tpu.memref_squeeze %dma_wait3A_1458 : memref<1x32xi32, #tpu.memory_space<hbm>> -> memref<32xi32, #tpu.memory_space<hbm>>
    %dma_wait3A_1460 = arith.constant 0 : i32
    %dma_wait3A_1461 = tpu.memref_slice %arg7[%dma_wait3A_1454, %dma_wait3A_1460] : memref<32x32xi32, #tpu.memory_space<vmem>> -> memref<1x32xi32, #tpu.memory_space<vmem>>
    %dma_wait3A_1462 = tpu.memref_squeeze %dma_wait3A_1461 : memref<1x32xi32, #tpu.memory_space<vmem>> -> memref<32xi32, #tpu.memory_space<vmem>>
    %dma_wait3A_1463 = tpu.memref_slice %arg3[%dma_wait3A_1453, %mul3A_2] : memref<32x1024xi32, #tpu.memory_space<hbm>> -> memref<1x32xi32, #tpu.memory_space<hbm>>
    %dma_wait3A_1464 = tpu.memref_squeeze %dma_wait3A_1463 : memref<1x32xi32, #tpu.memory_space<hbm>> -> memref<32xi32, #tpu.memory_space<hbm>>
    tpu.wait_dma2 semaphore(%arg10 : memref<!tpu.dma_semaphore, #tpu.memory_space<semaphore_mem>>) src(%dma_wait3A_1464 : memref<32xi32, #tpu.memory_space<hbm>>) dst(%dma_wait3A_1462 : memref<32xi32, #tpu.memory_space<vmem>>)
    %dma_wait3A_1465 = arith.constant 29 : i32
    %dma_wait3A_1466 = arith.constant 29 : i32
    %dma_wait3A_1467 = arith.constant 0 : i32
    %dma_wait3A_1468 = tpu.memref_slice %arg6[%dma_wait3A_1466, %dma_wait3A_1467] : memref<32x32xf32, #tpu.memory_space<vmem>> -> memref<1x32xf32, #tpu.memory_space<vmem>>
    %dma_wait3A_1469 = tpu.memref_squeeze %dma_wait3A_1468 : memref<1x32xf32, #tpu.memory_space<vmem>> -> memref<32xf32, #tpu.memory_space<vmem>>
    %dma_wait3A_1470 = tpu.memref_slice %arg2[%dma_wait3A_1465, %mul3A_2] : memref<32x1024xf32, #tpu.memory_space<hbm>> -> memref<1x32xf32, #tpu.memory_space<hbm>>
    %dma_wait3A_1471 = tpu.memref_squeeze %dma_wait3A_1470 : memref<1x32xf32, #tpu.memory_space<hbm>> -> memref<32xf32, #tpu.memory_space<hbm>>
    %dma_wait3A_1472 = arith.constant 0 : i32
    %dma_wait3A_1473 = tpu.memref_slice %arg6[%dma_wait3A_1466, %dma_wait3A_1472] : memref<32x32xf32, #tpu.memory_space<vmem>> -> memref<1x32xf32, #tpu.memory_space<vmem>>
    %dma_wait3A_1474 = tpu.memref_squeeze %dma_wait3A_1473 : memref<1x32xf32, #tpu.memory_space<vmem>> -> memref<32xf32, #tpu.memory_space<vmem>>
    %dma_wait3A_1475 = tpu.memref_slice %arg2[%dma_wait3A_1465, %mul3A_2] : memref<32x1024xf32, #tpu.memory_space<hbm>> -> memref<1x32xf32, #tpu.memory_space<hbm>>
    %dma_wait3A_1476 = tpu.memref_squeeze %dma_wait3A_1475 : memref<1x32xf32, #tpu.memory_space<hbm>> -> memref<32xf32, #tpu.memory_space<hbm>>
    tpu.wait_dma2 semaphore(%arg10 : memref<!tpu.dma_semaphore, #tpu.memory_space<semaphore_mem>>) src(%dma_wait3A_1476 : memref<32xf32, #tpu.memory_space<hbm>>) dst(%dma_wait3A_1474 : memref<32xf32, #tpu.memory_space<vmem>>)
    %dma_wait3A_1477 = arith.constant 29 : i32
    %dma_wait3A_1478 = arith.constant 29 : i32
    %dma_wait3A_1479 = arith.constant 0 : i32
    %dma_wait3A_1480 = tpu.memref_slice %arg7[%dma_wait3A_1478, %dma_wait3A_1479] : memref<32x32xi32, #tpu.memory_space<vmem>> -> memref<1x32xi32, #tpu.memory_space<vmem>>
    %dma_wait3A_1481 = tpu.memref_squeeze %dma_wait3A_1480 : memref<1x32xi32, #tpu.memory_space<vmem>> -> memref<32xi32, #tpu.memory_space<vmem>>
    %dma_wait3A_1482 = tpu.memref_slice %arg3[%dma_wait3A_1477, %mul3A_2] : memref<32x1024xi32, #tpu.memory_space<hbm>> -> memref<1x32xi32, #tpu.memory_space<hbm>>
    %dma_wait3A_1483 = tpu.memref_squeeze %dma_wait3A_1482 : memref<1x32xi32, #tpu.memory_space<hbm>> -> memref<32xi32, #tpu.memory_space<hbm>>
    %dma_wait3A_1484 = arith.constant 0 : i32
    %dma_wait3A_1485 = tpu.memref_slice %arg7[%dma_wait3A_1478, %dma_wait3A_1484] : memref<32x32xi32, #tpu.memory_space<vmem>> -> memref<1x32xi32, #tpu.memory_space<vmem>>
    %dma_wait3A_1486 = tpu.memref_squeeze %dma_wait3A_1485 : memref<1x32xi32, #tpu.memory_space<vmem>> -> memref<32xi32, #tpu.memory_space<vmem>>
    %dma_wait3A_1487 = tpu.memref_slice %arg3[%dma_wait3A_1477, %mul3A_2] : memref<32x1024xi32, #tpu.memory_space<hbm>> -> memref<1x32xi32, #tpu.memory_space<hbm>>
    %dma_wait3A_1488 = tpu.memref_squeeze %dma_wait3A_1487 : memref<1x32xi32, #tpu.memory_space<hbm>> -> memref<32xi32, #tpu.memory_space<hbm>>
    tpu.wait_dma2 semaphore(%arg10 : memref<!tpu.dma_semaphore, #tpu.memory_space<semaphore_mem>>) src(%dma_wait3A_1488 : memref<32xi32, #tpu.memory_space<hbm>>) dst(%dma_wait3A_1486 : memref<32xi32, #tpu.memory_space<vmem>>)
    %dma_wait3A_1489 = arith.constant 30 : i32
    %dma_wait3A_1490 = arith.constant 30 : i32
    %dma_wait3A_1491 = arith.constant 0 : i32
    %dma_wait3A_1492 = tpu.memref_slice %arg6[%dma_wait3A_1490, %dma_wait3A_1491] : memref<32x32xf32, #tpu.memory_space<vmem>> -> memref<1x32xf32, #tpu.memory_space<vmem>>
    %dma_wait3A_1493 = tpu.memref_squeeze %dma_wait3A_1492 : memref<1x32xf32, #tpu.memory_space<vmem>> -> memref<32xf32, #tpu.memory_space<vmem>>
    %dma_wait3A_1494 = tpu.memref_slice %arg2[%dma_wait3A_1489, %mul3A_2] : memref<32x1024xf32, #tpu.memory_space<hbm>> -> memref<1x32xf32, #tpu.memory_space<hbm>>
    %dma_wait3A_1495 = tpu.memref_squeeze %dma_wait3A_1494 : memref<1x32xf32, #tpu.memory_space<hbm>> -> memref<32xf32, #tpu.memory_space<hbm>>
    %dma_wait3A_1496 = arith.constant 0 : i32
    %dma_wait3A_1497 = tpu.memref_slice %arg6[%dma_wait3A_1490, %dma_wait3A_1496] : memref<32x32xf32, #tpu.memory_space<vmem>> -> memref<1x32xf32, #tpu.memory_space<vmem>>
    %dma_wait3A_1498 = tpu.memref_squeeze %dma_wait3A_1497 : memref<1x32xf32, #tpu.memory_space<vmem>> -> memref<32xf32, #tpu.memory_space<vmem>>
    %dma_wait3A_1499 = tpu.memref_slice %arg2[%dma_wait3A_1489, %mul3A_2] : memref<32x1024xf32, #tpu.memory_space<hbm>> -> memref<1x32xf32, #tpu.memory_space<hbm>>
    %dma_wait3A_1500 = tpu.memref_squeeze %dma_wait3A_1499 : memref<1x32xf32, #tpu.memory_space<hbm>> -> memref<32xf32, #tpu.memory_space<hbm>>
    tpu.wait_dma2 semaphore(%arg10 : memref<!tpu.dma_semaphore, #tpu.memory_space<semaphore_mem>>) src(%dma_wait3A_1500 : memref<32xf32, #tpu.memory_space<hbm>>) dst(%dma_wait3A_1498 : memref<32xf32, #tpu.memory_space<vmem>>)
    %dma_wait3A_1501 = arith.constant 30 : i32
    %dma_wait3A_1502 = arith.constant 30 : i32
    %dma_wait3A_1503 = arith.constant 0 : i32
    %dma_wait3A_1504 = tpu.memref_slice %arg7[%dma_wait3A_1502, %dma_wait3A_1503] : memref<32x32xi32, #tpu.memory_space<vmem>> -> memref<1x32xi32, #tpu.memory_space<vmem>>
    %dma_wait3A_1505 = tpu.memref_squeeze %dma_wait3A_1504 : memref<1x32xi32, #tpu.memory_space<vmem>> -> memref<32xi32, #tpu.memory_space<vmem>>
    %dma_wait3A_1506 = tpu.memref_slice %arg3[%dma_wait3A_1501, %mul3A_2] : memref<32x1024xi32, #tpu.memory_space<hbm>> -> memref<1x32xi32, #tpu.memory_space<hbm>>
    %dma_wait3A_1507 = tpu.memref_squeeze %dma_wait3A_1506 : memref<1x32xi32, #tpu.memory_space<hbm>> -> memref<32xi32, #tpu.memory_space<hbm>>
    %dma_wait3A_1508 = arith.constant 0 : i32
    %dma_wait3A_1509 = tpu.memref_slice %arg7[%dma_wait3A_1502, %dma_wait3A_1508] : memref<32x32xi32, #tpu.memory_space<vmem>> -> memref<1x32xi32, #tpu.memory_space<vmem>>
    %dma_wait3A_1510 = tpu.memref_squeeze %dma_wait3A_1509 : memref<1x32xi32, #tpu.memory_space<vmem>> -> memref<32xi32, #tpu.memory_space<vmem>>
    %dma_wait3A_1511 = tpu.memref_slice %arg3[%dma_wait3A_1501, %mul3A_2] : memref<32x1024xi32, #tpu.memory_space<hbm>> -> memref<1x32xi32, #tpu.memory_space<hbm>>
    %dma_wait3A_1512 = tpu.memref_squeeze %dma_wait3A_1511 : memref<1x32xi32, #tpu.memory_space<hbm>> -> memref<32xi32, #tpu.memory_space<hbm>>
    tpu.wait_dma2 semaphore(%arg10 : memref<!tpu.dma_semaphore, #tpu.memory_space<semaphore_mem>>) src(%dma_wait3A_1512 : memref<32xi32, #tpu.memory_space<hbm>>) dst(%dma_wait3A_1510 : memref<32xi32, #tpu.memory_space<vmem>>)
    %dma_wait3A_1513 = arith.constant 31 : i32
    %dma_wait3A_1514 = arith.constant 31 : i32
    %dma_wait3A_1515 = arith.constant 0 : i32
    %dma_wait3A_1516 = tpu.memref_slice %arg6[%dma_wait3A_1514, %dma_wait3A_1515] : memref<32x32xf32, #tpu.memory_space<vmem>> -> memref<1x32xf32, #tpu.memory_space<vmem>>
    %dma_wait3A_1517 = tpu.memref_squeeze %dma_wait3A_1516 : memref<1x32xf32, #tpu.memory_space<vmem>> -> memref<32xf32, #tpu.memory_space<vmem>>
    %dma_wait3A_1518 = tpu.memref_slice %arg2[%dma_wait3A_1513, %mul3A_2] : memref<32x1024xf32, #tpu.memory_space<hbm>> -> memref<1x32xf32, #tpu.memory_space<hbm>>
    %dma_wait3A_1519 = tpu.memref_squeeze %dma_wait3A_1518 : memref<1x32xf32, #tpu.memory_space<hbm>> -> memref<32xf32, #tpu.memory_space<hbm>>
    %dma_wait3A_1520 = arith.constant 0 : i32
    %dma_wait3A_1521 = tpu.memref_slice %arg6[%dma_wait3A_1514, %dma_wait3A_1520] : memref<32x32xf32, #tpu.memory_space<vmem>> -> memref<1x32xf32, #tpu.memory_space<vmem>>
    %dma_wait3A_1522 = tpu.memref_squeeze %dma_wait3A_1521 : memref<1x32xf32, #tpu.memory_space<vmem>> -> memref<32xf32, #tpu.memory_space<vmem>>
    %dma_wait3A_1523 = tpu.memref_slice %arg2[%dma_wait3A_1513, %mul3A_2] : memref<32x1024xf32, #tpu.memory_space<hbm>> -> memref<1x32xf32, #tpu.memory_space<hbm>>
    %dma_wait3A_1524 = tpu.memref_squeeze %dma_wait3A_1523 : memref<1x32xf32, #tpu.memory_space<hbm>> -> memref<32xf32, #tpu.memory_space<hbm>>
    tpu.wait_dma2 semaphore(%arg10 : memref<!tpu.dma_semaphore, #tpu.memory_space<semaphore_mem>>) src(%dma_wait3A_1524 : memref<32xf32, #tpu.memory_space<hbm>>) dst(%dma_wait3A_1522 : memref<32xf32, #tpu.memory_space<vmem>>)
    %dma_wait3A_1525 = arith.constant 31 : i32
    %dma_wait3A_1526 = arith.constant 31 : i32
    %dma_wait3A_1527 = arith.constant 0 : i32
    %dma_wait3A_1528 = tpu.memref_slice %arg7[%dma_wait3A_1526, %dma_wait3A_1527] : memref<32x32xi32, #tpu.memory_space<vmem>> -> memref<1x32xi32, #tpu.memory_space<vmem>>
    %dma_wait3A_1529 = tpu.memref_squeeze %dma_wait3A_1528 : memref<1x32xi32, #tpu.memory_space<vmem>> -> memref<32xi32, #tpu.memory_space<vmem>>
    %dma_wait3A_1530 = tpu.memref_slice %arg3[%dma_wait3A_1525, %mul3A_2] : memref<32x1024xi32, #tpu.memory_space<hbm>> -> memref<1x32xi32, #tpu.memory_space<hbm>>
    %dma_wait3A_1531 = tpu.memref_squeeze %dma_wait3A_1530 : memref<1x32xi32, #tpu.memory_space<hbm>> -> memref<32xi32, #tpu.memory_space<hbm>>
    %dma_wait3A_1532 = arith.constant 0 : i32
    %dma_wait3A_1533 = tpu.memref_slice %arg7[%dma_wait3A_1526, %dma_wait3A_1532] : memref<32x32xi32, #tpu.memory_space<vmem>> -> memref<1x32xi32, #tpu.memory_space<vmem>>
    %dma_wait3A_1534 = tpu.memref_squeeze %dma_wait3A_1533 : memref<1x32xi32, #tpu.memory_space<vmem>> -> memref<32xi32, #tpu.memory_space<vmem>>
    %dma_wait3A_1535 = tpu.memref_slice %arg3[%dma_wait3A_1525, %mul3A_2] : memref<32x1024xi32, #tpu.memory_space<hbm>> -> memref<1x32xi32, #tpu.memory_space<hbm>>
    %dma_wait3A_1536 = tpu.memref_squeeze %dma_wait3A_1535 : memref<1x32xi32, #tpu.memory_space<hbm>> -> memref<32xi32, #tpu.memory_space<hbm>>
    tpu.wait_dma2 semaphore(%arg10 : memref<!tpu.dma_semaphore, #tpu.memory_space<semaphore_mem>>) src(%dma_wait3A_1536 : memref<32xi32, #tpu.memory_space<hbm>>) dst(%dma_wait3A_1534 : memref<32xi32, #tpu.memory_space<vmem>>)
    %broadcast_in_dim3A = arith.constant 0x7F800000 : f32
    %broadcast_in_dim3A_1537 = vector.broadcast %broadcast_in_dim3A : f32 to vector<16xf32>
    %broadcast_in_dim3A_1538 = arith.constant 1073741824 : i32
    %broadcast_in_dim3A_1539 = vector.broadcast %broadcast_in_dim3A_1538 : i32 to vector<16xi32>
    %get3A = arith.constant 0 : i32
    %get3A_1540 = arith.index_cast %get3A : i32 to index
    %get3A_1541 = arith.constant 0 : index
    %get3A_1542 = tpu.vector_load %arg6[%get3A_1540, %get3A_1541] {strides = array<i32>} : memref<32x32xf32, #tpu.memory_space<vmem>>, vector<16xf32>,
    %get3A_1543 = arith.constant 0 : i32
    %get3A_1544 = arith.index_cast %get3A_1543 : i32 to index
    %get3A_1545 = arith.constant 0 : index
    %get3A_1546 = tpu.vector_load %arg7[%get3A_1544, %get3A_1545] {strides = array<i32>} : memref<32x32xi32, #tpu.memory_space<vmem>>, vector<16xi32>,
    %lt3A = arith.cmpf olt, %get3A_1542, %broadcast_in_dim3A_1537 : vector<16xf32>
    %eq3A = arith.cmpf oeq, %get3A_1542, %broadcast_in_dim3A_1537 : vector<16xf32>
    %lt3A_1547 = arith.cmpi slt, %get3A_1546, %broadcast_in_dim3A_1539 : vector<16xi32>
    %and3A = arith.andi %eq3A, %lt3A_1547 : vector<16xi1>
    %or3A = arith.ori %lt3A, %and3A : vector<16xi1>
    %select_n3A = arith.select %or3A, %get3A_1542, %broadcast_in_dim3A_1537 : vector<16xi1>, vector<16xf32>
    %select_n3A_1548 = arith.select %or3A, %get3A_1546, %broadcast_in_dim3A_1539 : vector<16xi1>, vector<16xi32>
    %get3A_1549 = arith.constant 0 : i32
    %get3A_1550 = arith.index_cast %get3A_1549 : i32 to index
    %get3A_1551 = arith.constant 16 : index
    %get3A_1552 = tpu.vector_load %arg6[%get3A_1550, %get3A_1551] {strides = array<i32>} : memref<32x32xf32, #tpu.memory_space<vmem>>, vector<16xf32>,
    %get3A_1553 = arith.constant 0 : i32
    %get3A_1554 = arith.index_cast %get3A_1553 : i32 to index
    %get3A_1555 = arith.constant 16 : index
    %get3A_1556 = tpu.vector_load %arg7[%get3A_1554, %get3A_1555] {strides = array<i32>} : memref<32x32xi32, #tpu.memory_space<vmem>>, vector<16xi32>,
    %lt3A_1557 = arith.cmpf olt, %get3A_1552, %broadcast_in_dim3A_1537 : vector<16xf32>
    %eq3A_1558 = arith.cmpf oeq, %get3A_1552, %broadcast_in_dim3A_1537 : vector<16xf32>
    %lt3A_1559 = arith.cmpi slt, %get3A_1556, %broadcast_in_dim3A_1539 : vector<16xi32>
    %and3A_1560 = arith.andi %eq3A_1558, %lt3A_1559 : vector<16xi1>
    %or3A_1561 = arith.ori %lt3A_1557, %and3A_1560 : vector<16xi1>
    %select_n3A_1562 = arith.select %or3A_1561, %get3A_1552, %broadcast_in_dim3A_1537 : vector<16xi1>, vector<16xf32>
    %select_n3A_1563 = arith.select %or3A_1561, %get3A_1556, %broadcast_in_dim3A_1539 : vector<16xi1>, vector<16xi32>
    %get3A_1564 = arith.constant 1 : i32
    %get3A_1565 = arith.index_cast %get3A_1564 : i32 to index
    %get3A_1566 = arith.constant 0 : index
    %get3A_1567 = tpu.vector_load %arg6[%get3A_1565, %get3A_1566] {strides = array<i32>} : memref<32x32xf32, #tpu.memory_space<vmem>>, vector<16xf32>,
    %get3A_1568 = arith.constant 1 : i32
    %get3A_1569 = arith.index_cast %get3A_1568 : i32 to index
    %get3A_1570 = arith.constant 0 : index
    %get3A_1571 = tpu.vector_load %arg7[%get3A_1569, %get3A_1570] {strides = array<i32>} : memref<32x32xi32, #tpu.memory_space<vmem>>, vector<16xi32>,
    %lt3A_1572 = arith.cmpf olt, %get3A_1567, %select_n3A : vector<16xf32>
    %eq3A_1573 = arith.cmpf oeq, %get3A_1567, %select_n3A : vector<16xf32>
    %lt3A_1574 = arith.cmpi slt, %get3A_1571, %select_n3A_1548 : vector<16xi32>
    %and3A_1575 = arith.andi %eq3A_1573, %lt3A_1574 : vector<16xi1>
    %or3A_1576 = arith.ori %lt3A_1572, %and3A_1575 : vector<16xi1>
    %select_n3A_1577 = arith.select %or3A_1576, %get3A_1567, %select_n3A : vector<16xi1>, vector<16xf32>
    %select_n3A_1578 = arith.select %or3A_1576, %get3A_1571, %select_n3A_1548 : vector<16xi1>, vector<16xi32>
    %get3A_1579 = arith.constant 1 : i32
    %get3A_1580 = arith.index_cast %get3A_1579 : i32 to index
    %get3A_1581 = arith.constant 16 : index
    %get3A_1582 = tpu.vector_load %arg6[%get3A_1580, %get3A_1581] {strides = array<i32>} : memref<32x32xf32, #tpu.memory_space<vmem>>, vector<16xf32>,
    %get3A_1583 = arith.constant 1 : i32
    %get3A_1584 = arith.index_cast %get3A_1583 : i32 to index
    %get3A_1585 = arith.constant 16 : index
    %get3A_1586 = tpu.vector_load %arg7[%get3A_1584, %get3A_1585] {strides = array<i32>} : memref<32x32xi32, #tpu.memory_space<vmem>>, vector<16xi32>,
    %lt3A_1587 = arith.cmpf olt, %get3A_1582, %select_n3A_1562 : vector<16xf32>
    %eq3A_1588 = arith.cmpf oeq, %get3A_1582, %select_n3A_1562 : vector<16xf32>
    %lt3A_1589 = arith.cmpi slt, %get3A_1586, %select_n3A_1563 : vector<16xi32>
    %and3A_1590 = arith.andi %eq3A_1588, %lt3A_1589 : vector<16xi1>
    %or3A_1591 = arith.ori %lt3A_1587, %and3A_1590 : vector<16xi1>
    %select_n3A_1592 = arith.select %or3A_1591, %get3A_1582, %select_n3A_1562 : vector<16xi1>, vector<16xf32>
    %select_n3A_1593 = arith.select %or3A_1591, %get3A_1586, %select_n3A_1563 : vector<16xi1>, vector<16xi32>
    %get3A_1594 = arith.constant 2 : i32
    %get3A_1595 = arith.index_cast %get3A_1594 : i32 to index
    %get3A_1596 = arith.constant 0 : index
    %get3A_1597 = tpu.vector_load %arg6[%get3A_1595, %get3A_1596] {strides = array<i32>} : memref<32x32xf32, #tpu.memory_space<vmem>>, vector<16xf32>,
    %get3A_1598 = arith.constant 2 : i32
    %get3A_1599 = arith.index_cast %get3A_1598 : i32 to index
    %get3A_1600 = arith.constant 0 : index
    %get3A_1601 = tpu.vector_load %arg7[%get3A_1599, %get3A_1600] {strides = array<i32>} : memref<32x32xi32, #tpu.memory_space<vmem>>, vector<16xi32>,
    %lt3A_1602 = arith.cmpf olt, %get3A_1597, %select_n3A_1577 : vector<16xf32>
    %eq3A_1603 = arith.cmpf oeq, %get3A_1597, %select_n3A_1577 : vector<16xf32>
    %lt3A_1604 = arith.cmpi slt, %get3A_1601, %select_n3A_1578 : vector<16xi32>
    %and3A_1605 = arith.andi %eq3A_1603, %lt3A_1604 : vector<16xi1>
    %or3A_1606 = arith.ori %lt3A_1602, %and3A_1605 : vector<16xi1>
    %select_n3A_1607 = arith.select %or3A_1606, %get3A_1597, %select_n3A_1577 : vector<16xi1>, vector<16xf32>
    %select_n3A_1608 = arith.select %or3A_1606, %get3A_1601, %select_n3A_1578 : vector<16xi1>, vector<16xi32>
    %get3A_1609 = arith.constant 2 : i32
    %get3A_1610 = arith.index_cast %get3A_1609 : i32 to index
    %get3A_1611 = arith.constant 16 : index
    %get3A_1612 = tpu.vector_load %arg6[%get3A_1610, %get3A_1611] {strides = array<i32>} : memref<32x32xf32, #tpu.memory_space<vmem>>, vector<16xf32>,
    %get3A_1613 = arith.constant 2 : i32
    %get3A_1614 = arith.index_cast %get3A_1613 : i32 to index
    %get3A_1615 = arith.constant 16 : index
    %get3A_1616 = tpu.vector_load %arg7[%get3A_1614, %get3A_1615] {strides = array<i32>} : memref<32x32xi32, #tpu.memory_space<vmem>>, vector<16xi32>,
    %lt3A_1617 = arith.cmpf olt, %get3A_1612, %select_n3A_1592 : vector<16xf32>
    %eq3A_1618 = arith.cmpf oeq, %get3A_1612, %select_n3A_1592 : vector<16xf32>
    %lt3A_1619 = arith.cmpi slt, %get3A_1616, %select_n3A_1593 : vector<16xi32>
    %and3A_1620 = arith.andi %eq3A_1618, %lt3A_1619 : vector<16xi1>
    %or3A_1621 = arith.ori %lt3A_1617, %and3A_1620 : vector<16xi1>
    %select_n3A_1622 = arith.select %or3A_1621, %get3A_1612, %select_n3A_1592 : vector<16xi1>, vector<16xf32>
    %select_n3A_1623 = arith.select %or3A_1621, %get3A_1616, %select_n3A_1593 : vector<16xi1>, vector<16xi32>
    %get3A_1624 = arith.constant 3 : i32
    %get3A_1625 = arith.index_cast %get3A_1624 : i32 to index
    %get3A_1626 = arith.constant 0 : index
    %get3A_1627 = tpu.vector_load %arg6[%get3A_1625, %get3A_1626] {strides = array<i32>} : memref<32x32xf32, #tpu.memory_space<vmem>>, vector<16xf32>,
    %get3A_1628 = arith.constant 3 : i32
    %get3A_1629 = arith.index_cast %get3A_1628 : i32 to index
    %get3A_1630 = arith.constant 0 : index
    %get3A_1631 = tpu.vector_load %arg7[%get3A_1629, %get3A_1630] {strides = array<i32>} : memref<32x32xi32, #tpu.memory_space<vmem>>, vector<16xi32>,
    %lt3A_1632 = arith.cmpf olt, %get3A_1627, %select_n3A_1607 : vector<16xf32>
    %eq3A_1633 = arith.cmpf oeq, %get3A_1627, %select_n3A_1607 : vector<16xf32>
    %lt3A_1634 = arith.cmpi slt, %get3A_1631, %select_n3A_1608 : vector<16xi32>
    %and3A_1635 = arith.andi %eq3A_1633, %lt3A_1634 : vector<16xi1>
    %or3A_1636 = arith.ori %lt3A_1632, %and3A_1635 : vector<16xi1>
    %select_n3A_1637 = arith.select %or3A_1636, %get3A_1627, %select_n3A_1607 : vector<16xi1>, vector<16xf32>
    %select_n3A_1638 = arith.select %or3A_1636, %get3A_1631, %select_n3A_1608 : vector<16xi1>, vector<16xi32>
    %get3A_1639 = arith.constant 3 : i32
    %get3A_1640 = arith.index_cast %get3A_1639 : i32 to index
    %get3A_1641 = arith.constant 16 : index
    %get3A_1642 = tpu.vector_load %arg6[%get3A_1640, %get3A_1641] {strides = array<i32>} : memref<32x32xf32, #tpu.memory_space<vmem>>, vector<16xf32>,
    %get3A_1643 = arith.constant 3 : i32
    %get3A_1644 = arith.index_cast %get3A_1643 : i32 to index
    %get3A_1645 = arith.constant 16 : index
    %get3A_1646 = tpu.vector_load %arg7[%get3A_1644, %get3A_1645] {strides = array<i32>} : memref<32x32xi32, #tpu.memory_space<vmem>>, vector<16xi32>,
    %lt3A_1647 = arith.cmpf olt, %get3A_1642, %select_n3A_1622 : vector<16xf32>
    %eq3A_1648 = arith.cmpf oeq, %get3A_1642, %select_n3A_1622 : vector<16xf32>
    %lt3A_1649 = arith.cmpi slt, %get3A_1646, %select_n3A_1623 : vector<16xi32>
    %and3A_1650 = arith.andi %eq3A_1648, %lt3A_1649 : vector<16xi1>
    %or3A_1651 = arith.ori %lt3A_1647, %and3A_1650 : vector<16xi1>
    %select_n3A_1652 = arith.select %or3A_1651, %get3A_1642, %select_n3A_1622 : vector<16xi1>, vector<16xf32>
    %select_n3A_1653 = arith.select %or3A_1651, %get3A_1646, %select_n3A_1623 : vector<16xi1>, vector<16xi32>
    %get3A_1654 = arith.constant 4 : i32
    %get3A_1655 = arith.index_cast %get3A_1654 : i32 to index
    %get3A_1656 = arith.constant 0 : index
    %get3A_1657 = tpu.vector_load %arg6[%get3A_1655, %get3A_1656] {strides = array<i32>} : memref<32x32xf32, #tpu.memory_space<vmem>>, vector<16xf32>,
    %get3A_1658 = arith.constant 4 : i32
    %get3A_1659 = arith.index_cast %get3A_1658 : i32 to index
    %get3A_1660 = arith.constant 0 : index
    %get3A_1661 = tpu.vector_load %arg7[%get3A_1659, %get3A_1660] {strides = array<i32>} : memref<32x32xi32, #tpu.memory_space<vmem>>, vector<16xi32>,
    %lt3A_1662 = arith.cmpf olt, %get3A_1657, %select_n3A_1637 : vector<16xf32>
    %eq3A_1663 = arith.cmpf oeq, %get3A_1657, %select_n3A_1637 : vector<16xf32>
    %lt3A_1664 = arith.cmpi slt, %get3A_1661, %select_n3A_1638 : vector<16xi32>
    %and3A_1665 = arith.andi %eq3A_1663, %lt3A_1664 : vector<16xi1>
    %or3A_1666 = arith.ori %lt3A_1662, %and3A_1665 : vector<16xi1>
    %select_n3A_1667 = arith.select %or3A_1666, %get3A_1657, %select_n3A_1637 : vector<16xi1>, vector<16xf32>
    %select_n3A_1668 = arith.select %or3A_1666, %get3A_1661, %select_n3A_1638 : vector<16xi1>, vector<16xi32>
    %get3A_1669 = arith.constant 4 : i32
    %get3A_1670 = arith.index_cast %get3A_1669 : i32 to index
    %get3A_1671 = arith.constant 16 : index
    %get3A_1672 = tpu.vector_load %arg6[%get3A_1670, %get3A_1671] {strides = array<i32>} : memref<32x32xf32, #tpu.memory_space<vmem>>, vector<16xf32>,
    %get3A_1673 = arith.constant 4 : i32
    %get3A_1674 = arith.index_cast %get3A_1673 : i32 to index
    %get3A_1675 = arith.constant 16 : index
    %get3A_1676 = tpu.vector_load %arg7[%get3A_1674, %get3A_1675] {strides = array<i32>} : memref<32x32xi32, #tpu.memory_space<vmem>>, vector<16xi32>,
    %lt3A_1677 = arith.cmpf olt, %get3A_1672, %select_n3A_1652 : vector<16xf32>
    %eq3A_1678 = arith.cmpf oeq, %get3A_1672, %select_n3A_1652 : vector<16xf32>
    %lt3A_1679 = arith.cmpi slt, %get3A_1676, %select_n3A_1653 : vector<16xi32>
    %and3A_1680 = arith.andi %eq3A_1678, %lt3A_1679 : vector<16xi1>
    %or3A_1681 = arith.ori %lt3A_1677, %and3A_1680 : vector<16xi1>
    %select_n3A_1682 = arith.select %or3A_1681, %get3A_1672, %select_n3A_1652 : vector<16xi1>, vector<16xf32>
    %select_n3A_1683 = arith.select %or3A_1681, %get3A_1676, %select_n3A_1653 : vector<16xi1>, vector<16xi32>
    %get3A_1684 = arith.constant 5 : i32
    %get3A_1685 = arith.index_cast %get3A_1684 : i32 to index
    %get3A_1686 = arith.constant 0 : index
    %get3A_1687 = tpu.vector_load %arg6[%get3A_1685, %get3A_1686] {strides = array<i32>} : memref<32x32xf32, #tpu.memory_space<vmem>>, vector<16xf32>,
    %get3A_1688 = arith.constant 5 : i32
    %get3A_1689 = arith.index_cast %get3A_1688 : i32 to index
    %get3A_1690 = arith.constant 0 : index
    %get3A_1691 = tpu.vector_load %arg7[%get3A_1689, %get3A_1690] {strides = array<i32>} : memref<32x32xi32, #tpu.memory_space<vmem>>, vector<16xi32>,
    %lt3A_1692 = arith.cmpf olt, %get3A_1687, %select_n3A_1667 : vector<16xf32>
    %eq3A_1693 = arith.cmpf oeq, %get3A_1687, %select_n3A_1667 : vector<16xf32>
    %lt3A_1694 = arith.cmpi slt, %get3A_1691, %select_n3A_1668 : vector<16xi32>
    %and3A_1695 = arith.andi %eq3A_1693, %lt3A_1694 : vector<16xi1>
    %or3A_1696 = arith.ori %lt3A_1692, %and3A_1695 : vector<16xi1>
    %select_n3A_1697 = arith.select %or3A_1696, %get3A_1687, %select_n3A_1667 : vector<16xi1>, vector<16xf32>
    %select_n3A_1698 = arith.select %or3A_1696, %get3A_1691, %select_n3A_1668 : vector<16xi1>, vector<16xi32>
    %get3A_1699 = arith.constant 5 : i32
    %get3A_1700 = arith.index_cast %get3A_1699 : i32 to index
    %get3A_1701 = arith.constant 16 : index
    %get3A_1702 = tpu.vector_load %arg6[%get3A_1700, %get3A_1701] {strides = array<i32>} : memref<32x32xf32, #tpu.memory_space<vmem>>, vector<16xf32>,
    %get3A_1703 = arith.constant 5 : i32
    %get3A_1704 = arith.index_cast %get3A_1703 : i32 to index
    %get3A_1705 = arith.constant 16 : index
    %get3A_1706 = tpu.vector_load %arg7[%get3A_1704, %get3A_1705] {strides = array<i32>} : memref<32x32xi32, #tpu.memory_space<vmem>>, vector<16xi32>,
    %lt3A_1707 = arith.cmpf olt, %get3A_1702, %select_n3A_1682 : vector<16xf32>
    %eq3A_1708 = arith.cmpf oeq, %get3A_1702, %select_n3A_1682 : vector<16xf32>
    %lt3A_1709 = arith.cmpi slt, %get3A_1706, %select_n3A_1683 : vector<16xi32>
    %and3A_1710 = arith.andi %eq3A_1708, %lt3A_1709 : vector<16xi1>
    %or3A_1711 = arith.ori %lt3A_1707, %and3A_1710 : vector<16xi1>
    %select_n3A_1712 = arith.select %or3A_1711, %get3A_1702, %select_n3A_1682 : vector<16xi1>, vector<16xf32>
    %select_n3A_1713 = arith.select %or3A_1711, %get3A_1706, %select_n3A_1683 : vector<16xi1>, vector<16xi32>
    %get3A_1714 = arith.constant 6 : i32
    %get3A_1715 = arith.index_cast %get3A_1714 : i32 to index
    %get3A_1716 = arith.constant 0 : index
    %get3A_1717 = tpu.vector_load %arg6[%get3A_1715, %get3A_1716] {strides = array<i32>} : memref<32x32xf32, #tpu.memory_space<vmem>>, vector<16xf32>,
    %get3A_1718 = arith.constant 6 : i32
    %get3A_1719 = arith.index_cast %get3A_1718 : i32 to index
    %get3A_1720 = arith.constant 0 : index
    %get3A_1721 = tpu.vector_load %arg7[%get3A_1719, %get3A_1720] {strides = array<i32>} : memref<32x32xi32, #tpu.memory_space<vmem>>, vector<16xi32>,
    %lt3A_1722 = arith.cmpf olt, %get3A_1717, %select_n3A_1697 : vector<16xf32>
    %eq3A_1723 = arith.cmpf oeq, %get3A_1717, %select_n3A_1697 : vector<16xf32>
    %lt3A_1724 = arith.cmpi slt, %get3A_1721, %select_n3A_1698 : vector<16xi32>
    %and3A_1725 = arith.andi %eq3A_1723, %lt3A_1724 : vector<16xi1>
    %or3A_1726 = arith.ori %lt3A_1722, %and3A_1725 : vector<16xi1>
    %select_n3A_1727 = arith.select %or3A_1726, %get3A_1717, %select_n3A_1697 : vector<16xi1>, vector<16xf32>
    %select_n3A_1728 = arith.select %or3A_1726, %get3A_1721, %select_n3A_1698 : vector<16xi1>, vector<16xi32>
    %get3A_1729 = arith.constant 6 : i32
    %get3A_1730 = arith.index_cast %get3A_1729 : i32 to index
    %get3A_1731 = arith.constant 16 : index
    %get3A_1732 = tpu.vector_load %arg6[%get3A_1730, %get3A_1731] {strides = array<i32>} : memref<32x32xf32, #tpu.memory_space<vmem>>, vector<16xf32>,
    %get3A_1733 = arith.constant 6 : i32
    %get3A_1734 = arith.index_cast %get3A_1733 : i32 to index
    %get3A_1735 = arith.constant 16 : index
    %get3A_1736 = tpu.vector_load %arg7[%get3A_1734, %get3A_1735] {strides = array<i32>} : memref<32x32xi32, #tpu.memory_space<vmem>>, vector<16xi32>,
    %lt3A_1737 = arith.cmpf olt, %get3A_1732, %select_n3A_1712 : vector<16xf32>
    %eq3A_1738 = arith.cmpf oeq, %get3A_1732, %select_n3A_1712 : vector<16xf32>
    %lt3A_1739 = arith.cmpi slt, %get3A_1736, %select_n3A_1713 : vector<16xi32>
    %and3A_1740 = arith.andi %eq3A_1738, %lt3A_1739 : vector<16xi1>
    %or3A_1741 = arith.ori %lt3A_1737, %and3A_1740 : vector<16xi1>
    %select_n3A_1742 = arith.select %or3A_1741, %get3A_1732, %select_n3A_1712 : vector<16xi1>, vector<16xf32>
    %select_n3A_1743 = arith.select %or3A_1741, %get3A_1736, %select_n3A_1713 : vector<16xi1>, vector<16xi32>
    %get3A_1744 = arith.constant 7 : i32
    %get3A_1745 = arith.index_cast %get3A_1744 : i32 to index
    %get3A_1746 = arith.constant 0 : index
    %get3A_1747 = tpu.vector_load %arg6[%get3A_1745, %get3A_1746] {strides = array<i32>} : memref<32x32xf32, #tpu.memory_space<vmem>>, vector<16xf32>,
    %get3A_1748 = arith.constant 7 : i32
    %get3A_1749 = arith.index_cast %get3A_1748 : i32 to index
    %get3A_1750 = arith.constant 0 : index
    %get3A_1751 = tpu.vector_load %arg7[%get3A_1749, %get3A_1750] {strides = array<i32>} : memref<32x32xi32, #tpu.memory_space<vmem>>, vector<16xi32>,
    %lt3A_1752 = arith.cmpf olt, %get3A_1747, %select_n3A_1727 : vector<16xf32>
    %eq3A_1753 = arith.cmpf oeq, %get3A_1747, %select_n3A_1727 : vector<16xf32>
    %lt3A_1754 = arith.cmpi slt, %get3A_1751, %select_n3A_1728 : vector<16xi32>
    %and3A_1755 = arith.andi %eq3A_1753, %lt3A_1754 : vector<16xi1>
    %or3A_1756 = arith.ori %lt3A_1752, %and3A_1755 : vector<16xi1>
    %select_n3A_1757 = arith.select %or3A_1756, %get3A_1747, %select_n3A_1727 : vector<16xi1>, vector<16xf32>
    %select_n3A_1758 = arith.select %or3A_1756, %get3A_1751, %select_n3A_1728 : vector<16xi1>, vector<16xi32>
    %get3A_1759 = arith.constant 7 : i32
    %get3A_1760 = arith.index_cast %get3A_1759 : i32 to index
    %get3A_1761 = arith.constant 16 : index
    %get3A_1762 = tpu.vector_load %arg6[%get3A_1760, %get3A_1761] {strides = array<i32>} : memref<32x32xf32, #tpu.memory_space<vmem>>, vector<16xf32>,
    %get3A_1763 = arith.constant 7 : i32
    %get3A_1764 = arith.index_cast %get3A_1763 : i32 to index
    %get3A_1765 = arith.constant 16 : index
    %get3A_1766 = tpu.vector_load %arg7[%get3A_1764, %get3A_1765] {strides = array<i32>} : memref<32x32xi32, #tpu.memory_space<vmem>>, vector<16xi32>,
    %lt3A_1767 = arith.cmpf olt, %get3A_1762, %select_n3A_1742 : vector<16xf32>
    %eq3A_1768 = arith.cmpf oeq, %get3A_1762, %select_n3A_1742 : vector<16xf32>
    %lt3A_1769 = arith.cmpi slt, %get3A_1766, %select_n3A_1743 : vector<16xi32>
    %and3A_1770 = arith.andi %eq3A_1768, %lt3A_1769 : vector<16xi1>
    %or3A_1771 = arith.ori %lt3A_1767, %and3A_1770 : vector<16xi1>
    %select_n3A_1772 = arith.select %or3A_1771, %get3A_1762, %select_n3A_1742 : vector<16xi1>, vector<16xf32>
    %select_n3A_1773 = arith.select %or3A_1771, %get3A_1766, %select_n3A_1743 : vector<16xi1>, vector<16xi32>
    %get3A_1774 = arith.constant 8 : i32
    %get3A_1775 = arith.index_cast %get3A_1774 : i32 to index
    %get3A_1776 = arith.constant 0 : index
    %get3A_1777 = tpu.vector_load %arg6[%get3A_1775, %get3A_1776] {strides = array<i32>} : memref<32x32xf32, #tpu.memory_space<vmem>>, vector<16xf32>,
    %get3A_1778 = arith.constant 8 : i32
    %get3A_1779 = arith.index_cast %get3A_1778 : i32 to index
    %get3A_1780 = arith.constant 0 : index
    %get3A_1781 = tpu.vector_load %arg7[%get3A_1779, %get3A_1780] {strides = array<i32>} : memref<32x32xi32, #tpu.memory_space<vmem>>, vector<16xi32>,
    %lt3A_1782 = arith.cmpf olt, %get3A_1777, %select_n3A_1757 : vector<16xf32>
    %eq3A_1783 = arith.cmpf oeq, %get3A_1777, %select_n3A_1757 : vector<16xf32>
    %lt3A_1784 = arith.cmpi slt, %get3A_1781, %select_n3A_1758 : vector<16xi32>
    %and3A_1785 = arith.andi %eq3A_1783, %lt3A_1784 : vector<16xi1>
    %or3A_1786 = arith.ori %lt3A_1782, %and3A_1785 : vector<16xi1>
    %select_n3A_1787 = arith.select %or3A_1786, %get3A_1777, %select_n3A_1757 : vector<16xi1>, vector<16xf32>
    %select_n3A_1788 = arith.select %or3A_1786, %get3A_1781, %select_n3A_1758 : vector<16xi1>, vector<16xi32>
    %get3A_1789 = arith.constant 8 : i32
    %get3A_1790 = arith.index_cast %get3A_1789 : i32 to index
    %get3A_1791 = arith.constant 16 : index
    %get3A_1792 = tpu.vector_load %arg6[%get3A_1790, %get3A_1791] {strides = array<i32>} : memref<32x32xf32, #tpu.memory_space<vmem>>, vector<16xf32>,
    %get3A_1793 = arith.constant 8 : i32
    %get3A_1794 = arith.index_cast %get3A_1793 : i32 to index
    %get3A_1795 = arith.constant 16 : index
    %get3A_1796 = tpu.vector_load %arg7[%get3A_1794, %get3A_1795] {strides = array<i32>} : memref<32x32xi32, #tpu.memory_space<vmem>>, vector<16xi32>,
    %lt3A_1797 = arith.cmpf olt, %get3A_1792, %select_n3A_1772 : vector<16xf32>
    %eq3A_1798 = arith.cmpf oeq, %get3A_1792, %select_n3A_1772 : vector<16xf32>
    %lt3A_1799 = arith.cmpi slt, %get3A_1796, %select_n3A_1773 : vector<16xi32>
    %and3A_1800 = arith.andi %eq3A_1798, %lt3A_1799 : vector<16xi1>
    %or3A_1801 = arith.ori %lt3A_1797, %and3A_1800 : vector<16xi1>
    %select_n3A_1802 = arith.select %or3A_1801, %get3A_1792, %select_n3A_1772 : vector<16xi1>, vector<16xf32>
    %select_n3A_1803 = arith.select %or3A_1801, %get3A_1796, %select_n3A_1773 : vector<16xi1>, vector<16xi32>
    %get3A_1804 = arith.constant 9 : i32
    %get3A_1805 = arith.index_cast %get3A_1804 : i32 to index
    %get3A_1806 = arith.constant 0 : index
    %get3A_1807 = tpu.vector_load %arg6[%get3A_1805, %get3A_1806] {strides = array<i32>} : memref<32x32xf32, #tpu.memory_space<vmem>>, vector<16xf32>,
    %get3A_1808 = arith.constant 9 : i32
    %get3A_1809 = arith.index_cast %get3A_1808 : i32 to index
    %get3A_1810 = arith.constant 0 : index
    %get3A_1811 = tpu.vector_load %arg7[%get3A_1809, %get3A_1810] {strides = array<i32>} : memref<32x32xi32, #tpu.memory_space<vmem>>, vector<16xi32>,
    %lt3A_1812 = arith.cmpf olt, %get3A_1807, %select_n3A_1787 : vector<16xf32>
    %eq3A_1813 = arith.cmpf oeq, %get3A_1807, %select_n3A_1787 : vector<16xf32>
    %lt3A_1814 = arith.cmpi slt, %get3A_1811, %select_n3A_1788 : vector<16xi32>
    %and3A_1815 = arith.andi %eq3A_1813, %lt3A_1814 : vector<16xi1>
    %or3A_1816 = arith.ori %lt3A_1812, %and3A_1815 : vector<16xi1>
    %select_n3A_1817 = arith.select %or3A_1816, %get3A_1807, %select_n3A_1787 : vector<16xi1>, vector<16xf32>
    %select_n3A_1818 = arith.select %or3A_1816, %get3A_1811, %select_n3A_1788 : vector<16xi1>, vector<16xi32>
    %get3A_1819 = arith.constant 9 : i32
    %get3A_1820 = arith.index_cast %get3A_1819 : i32 to index
    %get3A_1821 = arith.constant 16 : index
    %get3A_1822 = tpu.vector_load %arg6[%get3A_1820, %get3A_1821] {strides = array<i32>} : memref<32x32xf32, #tpu.memory_space<vmem>>, vector<16xf32>,
    %get3A_1823 = arith.constant 9 : i32
    %get3A_1824 = arith.index_cast %get3A_1823 : i32 to index
    %get3A_1825 = arith.constant 16 : index
    %get3A_1826 = tpu.vector_load %arg7[%get3A_1824, %get3A_1825] {strides = array<i32>} : memref<32x32xi32, #tpu.memory_space<vmem>>, vector<16xi32>,
    %lt3A_1827 = arith.cmpf olt, %get3A_1822, %select_n3A_1802 : vector<16xf32>
    %eq3A_1828 = arith.cmpf oeq, %get3A_1822, %select_n3A_1802 : vector<16xf32>
    %lt3A_1829 = arith.cmpi slt, %get3A_1826, %select_n3A_1803 : vector<16xi32>
    %and3A_1830 = arith.andi %eq3A_1828, %lt3A_1829 : vector<16xi1>
    %or3A_1831 = arith.ori %lt3A_1827, %and3A_1830 : vector<16xi1>
    %select_n3A_1832 = arith.select %or3A_1831, %get3A_1822, %select_n3A_1802 : vector<16xi1>, vector<16xf32>
    %select_n3A_1833 = arith.select %or3A_1831, %get3A_1826, %select_n3A_1803 : vector<16xi1>, vector<16xi32>
    %get3A_1834 = arith.constant 10 : i32
    %get3A_1835 = arith.index_cast %get3A_1834 : i32 to index
    %get3A_1836 = arith.constant 0 : index
    %get3A_1837 = tpu.vector_load %arg6[%get3A_1835, %get3A_1836] {strides = array<i32>} : memref<32x32xf32, #tpu.memory_space<vmem>>, vector<16xf32>,
    %get3A_1838 = arith.constant 10 : i32
    %get3A_1839 = arith.index_cast %get3A_1838 : i32 to index
    %get3A_1840 = arith.constant 0 : index
    %get3A_1841 = tpu.vector_load %arg7[%get3A_1839, %get3A_1840] {strides = array<i32>} : memref<32x32xi32, #tpu.memory_space<vmem>>, vector<16xi32>,
    %lt3A_1842 = arith.cmpf olt, %get3A_1837, %select_n3A_1817 : vector<16xf32>
    %eq3A_1843 = arith.cmpf oeq, %get3A_1837, %select_n3A_1817 : vector<16xf32>
    %lt3A_1844 = arith.cmpi slt, %get3A_1841, %select_n3A_1818 : vector<16xi32>
    %and3A_1845 = arith.andi %eq3A_1843, %lt3A_1844 : vector<16xi1>
    %or3A_1846 = arith.ori %lt3A_1842, %and3A_1845 : vector<16xi1>
    %select_n3A_1847 = arith.select %or3A_1846, %get3A_1837, %select_n3A_1817 : vector<16xi1>, vector<16xf32>
    %select_n3A_1848 = arith.select %or3A_1846, %get3A_1841, %select_n3A_1818 : vector<16xi1>, vector<16xi32>
    %get3A_1849 = arith.constant 10 : i32
    %get3A_1850 = arith.index_cast %get3A_1849 : i32 to index
    %get3A_1851 = arith.constant 16 : index
    %get3A_1852 = tpu.vector_load %arg6[%get3A_1850, %get3A_1851] {strides = array<i32>} : memref<32x32xf32, #tpu.memory_space<vmem>>, vector<16xf32>,
    %get3A_1853 = arith.constant 10 : i32
    %get3A_1854 = arith.index_cast %get3A_1853 : i32 to index
    %get3A_1855 = arith.constant 16 : index
    %get3A_1856 = tpu.vector_load %arg7[%get3A_1854, %get3A_1855] {strides = array<i32>} : memref<32x32xi32, #tpu.memory_space<vmem>>, vector<16xi32>,
    %lt3A_1857 = arith.cmpf olt, %get3A_1852, %select_n3A_1832 : vector<16xf32>
    %eq3A_1858 = arith.cmpf oeq, %get3A_1852, %select_n3A_1832 : vector<16xf32>
    %lt3A_1859 = arith.cmpi slt, %get3A_1856, %select_n3A_1833 : vector<16xi32>
    %and3A_1860 = arith.andi %eq3A_1858, %lt3A_1859 : vector<16xi1>
    %or3A_1861 = arith.ori %lt3A_1857, %and3A_1860 : vector<16xi1>
    %select_n3A_1862 = arith.select %or3A_1861, %get3A_1852, %select_n3A_1832 : vector<16xi1>, vector<16xf32>
    %select_n3A_1863 = arith.select %or3A_1861, %get3A_1856, %select_n3A_1833 : vector<16xi1>, vector<16xi32>
    %get3A_1864 = arith.constant 11 : i32
    %get3A_1865 = arith.index_cast %get3A_1864 : i32 to index
    %get3A_1866 = arith.constant 0 : index
    %get3A_1867 = tpu.vector_load %arg6[%get3A_1865, %get3A_1866] {strides = array<i32>} : memref<32x32xf32, #tpu.memory_space<vmem>>, vector<16xf32>,
    %get3A_1868 = arith.constant 11 : i32
    %get3A_1869 = arith.index_cast %get3A_1868 : i32 to index
    %get3A_1870 = arith.constant 0 : index
    %get3A_1871 = tpu.vector_load %arg7[%get3A_1869, %get3A_1870] {strides = array<i32>} : memref<32x32xi32, #tpu.memory_space<vmem>>, vector<16xi32>,
    %lt3A_1872 = arith.cmpf olt, %get3A_1867, %select_n3A_1847 : vector<16xf32>
    %eq3A_1873 = arith.cmpf oeq, %get3A_1867, %select_n3A_1847 : vector<16xf32>
    %lt3A_1874 = arith.cmpi slt, %get3A_1871, %select_n3A_1848 : vector<16xi32>
    %and3A_1875 = arith.andi %eq3A_1873, %lt3A_1874 : vector<16xi1>
    %or3A_1876 = arith.ori %lt3A_1872, %and3A_1875 : vector<16xi1>
    %select_n3A_1877 = arith.select %or3A_1876, %get3A_1867, %select_n3A_1847 : vector<16xi1>, vector<16xf32>
    %select_n3A_1878 = arith.select %or3A_1876, %get3A_1871, %select_n3A_1848 : vector<16xi1>, vector<16xi32>
    %get3A_1879 = arith.constant 11 : i32
    %get3A_1880 = arith.index_cast %get3A_1879 : i32 to index
    %get3A_1881 = arith.constant 16 : index
    %get3A_1882 = tpu.vector_load %arg6[%get3A_1880, %get3A_1881] {strides = array<i32>} : memref<32x32xf32, #tpu.memory_space<vmem>>, vector<16xf32>,
    %get3A_1883 = arith.constant 11 : i32
    %get3A_1884 = arith.index_cast %get3A_1883 : i32 to index
    %get3A_1885 = arith.constant 16 : index
    %get3A_1886 = tpu.vector_load %arg7[%get3A_1884, %get3A_1885] {strides = array<i32>} : memref<32x32xi32, #tpu.memory_space<vmem>>, vector<16xi32>,
    %lt3A_1887 = arith.cmpf olt, %get3A_1882, %select_n3A_1862 : vector<16xf32>
    %eq3A_1888 = arith.cmpf oeq, %get3A_1882, %select_n3A_1862 : vector<16xf32>
    %lt3A_1889 = arith.cmpi slt, %get3A_1886, %select_n3A_1863 : vector<16xi32>
    %and3A_1890 = arith.andi %eq3A_1888, %lt3A_1889 : vector<16xi1>
    %or3A_1891 = arith.ori %lt3A_1887, %and3A_1890 : vector<16xi1>
    %select_n3A_1892 = arith.select %or3A_1891, %get3A_1882, %select_n3A_1862 : vector<16xi1>, vector<16xf32>
    %select_n3A_1893 = arith.select %or3A_1891, %get3A_1886, %select_n3A_1863 : vector<16xi1>, vector<16xi32>
    %get3A_1894 = arith.constant 12 : i32
    %get3A_1895 = arith.index_cast %get3A_1894 : i32 to index
    %get3A_1896 = arith.constant 0 : index
    %get3A_1897 = tpu.vector_load %arg6[%get3A_1895, %get3A_1896] {strides = array<i32>} : memref<32x32xf32, #tpu.memory_space<vmem>>, vector<16xf32>,
    %get3A_1898 = arith.constant 12 : i32
    %get3A_1899 = arith.index_cast %get3A_1898 : i32 to index
    %get3A_1900 = arith.constant 0 : index
    %get3A_1901 = tpu.vector_load %arg7[%get3A_1899, %get3A_1900] {strides = array<i32>} : memref<32x32xi32, #tpu.memory_space<vmem>>, vector<16xi32>,
    %lt3A_1902 = arith.cmpf olt, %get3A_1897, %select_n3A_1877 : vector<16xf32>
    %eq3A_1903 = arith.cmpf oeq, %get3A_1897, %select_n3A_1877 : vector<16xf32>
    %lt3A_1904 = arith.cmpi slt, %get3A_1901, %select_n3A_1878 : vector<16xi32>
    %and3A_1905 = arith.andi %eq3A_1903, %lt3A_1904 : vector<16xi1>
    %or3A_1906 = arith.ori %lt3A_1902, %and3A_1905 : vector<16xi1>
    %select_n3A_1907 = arith.select %or3A_1906, %get3A_1897, %select_n3A_1877 : vector<16xi1>, vector<16xf32>
    %select_n3A_1908 = arith.select %or3A_1906, %get3A_1901, %select_n3A_1878 : vector<16xi1>, vector<16xi32>
    %get3A_1909 = arith.constant 12 : i32
    %get3A_1910 = arith.index_cast %get3A_1909 : i32 to index
    %get3A_1911 = arith.constant 16 : index
    %get3A_1912 = tpu.vector_load %arg6[%get3A_1910, %get3A_1911] {strides = array<i32>} : memref<32x32xf32, #tpu.memory_space<vmem>>, vector<16xf32>,
    %get3A_1913 = arith.constant 12 : i32
    %get3A_1914 = arith.index_cast %get3A_1913 : i32 to index
    %get3A_1915 = arith.constant 16 : index
    %get3A_1916 = tpu.vector_load %arg7[%get3A_1914, %get3A_1915] {strides = array<i32>} : memref<32x32xi32, #tpu.memory_space<vmem>>, vector<16xi32>,
    %lt3A_1917 = arith.cmpf olt, %get3A_1912, %select_n3A_1892 : vector<16xf32>
    %eq3A_1918 = arith.cmpf oeq, %get3A_1912, %select_n3A_1892 : vector<16xf32>
    %lt3A_1919 = arith.cmpi slt, %get3A_1916, %select_n3A_1893 : vector<16xi32>
    %and3A_1920 = arith.andi %eq3A_1918, %lt3A_1919 : vector<16xi1>
    %or3A_1921 = arith.ori %lt3A_1917, %and3A_1920 : vector<16xi1>
    %select_n3A_1922 = arith.select %or3A_1921, %get3A_1912, %select_n3A_1892 : vector<16xi1>, vector<16xf32>
    %select_n3A_1923 = arith.select %or3A_1921, %get3A_1916, %select_n3A_1893 : vector<16xi1>, vector<16xi32>
    %get3A_1924 = arith.constant 13 : i32
    %get3A_1925 = arith.index_cast %get3A_1924 : i32 to index
    %get3A_1926 = arith.constant 0 : index
    %get3A_1927 = tpu.vector_load %arg6[%get3A_1925, %get3A_1926] {strides = array<i32>} : memref<32x32xf32, #tpu.memory_space<vmem>>, vector<16xf32>,
    %get3A_1928 = arith.constant 13 : i32
    %get3A_1929 = arith.index_cast %get3A_1928 : i32 to index
    %get3A_1930 = arith.constant 0 : index
    %get3A_1931 = tpu.vector_load %arg7[%get3A_1929, %get3A_1930] {strides = array<i32>} : memref<32x32xi32, #tpu.memory_space<vmem>>, vector<16xi32>,
    %lt3A_1932 = arith.cmpf olt, %get3A_1927, %select_n3A_1907 : vector<16xf32>
    %eq3A_1933 = arith.cmpf oeq, %get3A_1927, %select_n3A_1907 : vector<16xf32>
    %lt3A_1934 = arith.cmpi slt, %get3A_1931, %select_n3A_1908 : vector<16xi32>
    %and3A_1935 = arith.andi %eq3A_1933, %lt3A_1934 : vector<16xi1>
    %or3A_1936 = arith.ori %lt3A_1932, %and3A_1935 : vector<16xi1>
    %select_n3A_1937 = arith.select %or3A_1936, %get3A_1927, %select_n3A_1907 : vector<16xi1>, vector<16xf32>
    %select_n3A_1938 = arith.select %or3A_1936, %get3A_1931, %select_n3A_1908 : vector<16xi1>, vector<16xi32>
    %get3A_1939 = arith.constant 13 : i32
    %get3A_1940 = arith.index_cast %get3A_1939 : i32 to index
    %get3A_1941 = arith.constant 16 : index
    %get3A_1942 = tpu.vector_load %arg6[%get3A_1940, %get3A_1941] {strides = array<i32>} : memref<32x32xf32, #tpu.memory_space<vmem>>, vector<16xf32>,
    %get3A_1943 = arith.constant 13 : i32
    %get3A_1944 = arith.index_cast %get3A_1943 : i32 to index
    %get3A_1945 = arith.constant 16 : index
    %get3A_1946 = tpu.vector_load %arg7[%get3A_1944, %get3A_1945] {strides = array<i32>} : memref<32x32xi32, #tpu.memory_space<vmem>>, vector<16xi32>,
    %lt3A_1947 = arith.cmpf olt, %get3A_1942, %select_n3A_1922 : vector<16xf32>
    %eq3A_1948 = arith.cmpf oeq, %get3A_1942, %select_n3A_1922 : vector<16xf32>
    %lt3A_1949 = arith.cmpi slt, %get3A_1946, %select_n3A_1923 : vector<16xi32>
    %and3A_1950 = arith.andi %eq3A_1948, %lt3A_1949 : vector<16xi1>
    %or3A_1951 = arith.ori %lt3A_1947, %and3A_1950 : vector<16xi1>
    %select_n3A_1952 = arith.select %or3A_1951, %get3A_1942, %select_n3A_1922 : vector<16xi1>, vector<16xf32>
    %select_n3A_1953 = arith.select %or3A_1951, %get3A_1946, %select_n3A_1923 : vector<16xi1>, vector<16xi32>
    %get3A_1954 = arith.constant 14 : i32
    %get3A_1955 = arith.index_cast %get3A_1954 : i32 to index
    %get3A_1956 = arith.constant 0 : index
    %get3A_1957 = tpu.vector_load %arg6[%get3A_1955, %get3A_1956] {strides = array<i32>} : memref<32x32xf32, #tpu.memory_space<vmem>>, vector<16xf32>,
    %get3A_1958 = arith.constant 14 : i32
    %get3A_1959 = arith.index_cast %get3A_1958 : i32 to index
    %get3A_1960 = arith.constant 0 : index
    %get3A_1961 = tpu.vector_load %arg7[%get3A_1959, %get3A_1960] {strides = array<i32>} : memref<32x32xi32, #tpu.memory_space<vmem>>, vector<16xi32>,
    %lt3A_1962 = arith.cmpf olt, %get3A_1957, %select_n3A_1937 : vector<16xf32>
    %eq3A_1963 = arith.cmpf oeq, %get3A_1957, %select_n3A_1937 : vector<16xf32>
    %lt3A_1964 = arith.cmpi slt, %get3A_1961, %select_n3A_1938 : vector<16xi32>
    %and3A_1965 = arith.andi %eq3A_1963, %lt3A_1964 : vector<16xi1>
    %or3A_1966 = arith.ori %lt3A_1962, %and3A_1965 : vector<16xi1>
    %select_n3A_1967 = arith.select %or3A_1966, %get3A_1957, %select_n3A_1937 : vector<16xi1>, vector<16xf32>
    %select_n3A_1968 = arith.select %or3A_1966, %get3A_1961, %select_n3A_1938 : vector<16xi1>, vector<16xi32>
    %get3A_1969 = arith.constant 14 : i32
    %get3A_1970 = arith.index_cast %get3A_1969 : i32 to index
    %get3A_1971 = arith.constant 16 : index
    %get3A_1972 = tpu.vector_load %arg6[%get3A_1970, %get3A_1971] {strides = array<i32>} : memref<32x32xf32, #tpu.memory_space<vmem>>, vector<16xf32>,
    %get3A_1973 = arith.constant 14 : i32
    %get3A_1974 = arith.index_cast %get3A_1973 : i32 to index
    %get3A_1975 = arith.constant 16 : index
    %get3A_1976 = tpu.vector_load %arg7[%get3A_1974, %get3A_1975] {strides = array<i32>} : memref<32x32xi32, #tpu.memory_space<vmem>>, vector<16xi32>,
    %lt3A_1977 = arith.cmpf olt, %get3A_1972, %select_n3A_1952 : vector<16xf32>
    %eq3A_1978 = arith.cmpf oeq, %get3A_1972, %select_n3A_1952 : vector<16xf32>
    %lt3A_1979 = arith.cmpi slt, %get3A_1976, %select_n3A_1953 : vector<16xi32>
    %and3A_1980 = arith.andi %eq3A_1978, %lt3A_1979 : vector<16xi1>
    %or3A_1981 = arith.ori %lt3A_1977, %and3A_1980 : vector<16xi1>
    %select_n3A_1982 = arith.select %or3A_1981, %get3A_1972, %select_n3A_1952 : vector<16xi1>, vector<16xf32>
    %select_n3A_1983 = arith.select %or3A_1981, %get3A_1976, %select_n3A_1953 : vector<16xi1>, vector<16xi32>
    %get3A_1984 = arith.constant 15 : i32
    %get3A_1985 = arith.index_cast %get3A_1984 : i32 to index
    %get3A_1986 = arith.constant 0 : index
    %get3A_1987 = tpu.vector_load %arg6[%get3A_1985, %get3A_1986] {strides = array<i32>} : memref<32x32xf32, #tpu.memory_space<vmem>>, vector<16xf32>,
    %get3A_1988 = arith.constant 15 : i32
    %get3A_1989 = arith.index_cast %get3A_1988 : i32 to index
    %get3A_1990 = arith.constant 0 : index
    %get3A_1991 = tpu.vector_load %arg7[%get3A_1989, %get3A_1990] {strides = array<i32>} : memref<32x32xi32, #tpu.memory_space<vmem>>, vector<16xi32>,
    %lt3A_1992 = arith.cmpf olt, %get3A_1987, %select_n3A_1967 : vector<16xf32>
    %eq3A_1993 = arith.cmpf oeq, %get3A_1987, %select_n3A_1967 : vector<16xf32>
    %lt3A_1994 = arith.cmpi slt, %get3A_1991, %select_n3A_1968 : vector<16xi32>
    %and3A_1995 = arith.andi %eq3A_1993, %lt3A_1994 : vector<16xi1>
    %or3A_1996 = arith.ori %lt3A_1992, %and3A_1995 : vector<16xi1>
    %select_n3A_1997 = arith.select %or3A_1996, %get3A_1987, %select_n3A_1967 : vector<16xi1>, vector<16xf32>
    %select_n3A_1998 = arith.select %or3A_1996, %get3A_1991, %select_n3A_1968 : vector<16xi1>, vector<16xi32>
    %get3A_1999 = arith.constant 15 : i32
    %get3A_2000 = arith.index_cast %get3A_1999 : i32 to index
    %get3A_2001 = arith.constant 16 : index
    %get3A_2002 = tpu.vector_load %arg6[%get3A_2000, %get3A_2001] {strides = array<i32>} : memref<32x32xf32, #tpu.memory_space<vmem>>, vector<16xf32>,
    %get3A_2003 = arith.constant 15 : i32
    %get3A_2004 = arith.index_cast %get3A_2003 : i32 to index
    %get3A_2005 = arith.constant 16 : index
    %get3A_2006 = tpu.vector_load %arg7[%get3A_2004, %get3A_2005] {strides = array<i32>} : memref<32x32xi32, #tpu.memory_space<vmem>>, vector<16xi32>,
    %lt3A_2007 = arith.cmpf olt, %get3A_2002, %select_n3A_1982 : vector<16xf32>
    %eq3A_2008 = arith.cmpf oeq, %get3A_2002, %select_n3A_1982 : vector<16xf32>
    %lt3A_2009 = arith.cmpi slt, %get3A_2006, %select_n3A_1983 : vector<16xi32>
    %and3A_2010 = arith.andi %eq3A_2008, %lt3A_2009 : vector<16xi1>
    %or3A_2011 = arith.ori %lt3A_2007, %and3A_2010 : vector<16xi1>
    %select_n3A_2012 = arith.select %or3A_2011, %get3A_2002, %select_n3A_1982 : vector<16xi1>, vector<16xf32>
    %select_n3A_2013 = arith.select %or3A_2011, %get3A_2006, %select_n3A_1983 : vector<16xi1>, vector<16xi32>
    %get3A_2014 = arith.constant 16 : i32
    %get3A_2015 = arith.index_cast %get3A_2014 : i32 to index
    %get3A_2016 = arith.constant 0 : index
    %get3A_2017 = tpu.vector_load %arg6[%get3A_2015, %get3A_2016] {strides = array<i32>} : memref<32x32xf32, #tpu.memory_space<vmem>>, vector<16xf32>,
    %get3A_2018 = arith.constant 16 : i32
    %get3A_2019 = arith.index_cast %get3A_2018 : i32 to index
    %get3A_2020 = arith.constant 0 : index
    %get3A_2021 = tpu.vector_load %arg7[%get3A_2019, %get3A_2020] {strides = array<i32>} : memref<32x32xi32, #tpu.memory_space<vmem>>, vector<16xi32>,
    %lt3A_2022 = arith.cmpf olt, %get3A_2017, %select_n3A_1997 : vector<16xf32>
    %eq3A_2023 = arith.cmpf oeq, %get3A_2017, %select_n3A_1997 : vector<16xf32>
    %lt3A_2024 = arith.cmpi slt, %get3A_2021, %select_n3A_1998 : vector<16xi32>
    %and3A_2025 = arith.andi %eq3A_2023, %lt3A_2024 : vector<16xi1>
    %or3A_2026 = arith.ori %lt3A_2022, %and3A_2025 : vector<16xi1>
    %select_n3A_2027 = arith.select %or3A_2026, %get3A_2017, %select_n3A_1997 : vector<16xi1>, vector<16xf32>
    %select_n3A_2028 = arith.select %or3A_2026, %get3A_2021, %select_n3A_1998 : vector<16xi1>, vector<16xi32>
    %get3A_2029 = arith.constant 16 : i32
    %get3A_2030 = arith.index_cast %get3A_2029 : i32 to index
    %get3A_2031 = arith.constant 16 : index
    %get3A_2032 = tpu.vector_load %arg6[%get3A_2030, %get3A_2031] {strides = array<i32>} : memref<32x32xf32, #tpu.memory_space<vmem>>, vector<16xf32>,
    %get3A_2033 = arith.constant 16 : i32
    %get3A_2034 = arith.index_cast %get3A_2033 : i32 to index
    %get3A_2035 = arith.constant 16 : index
    %get3A_2036 = tpu.vector_load %arg7[%get3A_2034, %get3A_2035] {strides = array<i32>} : memref<32x32xi32, #tpu.memory_space<vmem>>, vector<16xi32>,
    %lt3A_2037 = arith.cmpf olt, %get3A_2032, %select_n3A_2012 : vector<16xf32>
    %eq3A_2038 = arith.cmpf oeq, %get3A_2032, %select_n3A_2012 : vector<16xf32>
    %lt3A_2039 = arith.cmpi slt, %get3A_2036, %select_n3A_2013 : vector<16xi32>
    %and3A_2040 = arith.andi %eq3A_2038, %lt3A_2039 : vector<16xi1>
    %or3A_2041 = arith.ori %lt3A_2037, %and3A_2040 : vector<16xi1>
    %select_n3A_2042 = arith.select %or3A_2041, %get3A_2032, %select_n3A_2012 : vector<16xi1>, vector<16xf32>
    %select_n3A_2043 = arith.select %or3A_2041, %get3A_2036, %select_n3A_2013 : vector<16xi1>, vector<16xi32>
    %get3A_2044 = arith.constant 17 : i32
    %get3A_2045 = arith.index_cast %get3A_2044 : i32 to index
    %get3A_2046 = arith.constant 0 : index
    %get3A_2047 = tpu.vector_load %arg6[%get3A_2045, %get3A_2046] {strides = array<i32>} : memref<32x32xf32, #tpu.memory_space<vmem>>, vector<16xf32>,
    %get3A_2048 = arith.constant 17 : i32
    %get3A_2049 = arith.index_cast %get3A_2048 : i32 to index
    %get3A_2050 = arith.constant 0 : index
    %get3A_2051 = tpu.vector_load %arg7[%get3A_2049, %get3A_2050] {strides = array<i32>} : memref<32x32xi32, #tpu.memory_space<vmem>>, vector<16xi32>,
    %lt3A_2052 = arith.cmpf olt, %get3A_2047, %select_n3A_2027 : vector<16xf32>
    %eq3A_2053 = arith.cmpf oeq, %get3A_2047, %select_n3A_2027 : vector<16xf32>
    %lt3A_2054 = arith.cmpi slt, %get3A_2051, %select_n3A_2028 : vector<16xi32>
    %and3A_2055 = arith.andi %eq3A_2053, %lt3A_2054 : vector<16xi1>
    %or3A_2056 = arith.ori %lt3A_2052, %and3A_2055 : vector<16xi1>
    %select_n3A_2057 = arith.select %or3A_2056, %get3A_2047, %select_n3A_2027 : vector<16xi1>, vector<16xf32>
    %select_n3A_2058 = arith.select %or3A_2056, %get3A_2051, %select_n3A_2028 : vector<16xi1>, vector<16xi32>
    %get3A_2059 = arith.constant 17 : i32
    %get3A_2060 = arith.index_cast %get3A_2059 : i32 to index
    %get3A_2061 = arith.constant 16 : index
    %get3A_2062 = tpu.vector_load %arg6[%get3A_2060, %get3A_2061] {strides = array<i32>} : memref<32x32xf32, #tpu.memory_space<vmem>>, vector<16xf32>,
    %get3A_2063 = arith.constant 17 : i32
    %get3A_2064 = arith.index_cast %get3A_2063 : i32 to index
    %get3A_2065 = arith.constant 16 : index
    %get3A_2066 = tpu.vector_load %arg7[%get3A_2064, %get3A_2065] {strides = array<i32>} : memref<32x32xi32, #tpu.memory_space<vmem>>, vector<16xi32>,
    %lt3A_2067 = arith.cmpf olt, %get3A_2062, %select_n3A_2042 : vector<16xf32>
    %eq3A_2068 = arith.cmpf oeq, %get3A_2062, %select_n3A_2042 : vector<16xf32>
    %lt3A_2069 = arith.cmpi slt, %get3A_2066, %select_n3A_2043 : vector<16xi32>
    %and3A_2070 = arith.andi %eq3A_2068, %lt3A_2069 : vector<16xi1>
    %or3A_2071 = arith.ori %lt3A_2067, %and3A_2070 : vector<16xi1>
    %select_n3A_2072 = arith.select %or3A_2071, %get3A_2062, %select_n3A_2042 : vector<16xi1>, vector<16xf32>
    %select_n3A_2073 = arith.select %or3A_2071, %get3A_2066, %select_n3A_2043 : vector<16xi1>, vector<16xi32>
    %get3A_2074 = arith.constant 18 : i32
    %get3A_2075 = arith.index_cast %get3A_2074 : i32 to index
    %get3A_2076 = arith.constant 0 : index
    %get3A_2077 = tpu.vector_load %arg6[%get3A_2075, %get3A_2076] {strides = array<i32>} : memref<32x32xf32, #tpu.memory_space<vmem>>, vector<16xf32>,
    %get3A_2078 = arith.constant 18 : i32
    %get3A_2079 = arith.index_cast %get3A_2078 : i32 to index
    %get3A_2080 = arith.constant 0 : index
    %get3A_2081 = tpu.vector_load %arg7[%get3A_2079, %get3A_2080] {strides = array<i32>} : memref<32x32xi32, #tpu.memory_space<vmem>>, vector<16xi32>,
    %lt3A_2082 = arith.cmpf olt, %get3A_2077, %select_n3A_2057 : vector<16xf32>
    %eq3A_2083 = arith.cmpf oeq, %get3A_2077, %select_n3A_2057 : vector<16xf32>
    %lt3A_2084 = arith.cmpi slt, %get3A_2081, %select_n3A_2058 : vector<16xi32>
    %and3A_2085 = arith.andi %eq3A_2083, %lt3A_2084 : vector<16xi1>
    %or3A_2086 = arith.ori %lt3A_2082, %and3A_2085 : vector<16xi1>
    %select_n3A_2087 = arith.select %or3A_2086, %get3A_2077, %select_n3A_2057 : vector<16xi1>, vector<16xf32>
    %select_n3A_2088 = arith.select %or3A_2086, %get3A_2081, %select_n3A_2058 : vector<16xi1>, vector<16xi32>
    %get3A_2089 = arith.constant 18 : i32
    %get3A_2090 = arith.index_cast %get3A_2089 : i32 to index
    %get3A_2091 = arith.constant 16 : index
    %get3A_2092 = tpu.vector_load %arg6[%get3A_2090, %get3A_2091] {strides = array<i32>} : memref<32x32xf32, #tpu.memory_space<vmem>>, vector<16xf32>,
    %get3A_2093 = arith.constant 18 : i32
    %get3A_2094 = arith.index_cast %get3A_2093 : i32 to index
    %get3A_2095 = arith.constant 16 : index
    %get3A_2096 = tpu.vector_load %arg7[%get3A_2094, %get3A_2095] {strides = array<i32>} : memref<32x32xi32, #tpu.memory_space<vmem>>, vector<16xi32>,
    %lt3A_2097 = arith.cmpf olt, %get3A_2092, %select_n3A_2072 : vector<16xf32>
    %eq3A_2098 = arith.cmpf oeq, %get3A_2092, %select_n3A_2072 : vector<16xf32>
    %lt3A_2099 = arith.cmpi slt, %get3A_2096, %select_n3A_2073 : vector<16xi32>
    %and3A_2100 = arith.andi %eq3A_2098, %lt3A_2099 : vector<16xi1>
    %or3A_2101 = arith.ori %lt3A_2097, %and3A_2100 : vector<16xi1>
    %select_n3A_2102 = arith.select %or3A_2101, %get3A_2092, %select_n3A_2072 : vector<16xi1>, vector<16xf32>
    %select_n3A_2103 = arith.select %or3A_2101, %get3A_2096, %select_n3A_2073 : vector<16xi1>, vector<16xi32>
    %get3A_2104 = arith.constant 19 : i32
    %get3A_2105 = arith.index_cast %get3A_2104 : i32 to index
    %get3A_2106 = arith.constant 0 : index
    %get3A_2107 = tpu.vector_load %arg6[%get3A_2105, %get3A_2106] {strides = array<i32>} : memref<32x32xf32, #tpu.memory_space<vmem>>, vector<16xf32>,
    %get3A_2108 = arith.constant 19 : i32
    %get3A_2109 = arith.index_cast %get3A_2108 : i32 to index
    %get3A_2110 = arith.constant 0 : index
    %get3A_2111 = tpu.vector_load %arg7[%get3A_2109, %get3A_2110] {strides = array<i32>} : memref<32x32xi32, #tpu.memory_space<vmem>>, vector<16xi32>,
    %lt3A_2112 = arith.cmpf olt, %get3A_2107, %select_n3A_2087 : vector<16xf32>
    %eq3A_2113 = arith.cmpf oeq, %get3A_2107, %select_n3A_2087 : vector<16xf32>
    %lt3A_2114 = arith.cmpi slt, %get3A_2111, %select_n3A_2088 : vector<16xi32>
    %and3A_2115 = arith.andi %eq3A_2113, %lt3A_2114 : vector<16xi1>
    %or3A_2116 = arith.ori %lt3A_2112, %and3A_2115 : vector<16xi1>
    %select_n3A_2117 = arith.select %or3A_2116, %get3A_2107, %select_n3A_2087 : vector<16xi1>, vector<16xf32>
    %select_n3A_2118 = arith.select %or3A_2116, %get3A_2111, %select_n3A_2088 : vector<16xi1>, vector<16xi32>
    %get3A_2119 = arith.constant 19 : i32
    %get3A_2120 = arith.index_cast %get3A_2119 : i32 to index
    %get3A_2121 = arith.constant 16 : index
    %get3A_2122 = tpu.vector_load %arg6[%get3A_2120, %get3A_2121] {strides = array<i32>} : memref<32x32xf32, #tpu.memory_space<vmem>>, vector<16xf32>,
    %get3A_2123 = arith.constant 19 : i32
    %get3A_2124 = arith.index_cast %get3A_2123 : i32 to index
    %get3A_2125 = arith.constant 16 : index
    %get3A_2126 = tpu.vector_load %arg7[%get3A_2124, %get3A_2125] {strides = array<i32>} : memref<32x32xi32, #tpu.memory_space<vmem>>, vector<16xi32>,
    %lt3A_2127 = arith.cmpf olt, %get3A_2122, %select_n3A_2102 : vector<16xf32>
    %eq3A_2128 = arith.cmpf oeq, %get3A_2122, %select_n3A_2102 : vector<16xf32>
    %lt3A_2129 = arith.cmpi slt, %get3A_2126, %select_n3A_2103 : vector<16xi32>
    %and3A_2130 = arith.andi %eq3A_2128, %lt3A_2129 : vector<16xi1>
    %or3A_2131 = arith.ori %lt3A_2127, %and3A_2130 : vector<16xi1>
    %select_n3A_2132 = arith.select %or3A_2131, %get3A_2122, %select_n3A_2102 : vector<16xi1>, vector<16xf32>
    %select_n3A_2133 = arith.select %or3A_2131, %get3A_2126, %select_n3A_2103 : vector<16xi1>, vector<16xi32>
    %get3A_2134 = arith.constant 20 : i32
    %get3A_2135 = arith.index_cast %get3A_2134 : i32 to index
    %get3A_2136 = arith.constant 0 : index
    %get3A_2137 = tpu.vector_load %arg6[%get3A_2135, %get3A_2136] {strides = array<i32>} : memref<32x32xf32, #tpu.memory_space<vmem>>, vector<16xf32>,
    %get3A_2138 = arith.constant 20 : i32
    %get3A_2139 = arith.index_cast %get3A_2138 : i32 to index
    %get3A_2140 = arith.constant 0 : index
    %get3A_2141 = tpu.vector_load %arg7[%get3A_2139, %get3A_2140] {strides = array<i32>} : memref<32x32xi32, #tpu.memory_space<vmem>>, vector<16xi32>,
    %lt3A_2142 = arith.cmpf olt, %get3A_2137, %select_n3A_2117 : vector<16xf32>
    %eq3A_2143 = arith.cmpf oeq, %get3A_2137, %select_n3A_2117 : vector<16xf32>
    %lt3A_2144 = arith.cmpi slt, %get3A_2141, %select_n3A_2118 : vector<16xi32>
    %and3A_2145 = arith.andi %eq3A_2143, %lt3A_2144 : vector<16xi1>
    %or3A_2146 = arith.ori %lt3A_2142, %and3A_2145 : vector<16xi1>
    %select_n3A_2147 = arith.select %or3A_2146, %get3A_2137, %select_n3A_2117 : vector<16xi1>, vector<16xf32>
    %select_n3A_2148 = arith.select %or3A_2146, %get3A_2141, %select_n3A_2118 : vector<16xi1>, vector<16xi32>
    %get3A_2149 = arith.constant 20 : i32
    %get3A_2150 = arith.index_cast %get3A_2149 : i32 to index
    %get3A_2151 = arith.constant 16 : index
    %get3A_2152 = tpu.vector_load %arg6[%get3A_2150, %get3A_2151] {strides = array<i32>} : memref<32x32xf32, #tpu.memory_space<vmem>>, vector<16xf32>,
    %get3A_2153 = arith.constant 20 : i32
    %get3A_2154 = arith.index_cast %get3A_2153 : i32 to index
    %get3A_2155 = arith.constant 16 : index
    %get3A_2156 = tpu.vector_load %arg7[%get3A_2154, %get3A_2155] {strides = array<i32>} : memref<32x32xi32, #tpu.memory_space<vmem>>, vector<16xi32>,
    %lt3A_2157 = arith.cmpf olt, %get3A_2152, %select_n3A_2132 : vector<16xf32>
    %eq3A_2158 = arith.cmpf oeq, %get3A_2152, %select_n3A_2132 : vector<16xf32>
    %lt3A_2159 = arith.cmpi slt, %get3A_2156, %select_n3A_2133 : vector<16xi32>
    %and3A_2160 = arith.andi %eq3A_2158, %lt3A_2159 : vector<16xi1>
    %or3A_2161 = arith.ori %lt3A_2157, %and3A_2160 : vector<16xi1>
    %select_n3A_2162 = arith.select %or3A_2161, %get3A_2152, %select_n3A_2132 : vector<16xi1>, vector<16xf32>
    %select_n3A_2163 = arith.select %or3A_2161, %get3A_2156, %select_n3A_2133 : vector<16xi1>, vector<16xi32>
    %get3A_2164 = arith.constant 21 : i32
    %get3A_2165 = arith.index_cast %get3A_2164 : i32 to index
    %get3A_2166 = arith.constant 0 : index
    %get3A_2167 = tpu.vector_load %arg6[%get3A_2165, %get3A_2166] {strides = array<i32>} : memref<32x32xf32, #tpu.memory_space<vmem>>, vector<16xf32>,
    %get3A_2168 = arith.constant 21 : i32
    %get3A_2169 = arith.index_cast %get3A_2168 : i32 to index
    %get3A_2170 = arith.constant 0 : index
    %get3A_2171 = tpu.vector_load %arg7[%get3A_2169, %get3A_2170] {strides = array<i32>} : memref<32x32xi32, #tpu.memory_space<vmem>>, vector<16xi32>,
    %lt3A_2172 = arith.cmpf olt, %get3A_2167, %select_n3A_2147 : vector<16xf32>
    %eq3A_2173 = arith.cmpf oeq, %get3A_2167, %select_n3A_2147 : vector<16xf32>
    %lt3A_2174 = arith.cmpi slt, %get3A_2171, %select_n3A_2148 : vector<16xi32>
    %and3A_2175 = arith.andi %eq3A_2173, %lt3A_2174 : vector<16xi1>
    %or3A_2176 = arith.ori %lt3A_2172, %and3A_2175 : vector<16xi1>
    %select_n3A_2177 = arith.select %or3A_2176, %get3A_2167, %select_n3A_2147 : vector<16xi1>, vector<16xf32>
    %select_n3A_2178 = arith.select %or3A_2176, %get3A_2171, %select_n3A_2148 : vector<16xi1>, vector<16xi32>
    %get3A_2179 = arith.constant 21 : i32
    %get3A_2180 = arith.index_cast %get3A_2179 : i32 to index
    %get3A_2181 = arith.constant 16 : index
    %get3A_2182 = tpu.vector_load %arg6[%get3A_2180, %get3A_2181] {strides = array<i32>} : memref<32x32xf32, #tpu.memory_space<vmem>>, vector<16xf32>,
    %get3A_2183 = arith.constant 21 : i32
    %get3A_2184 = arith.index_cast %get3A_2183 : i32 to index
    %get3A_2185 = arith.constant 16 : index
    %get3A_2186 = tpu.vector_load %arg7[%get3A_2184, %get3A_2185] {strides = array<i32>} : memref<32x32xi32, #tpu.memory_space<vmem>>, vector<16xi32>,
    %lt3A_2187 = arith.cmpf olt, %get3A_2182, %select_n3A_2162 : vector<16xf32>
    %eq3A_2188 = arith.cmpf oeq, %get3A_2182, %select_n3A_2162 : vector<16xf32>
    %lt3A_2189 = arith.cmpi slt, %get3A_2186, %select_n3A_2163 : vector<16xi32>
    %and3A_2190 = arith.andi %eq3A_2188, %lt3A_2189 : vector<16xi1>
    %or3A_2191 = arith.ori %lt3A_2187, %and3A_2190 : vector<16xi1>
    %select_n3A_2192 = arith.select %or3A_2191, %get3A_2182, %select_n3A_2162 : vector<16xi1>, vector<16xf32>
    %select_n3A_2193 = arith.select %or3A_2191, %get3A_2186, %select_n3A_2163 : vector<16xi1>, vector<16xi32>
    %get3A_2194 = arith.constant 22 : i32
    %get3A_2195 = arith.index_cast %get3A_2194 : i32 to index
    %get3A_2196 = arith.constant 0 : index
    %get3A_2197 = tpu.vector_load %arg6[%get3A_2195, %get3A_2196] {strides = array<i32>} : memref<32x32xf32, #tpu.memory_space<vmem>>, vector<16xf32>,
    %get3A_2198 = arith.constant 22 : i32
    %get3A_2199 = arith.index_cast %get3A_2198 : i32 to index
    %get3A_2200 = arith.constant 0 : index
    %get3A_2201 = tpu.vector_load %arg7[%get3A_2199, %get3A_2200] {strides = array<i32>} : memref<32x32xi32, #tpu.memory_space<vmem>>, vector<16xi32>,
    %lt3A_2202 = arith.cmpf olt, %get3A_2197, %select_n3A_2177 : vector<16xf32>
    %eq3A_2203 = arith.cmpf oeq, %get3A_2197, %select_n3A_2177 : vector<16xf32>
    %lt3A_2204 = arith.cmpi slt, %get3A_2201, %select_n3A_2178 : vector<16xi32>
    %and3A_2205 = arith.andi %eq3A_2203, %lt3A_2204 : vector<16xi1>
    %or3A_2206 = arith.ori %lt3A_2202, %and3A_2205 : vector<16xi1>
    %select_n3A_2207 = arith.select %or3A_2206, %get3A_2197, %select_n3A_2177 : vector<16xi1>, vector<16xf32>
    %select_n3A_2208 = arith.select %or3A_2206, %get3A_2201, %select_n3A_2178 : vector<16xi1>, vector<16xi32>
    %get3A_2209 = arith.constant 22 : i32
    %get3A_2210 = arith.index_cast %get3A_2209 : i32 to index
    %get3A_2211 = arith.constant 16 : index
    %get3A_2212 = tpu.vector_load %arg6[%get3A_2210, %get3A_2211] {strides = array<i32>} : memref<32x32xf32, #tpu.memory_space<vmem>>, vector<16xf32>,
    %get3A_2213 = arith.constant 22 : i32
    %get3A_2214 = arith.index_cast %get3A_2213 : i32 to index
    %get3A_2215 = arith.constant 16 : index
    %get3A_2216 = tpu.vector_load %arg7[%get3A_2214, %get3A_2215] {strides = array<i32>} : memref<32x32xi32, #tpu.memory_space<vmem>>, vector<16xi32>,
    %lt3A_2217 = arith.cmpf olt, %get3A_2212, %select_n3A_2192 : vector<16xf32>
    %eq3A_2218 = arith.cmpf oeq, %get3A_2212, %select_n3A_2192 : vector<16xf32>
    %lt3A_2219 = arith.cmpi slt, %get3A_2216, %select_n3A_2193 : vector<16xi32>
    %and3A_2220 = arith.andi %eq3A_2218, %lt3A_2219 : vector<16xi1>
    %or3A_2221 = arith.ori %lt3A_2217, %and3A_2220 : vector<16xi1>
    %select_n3A_2222 = arith.select %or3A_2221, %get3A_2212, %select_n3A_2192 : vector<16xi1>, vector<16xf32>
    %select_n3A_2223 = arith.select %or3A_2221, %get3A_2216, %select_n3A_2193 : vector<16xi1>, vector<16xi32>
    %get3A_2224 = arith.constant 23 : i32
    %get3A_2225 = arith.index_cast %get3A_2224 : i32 to index
    %get3A_2226 = arith.constant 0 : index
    %get3A_2227 = tpu.vector_load %arg6[%get3A_2225, %get3A_2226] {strides = array<i32>} : memref<32x32xf32, #tpu.memory_space<vmem>>, vector<16xf32>,
    %get3A_2228 = arith.constant 23 : i32
    %get3A_2229 = arith.index_cast %get3A_2228 : i32 to index
    %get3A_2230 = arith.constant 0 : index
    %get3A_2231 = tpu.vector_load %arg7[%get3A_2229, %get3A_2230] {strides = array<i32>} : memref<32x32xi32, #tpu.memory_space<vmem>>, vector<16xi32>,
    %lt3A_2232 = arith.cmpf olt, %get3A_2227, %select_n3A_2207 : vector<16xf32>
    %eq3A_2233 = arith.cmpf oeq, %get3A_2227, %select_n3A_2207 : vector<16xf32>
    %lt3A_2234 = arith.cmpi slt, %get3A_2231, %select_n3A_2208 : vector<16xi32>
    %and3A_2235 = arith.andi %eq3A_2233, %lt3A_2234 : vector<16xi1>
    %or3A_2236 = arith.ori %lt3A_2232, %and3A_2235 : vector<16xi1>
    %select_n3A_2237 = arith.select %or3A_2236, %get3A_2227, %select_n3A_2207 : vector<16xi1>, vector<16xf32>
    %select_n3A_2238 = arith.select %or3A_2236, %get3A_2231, %select_n3A_2208 : vector<16xi1>, vector<16xi32>
    %get3A_2239 = arith.constant 23 : i32
    %get3A_2240 = arith.index_cast %get3A_2239 : i32 to index
    %get3A_2241 = arith.constant 16 : index
    %get3A_2242 = tpu.vector_load %arg6[%get3A_2240, %get3A_2241] {strides = array<i32>} : memref<32x32xf32, #tpu.memory_space<vmem>>, vector<16xf32>,
    %get3A_2243 = arith.constant 23 : i32
    %get3A_2244 = arith.index_cast %get3A_2243 : i32 to index
    %get3A_2245 = arith.constant 16 : index
    %get3A_2246 = tpu.vector_load %arg7[%get3A_2244, %get3A_2245] {strides = array<i32>} : memref<32x32xi32, #tpu.memory_space<vmem>>, vector<16xi32>,
    %lt3A_2247 = arith.cmpf olt, %get3A_2242, %select_n3A_2222 : vector<16xf32>
    %eq3A_2248 = arith.cmpf oeq, %get3A_2242, %select_n3A_2222 : vector<16xf32>
    %lt3A_2249 = arith.cmpi slt, %get3A_2246, %select_n3A_2223 : vector<16xi32>
    %and3A_2250 = arith.andi %eq3A_2248, %lt3A_2249 : vector<16xi1>
    %or3A_2251 = arith.ori %lt3A_2247, %and3A_2250 : vector<16xi1>
    %select_n3A_2252 = arith.select %or3A_2251, %get3A_2242, %select_n3A_2222 : vector<16xi1>, vector<16xf32>
    %select_n3A_2253 = arith.select %or3A_2251, %get3A_2246, %select_n3A_2223 : vector<16xi1>, vector<16xi32>
    %get3A_2254 = arith.constant 24 : i32
    %get3A_2255 = arith.index_cast %get3A_2254 : i32 to index
    %get3A_2256 = arith.constant 0 : index
    %get3A_2257 = tpu.vector_load %arg6[%get3A_2255, %get3A_2256] {strides = array<i32>} : memref<32x32xf32, #tpu.memory_space<vmem>>, vector<16xf32>,
    %get3A_2258 = arith.constant 24 : i32
    %get3A_2259 = arith.index_cast %get3A_2258 : i32 to index
    %get3A_2260 = arith.constant 0 : index
    %get3A_2261 = tpu.vector_load %arg7[%get3A_2259, %get3A_2260] {strides = array<i32>} : memref<32x32xi32, #tpu.memory_space<vmem>>, vector<16xi32>,
    %lt3A_2262 = arith.cmpf olt, %get3A_2257, %select_n3A_2237 : vector<16xf32>
    %eq3A_2263 = arith.cmpf oeq, %get3A_2257, %select_n3A_2237 : vector<16xf32>
    %lt3A_2264 = arith.cmpi slt, %get3A_2261, %select_n3A_2238 : vector<16xi32>
    %and3A_2265 = arith.andi %eq3A_2263, %lt3A_2264 : vector<16xi1>
    %or3A_2266 = arith.ori %lt3A_2262, %and3A_2265 : vector<16xi1>
    %select_n3A_2267 = arith.select %or3A_2266, %get3A_2257, %select_n3A_2237 : vector<16xi1>, vector<16xf32>
    %select_n3A_2268 = arith.select %or3A_2266, %get3A_2261, %select_n3A_2238 : vector<16xi1>, vector<16xi32>
    %get3A_2269 = arith.constant 24 : i32
    %get3A_2270 = arith.index_cast %get3A_2269 : i32 to index
    %get3A_2271 = arith.constant 16 : index
    %get3A_2272 = tpu.vector_load %arg6[%get3A_2270, %get3A_2271] {strides = array<i32>} : memref<32x32xf32, #tpu.memory_space<vmem>>, vector<16xf32>,
    %get3A_2273 = arith.constant 24 : i32
    %get3A_2274 = arith.index_cast %get3A_2273 : i32 to index
    %get3A_2275 = arith.constant 16 : index
    %get3A_2276 = tpu.vector_load %arg7[%get3A_2274, %get3A_2275] {strides = array<i32>} : memref<32x32xi32, #tpu.memory_space<vmem>>, vector<16xi32>,
    %lt3A_2277 = arith.cmpf olt, %get3A_2272, %select_n3A_2252 : vector<16xf32>
    %eq3A_2278 = arith.cmpf oeq, %get3A_2272, %select_n3A_2252 : vector<16xf32>
    %lt3A_2279 = arith.cmpi slt, %get3A_2276, %select_n3A_2253 : vector<16xi32>
    %and3A_2280 = arith.andi %eq3A_2278, %lt3A_2279 : vector<16xi1>
    %or3A_2281 = arith.ori %lt3A_2277, %and3A_2280 : vector<16xi1>
    %select_n3A_2282 = arith.select %or3A_2281, %get3A_2272, %select_n3A_2252 : vector<16xi1>, vector<16xf32>
    %select_n3A_2283 = arith.select %or3A_2281, %get3A_2276, %select_n3A_2253 : vector<16xi1>, vector<16xi32>
    %get3A_2284 = arith.constant 25 : i32
    %get3A_2285 = arith.index_cast %get3A_2284 : i32 to index
    %get3A_2286 = arith.constant 0 : index
    %get3A_2287 = tpu.vector_load %arg6[%get3A_2285, %get3A_2286] {strides = array<i32>} : memref<32x32xf32, #tpu.memory_space<vmem>>, vector<16xf32>,
    %get3A_2288 = arith.constant 25 : i32
    %get3A_2289 = arith.index_cast %get3A_2288 : i32 to index
    %get3A_2290 = arith.constant 0 : index
    %get3A_2291 = tpu.vector_load %arg7[%get3A_2289, %get3A_2290] {strides = array<i32>} : memref<32x32xi32, #tpu.memory_space<vmem>>, vector<16xi32>,
    %lt3A_2292 = arith.cmpf olt, %get3A_2287, %select_n3A_2267 : vector<16xf32>
    %eq3A_2293 = arith.cmpf oeq, %get3A_2287, %select_n3A_2267 : vector<16xf32>
    %lt3A_2294 = arith.cmpi slt, %get3A_2291, %select_n3A_2268 : vector<16xi32>
    %and3A_2295 = arith.andi %eq3A_2293, %lt3A_2294 : vector<16xi1>
    %or3A_2296 = arith.ori %lt3A_2292, %and3A_2295 : vector<16xi1>
    %select_n3A_2297 = arith.select %or3A_2296, %get3A_2287, %select_n3A_2267 : vector<16xi1>, vector<16xf32>
    %select_n3A_2298 = arith.select %or3A_2296, %get3A_2291, %select_n3A_2268 : vector<16xi1>, vector<16xi32>
    %get3A_2299 = arith.constant 25 : i32
    %get3A_2300 = arith.index_cast %get3A_2299 : i32 to index
    %get3A_2301 = arith.constant 16 : index
    %get3A_2302 = tpu.vector_load %arg6[%get3A_2300, %get3A_2301] {strides = array<i32>} : memref<32x32xf32, #tpu.memory_space<vmem>>, vector<16xf32>,
    %get3A_2303 = arith.constant 25 : i32
    %get3A_2304 = arith.index_cast %get3A_2303 : i32 to index
    %get3A_2305 = arith.constant 16 : index
    %get3A_2306 = tpu.vector_load %arg7[%get3A_2304, %get3A_2305] {strides = array<i32>} : memref<32x32xi32, #tpu.memory_space<vmem>>, vector<16xi32>,
    %lt3A_2307 = arith.cmpf olt, %get3A_2302, %select_n3A_2282 : vector<16xf32>
    %eq3A_2308 = arith.cmpf oeq, %get3A_2302, %select_n3A_2282 : vector<16xf32>
    %lt3A_2309 = arith.cmpi slt, %get3A_2306, %select_n3A_2283 : vector<16xi32>
    %and3A_2310 = arith.andi %eq3A_2308, %lt3A_2309 : vector<16xi1>
    %or3A_2311 = arith.ori %lt3A_2307, %and3A_2310 : vector<16xi1>
    %select_n3A_2312 = arith.select %or3A_2311, %get3A_2302, %select_n3A_2282 : vector<16xi1>, vector<16xf32>
    %select_n3A_2313 = arith.select %or3A_2311, %get3A_2306, %select_n3A_2283 : vector<16xi1>, vector<16xi32>
    %get3A_2314 = arith.constant 26 : i32
    %get3A_2315 = arith.index_cast %get3A_2314 : i32 to index
    %get3A_2316 = arith.constant 0 : index
    %get3A_2317 = tpu.vector_load %arg6[%get3A_2315, %get3A_2316] {strides = array<i32>} : memref<32x32xf32, #tpu.memory_space<vmem>>, vector<16xf32>,
    %get3A_2318 = arith.constant 26 : i32
    %get3A_2319 = arith.index_cast %get3A_2318 : i32 to index
    %get3A_2320 = arith.constant 0 : index
    %get3A_2321 = tpu.vector_load %arg7[%get3A_2319, %get3A_2320] {strides = array<i32>} : memref<32x32xi32, #tpu.memory_space<vmem>>, vector<16xi32>,
    %lt3A_2322 = arith.cmpf olt, %get3A_2317, %select_n3A_2297 : vector<16xf32>
    %eq3A_2323 = arith.cmpf oeq, %get3A_2317, %select_n3A_2297 : vector<16xf32>
    %lt3A_2324 = arith.cmpi slt, %get3A_2321, %select_n3A_2298 : vector<16xi32>
    %and3A_2325 = arith.andi %eq3A_2323, %lt3A_2324 : vector<16xi1>
    %or3A_2326 = arith.ori %lt3A_2322, %and3A_2325 : vector<16xi1>
    %select_n3A_2327 = arith.select %or3A_2326, %get3A_2317, %select_n3A_2297 : vector<16xi1>, vector<16xf32>
    %select_n3A_2328 = arith.select %or3A_2326, %get3A_2321, %select_n3A_2298 : vector<16xi1>, vector<16xi32>
    %get3A_2329 = arith.constant 26 : i32
    %get3A_2330 = arith.index_cast %get3A_2329 : i32 to index
    %get3A_2331 = arith.constant 16 : index
    %get3A_2332 = tpu.vector_load %arg6[%get3A_2330, %get3A_2331] {strides = array<i32>} : memref<32x32xf32, #tpu.memory_space<vmem>>, vector<16xf32>,
    %get3A_2333 = arith.constant 26 : i32
    %get3A_2334 = arith.index_cast %get3A_2333 : i32 to index
    %get3A_2335 = arith.constant 16 : index
    %get3A_2336 = tpu.vector_load %arg7[%get3A_2334, %get3A_2335] {strides = array<i32>} : memref<32x32xi32, #tpu.memory_space<vmem>>, vector<16xi32>,
    %lt3A_2337 = arith.cmpf olt, %get3A_2332, %select_n3A_2312 : vector<16xf32>
    %eq3A_2338 = arith.cmpf oeq, %get3A_2332, %select_n3A_2312 : vector<16xf32>
    %lt3A_2339 = arith.cmpi slt, %get3A_2336, %select_n3A_2313 : vector<16xi32>
    %and3A_2340 = arith.andi %eq3A_2338, %lt3A_2339 : vector<16xi1>
    %or3A_2341 = arith.ori %lt3A_2337, %and3A_2340 : vector<16xi1>
    %select_n3A_2342 = arith.select %or3A_2341, %get3A_2332, %select_n3A_2312 : vector<16xi1>, vector<16xf32>
    %select_n3A_2343 = arith.select %or3A_2341, %get3A_2336, %select_n3A_2313 : vector<16xi1>, vector<16xi32>
    %get3A_2344 = arith.constant 27 : i32
    %get3A_2345 = arith.index_cast %get3A_2344 : i32 to index
    %get3A_2346 = arith.constant 0 : index
    %get3A_2347 = tpu.vector_load %arg6[%get3A_2345, %get3A_2346] {strides = array<i32>} : memref<32x32xf32, #tpu.memory_space<vmem>>, vector<16xf32>,
    %get3A_2348 = arith.constant 27 : i32
    %get3A_2349 = arith.index_cast %get3A_2348 : i32 to index
    %get3A_2350 = arith.constant 0 : index
    %get3A_2351 = tpu.vector_load %arg7[%get3A_2349, %get3A_2350] {strides = array<i32>} : memref<32x32xi32, #tpu.memory_space<vmem>>, vector<16xi32>,
    %lt3A_2352 = arith.cmpf olt, %get3A_2347, %select_n3A_2327 : vector<16xf32>
    %eq3A_2353 = arith.cmpf oeq, %get3A_2347, %select_n3A_2327 : vector<16xf32>
    %lt3A_2354 = arith.cmpi slt, %get3A_2351, %select_n3A_2328 : vector<16xi32>
    %and3A_2355 = arith.andi %eq3A_2353, %lt3A_2354 : vector<16xi1>
    %or3A_2356 = arith.ori %lt3A_2352, %and3A_2355 : vector<16xi1>
    %select_n3A_2357 = arith.select %or3A_2356, %get3A_2347, %select_n3A_2327 : vector<16xi1>, vector<16xf32>
    %select_n3A_2358 = arith.select %or3A_2356, %get3A_2351, %select_n3A_2328 : vector<16xi1>, vector<16xi32>
    %get3A_2359 = arith.constant 27 : i32
    %get3A_2360 = arith.index_cast %get3A_2359 : i32 to index
    %get3A_2361 = arith.constant 16 : index
    %get3A_2362 = tpu.vector_load %arg6[%get3A_2360, %get3A_2361] {strides = array<i32>} : memref<32x32xf32, #tpu.memory_space<vmem>>, vector<16xf32>,
    %get3A_2363 = arith.constant 27 : i32
    %get3A_2364 = arith.index_cast %get3A_2363 : i32 to index
    %get3A_2365 = arith.constant 16 : index
    %get3A_2366 = tpu.vector_load %arg7[%get3A_2364, %get3A_2365] {strides = array<i32>} : memref<32x32xi32, #tpu.memory_space<vmem>>, vector<16xi32>,
    %lt3A_2367 = arith.cmpf olt, %get3A_2362, %select_n3A_2342 : vector<16xf32>
    %eq3A_2368 = arith.cmpf oeq, %get3A_2362, %select_n3A_2342 : vector<16xf32>
    %lt3A_2369 = arith.cmpi slt, %get3A_2366, %select_n3A_2343 : vector<16xi32>
    %and3A_2370 = arith.andi %eq3A_2368, %lt3A_2369 : vector<16xi1>
    %or3A_2371 = arith.ori %lt3A_2367, %and3A_2370 : vector<16xi1>
    %select_n3A_2372 = arith.select %or3A_2371, %get3A_2362, %select_n3A_2342 : vector<16xi1>, vector<16xf32>
    %select_n3A_2373 = arith.select %or3A_2371, %get3A_2366, %select_n3A_2343 : vector<16xi1>, vector<16xi32>
    %get3A_2374 = arith.constant 28 : i32
    %get3A_2375 = arith.index_cast %get3A_2374 : i32 to index
    %get3A_2376 = arith.constant 0 : index
    %get3A_2377 = tpu.vector_load %arg6[%get3A_2375, %get3A_2376] {strides = array<i32>} : memref<32x32xf32, #tpu.memory_space<vmem>>, vector<16xf32>,
    %get3A_2378 = arith.constant 28 : i32
    %get3A_2379 = arith.index_cast %get3A_2378 : i32 to index
    %get3A_2380 = arith.constant 0 : index
    %get3A_2381 = tpu.vector_load %arg7[%get3A_2379, %get3A_2380] {strides = array<i32>} : memref<32x32xi32, #tpu.memory_space<vmem>>, vector<16xi32>,
    %lt3A_2382 = arith.cmpf olt, %get3A_2377, %select_n3A_2357 : vector<16xf32>
    %eq3A_2383 = arith.cmpf oeq, %get3A_2377, %select_n3A_2357 : vector<16xf32>
    %lt3A_2384 = arith.cmpi slt, %get3A_2381, %select_n3A_2358 : vector<16xi32>
    %and3A_2385 = arith.andi %eq3A_2383, %lt3A_2384 : vector<16xi1>
    %or3A_2386 = arith.ori %lt3A_2382, %and3A_2385 : vector<16xi1>
    %select_n3A_2387 = arith.select %or3A_2386, %get3A_2377, %select_n3A_2357 : vector<16xi1>, vector<16xf32>
    %select_n3A_2388 = arith.select %or3A_2386, %get3A_2381, %select_n3A_2358 : vector<16xi1>, vector<16xi32>
    %get3A_2389 = arith.constant 28 : i32
    %get3A_2390 = arith.index_cast %get3A_2389 : i32 to index
    %get3A_2391 = arith.constant 16 : index
    %get3A_2392 = tpu.vector_load %arg6[%get3A_2390, %get3A_2391] {strides = array<i32>} : memref<32x32xf32, #tpu.memory_space<vmem>>, vector<16xf32>,
    %get3A_2393 = arith.constant 28 : i32
    %get3A_2394 = arith.index_cast %get3A_2393 : i32 to index
    %get3A_2395 = arith.constant 16 : index
    %get3A_2396 = tpu.vector_load %arg7[%get3A_2394, %get3A_2395] {strides = array<i32>} : memref<32x32xi32, #tpu.memory_space<vmem>>, vector<16xi32>,
    %lt3A_2397 = arith.cmpf olt, %get3A_2392, %select_n3A_2372 : vector<16xf32>
    %eq3A_2398 = arith.cmpf oeq, %get3A_2392, %select_n3A_2372 : vector<16xf32>
    %lt3A_2399 = arith.cmpi slt, %get3A_2396, %select_n3A_2373 : vector<16xi32>
    %and3A_2400 = arith.andi %eq3A_2398, %lt3A_2399 : vector<16xi1>
    %or3A_2401 = arith.ori %lt3A_2397, %and3A_2400 : vector<16xi1>
    %select_n3A_2402 = arith.select %or3A_2401, %get3A_2392, %select_n3A_2372 : vector<16xi1>, vector<16xf32>
    %select_n3A_2403 = arith.select %or3A_2401, %get3A_2396, %select_n3A_2373 : vector<16xi1>, vector<16xi32>
    %get3A_2404 = arith.constant 29 : i32
    %get3A_2405 = arith.index_cast %get3A_2404 : i32 to index
    %get3A_2406 = arith.constant 0 : index
    %get3A_2407 = tpu.vector_load %arg6[%get3A_2405, %get3A_2406] {strides = array<i32>} : memref<32x32xf32, #tpu.memory_space<vmem>>, vector<16xf32>,
    %get3A_2408 = arith.constant 29 : i32
    %get3A_2409 = arith.index_cast %get3A_2408 : i32 to index
    %get3A_2410 = arith.constant 0 : index
    %get3A_2411 = tpu.vector_load %arg7[%get3A_2409, %get3A_2410] {strides = array<i32>} : memref<32x32xi32, #tpu.memory_space<vmem>>, vector<16xi32>,
    %lt3A_2412 = arith.cmpf olt, %get3A_2407, %select_n3A_2387 : vector<16xf32>
    %eq3A_2413 = arith.cmpf oeq, %get3A_2407, %select_n3A_2387 : vector<16xf32>
    %lt3A_2414 = arith.cmpi slt, %get3A_2411, %select_n3A_2388 : vector<16xi32>
    %and3A_2415 = arith.andi %eq3A_2413, %lt3A_2414 : vector<16xi1>
    %or3A_2416 = arith.ori %lt3A_2412, %and3A_2415 : vector<16xi1>
    %select_n3A_2417 = arith.select %or3A_2416, %get3A_2407, %select_n3A_2387 : vector<16xi1>, vector<16xf32>
    %select_n3A_2418 = arith.select %or3A_2416, %get3A_2411, %select_n3A_2388 : vector<16xi1>, vector<16xi32>
    %get3A_2419 = arith.constant 29 : i32
    %get3A_2420 = arith.index_cast %get3A_2419 : i32 to index
    %get3A_2421 = arith.constant 16 : index
    %get3A_2422 = tpu.vector_load %arg6[%get3A_2420, %get3A_2421] {strides = array<i32>} : memref<32x32xf32, #tpu.memory_space<vmem>>, vector<16xf32>,
    %get3A_2423 = arith.constant 29 : i32
    %get3A_2424 = arith.index_cast %get3A_2423 : i32 to index
    %get3A_2425 = arith.constant 16 : index
    %get3A_2426 = tpu.vector_load %arg7[%get3A_2424, %get3A_2425] {strides = array<i32>} : memref<32x32xi32, #tpu.memory_space<vmem>>, vector<16xi32>,
    %lt3A_2427 = arith.cmpf olt, %get3A_2422, %select_n3A_2402 : vector<16xf32>
    %eq3A_2428 = arith.cmpf oeq, %get3A_2422, %select_n3A_2402 : vector<16xf32>
    %lt3A_2429 = arith.cmpi slt, %get3A_2426, %select_n3A_2403 : vector<16xi32>
    %and3A_2430 = arith.andi %eq3A_2428, %lt3A_2429 : vector<16xi1>
    %or3A_2431 = arith.ori %lt3A_2427, %and3A_2430 : vector<16xi1>
    %select_n3A_2432 = arith.select %or3A_2431, %get3A_2422, %select_n3A_2402 : vector<16xi1>, vector<16xf32>
    %select_n3A_2433 = arith.select %or3A_2431, %get3A_2426, %select_n3A_2403 : vector<16xi1>, vector<16xi32>
    %get3A_2434 = arith.constant 30 : i32
    %get3A_2435 = arith.index_cast %get3A_2434 : i32 to index
    %get3A_2436 = arith.constant 0 : index
    %get3A_2437 = tpu.vector_load %arg6[%get3A_2435, %get3A_2436] {strides = array<i32>} : memref<32x32xf32, #tpu.memory_space<vmem>>, vector<16xf32>,
    %get3A_2438 = arith.constant 30 : i32
    %get3A_2439 = arith.index_cast %get3A_2438 : i32 to index
    %get3A_2440 = arith.constant 0 : index
    %get3A_2441 = tpu.vector_load %arg7[%get3A_2439, %get3A_2440] {strides = array<i32>} : memref<32x32xi32, #tpu.memory_space<vmem>>, vector<16xi32>,
    %lt3A_2442 = arith.cmpf olt, %get3A_2437, %select_n3A_2417 : vector<16xf32>
    %eq3A_2443 = arith.cmpf oeq, %get3A_2437, %select_n3A_2417 : vector<16xf32>
    %lt3A_2444 = arith.cmpi slt, %get3A_2441, %select_n3A_2418 : vector<16xi32>
    %and3A_2445 = arith.andi %eq3A_2443, %lt3A_2444 : vector<16xi1>
    %or3A_2446 = arith.ori %lt3A_2442, %and3A_2445 : vector<16xi1>
    %select_n3A_2447 = arith.select %or3A_2446, %get3A_2437, %select_n3A_2417 : vector<16xi1>, vector<16xf32>
    %select_n3A_2448 = arith.select %or3A_2446, %get3A_2441, %select_n3A_2418 : vector<16xi1>, vector<16xi32>
    %get3A_2449 = arith.constant 30 : i32
    %get3A_2450 = arith.index_cast %get3A_2449 : i32 to index
    %get3A_2451 = arith.constant 16 : index
    %get3A_2452 = tpu.vector_load %arg6[%get3A_2450, %get3A_2451] {strides = array<i32>} : memref<32x32xf32, #tpu.memory_space<vmem>>, vector<16xf32>,
    %get3A_2453 = arith.constant 30 : i32
    %get3A_2454 = arith.index_cast %get3A_2453 : i32 to index
    %get3A_2455 = arith.constant 16 : index
    %get3A_2456 = tpu.vector_load %arg7[%get3A_2454, %get3A_2455] {strides = array<i32>} : memref<32x32xi32, #tpu.memory_space<vmem>>, vector<16xi32>,
    %lt3A_2457 = arith.cmpf olt, %get3A_2452, %select_n3A_2432 : vector<16xf32>
    %eq3A_2458 = arith.cmpf oeq, %get3A_2452, %select_n3A_2432 : vector<16xf32>
    %lt3A_2459 = arith.cmpi slt, %get3A_2456, %select_n3A_2433 : vector<16xi32>
    %and3A_2460 = arith.andi %eq3A_2458, %lt3A_2459 : vector<16xi1>
    %or3A_2461 = arith.ori %lt3A_2457, %and3A_2460 : vector<16xi1>
    %select_n3A_2462 = arith.select %or3A_2461, %get3A_2452, %select_n3A_2432 : vector<16xi1>, vector<16xf32>
    %select_n3A_2463 = arith.select %or3A_2461, %get3A_2456, %select_n3A_2433 : vector<16xi1>, vector<16xi32>
    %get3A_2464 = arith.constant 31 : i32
    %get3A_2465 = arith.index_cast %get3A_2464 : i32 to index
    %get3A_2466 = arith.constant 0 : index
    %get3A_2467 = tpu.vector_load %arg6[%get3A_2465, %get3A_2466] {strides = array<i32>} : memref<32x32xf32, #tpu.memory_space<vmem>>, vector<16xf32>,
    %get3A_2468 = arith.constant 31 : i32
    %get3A_2469 = arith.index_cast %get3A_2468 : i32 to index
    %get3A_2470 = arith.constant 0 : index
    %get3A_2471 = tpu.vector_load %arg7[%get3A_2469, %get3A_2470] {strides = array<i32>} : memref<32x32xi32, #tpu.memory_space<vmem>>, vector<16xi32>,
    %lt3A_2472 = arith.cmpf olt, %get3A_2467, %select_n3A_2447 : vector<16xf32>
    %eq3A_2473 = arith.cmpf oeq, %get3A_2467, %select_n3A_2447 : vector<16xf32>
    %lt3A_2474 = arith.cmpi slt, %get3A_2471, %select_n3A_2448 : vector<16xi32>
    %and3A_2475 = arith.andi %eq3A_2473, %lt3A_2474 : vector<16xi1>
    %or3A_2476 = arith.ori %lt3A_2472, %and3A_2475 : vector<16xi1>
    %select_n3A_2477 = arith.select %or3A_2476, %get3A_2467, %select_n3A_2447 : vector<16xi1>, vector<16xf32>
    %select_n3A_2478 = arith.select %or3A_2476, %get3A_2471, %select_n3A_2448 : vector<16xi1>, vector<16xi32>
    %get3A_2479 = arith.constant 31 : i32
    %get3A_2480 = arith.index_cast %get3A_2479 : i32 to index
    %get3A_2481 = arith.constant 16 : index
    %get3A_2482 = tpu.vector_load %arg6[%get3A_2480, %get3A_2481] {strides = array<i32>} : memref<32x32xf32, #tpu.memory_space<vmem>>, vector<16xf32>,
    %get3A_2483 = arith.constant 31 : i32
    %get3A_2484 = arith.index_cast %get3A_2483 : i32 to index
    %get3A_2485 = arith.constant 16 : index
    %get3A_2486 = tpu.vector_load %arg7[%get3A_2484, %get3A_2485] {strides = array<i32>} : memref<32x32xi32, #tpu.memory_space<vmem>>, vector<16xi32>,
    %lt3A_2487 = arith.cmpf olt, %get3A_2482, %select_n3A_2462 : vector<16xf32>
    %eq3A_2488 = arith.cmpf oeq, %get3A_2482, %select_n3A_2462 : vector<16xf32>
    %lt3A_2489 = arith.cmpi slt, %get3A_2486, %select_n3A_2463 : vector<16xi32>
    %and3A_2490 = arith.andi %eq3A_2488, %lt3A_2489 : vector<16xi1>
    %or3A_2491 = arith.ori %lt3A_2487, %and3A_2490 : vector<16xi1>
    %select_n3A_2492 = arith.select %or3A_2491, %get3A_2482, %select_n3A_2462 : vector<16xi1>, vector<16xf32>
    %select_n3A_2493 = arith.select %or3A_2491, %get3A_2486, %select_n3A_2463 : vector<16xi1>, vector<16xi32>
    %swap3A = arith.constant 0 : index
    %swap3A_2494 = tpu.vector_load %arg8[%swap3A] {strides = array<i32>} : memref<32xi32, #tpu.memory_space<vmem>>, vector<16xi32>,
    tpu.vector_store %arg8[%swap3A], %select_n3A_2478 {strides = array<i32>} : memref<32xi32, #tpu.memory_space<vmem>>, vector<16xi32>,
    %swap3A_2495 = arith.constant 16 : index
    %swap3A_2496 = tpu.vector_load %arg8[%swap3A_2495] {strides = array<i32>} : memref<32xi32, #tpu.memory_space<vmem>>, vector<16xi32>,
    tpu.vector_store %arg8[%swap3A_2495], %select_n3A_2493 {strides = array<i32>} : memref<32xi32, #tpu.memory_space<vmem>>, vector<16xi32>,
    %dma_start3A_2497 = arith.constant 0 : i32
    %dma_start3A_2498 = tpu.memref_slice %arg4[%dma_start3A_2497] : memref<100000xf32, #tpu.memory_space<hbm>> -> memref<100000xf32, #tpu.memory_space<hbm>>
    tpu.enqueue_indirect_dma source(%dma_start3A_2498 : memref<100000xf32, #tpu.memory_space<hbm>>) target(%arg9 : memref<32xf32, #tpu.memory_space<vmem>>) offsets(%arg8 : memref<32xi32, #tpu.memory_space<vmem>>) semaphore(%arg10 : memref<!tpu.dma_semaphore, #tpu.memory_space<semaphore_mem>>)
    %dma_wait3A_2499 = arith.constant 0 : i32
    %dma_wait3A_2500 = tpu.memref_slice %arg4[%dma_wait3A_2499] : memref<100000xf32, #tpu.memory_space<hbm>> -> memref<100000xf32, #tpu.memory_space<hbm>>
    tpu.wait_indirect_dma semaphore(%arg10 : memref<!tpu.dma_semaphore, #tpu.memory_space<semaphore_mem>>) src(%dma_wait3A_2500 : memref<100000xf32, #tpu.memory_space<hbm>>) dst(%arg9 : memref<32xf32, #tpu.memory_space<vmem>>)
    "tpu.region"() ({
      %run_scoped3A = tpu.sem_alloc : memref<!tpu.dma_semaphore, #tpu.memory_space<semaphore_mem>>
      %dma_start3A_2501 = tpu.memref_slice %arg5[%mul3A_2] : memref<1024xf32, #tpu.memory_space<hbm>> -> memref<32xf32, #tpu.memory_space<hbm>>
      %dma_start3A_2502 = tpu.memref_slice %arg5[%mul3A_2] : memref<1024xf32, #tpu.memory_space<hbm>> -> memref<32xf32, #tpu.memory_space<hbm>>
      tpu.enqueue_dma source(%arg9 : memref<32xf32, #tpu.memory_space<vmem>>) target(%dma_start3A_2502 : memref<32xf32, #tpu.memory_space<hbm>>) target_semaphore(%run_scoped3A : memref<!tpu.dma_semaphore, #tpu.memory_space<semaphore_mem>>)
      %dma_wait3A_2503 = tpu.memref_slice %arg5[%mul3A_2] : memref<1024xf32, #tpu.memory_space<hbm>> -> memref<32xf32, #tpu.memory_space<hbm>>
      %dma_wait3A_2504 = tpu.memref_slice %arg5[%mul3A_2] : memref<1024xf32, #tpu.memory_space<hbm>> -> memref<32xf32, #tpu.memory_space<hbm>>
      tpu.wait_dma2 semaphore(%run_scoped3A : memref<!tpu.dma_semaphore, #tpu.memory_space<semaphore_mem>>) src(%arg9 : memref<32xf32, #tpu.memory_space<vmem>>) dst(%dma_wait3A_2504 : memref<32xf32, #tpu.memory_space<hbm>>)
      tpu.yield
    }) : () -> ()
    return
  }
}

</mosaic_0001>

<sc_bundles>
// kernel: kernel.4.cloned.1.call-start
scs
__scs_entry_jumppad:
0x0: {  	(pc) =	sbr.rel $0x88, $3  }
0x1: {  	(tag) =	ssettag $0x0;
	lr =	simm.s32 $0x1  }
0x2: {  	[smem:$0x3F9E] =	sst lr;
	_ =	strace $0xD0000000  }
0x3: {  	_ = 	snop  }
0x4: {  	_ = 	snop  }
0x5: {  	_ = 	snop  }
0x6: {  	_ = 	snop  }
0x7: {  	_ = 	snop  }
__scs_overlays_trampoline_lowered:
0x8: {  	[smem:$0x3FAD] =	sst s0  }
0x9: {  	[smem:$0x3FAE] =	sst s1  }
0xa: {  	[smem:$0x3FAF] =	sst s2  }
0xb: {  	[smem:$0x3FB0] =	sst s3  }
0xc: {  	[smem:$0x3FB1] =	sst s4  }
0xd: {  	[smem:$0x3FB2] =	sst s5  }
0xe: {  	[smem:$0x3FB3] =	sst s6  }
0xf: {  	[smem:$0x3FB4] =	sst s7  }
0x10: {  	[smem:$0x3FB5] =	sst s8  }
0x11: {  	[smem:$0x3FB6] =	sst s9;
	s0 =	simm.s32 @!p0 $0x0  }
0x12: {  	s1 =	sld [smem:$0x3F9C];
	s0 =	simm.s32 @p0 $0x1  }
0x13: {  	[smem:$0x3FB7] =	sst s0;
	s0 =	simm.s32 @!p1 $0x0  }
0x14: {  	s2 =	sld [smem:$0x3F9B];
	s0 =	simm.s32 @p1 $0x1  }
0x15: {  	[smem:$0x3FB8] =	sst s0;
	s0 =	simm.s32 @!p2 $0x0  }
0x16: {  	s3 =	sld [smem:$0x3FDB];
	s0 =	simm.s32 @p2 $0x1  }
0x17: {  	s4 =	simm.s32 $0x1BF5;
	[smem:$0x3FBA] =	sst s0  }
0x18: {  	s0 =	sld [smem:$0x3F9D];
	_ =	swait.ge [sflag:s4], $0x0  }
0x19: {  	s7 =	sld [smem:$0x3F9E]  }
0x1a: {  	s8 =	sadd.s32 $0xFFFFE003, lr  }
0x1b: {  	s9 =	sadd.s32 $0xFFFFFEF7, lr;
	s5 =	simm.s32 $0xFFFFFFFF;
	p2 =	slt.u32 s8, $0xFFFFF086  }
0x1c: {  	p1 =	slt.u32 s9, $0xF7A;
	s5 =	simm.s32 @!p2 $0x0  }
0x1d: {  	s5 =	simm.s32 @p1 $0x1;
	p0 =	seq.s32 s7, s2  }
0x1e: {  	s7 =	smul.u32 @!p0 $0xF7A, s2;
	p2 =	seq.s32 @!p0 s5, $0x0  }
0x1f: {  	s9 =	smul.u32 $0xF7A, s1;
	s8 =	simm.s32 @!p0 $0x1BF5;
	p2 =	por !p2, p0  }
0x20: {  	[sflag:s8] =	ssyncset.s32 @!p0 $0xFFFFF086;
	s6 =	sadd.s32 @!p0 s3, s7;
	s7 =	simm.s32 @!p0 $0x108  }
0x21: {  	s3 =	sadd.s32 s3, s9;
	s6 =	sadd.s32 @!p0 $0x88, s6;
	s7 =	simm.s32 @p2 $0x1082  }
0x22: {  	[simem:s7], [sflag:s8] =	dma.local @!p0 [hbm:s6], $0xF7A  }
0x23: {  	s9 =	sor.u32 $0xD0000000, s2;
	s6 =	simm.s32 $0x108;
	_ =	swait.ge @!p0 [sflag:s8], $0x0  }
0x24: {  	s3 =	sadd.s32 $0x88, s3;
	s6 =	simm.s32 @!p1 $0x1082;
	[sflag:s4] =	ssyncset.s32 $0xFFFFF086  }
0x25: {  	[simem:s6], [sflag:s4] =	dma.local [hbm:s3], $0xF7A  }
0x26: {  	[smem:$0x3F9E] =	sst s1;
	(tag) =	ssettag s2;
	_ =	strace s9  }
0x27: {  	s1 =	sld [smem:$0x3FAE]  }
0x28: {  	s2 =	sld [smem:$0x3FAF]  }
0x29: {  	s4 =	sld [smem:$0x3FB1]  }
0x2a: {  	p0 =	seq.s32 s5, $0x0;
	s5 =	sld [smem:$0x3FB2]  }
0x2b: {  	s6 =	sld [smem:$0x3FB3]  }
0x2c: {  	s7 =	sld [smem:$0x3FB4]  }
0x2d: {  	s3 =	simm.s32 $0x108;
	s8 =	sld [smem:$0x3FB5]  }
0x2e: {  	s3 =	simm.s32 @!p0 $0x1082;
	s9 =	sld [smem:$0x3FB6]  }
0x2f: {  	lr =	sadd.s32 s0, s3;
	s0 =	sld [smem:$0x3FAD]  }
0x30: {  	s3 =	sld [smem:$0x3FB0]  }
0x31: {  	[smem:$0x3FB9] =	sst s10  }
0x32: {  	s10 =	sld [smem:$0x3FB7];
	_ =	sdelay $0x3  }
0x33: {  	p0 =	seq.s32 s10, $0x1;
	s10 =	sld [smem:$0x3FB9];
	_ =	sdelay $0x3  }
0x34: {  	[smem:$0x3FB9] =	sst s10  }
0x35: {  	s10 =	sld [smem:$0x3FB8];
	_ =	sdelay $0x3  }
0x36: {  	p1 =	seq.s32 s10, $0x1;
	s10 =	sld [smem:$0x3FB9];
	_ =	sdelay $0x3  }
0x37: {  	[smem:$0x3FB9] =	sst s10  }
0x38: {  	s10 =	sld [smem:$0x3FBA]  }
0x39: {  	_ = 	snop;
	(pc) =	sbr.ind lr, $3  }
0x3a: {  	_ = 	snop  }
0x3b: {  	_ = 	snop  }
0x3c: {  	p2 =	seq.s32 s10, $0x1;
	s10 =	sld [smem:$0x3FB9]  }
0x3d: {  	_ =	shalt  }
0x3e: {  	_ =	shalt  }
0x3f: {  	_ =	shalt  }
0x40: {  	_ =	shalt  }
0x41: {  	_ =	shalt  }
0x42: {  	_ =	shalt  }
0x43: {  	_ =	shalt  }
0x44: {  	_ =	shalt  }
0x45: {  	_ =	shalt  }
0x46: {  	_ =	shalt  }
0x47: {  	_ =	shalt  }
0x48: {  	_ =	shalt  }
0x49: {  	_ =	shalt  }
0x4a: {  	_ =	shalt  }
0x4b: {  	_ =	shalt  }
0x4c: {  	_ =	shalt  }
0x4d: {  	_ =	shalt  }
0x4e: {  	_ =	shalt  }
0x4f: {  	_ =	shalt  }
0x50: {  	_ =	shalt  }
0x51: {  	_ =	shalt  }
0x52: {  	_ =	shalt  }
0x53: {  	_ =	shalt  }
0x54: {  	_ =	shalt  }
0x55: {  	_ =	shalt  }
0x56: {  	_ =	shalt  }
0x57: {  	_ =	shalt  }
0x58: {  	_ =	shalt  }
0x59: {  	_ =	shalt  }
0x5a: {  	_ =	shalt  }
0x5b: {  	_ =	shalt  }
0x5c: {  	_ =	shalt  }
0x5d: {  	_ =	shalt  }
0x5e: {  	_ =	shalt  }
0x5f: {  	_ =	shalt  }
0x60: {  	_ =	shalt  }
0x61: {  	_ =	shalt  }
0x62: {  	_ =	shalt  }
0x63: {  	_ =	shalt  }
0x64: {  	_ =	shalt  }
0x65: {  	_ =	shalt  }
0x66: {  	_ =	shalt  }
0x67: {  	_ =	shalt  }
0x68: {  	_ =	shalt  }
0x69: {  	_ =	shalt  }
0x6a: {  	_ =	shalt  }
0x6b: {  	_ =	shalt  }
0x6c: {  	_ =	shalt  }
0x6d: {  	_ =	shalt  }
0x6e: {  	_ =	shalt  }
0x6f: {  	_ =	shalt  }
0x70: {  	_ =	shalt  }
0x71: {  	_ =	shalt  }
0x72: {  	_ =	shalt  }
0x73: {  	_ =	shalt  }
0x74: {  	_ =	shalt  }
0x75: {  	_ =	shalt  }
0x76: {  	_ =	shalt  }
0x77: {  	_ =	shalt  }
0x78: {  	_ =	shalt  }
0x79: {  	_ =	shalt  }
0x7a: {  	_ =	shalt  }
0x7b: {  	_ =	shalt  }
0x7c: {  	_ =	shalt  }
0x7d: {  	_ =	shalt  }
0x7e: {  	_ =	shalt  }
0x7f: {  	_ =	shalt  }
0x80: {  	_ =	shalt  }
0x81: {  	_ =	shalt  }
0x82: {  	_ =	shalt  }
0x83: {  	_ =	shalt  }
0x84: {  	_ =	shalt  }
0x85: {  	_ =	shalt  }
0x86: {  	_ =	shalt  }
0x87: {  	_ =	shalt  }
.Lfunc_end0:
.L_simem_size_0:
called_computation_lowered:
.L_overlay_start_0:
0x88: {  	s2 =	sld [smem:$0x3FD9]  }
0x89: {  	s3 =	sld [smem:$0x3FFE];
	_ =	sdelay $0x1  }
0x8a: {  	s1 =	srdreg.scid  }
0x8b: {  	s0 =	sand.u32 $0x1, s1  }
0x8c: {  	s17 =	sshll.u32 s0, $0xA;
	s2 =	sadd.s32 s3, s2  }
0x8d: {  	s2 =	sadd.s32 s2, s17  }
0x8e: {  	[smem:$0x3FC5] =	sst s2  }
0x8f: {  	_ = 	snop  }
0x90: {  	s2 =	sld [smem:$0x3FC9]  }
0x91: {  	s18 =	sld [smem:$0x3FC8];
	(tm) =	ssettm $0x1  }
0x92: {  	s4 =	sld [smem:$0x3FFB];
	_ =	sdelay $0x3  }
0x93: {  	_ =	strace s4  }
0x94: {  	s4 =	sld [smem:$0x3FFC];
	_ =	sdelay $0x3  }
0x95: {  	_ =	strace s4  }
0x96: {  	s4 =	sld [smem:$0x3FFD];
	_ =	sdelay $0x3  }
0x97: {  	_ =	strace s4  }
0x98: {  	_ =	strace $0x8FFFFFFF  }
0x99: {  	s19 =	sld [smem:$0x3FDB];
	_ =	sdelay $0x1  }
0x9a: {  	s5 =	simm.s32 $_scs_section_size  }
0x9b: {  	s6 =	simm.s32 $_size__tile_overlayer_lowered;
	s7 =	simm.s32 $_tile_overlayer_lowered  }
0x9c: {  	s22 =	simm.s32 $0x1BFF;
	s21 =	sshll.u32 s7, $0x1;
	s4 =	sadd.s32 s5, s19  }
0x9d: {  	s8 =	simm.s32 $0x0;
	s20 =	sshll.u32 s6, $0x1;
	s6 =	sadd.s32 s21, s4  }
0x9e: {  	[timem:s8], [sflag:s22] =	dma.local [hbm:s6], s20  }
0x9f: {  	_ =	swait.ge [sflag:s22], s20  }
0xa0: {  	s5 =	ssub.s32 $0x0, s20;
	[sflag:s22] =	ssyncset.done $0x0  }
0xa1: {  	[sflag:s22] =	ssyncadd.s32 s5;
	_ =	sdelay $0x1  }
0xa2: {  	s23 =	simm.s32 $0x1B8B  }
0xa3: {  	_ =	swait.ge [sflag:s23], $0x1  }
0xa4: {  	[sflag:s23] =	ssyncset.done $0x0  }
0xa5: {  	s25 =	simm.s32 $0x1B8E;
	s24 =	sld [smem:$0x3FFE];
	[sflag:s23] =	ssyncadd.s32 $0xFFFFFFFF  }
0xa6: {  	s26 =	simm.s32 $execute0_lowered;
	[smem:$0x3FD2] =	sst s25  }
0xa7: {  	s6 =	sshll.u32 s26, $0x1;
	_ =	strace $0x80000046;
	[dreg:$0x1] =	wrdreg $0xFFFFFFFF  }
0xa8: {  	s28 =	simm.s32 $_size_execute0_lowered;
	s4 =	sadd.s32 s4, s6;
	[dreg:$0x0] =	wrdreg $0x0  }
0xa9: {  	s6 =	sshll.u32 s28, $0x1;
	[dreg:$0x2] =	wrdreg s4  }
0xaa: {  	[dreg:$0x3] =	wrdreg s6  }
0xab: {  	[dreg:$0x4] =	wrdreg $0xC0  }
0xac: {  	_ =	task [dreg:s8], $0x5FFFF  }
0xad: {  	[dreg:$0x1] =	wrdreg $0xFFFFFFFF  }
0xae: {  	[dreg:$0x0] =	wrdreg $0x60  }
0xaf: {  	[dreg:$0x2] =	wrdreg s2  }
0xb0: {  	[dreg:$0x3] =	wrdreg s18  }
0xb1: {  	[dreg:$0x4] =	wrdreg s24  }
0xb2: {  	[dreg:$0x5] =	wrdreg $0x9  }
0xb3: {  	_ =	task.clear_ibuf [dreg:s8], $0x6FFFF;
	_ =	strace $0x90000046  }
0xb4: {  	s29 =	simm.s32 $0x9;
	_ =	strace $0x80000048  }
0xb5: {  	_ =	swait.ge [sflag:s29], $0x1  }
0xb6: {  	[sflag:s29] =	ssyncadd.s32 $0xFFFFFFFF  }
0xb7: {  	_ =	strace $0x90000048  }
0xb8: {  	_ =	sfence  }
0xb9: {  	s30 =	sld [smem:$0x0];
	_ =	sdelay $0x2  }
0xba: {  	s31 =	sshll.u32 s1, $0xD;
	s1 =	sshrl.u32 s1, $0x2  }
0xbb: {  	s3 =	sand.u32 $0x4000, s31;
	s1 =	sadd.s32 s1, s30  }
0xbc: {  	s0 =	sor.u32 s3, s0;
	s1 =	sshll.u32 s1, $0x11  }
0xbd: {  	s0 =	sor.u32 s1, s0  }
0xbe: {  	s0 =	sadd.s32 $0x8F2B, s0  }
0xbf: {  	[sflag:s0] =	ssyncadd.remote.s32 $0x1  }
0xc0: {  	_ =	sfence.sel $0xFFFF  }
0xc1: {  	[dreg:$0x0] =	wrdreg $0xFFFFFFFF;
	(pc) =	sbr.abs _section_cstart, $3  }
0xc2: {  	[dreg:$0x1] =	wrdreg $0xFFFFFFFF  }
0xc3: {  	_ =	task.clear_ibuf [dreg:s8], $0x2FFFF;
	_ =	strace $0x9FFFFFFF  }
0xc4: {  	(tm) =	ssettm $0x7FFFFFFF  }
0xc5: {  	_ =	shalt  }
tec
execute0_lowered:
.L_overlay_start_1:
0x0: {  	(tag) =	ssettag $0x1  }
0x1: {  	s1 =	rddreg [dreg:$0x0]  }
0x2: {  	s7 =	rddreg [dreg:$0x1]  }
0x3: {  	s5 =	rddreg [dreg:$0x2];
	s2 =	simm.s32 $0x0  }
0x4: {  	[smem:$0x7FF] =	sst s2  }
0x5: {  	s0 =	rddreg [dreg:$0x3];
	v0 =	vimm.f32 $1.000000000e+00;
	_ =	strace $0x80000047  }
0x6: {  	(xrf0) =	vmax.scan.msk.f32 $0xffff, v0;
	_ =	sdelay $0x5  }
0x7: {  	v0, _, _ =	vpop (xrf0)  }
0x8: {  	(v2sf) =	vpush v0, $0xF;
	_ =	sdelay $0x2  }
0x9: {  	s4 =	srdreg.scid;
	s3 =	stileid.u32  }
0xa: {  	s14 =	simm.s32 $0xAE0;
	s12 =	simm.s32 $0x1;
	s13 =	simm.s32 $0x4980  }
0xb: {  	s16 =	simm.s32 $0x1D00;
	s18 =	simm.s32 $0x80;
	s19 =	simm.s32 $0x400  }
0xc: {  	s20 =	simm.s32 $0x8980;
	s4 =	sand.u32 $0x1, s4;
	s6 =	sshll.u32 s3, $0x1  }
0xd: {  	s21 =	simm.s32 $0x8D80;
	s22 =	simm.s32 $0x0;
	s11 =	sor.u32 s4, s6  }
0xe: {  	s28 =	sshll.u32 s3, $0x8;
	s29 =	ssub.s32 $0x2, s4;
	s8 =	sshll.u32 s11, $0x4  }
0xf: {  	s4 =	smul.u32 $0xC40, s11;
	p0 =	seq.s32 s11, $0x1F;
	s30 =	sshrl.u32 s29, $0x1  }
0x10: {  	s6 =	sor.u32 s28, s8;
	s14 =	simm.s32 @!p0 $0xC40;
	s10 =	ssub.s32 s29, s30  }
0x11: {  	p0 =	sne.s32 s11, $0x1F;
	s11 =	simm.s32 $0xC80;
	s6 =	sand.u32 $0xC70, s6  }
.Ltmp0:
0x12: {  	s31 =	sshrl.u32 s4, $0x3;
	s17 =	sadd.s32 $0xFFFFFFFF, s14;
	(pc) =	sbr.rel .LBB2_1-.Ltmp0, $4  }
0x13: {  	s10 =	smax.u32 s10, $0x1;
	s9 =	sadd.s32 s6, s5;
	s5 =	sshrl.u32 s14, $0x4  }
0x14: {  	vm0 =	vmmov $0xffff;
	v6 =	vimm.s32 $0x0;
	s6 =	sadd.s32 s7, s31;
	s7 =	sadd.s32 $0x2F78, s7;
	v1 =	vmov s17;
	s17 =	simm.s32 $0x2980  }
0x15: {  	v2 =	vimm.s32 $0x0;
	v3 =	vimm.s32 $0x1;
	v6 =	vsel vm0, $0xFFFFFFFF, v6;
	s8 =	sadd.s32 $0xC00, s9;
	s9 =	sadd.s32 $0x1C00, s9;
	s15 =	spop (v2sf)  }
0x16: {  	v4 =	vlaneseq.u32;
	v5 =	vimm.f32 $0.0e+00;
	[tilespmem:$0x1FFF0] =	vst v6;
	v0 =	vmov s14;
	s14 =	simm.s32 $0x6980;
	p1 =	sgt.f32 s15, $0.0e+00;
	s15 =	simm.s32 $0x1080  }
.LBB2_19:
0x17: {  	[hbm4b:s8+s18] =	stream.strided.scatter [tilespmem:s20], [sflag:$0x1], $0x400, s19, s18, $0x38;
	[tilespmem:$0x9180] =	vst v63  }
0x18: {  	_ =	swait.ge [sflag:s12], $0x400  }
0x19: {  	[sflag:s12] =	ssyncset.done $0x0  }
0x1a: {  	[sflag:s12] =	ssyncadd.s32 $0xFFFFFC00  }
0x1b: {  	[hbm4b:s9+s18] =	stream.strided.scatter [tilespmem:s21], [sflag:$0x1], $0x400, s19, s18, $0x38;
	[tilespmem:$0x9180] =	vst v63  }
0x1c: {  	s22 =	sadd.s32 $0x1, s22;
	_ =	swait.ge [sflag:s12], $0x400  }
0x1d: {  	p2 =	sne.s32 s22, s10;
	v6 =	vld [tilespmem:$0x1FFF0]  }
.Ltmp1:
0x1e: {  	_ = 	snop;
	(pc) =	sbr.rel @!p2 .LBB2_20-.Ltmp1, $3  }
0x1f: {  	_ =	sdelay $0x1  }
0x20: {  	[sflag:s12] =	ssyncset.done $0x0  }
0x21: {  	[sflag:s12] =	ssyncadd.s32 $0xFFFFFC00;
	vm0 =	vnez.u8 v6  }
.LBB2_1:
0x22: {  	s23 =	simm.s32 @p0 $0x0  }
0x23: {  	[tilespmem:s23], [sflag:$0x1] =	stream.linear.gather @p0 [hbm4b:s6+s23], $0xC40, $0x38;
	[tilespmem:$0x9180] =	vst v63  }
0x24: {  	s23 =	simm.s32 @p0 $0x1  }
0x25: {  	_ =	swait.ge @p0 [sflag:s23], $0xC40  }
0x26: {  	[sflag:s23] =	ssyncset.done @p0 $0x0  }
0x27: {  	[sflag:s23] =	ssyncadd.s32 @p0 $0xFFFFF3C0;
	s23 =	simm.s32 @!p0 $0x0  }
0x28: {  	[tilespmem:s23], [sflag:$0x1] =	stream.linear.gather @!p0 [hbm4b:s7+s23], $0xAE0, $0x38;
	[tilespmem:$0x9180] =	vst v63  }
0x29: {  	s23 =	simm.s32 @!p0 $0x1  }
0x2a: {  	_ =	swait.ge @!p0 [sflag:s23], $0xAE0  }
0x2b: {  	[sflag:s23] =	ssyncset.done @!p0 $0x0  }
0x2c: {  	p2 =	seq.s32 s5, $0x1;
	[sflag:s23] =	ssyncadd.s32 @!p0 $0xFFFFF520  }
0x2d: {  	[tilespmem:s11], [sflag:$0x1] =	stream.linear.gather [hbm4b:s1+s2], $0x400, $0x38;
	[tilespmem:$0x9180] =	vst v63  }
.Ltmp2:
0x2e: {  	_ = 	snop;
	(pc) =	sbr.rel @p2 .LBB2_3-.Ltmp2, $4  }
0x2f: {  	_ =	swait.ge [sflag:s12], $0x400  }
0x30: {  	[sflag:s12] =	ssyncset.done $0x0  }
0x31: {  	[sflag:s12] =	ssyncadd.s32 $0xFFFFFC00  }
0x32: {  	v6 =	vimm.f32 $+Inf;
	v7 =	vimm.f32 $-Inf;
	s24 =	simm.s32 $0x0;
	s23 =	sadd.s32 $0xFFFFFFFF, s5;
	v8 =	vld [tilespmem:s2+$0x0]  }
.LBB2_2:
0x33: {  	p3 =	seq.s32 s23, $0x1  }
.Ltmp3:
0x34: {  	_ = 	snop;
	(pc) =	sbr.rel @!p3 .LBB2_2-.Ltmp3, $3  }
0x35: {  	_ =	sdelay $0x1  }
0x36: {  	s23 =	sadd.s32 $0xFFFFFFFF, s23;
	s24 =	sadd.s32 $0x10, s24;
	v6 =	vmin.f32 v6, v8;
	v7 =	vmax.f32 v7, v8  }
0x37: {  	v8 =	vld [tilespmem:s24+$0x0]  }
.LBB2_3:
0x38: {  	_ =	sdelay $0x3  }
0x39: {  	s24 =	simm.s32 $0x100;
	s23 =	simm.s32 $0x0;
	v6 =	vmin.f32 v6, v8;
	v7 =	vmax.f32 v7, v8  }
.LBB2_4:
0x3a: {  	p3 =	seq.s32 s24, $0x7F00;
	[tilespmem:s23+$0x49B0] =	vst v2;
	s25 =	smov.u32 s24;
	s24 =	sadd.s32 $0x100, s24  }
.Ltmp4:
0x3b: {  	[tilespmem:s23+$0x49A0] =	vst v2;
	(pc) =	sbr.rel @!p3 .LBB2_4-.Ltmp4, $3  }
0x3c: {  	[tilespmem:s23+$0x4980] =	vst v2  }
0x3d: {  	[tilespmem:s23+$0x4990] =	vst v2;
	_ =	sdelay $0x1  }
0x3e: {  	s23 =	sshra.s32 s25, $0x2  }
0x3f: {  	(xrf0) =	vmin.scan.msk.f32 $0xffff, v6  }
0x40: {  	(xrf0) =	vmax.scan.msk.f32 $0xffff, v7;
	_ =	sdelay $0x4  }
0x41: {  	v7, _, _ =	vpop (xrf0)  }
0x42: {  	(v2sf) =	vpush v7, $0xF;
	v6, _, _ =	vpop (xrf0)  }
0x43: {  	(v2sf) =	vpush v6, $0xF;
	_ =	sdelay $0xc  }
0x44: {  	[tilespmem:s23+$0x49B0] =	vst v2  }
0x45: {  	[tilespmem:s23+$0x49A0] =	vst v2;
	s31 =	spop (v2sf)  }
0x46: {  	[tilespmem:s23+$0x4980] =	vst v2;
	s24 =	spop (v2sf)  }
0x47: {  	[tilespmem:s23+$0x4990] =	vst v2;
	s23 =	ssub.f32 s24, s31;
	_ =	sdelay $0x1  }
0x48: {  	s23 =	smax.f32 s23, $1.000000000e-30  }
0x49: {  	v6 =	vmov s23  }
.Ltmp5:
0x4a: {  	v6 =	vshrl.u32 v6, $0x17;
	(pc) =	sbr.rel @p2 .LBB2_7-.Ltmp5, $4  }
0x4b: {  	v6 =	vand.u32 $0xFF, v6  }
0x4c: {  	v6 =	vsub.s32 $0x10A, v6  }
0x4d: {  	s23 =	simm.s32 $0x0;
	v6 =	vshll.u32 v6, $0x17  }
0x4e: {  	s25 =	simm.s32 $0x0;
	v7 =	vbroadcast v7, $0xF;
	s24 =	sadd.s32 $0xFFFFFFFF, s5;
	v8 =	vld [tilespmem:s23+$0x0];
	v6 =	vbroadcast v6, $0x0  }
.LBB2_6:
0x4f: {  	p2 =	seq.s32 s24, $0x1;
	_ =	sdelay $0x3  }
0x50: {  	v8 =	vsub.f32 v8, v7;
	_ =	sdelay $0x1  }
0x51: {  	v8 =	vmul.f32 v8, v6;
	_ =	sdelay $0x1  }
0x52: {  	v8 =	vmax.f32 v8, $0.0e+00  }
0x53: {  	v8 =	vmin.f32 v8, $8.191000000e+03  }
0x54: {  	v8 =	vtrunc.f32 v8  }
0x55: {  	v8 =	vcvt.f32.s32 v8;
	_ =	sdelay $0x2  }
.Ltmp6:
0x56: {  	(pc) =	sbr.rel @!p2 .LBB2_6-.Ltmp6, $3  }
0x57: {  	_ =	sdelay $0x1  }
0x58: {  	s25 =	sadd.s32 $0x10, s25;
	[tilespmem:v8+s13+$0x0] =	vst.idx.add.s32.msk $0xffff, v3  }
0x59: {  	s24 =	sadd.s32 $0xFFFFFFFF, s24;
	v8 =	vld [tilespmem:s25+$0x0]  }
.LBB2_7:
0x5a: {  	_ =	sdelay $0x3  }
0x5b: {  	v8 =	vsub.f32 v8, v7;
	_ =	sdelay $0x1  }
0x5c: {  	v8 =	vmul.f32 v8, v6;
	_ =	sdelay $0x1  }
0x5d: {  	v8 =	vmax.f32 v8, $0.0e+00  }
0x5e: {  	v8 =	vmin.f32 v8, $8.191000000e+03  }
0x5f: {  	v8 =	vtrunc.f32 v8  }
0x60: {  	v8 =	vcvt.f32.s32 v8;
	_ =	sdelay $0x5  }
0x61: {  	s26 =	simm.s32 $0x0;
	[tilespmem:v8+s13+$0x0] =	vst.idx.add.s32.msk $0xffff, v3  }
0x62: {  	v8 =	vld [tilespmem:s26+$0x4980];
	_ =	sdelay $0x4  }
0x63: {  	(xrf0) =	vadd.scan.msk.s32 $0xffff, v8  }
0x64: {  	v9 =	vld [tilespmem:s26+$0x4990];
	_ =	sdelay $0x4  }
0x65: {  	v10, _, _ =	vpop (xrf0);
	(xrf0) =	vadd.scan.msk.s32 $0xffff, v9;
	_ =	sdelay $0x2  }
0x66: {  	v11 =	vld [tilespmem:s26+$0x49A0];
	(v2sf) =	vpush v10, $0xF;
	_ =	sdelay $0x2  }
0x67: {  	v13, _, _ =	vpop (xrf0)  }
0x68: {  	(v2sf) =	vpush v13, $0xF  }
0x69: {  	v12 =	vld [tilespmem:s26+$0x49B0];
	(xrf0) =	vadd.scan.msk.s32 $0xffff, v11;
	_ =	sdelay $0x3  }
0x6a: {  	v8 =	vsub.s32 v10, v8  }
0x6b: {  	v8 =	vadd.s32 s23, v8;
	(xrf0) =	vadd.scan.msk.s32 $0xffff, v12  }
0x6c: {  	[tilespmem:s26+$0x4980] =	vst v8;
	v14, _, _ =	vpop (xrf0)  }
0x6d: {  	s23 =	simm.s32 $0x40;
	[tilespmem:s26+$0x2980] =	vst v8;
	(v2sf) =	vpush v14, $0xF  }
0x6e: {  	v62 =	vld [tilespmem:s23+$0x4980];
	_ =	sdelay $0x1  }
0x6f: {  	s24 =	spop (v2sf)  }
0x70: {  	v9 =	vsub.s32 v13, v9;
	v10, _, _ =	vpop (xrf0);
	s24 =	sadd.s32 $0x0, s24  }
0x71: {  	(v2sf) =	vpush v10, $0xF;
	v8 =	vadd.s32 s24, v9  }
0x72: {  	(xrf0) =	vadd.scan.msk.s32 $0xffff, v62;
	[tilespmem:s26+$0x4990] =	vst v8  }
0x73: {  	v15 =	vld [tilespmem:s23+$0x4990];
	s25 =	spop (v2sf)  }
0x74: {  	v9 =	vsub.s32 v14, v11;
	s24 =	sadd.s32 s25, s24  }
0x75: {  	v9 =	vadd.s32 s24, v9  }
0x76: {  	[tilespmem:s26+$0x2990] =	vst v8  }
0x77: {  	[tilespmem:s26+$0x49A0] =	vst v9  }
0x78: {  	(xrf0) =	vadd.scan.msk.s32 $0xffff, v15;
	v8 =	vld [tilespmem:s23+$0x49A0];
	[tilespmem:s26+$0x29A0] =	vst v9;
	v9, _, _ =	vpop (xrf0)  }
0x79: {  	(v2sf) =	vpush v9, $0xF;
	_ =	sdelay $0x1  }
0x7a: {  	s31 =	spop (v2sf)  }
0x7b: {  	v10 =	vsub.s32 v10, v12;
	s25 =	sadd.s32 s31, s24  }
0x7c: {  	v12 =	vadd.s32 s25, v10  }
0x7d: {  	[tilespmem:s26+$0x49B0] =	vst v12;
	v63, _, _ =	vpop (xrf0);
	(xrf0) =	vadd.scan.msk.s32 $0xffff, v8  }
0x7e: {  	v10 =	vsub.s32 v9, v62;
	v9 =	vld [tilespmem:s23+$0x49B0];
	(v2sf) =	vpush v63, $0xF  }
0x7f: {  	s24 =	simm.s32 $0x200;
	[tilespmem:s26+$0x29B0] =	vst v12;
	s26 =	spop (v2sf);
	v11 =	vsub.s32 v63, v15  }
.LBB2_8:
0x80: {  	p2 =	seq.s32 s24, $0x7F00  }
0x81: {  	s25 =	sadd.s32 s26, s25;
	s26 =	smov.u32 s24;
	s24 =	sadd.s32 $0x100, s24  }
0x82: {  	v10 =	vadd.s32 s25, v10  }
0x83: {  	[tilespmem:s23+$0x4980] =	vst v10;
	v12, _, _ =	vpop (xrf0);
	(xrf0) =	vadd.scan.msk.s32 $0xffff, v9  }
0x84: {  	s26 =	sshra.s32 s26, $0x2;
	[tilespmem:s23+$0x2980] =	vst v10;
	v8 =	vsub.s32 v12, v8;
	(v2sf) =	vpush v12, $0xF  }
0x85: {  	v10 =	vld [tilespmem:s26+$0x4980];
	_ =	sdelay $0x1  }
0x86: {  	s28 =	spop (v2sf)  }
0x87: {  	s25 =	sadd.s32 s25, s28  }
0x88: {  	v11 =	vadd.s32 s25, v11;
	v12, _, _ =	vpop (xrf0)  }
0x89: {  	(xrf0) =	vadd.scan.msk.s32 $0xffff, v10;
	[tilespmem:s23+$0x4990] =	vst v11;
	v9 =	vsub.s32 v12, v9;
	(v2sf) =	vpush v12, $0xF  }
0x8a: {  	v12 =	vld [tilespmem:s26+$0x4990];
	[tilespmem:s23+$0x2990] =	vst v11;
	_ =	sdelay $0x1  }
0x8b: {  	s28 =	spop (v2sf)  }
0x8c: {  	s25 =	sadd.s32 s28, s25  }
0x8d: {  	v11 =	vadd.s32 s25, v8  }
0x8e: {  	v13, _, _ =	vpop (xrf0);
	(xrf0) =	vadd.scan.msk.s32 $0xffff, v12;
	[tilespmem:s23+$0x49A0] =	vst v11  }
0x8f: {  	v8 =	vld [tilespmem:s26+$0x49A0];
	v10 =	vsub.s32 v13, v10;
	(v2sf) =	vpush v13, $0xF;
	[tilespmem:s23+$0x29A0] =	vst v11;
	_ =	sdelay $0x1  }
0x90: {  	s28 =	spop (v2sf)  }
0x91: {  	s25 =	sadd.s32 s28, s25  }
.Ltmp7:
0x92: {  	v13 =	vadd.s32 s25, v9;
	(pc) =	sbr.rel @!p2 .LBB2_8-.Ltmp7, $3  }
0x93: {  	v14, _, _ =	vpop (xrf0);
	(xrf0) =	vadd.scan.msk.s32 $0xffff, v8;
	[tilespmem:s23+$0x49B0] =	vst v13  }
0x94: {  	v9 =	vld [tilespmem:s26+$0x49B0];
	v11 =	vsub.s32 v14, v12;
	(v2sf) =	vpush v14, $0xF;
	[tilespmem:s23+$0x29B0] =	vst v13;
	s23 =	smov.u32 s26;
	_ =	sdelay $0x1  }
0x95: {  	s26 =	spop (v2sf)  }
0x96: {  	_ =	sdelay $0x1  }
0x97: {  	(xrf0) =	vadd.scan.msk.s32 $0xffff, v9;
	_ =	sdelay $0x1  }
0x98: {  	v12, _, _ =	vpop (xrf0)  }
0x99: {  	(v2sf) =	vpush v12, $0xF;
	_ =	sdelay $0x2  }
0x9a: {  	v13, _, _ =	vpop (xrf0)  }
0x9b: {  	(v2sf) =	vpush v13, $0xF;
	_ =	sdelay $0x5  }
0x9c: {  	s24 =	sadd.s32 s26, s25  }
0x9d: {  	v10 =	vadd.s32 s24, v10;
	s28 =	spop (v2sf)  }
0x9e: {  	[tilespmem:s23+$0x4980] =	vst v10;
	s24 =	sadd.s32 s24, s28  }
0x9f: {  	[tilespmem:s23+$0x2980] =	vst v10;
	v62 =	vadd.s32 s24, v11;
	s29 =	spop (v2sf)  }
0xa0: {  	v8 =	vsub.s32 v12, v8;
	[tilespmem:s23+$0x4990] =	vst v62;
	s24 =	sadd.s32 s29, s24  }
.Ltmp8:
0xa1: {  	[tilespmem:s23+$0x2990] =	vst v62;
	v8 =	vadd.s32 s24, v8;
	s30 =	spop (v2sf);
	(pc) =	sbr.rel @!p1 .LBB2_13-.Ltmp8, $4  }
0xa2: {  	v63 =	vsub.s32 v13, v9;
	[tilespmem:s23+$0x49A0] =	vst v8;
	s24 =	sadd.s32 s30, s24  }
0xa3: {  	[tilespmem:s23+$0x29A0] =	vst v8;
	v8 =	vadd.s32 s24, v63  }
0xa4: {  	[tilespmem:s23+$0x49B0] =	vst v8  }
0xa5: {  	[tilespmem:s23+$0x29B0] =	vst v8;
	s23 =	simm.s32 $0x0;
	s31 =	spop (v2sf)  }
.LBB2_10:
0xa6: {  	s24 =	sshll.u32 s23, $0x4  }
0xa7: {  	v8 =	vld [tilespmem:s24+$0x0];
	_ =	sdelay $0x4  }
0xa8: {  	v9 =	vsub.f32 v8, v7;
	_ =	sdelay $0x1  }
0xa9: {  	v9 =	vmul.f32 v9, v6;
	_ =	sdelay $0x1  }
0xaa: {  	v9 =	vmax.f32 v9, $0.0e+00  }
0xab: {  	v9 =	vmin.f32 v9, $8.191000000e+03  }
0xac: {  	v10 =	vtrunc.f32 v9  }
0xad: {  	vm1 =	vmmov vm0;
	v10 =	vcvt.f32.s32 v10;
	_ =	sdelay $0x3  }
0xae: {  	s24 =	sadd.s32 s4, s24  }
0xaf: {  	v9 =	vor.u32 s24, v4  }
.LBB2_11:
0xb0: {  	[tilespmem:v10+s14+$0x0] =	vst.idx.msk vm1, v4  }
0xb1: {  	v11 =	vld.idx.msk [tilespmem:v10+s14+$0x0], $0xffff;
	_ =	sdelay $0x4  }
0xb2: {  	vm2 =	veq.s32 v11, v4  }
0xb3: {  	vm2 =	vmand vm1, vm2  }
0xb4: {  	vm1 =	vmxor vm1, vm2  }
0xb5: {  	v11 =	vsel vm1, $0x3F800000, v5  }
0xb6: {  	(xrf0) =	vmax.scan.msk.f32 $0xffff, v11;
	_ =	sdelay $0x5  }
0xb7: {  	v11, _, _ =	vpop (xrf0)  }
0xb8: {  	(v2sf) =	vpush v11, $0xF;
	_ =	sdelay $0xa  }
0xb9: {  	v11 =	vld.idx.msk [tilespmem:v10+s13+$0x0], $0xffff;
	_ =	sdelay $0x3  }
0xba: {  	s24 =	spop (v2sf)  }
0xbb: {  	p2 =	sgt.f32 s24, $0.0e+00  }
.Ltmp9:
0xbc: {  	_ = 	snop;
	(pc) =	sbr.rel @p2 .LBB2_11-.Ltmp9, $4  }
0xbd: {  	_ = 	snop  }
0xbe: {  	[tilespmem:v11+s15+$0x0] =	vst.idx.msk vm2, v8  }
0xbf: {  	[tilespmem:v11+s16+$0x0] =	vst.idx.msk vm2, v9  }
0xc0: {  	[tilespmem:v10+s13+$0x0] =	vst.idx.add.s32.msk vm2, v3  }
0xc1: {  	s23 =	sadd.s32 $0x1, s23  }
0xc2: {  	p2 =	sne.s32 s23, s5  }
.Ltmp10:
0xc3: {  	_ = 	snop;
	(pc) =	sbr.rel @p2 .LBB2_10-.Ltmp10, $1  }
0xc4: {  	_ =	sdelay $0x3  }
.LBB2_13:
.Ltmp11:
0xc5: {  	(pc) =	sbr.rel .LBB2_14-.Ltmp11, $2  }
0xc6: {  	_ =	sdelay $0x2  }
0xc7: {  	s23 =	simm.s32 $0x0  }
.LBB2_15:
0xc8: {  	v29 =	vimm.s32 $0x40000000;
	v26 =	vimm.f32 $+Inf  }
0xc9: {  	v27 =	vimm.f32 $+Inf;
	v31 =	vimm.s32 $0x40000000;
	v25 =	vimm.f32 $+Inf  }
0xca: {  	v33 =	vimm.s32 $0x40000000;
	v24 =	vimm.f32 $+Inf;
	v32 =	vimm.s32 $0x40000000  }
.LBB2_18:
0xcb: {  	[tilespmem:s24+$0x8980] =	vst v26  }
0xcc: {  	s25 =	sor.u32 $0x10, s24;
	[tilespmem:s24+$0x8D80] =	vst v29;
	s23 =	sadd.s32 $0x1, s23  }
0xcd: {  	[tilespmem:s25+$0x8980] =	vst v27;
	p2 =	sne.s32 s23, $0x10  }
.Ltmp12:
0xce: {  	s26 =	sor.u32 $0x20, s24;
	[tilespmem:s25+$0x8D80] =	vst v31;
	(pc) =	sbr.rel @!p2 .LBB2_19-.Ltmp12, $4  }
0xcf: {  	[tilespmem:s26+$0x8980] =	vst v25  }
0xd0: {  	s31 =	sor.u32 $0x30, s24;
	[tilespmem:s26+$0x8D80] =	vst v33  }
0xd1: {  	[tilespmem:s31+$0x8980] =	vst v24  }
0xd2: {  	[tilespmem:s31+$0x8D80] =	vst v32  }
.LBB2_14:
0xd3: {  	s24 =	sshll.u32 s23, $0x6  }
0xd4: {  	v8 =	vld [tilespmem:s24+$0xCA0]  }
0xd5: {  	v9 =	vld [tilespmem:s24+$0xCB0];
	_ =	sdelay $0x1  }
0xd6: {  	v10 =	vld [tilespmem:s24+$0xC90]  }
0xd7: {  	v11 =	vld [tilespmem:s24+$0xC80]  }
0xd8: {  	v12 =	vsub.f32 v8, v7  }
0xd9: {  	v13 =	vsub.f32 v9, v7  }
0xda: {  	v12 =	vmul.f32 v12, v6  }
0xdb: {  	v14 =	vsub.f32 v10, v7;
	v13 =	vmul.f32 v13, v6  }
0xdc: {  	v15 =	vsub.f32 v11, v7;
	v16 =	vmax.f32 v12, $0.0e+00  }
0xdd: {  	v14 =	vmul.f32 v14, v6;
	v17 =	vmax.f32 v13, $0.0e+00;
	v16 =	vmin.f32 v16, $8.191000000e+03  }
0xde: {  	v15 =	vmul.f32 v15, v6;
	v17 =	vmin.f32 v17, $8.191000000e+03;
	v16 =	vtrunc.f32 v16  }
0xdf: {  	v18 =	vmax.f32 v14, $0.0e+00;
	v17 =	vtrunc.f32 v17;
	v16 =	vcvt.f32.s32 v16  }
0xe0: {  	v18 =	vmin.f32 v18, $8.191000000e+03;
	v17 =	vcvt.f32.s32 v17  }
0xe1: {  	v19 =	vmax.f32 v15, $0.0e+00;
	v18 =	vtrunc.f32 v18  }
0xe2: {  	v19 =	vmin.f32 v19, $8.191000000e+03;
	v18 =	vcvt.f32.s32 v18  }
0xe3: {  	v19 =	vtrunc.f32 v19  }
0xe4: {  	v20 =	vcvt.f32.s32 v19  }
0xe5: {  	v19 =	vld.idx.msk [tilespmem:v16+s17+$0x0], $0xffff  }
0xe6: {  	v17 =	vld.idx.msk [tilespmem:v17+s17+$0x0], $0xffff;
	_ =	sdelay $0x1  }
0xe7: {  	v21 =	vld.idx.msk [tilespmem:v18+s17+$0x0], $0xffff;
	_ =	sdelay $0x1  }
0xe8: {  	v23 =	vld.idx.msk [tilespmem:v20+s17+$0x0], $0xffff  }
0xe9: {  	v22 =	vadd.s32 $0xFFFFFFFF, v19;
	v18 =	vadd.s32 $0xFFFFFFFF, v17  }
0xea: {  	vm1 =	vlt.s32 v19, v0;
	vm2 =	vlt.s32 v17, v0;
	v16 =	vand.u32 v18, v22  }
0xeb: {  	v20 =	vadd.s32 $0xFFFFFFFF, v21;
	vm5 =	vmor vm2, vm1;
	vm4 =	vgt.s32 v16, $0xFFFFFFFF  }
0xec: {  	vm3 =	vgt.s32 v20, $0xFFFFFFFF;
	vm5 =	vmor vm5, vm4  }
0xed: {  	v24 =	vadd.s32 $0xFFFFFFFF, v23;
	vm4 =	vlt.s32 v21, v0;
	vm6 =	vmor vm3, vm5  }
0xee: {  	vm5 =	vgt.s32 v24, $0xFFFFFFFF;
	vm7 =	vmor vm4, vm6  }
0xef: {  	vm6 =	vlt.s32 v23, v0;
	vm7 =	vmor vm5, vm7  }
0xf0: {  	vm7 =	vmor vm6, vm7  }
0xf1: {  	v16 =	vsel vm7, $0x3F800000, v5  }
0xf2: {  	(xrf0) =	vmax.scan.msk.f32 $0xffff, v16;
	_ =	sdelay $0x5  }
0xf3: {  	v16, _, _ =	vpop (xrf0)  }
0xf4: {  	(v2sf) =	vpush v16, $0xF;
	_ =	sdelay $0xe  }
0xf5: {  	s25 =	spop (v2sf)  }
0xf6: {  	p2 =	sgt.f32 s25, $0.0e+00  }
.Ltmp13:
0xf7: {  	_ = 	snop;
	(pc) =	sbr.rel @!p2 .LBB2_15-.Ltmp13, $1  }
0xf8: {  	_ =	sdelay $0x3  }
0xf9: {  	vm7 =	vgt.s32 v18, $0x0;
	vm8 =	vlt.s32 v17, v1  }
0xfa: {  	vm9 =	vgt.s32 v22, $0x0;
	v16 =	vnsel vm7, $0x0, v18;
	vm7 =	vgt.s32 v18, $0xFFFFFFFF  }
0xfb: {  	v17 =	vsel vm8, v17, v1;
	v18 =	vnsel vm9, $0x0, v22;
	vm8 =	vlt.s32 v19, v1  }
0xfc: {  	vm9 =	vlt.s32 v21, v1;
	v19 =	vsel vm8, v19, v1;
	vm8 =	vgt.s32 v20, $0x0  }
0xfd: {  	v21 =	vsel vm9, v21, v1;
	vm9 =	vgt.s32 v24, $0x0;
	v20 =	vnsel vm8, $0x0, v20  }
0xfe: {  	vm8 =	vgt.s32 v22, $0xFFFFFFFF;
	v22 =	vnsel vm9, $0x0, v24;
	vm9 =	vlt.s32 v23, v1  }
0xff: {  	v23 =	vsel vm9, v23, v1;
	_ =	sdelay $0x1  }
0x100: {  	v32 =	vimm.s32 $0x40000000;
	v33 =	vimm.s32 $0x40000000  }
0x101: {  	v25 =	vimm.f32 $+Inf;
	v31 =	vimm.s32 $0x40000000;
	v27 =	vimm.f32 $+Inf  }
0x102: {  	v29 =	vimm.s32 $0x40000000;
	v26 =	vimm.f32 $+Inf;
	v24 =	vimm.f32 $+Inf  }
.LBB2_17:
0x103: {  	v30 =	vld.idx.msk [tilespmem:v23+s15+$0x0], $0xffff  }
0x104: {  	v34 =	vld.idx.msk [tilespmem:v23+s16+$0x0], $0xffff  }
0x105: {  	v35 =	vld.idx.msk [tilespmem:v22+s15+$0x0], $0xffff  }
0x106: {  	v38 =	vld.idx.msk [tilespmem:v21+s15+$0x0], $0xffff  }
0x107: {  	v53 =	vld.idx.msk [tilespmem:v20+s15+$0x0], $0xffff  }
0x108: {  	v59 =	vld.idx.msk [tilespmem:v19+s15+$0x0], $0xffff  }
0x109: {  	v60 =	vld.idx.msk [tilespmem:v19+s16+$0x0], $0xffff  }
0x10a: {  	v62 =	vld.idx.msk [tilespmem:v18+s15+$0x0], $0xffff  }
0x10b: {  	v44 =	vld.idx.msk [tilespmem:v17+s15+$0x0], $0xffff;
	v28 =	vsub.f32 v11, v30  }
0x10c: {  	v49 =	vld.idx.msk [tilespmem:v16+s15+$0x0], $0xffff;
	v37 =	vsub.f32 v11, v35;
	v39 =	vsub.f32 v10, v38  }
0x10d: {  	v30 =	vsub.f32 v30, v7;
	v54 =	vsub.f32 v35, v7  }
0x10e: {  	v41 =	vsub.f32 v10, v53;
	v38 =	vsub.f32 v38, v7  }
0x10f: {  	v40 =	vimm.s32 $0x0;
	v61 =	vsub.f32 v53, v7;
	v63 =	vsub.f32 v8, v59  }
0x110: {  	vm10 =	vlt.s32 v34, v29;
	v45 =	vsub.f32 v8, v62;
	v48 =	vsub.f32 v9, v44  }
0x111: {  	vm14 =	vlt.s32 v60, v33;
	v53 =	vsub.f32 v9, v49;
	v44 =	vsub.f32 v44, v7  }
0x112: {  	v36 =	vand.u32 $0x7FFFFFFF, v28;
	v51 =	vand.u32 $0x7FFFFFFF, v37;
	v55 =	vand.u32 $0x7FFFFFFF, v39  }
0x113: {  	v56 =	vmul.f32 v30, v6;
	v58 =	vand.u32 $0x7FFFFFFF, v41;
	v38 =	vmul.f32 v38, v6  }
0x114: {  	v41 =	vadd.s32 $0xFFFFFFFF, v22;
	v35 =	vmul.f32 v61, v6;
	v47 =	vand.u32 $0x7FFFFFFF, v45  }
0x115: {  	v28 =	vld.idx.msk [tilespmem:v22+s16+$0x0], $0xffff;
	v37 =	vsub.f32 v62, v7;
	v44 =	vmul.f32 v44, v6;
	vm9 =	veq.f32 v36, v26  }
0x116: {  	vm11 =	vlt.f32 v36, v26;
	vm12 =	vlt.f32 v55, v27;
	vm9 =	vmand vm10, vm9  }
0x117: {  	v52 =	vld.idx.msk [tilespmem:v21+s16+$0x0], $0xffff;
	v39 =	vsub.f32 v56, v15;
	v38 =	vsub.f32 v38, v14;
	vm9 =	vmor vm11, vm9  }
0x118: {  	v35 =	vsub.f32 v14, v35;
	v37 =	vmul.f32 v37, v6;
	vm9 =	vmand vm6, vm9  }
0x119: {  	v56 =	vadd.s32 $0xFFFFFFFF, v20;
	v26 =	vsel vm9, v36, v26;
	v29 =	vsel vm9, v34, v29  }
0x11a: {  	v44 =	vsub.f32 v44, v13;
	vm9 =	veq.f32 v51, v26;
	vm10 =	vlt.s32 v28, v29  }
0x11b: {  	v34 =	vmul.f32 v54, v6;
	vm11 =	vlt.f32 v51, v26;
	vm9 =	vmand vm9, vm10  }
0x11c: {  	v30 =	vld.idx.msk [tilespmem:v20+s16+$0x0], $0xffff;
	vm10 =	veq.f32 v55, v27;
	vm9 =	vmor vm11, vm9;
	vm11 =	vlt.s32 v52, v31  }
0x11d: {  	v37 =	vsub.f32 v12, v37;
	vm0 =	vmand vm5, vm9;
	vm10 =	vmand vm11, vm10  }
0x11e: {  	v34 =	vsub.f32 v15, v34;
	v26 =	vsel vm0, v51, v26;
	vm10 =	vmor vm12, vm10  }
0x11f: {  	v40 =	vsel vm0, $0xFFFFFFFF, v40;
	v57 =	vmul.f32 v26, v6;
	vm10 =	vmand vm4, vm10  }
0x120: {  	[tilespmem:$0x1FFE0] =	vst v40;
	v40 =	vand.u32 $0x7FFFFFFF, v63;
	v27 =	vsel vm10, v55, v27;
	v31 =	vsel vm10, v52, v31  }
0x121: {  	vm13 =	veq.f32 v40, v25;
	vm10 =	veq.f32 v58, v27;
	vm11 =	vlt.s32 v30, v31  }
0x122: {  	v34 =	vsub.f32 v34, v57;
	vm12 =	vlt.f32 v58, v27;
	vm10 =	vmand vm10, vm11  }
0x123: {  	vm15 =	vlt.f32 v40, v25;
	vm13 =	vmand vm14, vm13;
	vm10 =	vmor vm12, vm10  }
0x124: {  	v43 =	vld.idx.msk [tilespmem:v18+s16+$0x0], $0xffff;
	vm13 =	vmor vm15, vm13;
	vm11 =	vgt.f32 v34, $1.049999950e+00;
	vm10 =	vmand vm3, vm10  }
0x125: {  	vm12 =	vgt.s32 v41, $0xFFFFFFFF;
	vm11 =	vmneg vm11;
	v27 =	vsel vm10, v58, v27  }
0x126: {  	v46 =	vld.idx.msk [tilespmem:v17+s16+$0x0], $0xffff;
	vm11 =	vmand vm12, vm11;
	vm12 =	vmand vm1, vm13;
	v42 =	vmul.f32 v27, v6  }
0x127: {  	v36 =	vsub.f32 v59, v7;
	v59 =	vadd.s32 $0xFFFFFFFF, v16;
	v25 =	vsel vm12, v40, v25  }
0x128: {  	v33 =	vsel vm12, v60, v33;
	vm12 =	veq.f32 v47, v25;
	v38 =	vsub.f32 v38, v42  }
0x129: {  	vm13 =	vlt.s32 v43, v33;
	vm0 =	vlt.f32 v47, v25;
	v35 =	vsub.f32 v35, v42  }
0x12a: {  	vm12 =	vmand vm12, vm13;
	vm14 =	vgt.f32 v38, $1.049999950e+00;
	v38 =	vand.u32 $0x7FFFFFFF, v48  }
0x12b: {  	v51 =	vld.idx.msk [tilespmem:v16+s16+$0x0], $0xffff;
	vm0 =	vmor vm0, vm12;
	vm12 =	vlt.s32 v46, v32;
	vm13 =	veq.f32 v38, v24  }
0x12c: {  	vm9 =	vmand vm8, vm0;
	vm0 =	vlt.f32 v38, v24;
	vm12 =	vmand vm12, vm13  }
0x12d: {  	v50 =	vmul.f32 v36, v6;
	v55 =	vadd.s32 $0x1, v21;
	vm0 =	vmor vm0, vm12  }
0x12e: {  	v39 =	vsub.f32 v39, v57;
	vm15 =	vgt.f32 v35, $1.049999950e+00;
	vm0 =	vmand vm2, vm0  }
0x12f: {  	v24 =	vsel vm0, v38, v24;
	v54 =	vsel vm0, v46, v32;
	v38 =	vand.u32 $0x7FFFFFFF, v53  }
0x130: {  	v35 =	vsub.f32 v49, v7;
	vm12 =	veq.f32 v38, v24;
	vm13 =	vlt.s32 v51, v54  }
0x131: {  	v25 =	vsel vm9, v47, v25;
	vm12 =	vmand vm12, vm13;
	vm13 =	vlt.f32 v38, v24  }
0x132: {  	v57 =	vadd.s32 $0xFFFFFFFF, v18;
	v52 =	vmul.f32 v25, v6;
	vm12 =	vmor vm13, vm12  }
0x133: {  	v34 =	vsub.f32 v50, v12;
	v35 =	vmul.f32 v35, v6;
	vm13 =	vmand vm7, vm12  }
0x134: {  	vm14 =	vmneg vm14;
	v37 =	vsub.f32 v37, v52;
	v24 =	vsel vm13, v38, v24  }
0x135: {  	v35 =	vsub.f32 v13, v35;
	vm0 =	vlt.s32 v55, v0;
	v38 =	vmul.f32 v24, v6  }
0x136: {  	vm14 =	vmand vm0, vm14;
	vm12 =	vmneg vm15;
	vm15 =	vgt.s32 v56, $0xFFFFFFFF  }
0x137: {  	vm0 =	vmand vm15, vm12;
	vm12 =	vgt.f32 v37, $1.049999950e+00;
	v44 =	vsub.f32 v44, v38  }
0x138: {  	v58 =	vadd.s32 $0x1, v17;
	vm3 =	vmand vm3, vm0;
	vm0 =	vmneg vm12  }
0x139: {  	vm12 =	vgt.s32 v57, $0xFFFFFFFF;
	v35 =	vsub.f32 v35, v38;
	vm15 =	vgt.f32 v44, $1.049999950e+00  }
0x13a: {  	vm0 =	vmand vm12, vm0;
	vm12 =	vmneg vm15;
	vm15 =	vlt.s32 v58, v0  }
0x13b: {  	v34 =	vsub.f32 v34, v52;
	vm12 =	vmand vm15, vm12;
	vm15 =	vgt.f32 v35, $1.049999950e+00  }
0x13c: {  	vm2 =	vmand vm2, vm12;
	vm12 =	vmneg vm15;
	vm15 =	vgt.s32 v59, $0xFFFFFFFF  }
0x13d: {  	v60 =	vadd.s32 $0x1, v19;
	vm12 =	vmand vm15, vm12;
	vm15 =	vgt.f32 v34, $1.049999950e+00  }
0x13e: {  	vm15 =	vmneg vm15;
	vm7 =	vmand vm7, vm12;
	vm12 =	vlt.s32 v60, v0  }
0x13f: {  	vm8 =	vmand vm8, vm0;
	vm12 =	vmand vm12, vm15;
	vm0 =	vmor vm2, vm7  }
0x140: {  	v61 =	vadd.s32 $0x1, v23;
	vm1 =	vmand vm1, vm12;
	vm0 =	vmor vm8, vm0  }
0x141: {  	vm4 =	vmand vm4, vm14;
	vm12 =	vgt.f32 v39, $1.049999950e+00;
	vm0 =	vmor vm1, vm0  }
0x142: {  	vm14 =	vlt.s32 v61, v0;
	vm12 =	vmneg vm12;
	vm0 =	vmor vm3, vm0  }
0x143: {  	vm5 =	vmand vm5, vm11;
	vm12 =	vmand vm14, vm12;
	vm0 =	vmor vm4, vm0  }
0x144: {  	vm6 =	vmand vm6, vm12;
	vm0 =	vmor vm5, vm0  }
0x145: {  	vm0 =	vmor vm6, vm0  }
0x146: {  	v62 =	vsel vm0, $0x3F800000, v5  }
0x147: {  	(xrf0) =	vmax.scan.msk.f32 $0xffff, v62;
	_ =	sdelay $0x5  }
0x148: {  	v44, _, _ =	vpop (xrf0)  }
0x149: {  	(v2sf) =	vpush v44, $0xF;
	_ =	sdelay $0xe  }
0x14a: {  	v63 =	vld [tilespmem:$0x1FFE0];
	s25 =	spop (v2sf)  }
0x14b: {  	p2 =	sgt.f32 s25, $0.0e+00  }
.Ltmp14:
0x14c: {  	v31 =	vsel vm10, v30, v31;
	(pc) =	sbr.rel @p2 .LBB2_17-.Ltmp14, $4  }
0x14d: {  	v22 =	vsel vm5, v41, v22;
	v33 =	vsel vm9, v43, v33;
	v21 =	vsel vm4, v55, v21  }
0x14e: {  	v32 =	vsel vm13, v51, v54;
	v20 =	vsel vm3, v56, v20;
	v18 =	vsel vm8, v57, v18  }
0x14f: {  	v17 =	vsel vm2, v58, v17;
	v16 =	vsel vm7, v59, v16;
	vm0 =	vnez.u8 v63  }
0x150: {  	v19 =	vsel vm1, v60, v19;
	v23 =	vsel vm6, v61, v23;
	v29 =	vsel vm0, v28, v29  }
.Ltmp15:
0x151: {  	_ = 	snop;
	(pc) =	sbr.rel .LBB2_18-.Ltmp15, $1  }
0x152: {  	_ =	sdelay $0x3  }
.LBB2_20:
0x153: {  	_ =	sfence.sel $0x180000  }
0x154: {  	[bflag:$0x0] =	sbarrier.arrive $0xFFFF  }
0x155: {  	p0 =	sne.s32 s3, $0x0;
	_ =	strace $0x90000047  }
0x156: {  	s0 =	sadd.s32 @!p0 $0x100000, s0;
	[bflag:$0x2] =	sbarrier.arrive $0xFFFF  }
0x157: {  	[sflag:s0] =	ssyncadd.tile.s32 @!p0 $0x1;
	_ =	shalt  }
.Lfunc_end2:
_tile_overlayer_lowered:
.L_overlay_start_2:
0x158: {  	(tag) =	ssettag $0x2  }
0x159: {  	s0 =	rddreg [dreg:$0x0];
	s2 =	stileid.u32  }
0x15a: {  	s1 =	rddreg [dreg:$0x1];
	p0 =	sne.s32 s2, $0x0  }
0x15b: {  	s3 =	rddreg [dreg:$0x2];
	[bflag:$0x3] =	sbarrier.arrive $0xFFFF;
	s2 =	simm.s32 @!p0 $0x1C01  }
0x15c: {  	[timem:s3], [sflag:s2] =	dma.local @!p0 [hbm:s0], s1  }
0x15d: {  	s0 =	simm.s32 @!p0 $0x1  }
0x15e: {  	_ =	swait.ge @!p0 [sflag:s0], s1  }
0x15f: {  	s1 =	ssub.s32 @!p0 $0x0, s1;
	[sflag:s0] =	ssyncset.done @!p0 $0x0  }
0x160: {  	[sflag:s0] =	ssyncadd.s32 @!p0 s1  }
0x161: {  	[bflag:$0x3] =	sbarrier.arrive $0xFFFF  }
0x162: {  	_ =	shalt  }

// kernel: kernel.7.cloned.1.call-start
scs
__scs_entry_jumppad:
0x0: {  	(pc) =	sbr.rel $0x88, $3  }
0x1: {  	(tag) =	ssettag $0x0;
	lr =	simm.s32 $0x1  }
0x2: {  	[smem:$0x3F9E] =	sst lr;
	_ =	strace $0xD0000000  }
0x3: {  	_ = 	snop  }
0x4: {  	_ = 	snop  }
0x5: {  	_ = 	snop  }
0x6: {  	_ = 	snop  }
0x7: {  	_ = 	snop  }
__scs_overlays_trampoline_lowered:
0x8: {  	[smem:$0x3FAD] =	sst s0  }
0x9: {  	[smem:$0x3FAE] =	sst s1  }
0xa: {  	[smem:$0x3FAF] =	sst s2  }
0xb: {  	[smem:$0x3FB0] =	sst s3  }
0xc: {  	[smem:$0x3FB1] =	sst s4  }
0xd: {  	[smem:$0x3FB2] =	sst s5  }
0xe: {  	[smem:$0x3FB3] =	sst s6  }
0xf: {  	[smem:$0x3FB4] =	sst s7  }
0x10: {  	[smem:$0x3FB5] =	sst s8  }
0x11: {  	[smem:$0x3FB6] =	sst s9;
	s0 =	simm.s32 @!p0 $0x0  }
0x12: {  	s1 =	sld [smem:$0x3F9C];
	s0 =	simm.s32 @p0 $0x1  }
0x13: {  	[smem:$0x3FB7] =	sst s0;
	s0 =	simm.s32 @!p1 $0x0  }
0x14: {  	s2 =	sld [smem:$0x3F9B];
	s0 =	simm.s32 @p1 $0x1  }
0x15: {  	[smem:$0x3FB8] =	sst s0;
	s0 =	simm.s32 @!p2 $0x0  }
0x16: {  	s3 =	sld [smem:$0x3FDB];
	s0 =	simm.s32 @p2 $0x1  }
0x17: {  	s4 =	simm.s32 $0x1BF5;
	[smem:$0x3FBA] =	sst s0  }
0x18: {  	s0 =	sld [smem:$0x3F9D];
	_ =	swait.ge [sflag:s4], $0x0  }
0x19: {  	s7 =	sld [smem:$0x3F9E]  }
0x1a: {  	s8 =	sadd.s32 $0xFFFFE003, lr  }
0x1b: {  	s9 =	sadd.s32 $0xFFFFFEF7, lr;
	s5 =	simm.s32 $0xFFFFFFFF;
	p2 =	slt.u32 s8, $0xFFFFF086  }
0x1c: {  	p1 =	slt.u32 s9, $0xF7A;
	s5 =	simm.s32 @!p2 $0x0  }
0x1d: {  	s5 =	simm.s32 @p1 $0x1;
	p0 =	seq.s32 s7, s2  }
0x1e: {  	s7 =	smul.u32 @!p0 $0xF7A, s2;
	p2 =	seq.s32 @!p0 s5, $0x0  }
0x1f: {  	s9 =	smul.u32 $0xF7A, s1;
	s8 =	simm.s32 @!p0 $0x1BF5;
	p2 =	por !p2, p0  }
0x20: {  	[sflag:s8] =	ssyncset.s32 @!p0 $0xFFFFF086;
	s6 =	sadd.s32 @!p0 s3, s7;
	s7 =	simm.s32 @!p0 $0x108  }
0x21: {  	s3 =	sadd.s32 s3, s9;
	s6 =	sadd.s32 @!p0 $0x88, s6;
	s7 =	simm.s32 @p2 $0x1082  }
0x22: {  	[simem:s7], [sflag:s8] =	dma.local @!p0 [hbm:s6], $0xF7A  }
0x23: {  	s9 =	sor.u32 $0xD0000000, s2;
	s6 =	simm.s32 $0x108;
	_ =	swait.ge @!p0 [sflag:s8], $0x0  }
0x24: {  	s3 =	sadd.s32 $0x88, s3;
	s6 =	simm.s32 @!p1 $0x1082;
	[sflag:s4] =	ssyncset.s32 $0xFFFFF086  }
0x25: {  	[simem:s6], [sflag:s4] =	dma.local [hbm:s3], $0xF7A  }
0x26: {  	[smem:$0x3F9E] =	sst s1;
	(tag) =	ssettag s2;
	_ =	strace s9  }
0x27: {  	s1 =	sld [smem:$0x3FAE]  }
0x28: {  	s2 =	sld [smem:$0x3FAF]  }
0x29: {  	s4 =	sld [smem:$0x3FB1]  }
0x2a: {  	p0 =	seq.s32 s5, $0x0;
	s5 =	sld [smem:$0x3FB2]  }
0x2b: {  	s6 =	sld [smem:$0x3FB3]  }
0x2c: {  	s7 =	sld [smem:$0x3FB4]  }
0x2d: {  	s3 =	simm.s32 $0x108;
	s8 =	sld [smem:$0x3FB5]  }
0x2e: {  	s3 =	simm.s32 @!p0 $0x1082;
	s9 =	sld [smem:$0x3FB6]  }
0x2f: {  	lr =	sadd.s32 s0, s3;
	s0 =	sld [smem:$0x3FAD]  }
0x30: {  	s3 =	sld [smem:$0x3FB0]  }
0x31: {  	[smem:$0x3FB9] =	sst s10  }
0x32: {  	s10 =	sld [smem:$0x3FB7];
	_ =	sdelay $0x3  }
0x33: {  	p0 =	seq.s32 s10, $0x1;
	s10 =	sld [smem:$0x3FB9];
	_ =	sdelay $0x3  }
0x34: {  	[smem:$0x3FB9] =	sst s10  }
0x35: {  	s10 =	sld [smem:$0x3FB8];
	_ =	sdelay $0x3  }
0x36: {  	p1 =	seq.s32 s10, $0x1;
	s10 =	sld [smem:$0x3FB9];
	_ =	sdelay $0x3  }
0x37: {  	[smem:$0x3FB9] =	sst s10  }
0x38: {  	s10 =	sld [smem:$0x3FBA]  }
0x39: {  	_ = 	snop;
	(pc) =	sbr.ind lr, $3  }
0x3a: {  	_ = 	snop  }
0x3b: {  	_ = 	snop  }
0x3c: {  	p2 =	seq.s32 s10, $0x1;
	s10 =	sld [smem:$0x3FB9]  }
0x3d: {  	_ =	shalt  }
0x3e: {  	_ =	shalt  }
0x3f: {  	_ =	shalt  }
0x40: {  	_ =	shalt  }
0x41: {  	_ =	shalt  }
0x42: {  	_ =	shalt  }
0x43: {  	_ =	shalt  }
0x44: {  	_ =	shalt  }
0x45: {  	_ =	shalt  }
0x46: {  	_ =	shalt  }
0x47: {  	_ =	shalt  }
0x48: {  	_ =	shalt  }
0x49: {  	_ =	shalt  }
0x4a: {  	_ =	shalt  }
0x4b: {  	_ =	shalt  }
0x4c: {  	_ =	shalt  }
0x4d: {  	_ =	shalt  }
0x4e: {  	_ =	shalt  }
0x4f: {  	_ =	shalt  }
0x50: {  	_ =	shalt  }
0x51: {  	_ =	shalt  }
0x52: {  	_ =	shalt  }
0x53: {  	_ =	shalt  }
0x54: {  	_ =	shalt  }
0x55: {  	_ =	shalt  }
0x56: {  	_ =	shalt  }
0x57: {  	_ =	shalt  }
0x58: {  	_ =	shalt  }
0x59: {  	_ =	shalt  }
0x5a: {  	_ =	shalt  }
0x5b: {  	_ =	shalt  }
0x5c: {  	_ =	shalt  }
0x5d: {  	_ =	shalt  }
0x5e: {  	_ =	shalt  }
0x5f: {  	_ =	shalt  }
0x60: {  	_ =	shalt  }
0x61: {  	_ =	shalt  }
0x62: {  	_ =	shalt  }
0x63: {  	_ =	shalt  }
0x64: {  	_ =	shalt  }
0x65: {  	_ =	shalt  }
0x66: {  	_ =	shalt  }
0x67: {  	_ =	shalt  }
0x68: {  	_ =	shalt  }
0x69: {  	_ =	shalt  }
0x6a: {  	_ =	shalt  }
0x6b: {  	_ =	shalt  }
0x6c: {  	_ =	shalt  }
0x6d: {  	_ =	shalt  }
0x6e: {  	_ =	shalt  }
0x6f: {  	_ =	shalt  }
0x70: {  	_ =	shalt  }
0x71: {  	_ =	shalt  }
0x72: {  	_ =	shalt  }
0x73: {  	_ =	shalt  }
0x74: {  	_ =	shalt  }
0x75: {  	_ =	shalt  }
0x76: {  	_ =	shalt  }
0x77: {  	_ =	shalt  }
0x78: {  	_ =	shalt  }
0x79: {  	_ =	shalt  }
0x7a: {  	_ =	shalt  }
0x7b: {  	_ =	shalt  }
0x7c: {  	_ =	shalt  }
0x7d: {  	_ =	shalt  }
0x7e: {  	_ =	shalt  }
0x7f: {  	_ =	shalt  }
0x80: {  	_ =	shalt  }
0x81: {  	_ =	shalt  }
0x82: {  	_ =	shalt  }
0x83: {  	_ =	shalt  }
0x84: {  	_ =	shalt  }
0x85: {  	_ =	shalt  }
0x86: {  	_ =	shalt  }
0x87: {  	_ =	shalt  }
.Lfunc_end0:
.L_simem_size_0:
called_computation.1_lowered:
.L_overlay_start_0:
0x88: {  	s2 =	sld [smem:$0x3FD9]  }
0x89: {  	s3 =	sld [smem:$0x3FFE];
	_ =	sdelay $0x1  }
0x8a: {  	s1 =	srdreg.scid  }
0x8b: {  	s0 =	sand.u32 $0x1, s1  }
0x8c: {  	s17 =	sshll.u32 s0, $0xA;
	s2 =	sadd.s32 s3, s2  }
0x8d: {  	s2 =	sadd.s32 s2, s17  }
0x8e: {  	[smem:$0x3FC5] =	sst s2  }
0x8f: {  	_ = 	snop  }
0x90: {  	s2 =	sld [smem:$0x3FC7]  }
0x91: {  	s18 =	sld [smem:$0x3FD0];
	(tm) =	ssettm $0x1  }
0x92: {  	s4 =	sld [smem:$0x3FFB];
	_ =	sdelay $0x3  }
0x93: {  	_ =	strace s4  }
0x94: {  	s4 =	sld [smem:$0x3FFC];
	_ =	sdelay $0x3  }
0x95: {  	_ =	strace s4  }
0x96: {  	s4 =	sld [smem:$0x3FFD];
	_ =	sdelay $0x3  }
0x97: {  	_ =	strace s4  }
0x98: {  	_ =	strace $0x8FFFFFFF  }
0x99: {  	s19 =	sld [smem:$0x3FDB];
	_ =	sdelay $0x1  }
0x9a: {  	s5 =	simm.s32 $_scs_section_size  }
0x9b: {  	s6 =	simm.s32 $_size__tile_overlayer_lowered;
	s7 =	simm.s32 $_tile_overlayer_lowered  }
0x9c: {  	s22 =	simm.s32 $0x1BFF;
	s21 =	sshll.u32 s7, $0x1;
	s4 =	sadd.s32 s5, s19  }
0x9d: {  	s8 =	simm.s32 $0x0;
	s20 =	sshll.u32 s6, $0x1;
	s6 =	sadd.s32 s21, s4  }
0x9e: {  	[timem:s8], [sflag:s22] =	dma.local [hbm:s6], s20  }
0x9f: {  	_ =	swait.ge [sflag:s22], s20  }
0xa0: {  	s5 =	ssub.s32 $0x0, s20;
	[sflag:s22] =	ssyncset.done $0x0  }
0xa1: {  	[sflag:s22] =	ssyncadd.s32 s5;
	_ =	sdelay $0x1  }
0xa2: {  	s23 =	simm.s32 $0x1B8B  }
0xa3: {  	_ =	swait.ge [sflag:s23], $0x1  }
0xa4: {  	[sflag:s23] =	ssyncset.done $0x0  }
0xa5: {  	s25 =	simm.s32 $0x1B8E;
	s24 =	sld [smem:$0x3FFE];
	[sflag:s23] =	ssyncadd.s32 $0xFFFFFFFF  }
0xa6: {  	s26 =	simm.s32 $execute0_lowered;
	[smem:$0x3FD2] =	sst s25  }
0xa7: {  	s6 =	sshll.u32 s26, $0x1;
	_ =	strace $0x80000049;
	[dreg:$0x1] =	wrdreg $0xFFFFFFFF  }
0xa8: {  	s28 =	simm.s32 $_size_execute0_lowered;
	s4 =	sadd.s32 s4, s6;
	[dreg:$0x0] =	wrdreg $0x0  }
0xa9: {  	s6 =	sshll.u32 s28, $0x1;
	[dreg:$0x2] =	wrdreg s4  }
0xaa: {  	[dreg:$0x3] =	wrdreg s6  }
0xab: {  	[dreg:$0x4] =	wrdreg $0xC0  }
0xac: {  	_ =	task [dreg:s8], $0x5FFFF  }
0xad: {  	[dreg:$0x1] =	wrdreg $0xFFFFFFFF  }
0xae: {  	[dreg:$0x0] =	wrdreg $0x60  }
0xaf: {  	[dreg:$0x2] =	wrdreg s24  }
0xb0: {  	[dreg:$0x3] =	wrdreg s2  }
0xb1: {  	[dreg:$0x4] =	wrdreg s18  }
0xb2: {  	[dreg:$0x5] =	wrdreg $0x9  }
0xb3: {  	_ =	task.clear_ibuf [dreg:s8], $0x6FFFF;
	_ =	strace $0x90000049  }
0xb4: {  	s29 =	simm.s32 $0x9;
	_ =	strace $0x8000004B  }
0xb5: {  	_ =	swait.ge [sflag:s29], $0x1  }
0xb6: {  	[sflag:s29] =	ssyncadd.s32 $0xFFFFFFFF  }
0xb7: {  	_ =	strace $0x9000004B  }
0xb8: {  	_ =	sfence  }
0xb9: {  	s30 =	sld [smem:$0x0];
	_ =	sdelay $0x2  }
0xba: {  	s31 =	sshll.u32 s1, $0xD;
	s1 =	sshrl.u32 s1, $0x2  }
0xbb: {  	s3 =	sand.u32 $0x4000, s31;
	s1 =	sadd.s32 s1, s30  }
0xbc: {  	s0 =	sor.u32 s3, s0;
	s1 =	sshll.u32 s1, $0x11  }
0xbd: {  	s0 =	sor.u32 s1, s0  }
0xbe: {  	s0 =	sadd.s32 $0x8F2B, s0  }
0xbf: {  	[sflag:s0] =	ssyncadd.remote.s32 $0x1  }
0xc0: {  	_ =	sfence.sel $0xFFFF  }
0xc1: {  	[dreg:$0x0] =	wrdreg $0xFFFFFFFF;
	(pc) =	sbr.abs _section_cstart, $3  }
0xc2: {  	[dreg:$0x1] =	wrdreg $0xFFFFFFFF  }
0xc3: {  	_ =	task.clear_ibuf [dreg:s8], $0x2FFFF;
	_ =	strace $0x9FFFFFFF  }
0xc4: {  	(tm) =	ssettm $0x7FFFFFFF  }
0xc5: {  	_ =	shalt  }
tec
execute0_lowered:
.L_overlay_start_1:
0x0: {  	(tag) =	ssettag $0x1  }
0x1: {  	s1 =	srdreg.scid  }
0x2: {  	s0 =	stileid.u32;
	s1 =	sand.u32 $0x1, s1  }
0x3: {  	s6 =	rddreg [dreg:$0x0];
	s3 =	sshll.u32 s0, $0x6;
	s4 =	sshll.u32 s1, $0x5  }
0x4: {  	s2 =	rddreg [dreg:$0x1];
	s8 =	sshll.u32 s0, $0x9;
	s4 =	sor.u32 s4, s3  }
0x5: {  	[dreg:$0x4] =	wrdreg s2;
	s9 =	sor.u32 s8, s4  }
0x6: {  	s2 =	simm.s32 $0x0;
	s5 =	sadd.s32 $0xC00, s6;
	s7 =	sand.u32 $0x1C60, s9  }
0x7: {  	s6 =	sadd.s32 $0x1C00, s6;
	[smem:$0x7FF] =	sst s2;
	s7 =	sshrl.u32 s7, $0x3  }
0x8: {  	s3 =	rddreg [dreg:$0x2];
	_ =	strace $0x8000004A;
	s10 =	sadd.s32 s5, s7  }
0x9: {  	s21 =	sadd.s32 s6, s7;
	s11 =	sor.u32 $0x10, s7;
	[dreg:$0x5] =	wrdreg s10  }
0xa: {  	[dreg:$0x6] =	wrdreg s21;
	s22 =	sadd.s32 s5, s11  }
0xb: {  	s24 =	sor.u32 $0x20, s7;
	s23 =	sadd.s32 s6, s11;
	[dreg:$0x7] =	wrdreg s22  }
0xc: {  	s25 =	sadd.s32 s5, s24;
	[dreg:$0x8] =	wrdreg s23  }
0xd: {  	s0 =	sor.u32 $0x30, s7;
	s26 =	sadd.s32 s6, s24;
	[dreg:$0x9] =	wrdreg s25  }
0xe: {  	s12 =	sadd.s32 s5, s0;
	[dreg:$0xa] =	wrdreg s26  }
0xf: {  	s14 =	sor.u32 $0x40, s7;
	s13 =	sadd.s32 s6, s0;
	[dreg:$0xb] =	wrdreg s12  }
0x10: {  	s15 =	sadd.s32 s5, s14;
	[dreg:$0xc] =	wrdreg s13  }
0x11: {  	s17 =	sor.u32 $0x50, s7;
	s16 =	sadd.s32 s6, s14;
	[dreg:$0xd] =	wrdreg s15  }
0x12: {  	s18 =	sadd.s32 s5, s17;
	[dreg:$0xe] =	wrdreg s16  }
0x13: {  	s9 =	sshrl.u32 s9, $0x3;
	s19 =	sadd.s32 s6, s17;
	[dreg:$0xf] =	wrdreg s18  }
0x14: {  	s14 =	sor.u32 $0x410, s7;
	s10 =	simm.s32 $0x1000;
	[dreg:$0x10] =	wrdreg s19  }
0x15: {  	s17 =	sor.u32 $0x420, s7;
	s15 =	sadd.s32 s5, s14;
	[smem:$0x7D6] =	sst s10  }
0x16: {  	s12 =	sand.u32 $0x60, s4;
	s16 =	sadd.s32 s6, s14;
	[dreg:$0x17] =	wrdreg s15  }
0x17: {  	s26 =	sor.u32 $0x400, s7;
	s18 =	sadd.s32 s5, s17;
	[dreg:$0x18] =	wrdreg s16  }
0x18: {  	s19 =	sadd.s32 s6, s17;
	s10 =	simm.s32 $0x1600;
	[dreg:$0x19] =	wrdreg s18  }
0x19: {  	s13 =	sshrl.u32 s12, $0x3;
	s0 =	sadd.s32 s5, s26;
	[dreg:$0x1a] =	wrdreg s19  }
0x1a: {  	s15 =	sor.u32 $0x470, s9;
	s18 =	sor.u32 $0x800, s7;
	[smem:$0x7EE] =	sst s10  }
0x1b: {  	s13 =	sor.u32 s4, s13;
	[dreg:$0x15] =	wrdreg s0;
	s16 =	sadd.s32 s5, s15  }
0x1c: {  	s17 =	sadd.s32 s6, s15;
	s19 =	sadd.s32 s5, s18;
	[smem:$0x7B3] =	sst s16  }
0x1d: {  	s4 =	sshrl.u32 s4, $0x3;
	s20 =	sor.u32 $0x60, s13;
	[smem:$0x7B4] =	sst s17  }
0x1e: {  	s23 =	sor.u32 $0x70, s13;
	s13 =	sadd.s32 s6, s26;
	[smem:$0x7B5] =	sst s19  }
0x1f: {  	s3 =	sadd.s32 s3, s4;
	[dreg:$0x16] =	wrdreg s13  }
0x20: {  	s4 =	simm.s32 $0x1480;
	[smem:$0x7D5] =	sst s3  }
0x21: {  	s21 =	sadd.s32 s5, s20;
	[smem:$0x7E8] =	sst s4  }
0x22: {  	s8 =	sor.u32 s8, s12;
	s22 =	sadd.s32 s6, s20;
	[dreg:$0x11] =	wrdreg s21  }
0x23: {  	s8 =	sshrl.u32 s8, $0x3;
	s24 =	sadd.s32 s5, s23;
	[dreg:$0x12] =	wrdreg s22  }
0x24: {  	s26 =	sor.u32 $0x450, s8;
	s25 =	sadd.s32 s6, s23;
	[dreg:$0x13] =	wrdreg s24  }
0x25: {  	s0 =	sadd.s32 s5, s26;
	[dreg:$0x14] =	wrdreg s25  }
0x26: {  	s12 =	sor.u32 $0x460, s8;
	s11 =	sadd.s32 s6, s26;
	[dreg:$0x1f] =	wrdreg s0  }
0x27: {  	s13 =	sadd.s32 s5, s12;
	[smem:$0x7B0] =	sst s11  }
0x28: {  	s17 =	sor.u32 $0x850, s8;
	s14 =	sadd.s32 s6, s12;
	[smem:$0x7B1] =	sst s13  }
0x29: {  	s20 =	sor.u32 $0x430, s7;
	s19 =	sadd.s32 s6, s17;
	[smem:$0x7B2] =	sst s14  }
0x2a: {  	s21 =	sadd.s32 s5, s20;
	[smem:$0x7C0] =	sst s19  }
0x2b: {  	s23 =	sor.u32 $0x440, s8;
	s22 =	sadd.s32 s6, s20;
	[dreg:$0x1b] =	wrdreg s21  }
0x2c: {  	s24 =	sadd.s32 s5, s23;
	[dreg:$0x1c] =	wrdreg s22  }
0x2d: {  	s25 =	sadd.s32 s6, s23;
	[dreg:$0x1d] =	wrdreg s24  }
0x2e: {  	s20 =	sadd.s32 s6, s18;
	[dreg:$0x1e] =	wrdreg s25  }
0x2f: {  	s0 =	sor.u32 $0x830, s7;
	s18 =	sadd.s32 s5, s17;
	[smem:$0x7B6] =	sst s20  }
0x30: {  	s12 =	sadd.s32 s5, s0;
	[smem:$0x7BF] =	sst s18  }
0x31: {  	s14 =	sor.u32 $0x840, s8;
	s13 =	sadd.s32 s6, s0;
	[smem:$0x7BB] =	sst s12  }
0x32: {  	s15 =	sadd.s32 s5, s14;
	[smem:$0x7BC] =	sst s13  }
0x33: {  	s21 =	sor.u32 $0x810, s7;
	s16 =	sadd.s32 s6, s14;
	[smem:$0x7BD] =	sst s15  }
0x34: {  	s22 =	sadd.s32 s5, s21;
	[smem:$0x7BE] =	sst s16  }
0x35: {  	s24 =	sor.u32 $0x820, s7;
	s23 =	sadd.s32 s6, s21;
	[smem:$0x7B7] =	sst s22  }
0x36: {  	s25 =	sadd.s32 s5, s24;
	[smem:$0x7B8] =	sst s23  }
0x37: {  	s20 =	sor.u32 $0x860, s8;
	s26 =	sadd.s32 s6, s24;
	[smem:$0x7B9] =	sst s25  }
0x38: {  	s21 =	sadd.s32 s5, s20;
	[smem:$0x7BA] =	sst s26  }
0x39: {  	s12 =	sor.u32 $0xC10, s7;
	[smem:$0x7C1] =	sst s21;
	s22 =	sadd.s32 s6, s20  }
0x3a: {  	s13 =	sadd.s32 s5, s12;
	[smem:$0x7C2] =	sst s22  }
0x3b: {  	s15 =	sor.u32 $0xC20, s7;
	s14 =	sadd.s32 s6, s12;
	[smem:$0x7C7] =	sst s13  }
0x3c: {  	s16 =	sadd.s32 s5, s15;
	[smem:$0x7C8] =	sst s14  }
0x3d: {  	s19 =	sor.u32 $0xC40, s8;
	s17 =	sadd.s32 s6, s15;
	[smem:$0x7C9] =	sst s16  }
0x3e: {  	s20 =	sadd.s32 s5, s19;
	[smem:$0x7CA] =	sst s17  }
0x3f: {  	s21 =	sadd.s32 s6, s19;
	[smem:$0x7CD] =	sst s20  }
0x40: {  	s12 =	simm.s32 $0x1080;
	[smem:$0x7CE] =	sst s21  }
0x41: {  	s15 =	simm.s32 $0x180;
	[smem:$0x7D8] =	sst s12  }
0x42: {  	s23 =	sor.u32 $0x870, s9;
	s19 =	simm.s32 $0x280;
	[smem:$0x7DB] =	sst s15  }
0x43: {  	s24 =	sadd.s32 s5, s23;
	[smem:$0x7DF] =	sst s19  }
0x44: {  	s26 =	sor.u32 $0xC00, s7;
	s25 =	sadd.s32 s6, s23;
	[smem:$0x7C3] =	sst s24  }
0x45: {  	s0 =	sadd.s32 s5, s26;
	[smem:$0x7C4] =	sst s25  }
0x46: {  	s7 =	sor.u32 $0xC30, s7;
	s11 =	sadd.s32 s6, s26;
	[smem:$0x7C5] =	sst s0  }
0x47: {  	s18 =	sadd.s32 s5, s7;
	[smem:$0x7C6] =	sst s11  }
0x48: {  	s7 =	sadd.s32 s6, s7;
	[smem:$0x7CB] =	sst s18  }
0x49: {  	s13 =	simm.s32 $0x100;
	[smem:$0x7CC] =	sst s7  }
0x4a: {  	s14 =	simm.s32 $0x1100;
	[smem:$0x7D9] =	sst s13  }
0x4b: {  	s16 =	simm.s32 $0x1180;
	[smem:$0x7DA] =	sst s14  }
0x4c: {  	s17 =	simm.s32 $0x200;
	[smem:$0x7DC] =	sst s16  }
0x4d: {  	s20 =	simm.s32 $0x1280;
	[smem:$0x7DD] =	sst s17  }
0x4e: {  	s21 =	simm.s32 $0x300;
	[smem:$0x7E0] =	sst s20  }
0x4f: {  	s12 =	simm.s32 $0x1680;
	[smem:$0x7E1] =	sst s21  }
0x50: {  	s15 =	simm.s32 $0x780;
	[smem:$0x7F0] =	sst s12  }
0x51: {  	s22 =	sor.u32 $0xC50, s8;
	s19 =	simm.s32 $0x880;
	[smem:$0x7F3] =	sst s15  }
0x52: {  	s23 =	sadd.s32 s5, s22;
	[smem:$0x7F7] =	sst s19  }
0x53: {  	s8 =	sor.u32 $0xC60, s8;
	s24 =	sadd.s32 s6, s22;
	[smem:$0x7CF] =	sst s23  }
0x54: {  	s25 =	sadd.s32 s5, s8;
	[smem:$0x7D0] =	sst s24  }
0x55: {  	s26 =	sadd.s32 s6, s8;
	[smem:$0x7D1] =	sst s25  }
0x56: {  	s11 =	simm.s32 $0x80;
	[smem:$0x7D2] =	sst s26  }
0x57: {  	s18 =	simm.s32 $0x1200;
	[smem:$0x7D7] =	sst s11  }
0x58: {  	s22 =	simm.s32 $0x1300;
	[smem:$0x7DE] =	sst s18  }
0x59: {  	s7 =	simm.s32 $0x580;
	[smem:$0x7E2] =	sst s22  }
0x5a: {  	s8 =	simm.s32 $0x1580;
	[smem:$0x7EB] =	sst s7  }
0x5b: {  	s28 =	simm.s32 $0x1;
	s13 =	simm.s32 $0x700;
	[smem:$0x7EC] =	sst s8  }
0x5c: {  	s29 =	simm.s32 $0x20;
	s14 =	simm.s32 $0x1700;
	[smem:$0x7F1] =	sst s13  }
0x5d: {  	s30 =	simm.s32 $0x2000;
	s16 =	simm.s32 $0x1780;
	[smem:$0x7F2] =	sst s14  }
0x5e: {  	s31 =	simm.s32 $0x2080;
	s17 =	simm.s32 $0x800;
	[smem:$0x7F4] =	sst s16  }
0x5f: {  	s1 =	ssub.s32 $0x2, s1;
	s20 =	simm.s32 $0x1880;
	[smem:$0x7F5] =	sst s17  }
0x60: {  	s0 =	sor.u32 $0xC70, s9;
	s21 =	simm.s32 $0x900;
	[smem:$0x7F8] =	sst s20  }
0x61: {  	s10 =	simm.s32 $0x1B80;
	s5 =	sadd.s32 s5, s0;
	[smem:$0x7F9] =	sst s21  }
0x62: {  	s12 =	simm.s32 $0x1C00;
	s9 =	sadd.s32 s6, s0;
	[smem:$0x7D3] =	sst s5  }
0x63: {  	s15 =	simm.s32 $0xD00;
	s23 =	simm.s32 $0x380;
	[smem:$0x7D4] =	sst s9  }
0x64: {  	s19 =	simm.s32 $0xE00;
	s24 =	simm.s32 $0x1380;
	[smem:$0x7E3] =	sst s23  }
0x65: {  	s25 =	simm.s32 $0x400;
	s26 =	simm.s32 $0x1400;
	[smem:$0x7E4] =	sst s24  }
0x66: {  	s0 =	simm.s32 $0x480;
	s6 =	simm.s32 $0x1500;
	[smem:$0x7E5] =	sst s25  }
0x67: {  	s11 =	simm.s32 $0x680;
	s18 =	simm.s32 $0x1800;
	[smem:$0x7E6] =	sst s26  }
0x68: {  	s22 =	simm.s32 $0x1900;
	s7 =	simm.s32 $0xB00;
	[smem:$0x7E7] =	sst s0  }
0x69: {  	s8 =	simm.s32 $0x1B00;
	s13 =	simm.s32 $0xC80;
	[smem:$0x7EA] =	sst s6  }
0x6a: {  	s14 =	simm.s32 $0x1C80;
	s16 =	simm.s32 $0x1D00;
	[smem:$0x7EF] =	sst s11  }
0x6b: {  	s17 =	simm.s32 $0xD80;
	s20 =	simm.s32 $0x1E00;
	[smem:$0x7F6] =	sst s18  }
0x6c: {  	s21 =	simm.s32 $0xE80;
	s5 =	simm.s32 $0x500;
	[smem:$0x7FA] =	sst s22  }
0x6d: {  	s9 =	simm.s32 $0x600;
	s23 =	simm.s32 $0x980;
	[smem:$0x7E9] =	sst s5  }
0x6e: {  	s24 =	sshrl.u32 s1, $0x1;
	s25 =	simm.s32 $0x1980;
	[smem:$0x7ED] =	sst s9  }
0x6f: {  	s26 =	simm.s32 $0xA00;
	s11 =	simm.s32 $0xC00;
	[smem:$0x7FB] =	sst s23  }
0x70: {  	s18 =	simm.s32 $0x1D80;
	s22 =	simm.s32 $0x1E80;
	[smem:$0x7FC] =	sst s25  }
0x71: {  	s1 =	ssub.s32 s1, s24;
	[smem:$0x7FD] =	sst s26;
	s9 =	simm.s32 $0xB80  }
0x72: {  	s23 =	simm.s32 $0xF00;
	s24 =	simm.s32 $0x1F00;
	s25 =	simm.s32 $0xF80  }
0x73: {  	s26 =	simm.s32 $0x1F80;
	s3 =	smax.u32 s1, $0x1;
	s1 =	simm.s32 $0x2  }
.LBB2_1:
0x74: {  	s0 =	rddreg [dreg:$0x5]  }
0x75: {  	s4 =	sld [smem:$0x7D6]  }
0x76: {  	s5 =	rddreg [dreg:$0x7]  }
0x77: {  	s6 =	sld [smem:$0x7D7]  }
0x78: {  	[tilespmem:s2], [sflag:$0x1] =	stream.linear.gather [hbm4b:s0+s2], $0x20, $0x38;
	[tilespmem:$0x2100] =	vst v63  }
0x79: {  	s0 =	rddreg [dreg:$0x6]  }
0x7a: {  	[tilespmem:s4], [sflag:$0x1] =	stream.linear.gather [hbm4b:s0+s2], $0x20, $0x38;
	[tilespmem:$0x2100] =	vst v63  }
0x7b: {  	s0 =	rddreg [dreg:$0x8]  }
0x7c: {  	s4 =	sld [smem:$0x7D8]  }
0x7d: {  	[tilespmem:s6], [sflag:$0x1] =	stream.linear.gather [hbm4b:s5+s2], $0x20, $0x38;
	[tilespmem:$0x2100] =	vst v63  }
0x7e: {  	s5 =	rddreg [dreg:$0x9]  }
0x7f: {  	s6 =	sld [smem:$0x7D9]  }
0x80: {  	[tilespmem:s4], [sflag:$0x1] =	stream.linear.gather [hbm4b:s0+s2], $0x20, $0x38;
	[tilespmem:$0x2100] =	vst v63  }
0x81: {  	s0 =	rddreg [dreg:$0xa]  }
0x82: {  	s4 =	sld [smem:$0x7DA]  }
0x83: {  	[tilespmem:s6], [sflag:$0x1] =	stream.linear.gather [hbm4b:s5+s2], $0x20, $0x38;
	[tilespmem:$0x2100] =	vst v63  }
0x84: {  	s5 =	rddreg [dreg:$0xb]  }
0x85: {  	s6 =	sld [smem:$0x7DB]  }
0x86: {  	[tilespmem:s4], [sflag:$0x1] =	stream.linear.gather [hbm4b:s0+s2], $0x20, $0x38;
	[tilespmem:$0x2100] =	vst v63  }
0x87: {  	s0 =	rddreg [dreg:$0xc]  }
0x88: {  	s4 =	sld [smem:$0x7DC]  }
0x89: {  	[tilespmem:s6], [sflag:$0x1] =	stream.linear.gather [hbm4b:s5+s2], $0x20, $0x38;
	[tilespmem:$0x2100] =	vst v63  }
0x8a: {  	s5 =	rddreg [dreg:$0xd]  }
0x8b: {  	s6 =	sld [smem:$0x7DD]  }
0x8c: {  	[tilespmem:s4], [sflag:$0x1] =	stream.linear.gather [hbm4b:s0+s2], $0x20, $0x38;
	[tilespmem:$0x2100] =	vst v63  }
0x8d: {  	s0 =	rddreg [dreg:$0xe]  }
0x8e: {  	s4 =	sld [smem:$0x7DE]  }
0x8f: {  	[tilespmem:s6], [sflag:$0x1] =	stream.linear.gather [hbm4b:s5+s2], $0x20, $0x38;
	[tilespmem:$0x2100] =	vst v63  }
0x90: {  	s5 =	rddreg [dreg:$0xf]  }
0x91: {  	s6 =	sld [smem:$0x7DF]  }
0x92: {  	[tilespmem:s4], [sflag:$0x1] =	stream.linear.gather [hbm4b:s0+s2], $0x20, $0x38;
	[tilespmem:$0x2100] =	vst v63  }
0x93: {  	s0 =	rddreg [dreg:$0x10]  }
0x94: {  	s4 =	sld [smem:$0x7E0]  }
0x95: {  	[tilespmem:s6], [sflag:$0x1] =	stream.linear.gather [hbm4b:s5+s2], $0x20, $0x38;
	[tilespmem:$0x2100] =	vst v63  }
0x96: {  	s5 =	rddreg [dreg:$0x11]  }
0x97: {  	s6 =	sld [smem:$0x7E1]  }
0x98: {  	[tilespmem:s4], [sflag:$0x1] =	stream.linear.gather [hbm4b:s0+s2], $0x20, $0x38;
	[tilespmem:$0x2100] =	vst v63  }
0x99: {  	s0 =	rddreg [dreg:$0x12]  }
0x9a: {  	s4 =	sld [smem:$0x7E2]  }
0x9b: {  	[tilespmem:s6], [sflag:$0x1] =	stream.linear.gather [hbm4b:s5+s2], $0x20, $0x38;
	[tilespmem:$0x2100] =	vst v63  }
0x9c: {  	s5 =	rddreg [dreg:$0x13]  }
0x9d: {  	s6 =	sld [smem:$0x7E3]  }
0x9e: {  	[tilespmem:s4], [sflag:$0x1] =	stream.linear.gather [hbm4b:s0+s2], $0x20, $0x38;
	[tilespmem:$0x2100] =	vst v63  }
0x9f: {  	s0 =	rddreg [dreg:$0x14]  }
0xa0: {  	s4 =	sld [smem:$0x7E4]  }
0xa1: {  	[tilespmem:s6], [sflag:$0x1] =	stream.linear.gather [hbm4b:s5+s2], $0x20, $0x38;
	[tilespmem:$0x2100] =	vst v63  }
0xa2: {  	s5 =	rddreg [dreg:$0x15]  }
0xa3: {  	s6 =	sld [smem:$0x7E5]  }
0xa4: {  	[tilespmem:s4], [sflag:$0x1] =	stream.linear.gather [hbm4b:s0+s2], $0x20, $0x38;
	[tilespmem:$0x2100] =	vst v63  }
0xa5: {  	s0 =	rddreg [dreg:$0x16]  }
0xa6: {  	s4 =	sld [smem:$0x7E6]  }
0xa7: {  	[tilespmem:s6], [sflag:$0x1] =	stream.linear.gather [hbm4b:s5+s2], $0x20, $0x38;
	[tilespmem:$0x2100] =	vst v63  }
0xa8: {  	s5 =	rddreg [dreg:$0x17]  }
0xa9: {  	s6 =	sld [smem:$0x7E7]  }
0xaa: {  	[tilespmem:s4], [sflag:$0x1] =	stream.linear.gather [hbm4b:s0+s2], $0x20, $0x38;
	[tilespmem:$0x2100] =	vst v63  }
0xab: {  	s0 =	rddreg [dreg:$0x18]  }
0xac: {  	s4 =	sld [smem:$0x7E8]  }
0xad: {  	[tilespmem:s6], [sflag:$0x1] =	stream.linear.gather [hbm4b:s5+s2], $0x20, $0x38;
	[tilespmem:$0x2100] =	vst v63  }
0xae: {  	s5 =	rddreg [dreg:$0x19]  }
0xaf: {  	s6 =	sld [smem:$0x7E9]  }
0xb0: {  	[tilespmem:s4], [sflag:$0x1] =	stream.linear.gather [hbm4b:s0+s2], $0x20, $0x38;
	[tilespmem:$0x2100] =	vst v63  }
0xb1: {  	s0 =	rddreg [dreg:$0x1a]  }
0xb2: {  	s4 =	sld [smem:$0x7EA]  }
0xb3: {  	[tilespmem:s6], [sflag:$0x1] =	stream.linear.gather [hbm4b:s5+s2], $0x20, $0x38;
	[tilespmem:$0x2100] =	vst v63  }
0xb4: {  	s5 =	rddreg [dreg:$0x1b]  }
0xb5: {  	s6 =	sld [smem:$0x7EB]  }
0xb6: {  	[tilespmem:s4], [sflag:$0x1] =	stream.linear.gather [hbm4b:s0+s2], $0x20, $0x38;
	[tilespmem:$0x2100] =	vst v63  }
0xb7: {  	s0 =	rddreg [dreg:$0x1c]  }
0xb8: {  	s4 =	sld [smem:$0x7EC]  }
0xb9: {  	[tilespmem:s6], [sflag:$0x1] =	stream.linear.gather [hbm4b:s5+s2], $0x20, $0x38;
	[tilespmem:$0x2100] =	vst v63  }
0xba: {  	s5 =	rddreg [dreg:$0x1d]  }
0xbb: {  	s6 =	sld [smem:$0x7ED]  }
0xbc: {  	[tilespmem:s4], [sflag:$0x1] =	stream.linear.gather [hbm4b:s0+s2], $0x20, $0x38;
	[tilespmem:$0x2100] =	vst v63  }
0xbd: {  	s0 =	rddreg [dreg:$0x1e]  }
0xbe: {  	s4 =	sld [smem:$0x7EE]  }
0xbf: {  	[tilespmem:s6], [sflag:$0x1] =	stream.linear.gather [hbm4b:s5+s2], $0x20, $0x38;
	[tilespmem:$0x2100] =	vst v63  }
0xc0: {  	s5 =	rddreg [dreg:$0x1f]  }
0xc1: {  	s6 =	sld [smem:$0x7EF]  }
0xc2: {  	[tilespmem:s4], [sflag:$0x1] =	stream.linear.gather [hbm4b:s0+s2], $0x20, $0x38;
	[tilespmem:$0x2100] =	vst v63  }
0xc3: {  	s0 =	sld [smem:$0x7B0]  }
0xc4: {  	s4 =	sld [smem:$0x7F0]  }
0xc5: {  	[tilespmem:s6], [sflag:$0x1] =	stream.linear.gather [hbm4b:s5+s2], $0x20, $0x38;
	[tilespmem:$0x2100] =	vst v63  }
0xc6: {  	s5 =	sld [smem:$0x7B1]  }
0xc7: {  	s6 =	sld [smem:$0x7F1]  }
0xc8: {  	[tilespmem:s4], [sflag:$0x1] =	stream.linear.gather [hbm4b:s0+s2], $0x20, $0x38;
	[tilespmem:$0x2100] =	vst v63  }
0xc9: {  	s0 =	sld [smem:$0x7B2]  }
0xca: {  	s4 =	sld [smem:$0x7F2]  }
0xcb: {  	[tilespmem:s6], [sflag:$0x1] =	stream.linear.gather [hbm4b:s5+s2], $0x20, $0x38;
	[tilespmem:$0x2100] =	vst v63  }
0xcc: {  	s5 =	sld [smem:$0x7B3]  }
0xcd: {  	s6 =	sld [smem:$0x7F3]  }
0xce: {  	[tilespmem:s4], [sflag:$0x1] =	stream.linear.gather [hbm4b:s0+s2], $0x20, $0x38;
	[tilespmem:$0x2100] =	vst v63  }
0xcf: {  	s0 =	sld [smem:$0x7B4]  }
0xd0: {  	s4 =	sld [smem:$0x7F4]  }
0xd1: {  	[tilespmem:s6], [sflag:$0x1] =	stream.linear.gather [hbm4b:s5+s2], $0x20, $0x38;
	[tilespmem:$0x2100] =	vst v63  }
0xd2: {  	s5 =	sld [smem:$0x7B5]  }
0xd3: {  	s6 =	sld [smem:$0x7F5]  }
0xd4: {  	[tilespmem:s4], [sflag:$0x1] =	stream.linear.gather [hbm4b:s0+s2], $0x20, $0x38;
	[tilespmem:$0x2100] =	vst v63  }
0xd5: {  	s0 =	sld [smem:$0x7B6]  }
0xd6: {  	s4 =	sld [smem:$0x7F6]  }
0xd7: {  	[tilespmem:s6], [sflag:$0x1] =	stream.linear.gather [hbm4b:s5+s2], $0x20, $0x38;
	[tilespmem:$0x2100] =	vst v63  }
0xd8: {  	s5 =	sld [smem:$0x7B7]  }
0xd9: {  	s6 =	sld [smem:$0x7F7]  }
0xda: {  	[tilespmem:s4], [sflag:$0x1] =	stream.linear.gather [hbm4b:s0+s2], $0x20, $0x38;
	[tilespmem:$0x2100] =	vst v63  }
0xdb: {  	s0 =	sld [smem:$0x7B8]  }
0xdc: {  	s4 =	sld [smem:$0x7F8]  }
0xdd: {  	[tilespmem:s6], [sflag:$0x1] =	stream.linear.gather [hbm4b:s5+s2], $0x20, $0x38;
	[tilespmem:$0x2100] =	vst v63  }
0xde: {  	s5 =	sld [smem:$0x7B9]  }
0xdf: {  	s6 =	sld [smem:$0x7F9]  }
0xe0: {  	[tilespmem:s4], [sflag:$0x1] =	stream.linear.gather [hbm4b:s0+s2], $0x20, $0x38;
	[tilespmem:$0x2100] =	vst v63  }
0xe1: {  	s0 =	sld [smem:$0x7BA]  }
0xe2: {  	s4 =	sld [smem:$0x7FA]  }
0xe3: {  	[tilespmem:s6], [sflag:$0x1] =	stream.linear.gather [hbm4b:s5+s2], $0x20, $0x38;
	[tilespmem:$0x2100] =	vst v63  }
0xe4: {  	s5 =	sld [smem:$0x7BB]  }
0xe5: {  	s6 =	sld [smem:$0x7FB]  }
0xe6: {  	[tilespmem:s4], [sflag:$0x1] =	stream.linear.gather [hbm4b:s0+s2], $0x20, $0x38;
	[tilespmem:$0x2100] =	vst v63  }
0xe7: {  	s0 =	sld [smem:$0x7BC]  }
0xe8: {  	s4 =	sld [smem:$0x7FC]  }
0xe9: {  	[tilespmem:s6], [sflag:$0x1] =	stream.linear.gather [hbm4b:s5+s2], $0x20, $0x38;
	[tilespmem:$0x2100] =	vst v63  }
0xea: {  	s5 =	sld [smem:$0x7BD]  }
0xeb: {  	s6 =	sld [smem:$0x7FD]  }
0xec: {  	[tilespmem:s4], [sflag:$0x1] =	stream.linear.gather [hbm4b:s0+s2], $0x20, $0x38;
	[tilespmem:$0x2100] =	vst v63  }
0xed: {  	s0 =	sld [smem:$0x7BE]  }
0xee: {  	[tilespmem:s6], [sflag:$0x1] =	stream.linear.gather [hbm4b:s5+s2], $0x20, $0x38;
	[tilespmem:$0x2100] =	vst v63  }
0xef: {  	s4 =	sld [smem:$0x7BF];
	s6 =	simm.s32 $0x1A00  }
0xf0: {  	[tilespmem:s6], [sflag:$0x1] =	stream.linear.gather [hbm4b:s0+s2], $0x20, $0x38;
	[tilespmem:$0x2100] =	vst v63  }
0xf1: {  	s0 =	sld [smem:$0x7C0];
	s6 =	simm.s32 $0xA80  }
0xf2: {  	[tilespmem:s6], [sflag:$0x1] =	stream.linear.gather [hbm4b:s4+s2], $0x20, $0x38;
	[tilespmem:$0x2100] =	vst v63  }
0xf3: {  	s4 =	sld [smem:$0x7C1];
	s6 =	simm.s32 $0x1A80  }
0xf4: {  	[tilespmem:s6], [sflag:$0x1] =	stream.linear.gather [hbm4b:s0+s2], $0x20, $0x38;
	[tilespmem:$0x2100] =	vst v63  }
0xf5: {  	s6 =	sld [smem:$0x7C2]  }
0xf6: {  	[tilespmem:s7], [sflag:$0x1] =	stream.linear.gather [hbm4b:s4+s2], $0x20, $0x38;
	[tilespmem:$0x2100] =	vst v63  }
0xf7: {  	s5 =	sld [smem:$0x7C3]  }
0xf8: {  	[tilespmem:s8], [sflag:$0x1] =	stream.linear.gather [hbm4b:s6+s2], $0x20, $0x38;
	[tilespmem:$0x2100] =	vst v63  }
0xf9: {  	s6 =	sld [smem:$0x7C4]  }
0xfa: {  	[tilespmem:s9], [sflag:$0x1] =	stream.linear.gather [hbm4b:s5+s2], $0x20, $0x38;
	[tilespmem:$0x2100] =	vst v63  }
0xfb: {  	s5 =	sld [smem:$0x7C5]  }
0xfc: {  	[tilespmem:s10], [sflag:$0x1] =	stream.linear.gather [hbm4b:s6+s2], $0x20, $0x38;
	[tilespmem:$0x2100] =	vst v63  }
0xfd: {  	s6 =	sld [smem:$0x7C6]  }
0xfe: {  	[tilespmem:s11], [sflag:$0x1] =	stream.linear.gather [hbm4b:s5+s2], $0x20, $0x38;
	[tilespmem:$0x2100] =	vst v63  }
0xff: {  	s5 =	sld [smem:$0x7C7]  }
0x100: {  	[tilespmem:s12], [sflag:$0x1] =	stream.linear.gather [hbm4b:s6+s2], $0x20, $0x38;
	[tilespmem:$0x2100] =	vst v63  }
0x101: {  	s6 =	sld [smem:$0x7C8]  }
0x102: {  	[tilespmem:s13], [sflag:$0x1] =	stream.linear.gather [hbm4b:s5+s2], $0x20, $0x38;
	[tilespmem:$0x2100] =	vst v63  }
0x103: {  	s5 =	sld [smem:$0x7C9]  }
0x104: {  	[tilespmem:s14], [sflag:$0x1] =	stream.linear.gather [hbm4b:s6+s2], $0x20, $0x38;
	[tilespmem:$0x2100] =	vst v63  }
0x105: {  	s6 =	sld [smem:$0x7CA]  }
0x106: {  	[tilespmem:s15], [sflag:$0x1] =	stream.linear.gather [hbm4b:s5+s2], $0x20, $0x38;
	[tilespmem:$0x2100] =	vst v63  }
0x107: {  	s5 =	sld [smem:$0x7CB]  }
0x108: {  	[tilespmem:s16], [sflag:$0x1] =	stream.linear.gather [hbm4b:s6+s2], $0x20, $0x38;
	[tilespmem:$0x2100] =	vst v63  }
0x109: {  	s6 =	sld [smem:$0x7CC]  }
0x10a: {  	[tilespmem:s17], [sflag:$0x1] =	stream.linear.gather [hbm4b:s5+s2], $0x20, $0x38;
	[tilespmem:$0x2100] =	vst v63  }
0x10b: {  	s5 =	sld [smem:$0x7CD]  }
0x10c: {  	[tilespmem:s18], [sflag:$0x1] =	stream.linear.gather [hbm4b:s6+s2], $0x20, $0x38;
	[tilespmem:$0x2100] =	vst v63  }
0x10d: {  	s6 =	sld [smem:$0x7CE]  }
0x10e: {  	[tilespmem:s19], [sflag:$0x1] =	stream.linear.gather [hbm4b:s5+s2], $0x20, $0x38;
	[tilespmem:$0x2100] =	vst v63  }
0x10f: {  	s5 =	sld [smem:$0x7CF]  }
0x110: {  	[tilespmem:s20], [sflag:$0x1] =	stream.linear.gather [hbm4b:s6+s2], $0x20, $0x38;
	[tilespmem:$0x2100] =	vst v63  }
0x111: {  	s6 =	sld [smem:$0x7D0]  }
0x112: {  	[tilespmem:s21], [sflag:$0x1] =	stream.linear.gather [hbm4b:s5+s2], $0x20, $0x38;
	[tilespmem:$0x2100] =	vst v63  }
0x113: {  	s5 =	sld [smem:$0x7D1]  }
0x114: {  	[tilespmem:s22], [sflag:$0x1] =	stream.linear.gather [hbm4b:s6+s2], $0x20, $0x38;
	[tilespmem:$0x2100] =	vst v63  }
0x115: {  	s6 =	sld [smem:$0x7D2]  }
0x116: {  	[tilespmem:s23], [sflag:$0x1] =	stream.linear.gather [hbm4b:s5+s2], $0x20, $0x38;
	[tilespmem:$0x2100] =	vst v63  }
0x117: {  	s5 =	sld [smem:$0x7D3]  }
0x118: {  	[tilespmem:s24], [sflag:$0x1] =	stream.linear.gather [hbm4b:s6+s2], $0x20, $0x38;
	[tilespmem:$0x2100] =	vst v63  }
0x119: {  	s6 =	sld [smem:$0x7D4]  }
0x11a: {  	[tilespmem:s25], [sflag:$0x1] =	stream.linear.gather [hbm4b:s5+s2], $0x20, $0x38;
	[tilespmem:$0x2100] =	vst v63  }
0x11b: {  	_ = 	snop  }
0x11c: {  	[tilespmem:s26], [sflag:$0x1] =	stream.linear.gather [hbm4b:s6+s2], $0x20, $0x38;
	[tilespmem:$0x2100] =	vst v63  }
0x11d: {  	_ =	swait.ge [sflag:s28], $0x20  }
0x11e: {  	[sflag:s28] =	ssyncset.done $0x0  }
0x11f: {  	[sflag:s28] =	ssyncadd.s32 $0xFFFFFFE0  }
0x120: {  	_ =	swait.ge [sflag:s28], $0x20  }
0x121: {  	[sflag:s28] =	ssyncset.done $0x0  }
0x122: {  	[sflag:s28] =	ssyncadd.s32 $0xFFFFFFE0  }
0x123: {  	_ =	swait.ge [sflag:s28], $0x20  }
0x124: {  	[sflag:s28] =	ssyncset.done $0x0  }
0x125: {  	[sflag:s28] =	ssyncadd.s32 $0xFFFFFFE0  }
0x126: {  	_ =	swait.ge [sflag:s28], $0x20  }
0x127: {  	[sflag:s28] =	ssyncset.done $0x0  }
0x128: {  	[sflag:s28] =	ssyncadd.s32 $0xFFFFFFE0  }
0x129: {  	_ =	swait.ge [sflag:s28], $0x20  }
0x12a: {  	[sflag:s28] =	ssyncset.done $0x0  }
0x12b: {  	[sflag:s28] =	ssyncadd.s32 $0xFFFFFFE0  }
0x12c: {  	_ =	swait.ge [sflag:s28], $0x20  }
0x12d: {  	[sflag:s28] =	ssyncset.done $0x0  }
0x12e: {  	[sflag:s28] =	ssyncadd.s32 $0xFFFFFFE0  }
0x12f: {  	_ =	swait.ge [sflag:s28], $0x20  }
0x130: {  	[sflag:s28] =	ssyncset.done $0x0  }
0x131: {  	[sflag:s28] =	ssyncadd.s32 $0xFFFFFFE0  }
0x132: {  	_ =	swait.ge [sflag:s28], $0x20  }
0x133: {  	[sflag:s28] =	ssyncset.done $0x0  }
0x134: {  	[sflag:s28] =	ssyncadd.s32 $0xFFFFFFE0  }
0x135: {  	_ =	swait.ge [sflag:s28], $0x20  }
0x136: {  	[sflag:s28] =	ssyncset.done $0x0  }
0x137: {  	[sflag:s28] =	ssyncadd.s32 $0xFFFFFFE0  }
0x138: {  	_ =	swait.ge [sflag:s28], $0x20  }
0x139: {  	[sflag:s28] =	ssyncset.done $0x0  }
0x13a: {  	[sflag:s28] =	ssyncadd.s32 $0xFFFFFFE0  }
0x13b: {  	_ =	swait.ge [sflag:s28], $0x20  }
0x13c: {  	[sflag:s28] =	ssyncset.done $0x0  }
0x13d: {  	[sflag:s28] =	ssyncadd.s32 $0xFFFFFFE0  }
0x13e: {  	_ =	swait.ge [sflag:s28], $0x20  }
0x13f: {  	[sflag:s28] =	ssyncset.done $0x0  }
0x140: {  	[sflag:s28] =	ssyncadd.s32 $0xFFFFFFE0  }
0x141: {  	_ =	swait.ge [sflag:s28], $0x20  }
0x142: {  	[sflag:s28] =	ssyncset.done $0x0  }
0x143: {  	[sflag:s28] =	ssyncadd.s32 $0xFFFFFFE0  }
0x144: {  	_ =	swait.ge [sflag:s28], $0x20  }
0x145: {  	[sflag:s28] =	ssyncset.done $0x0  }
0x146: {  	[sflag:s28] =	ssyncadd.s32 $0xFFFFFFE0  }
0x147: {  	_ =	swait.ge [sflag:s28], $0x20  }
0x148: {  	[sflag:s28] =	ssyncset.done $0x0  }
0x149: {  	[sflag:s28] =	ssyncadd.s32 $0xFFFFFFE0  }
0x14a: {  	_ =	swait.ge [sflag:s28], $0x20  }
0x14b: {  	[sflag:s28] =	ssyncset.done $0x0  }
0x14c: {  	[sflag:s28] =	ssyncadd.s32 $0xFFFFFFE0  }
0x14d: {  	_ =	swait.ge [sflag:s28], $0x20  }
0x14e: {  	[sflag:s28] =	ssyncset.done $0x0  }
0x14f: {  	[sflag:s28] =	ssyncadd.s32 $0xFFFFFFE0  }
0x150: {  	_ =	swait.ge [sflag:s28], $0x20  }
0x151: {  	[sflag:s28] =	ssyncset.done $0x0  }
0x152: {  	[sflag:s28] =	ssyncadd.s32 $0xFFFFFFE0  }
0x153: {  	_ =	swait.ge [sflag:s28], $0x20  }
0x154: {  	[sflag:s28] =	ssyncset.done $0x0  }
0x155: {  	[sflag:s28] =	ssyncadd.s32 $0xFFFFFFE0  }
0x156: {  	_ =	swait.ge [sflag:s28], $0x20  }
0x157: {  	[sflag:s28] =	ssyncset.done $0x0  }
0x158: {  	[sflag:s28] =	ssyncadd.s32 $0xFFFFFFE0  }
0x159: {  	_ =	swait.ge [sflag:s28], $0x20  }
0x15a: {  	[sflag:s28] =	ssyncset.done $0x0  }
0x15b: {  	[sflag:s28] =	ssyncadd.s32 $0xFFFFFFE0  }
0x15c: {  	_ =	swait.ge [sflag:s28], $0x20  }
0x15d: {  	[sflag:s28] =	ssyncset.done $0x0  }
0x15e: {  	[sflag:s28] =	ssyncadd.s32 $0xFFFFFFE0  }
0x15f: {  	_ =	swait.ge [sflag:s28], $0x20  }
0x160: {  	[sflag:s28] =	ssyncset.done $0x0  }
0x161: {  	[sflag:s28] =	ssyncadd.s32 $0xFFFFFFE0  }
0x162: {  	_ =	swait.ge [sflag:s28], $0x20  }
0x163: {  	[sflag:s28] =	ssyncset.done $0x0  }
0x164: {  	[sflag:s28] =	ssyncadd.s32 $0xFFFFFFE0  }
0x165: {  	_ =	swait.ge [sflag:s28], $0x20  }
0x166: {  	[sflag:s28] =	ssyncset.done $0x0  }
0x167: {  	[sflag:s28] =	ssyncadd.s32 $0xFFFFFFE0  }
0x168: {  	_ =	swait.ge [sflag:s28], $0x20  }
0x169: {  	[sflag:s28] =	ssyncset.done $0x0  }
0x16a: {  	[sflag:s28] =	ssyncadd.s32 $0xFFFFFFE0  }
0x16b: {  	_ =	swait.ge [sflag:s28], $0x20  }
0x16c: {  	[sflag:s28] =	ssyncset.done $0x0  }
0x16d: {  	[sflag:s28] =	ssyncadd.s32 $0xFFFFFFE0  }
0x16e: {  	_ =	swait.ge [sflag:s28], $0x20  }
0x16f: {  	[sflag:s28] =	ssyncset.done $0x0  }
0x170: {  	[sflag:s28] =	ssyncadd.s32 $0xFFFFFFE0  }
0x171: {  	_ =	swait.ge [sflag:s28], $0x20  }
0x172: {  	[sflag:s28] =	ssyncset.done $0x0  }
0x173: {  	[sflag:s28] =	ssyncadd.s32 $0xFFFFFFE0  }
0x174: {  	_ =	swait.ge [sflag:s28], $0x20  }
0x175: {  	[sflag:s28] =	ssyncset.done $0x0  }
0x176: {  	[sflag:s28] =	ssyncadd.s32 $0xFFFFFFE0  }
0x177: {  	_ =	swait.ge [sflag:s28], $0x20  }
0x178: {  	[sflag:s28] =	ssyncset.done $0x0  }
0x179: {  	[sflag:s28] =	ssyncadd.s32 $0xFFFFFFE0  }
0x17a: {  	_ =	swait.ge [sflag:s28], $0x20  }
0x17b: {  	[sflag:s28] =	ssyncset.done $0x0  }
0x17c: {  	[sflag:s28] =	ssyncadd.s32 $0xFFFFFFE0  }
0x17d: {  	_ =	swait.ge [sflag:s28], $0x20  }
0x17e: {  	[sflag:s28] =	ssyncset.done $0x0  }
0x17f: {  	[sflag:s28] =	ssyncadd.s32 $0xFFFFFFE0  }
0x180: {  	_ =	swait.ge [sflag:s28], $0x20  }
0x181: {  	[sflag:s28] =	ssyncset.done $0x0  }
0x182: {  	[sflag:s28] =	ssyncadd.s32 $0xFFFFFFE0  }
0x183: {  	_ =	swait.ge [sflag:s28], $0x20  }
0x184: {  	[sflag:s28] =	ssyncset.done $0x0  }
0x185: {  	[sflag:s28] =	ssyncadd.s32 $0xFFFFFFE0  }
0x186: {  	_ =	swait.ge [sflag:s28], $0x20  }
0x187: {  	[sflag:s28] =	ssyncset.done $0x0  }
0x188: {  	[sflag:s28] =	ssyncadd.s32 $0xFFFFFFE0  }
0x189: {  	_ =	swait.ge [sflag:s28], $0x20  }
0x18a: {  	[sflag:s28] =	ssyncset.done $0x0  }
0x18b: {  	[sflag:s28] =	ssyncadd.s32 $0xFFFFFFE0  }
0x18c: {  	_ =	swait.ge [sflag:s28], $0x20  }
0x18d: {  	[sflag:s28] =	ssyncset.done $0x0  }
0x18e: {  	[sflag:s28] =	ssyncadd.s32 $0xFFFFFFE0  }
0x18f: {  	_ =	swait.ge [sflag:s28], $0x20  }
0x190: {  	[sflag:s28] =	ssyncset.done $0x0  }
0x191: {  	[sflag:s28] =	ssyncadd.s32 $0xFFFFFFE0  }
0x192: {  	_ =	swait.ge [sflag:s28], $0x20  }
0x193: {  	[sflag:s28] =	ssyncset.done $0x0  }
0x194: {  	[sflag:s28] =	ssyncadd.s32 $0xFFFFFFE0  }
0x195: {  	_ =	swait.ge [sflag:s28], $0x20  }
0x196: {  	[sflag:s28] =	ssyncset.done $0x0  }
0x197: {  	[sflag:s28] =	ssyncadd.s32 $0xFFFFFFE0  }
0x198: {  	_ =	swait.ge [sflag:s28], $0x20  }
0x199: {  	[sflag:s28] =	ssyncset.done $0x0  }
0x19a: {  	[sflag:s28] =	ssyncadd.s32 $0xFFFFFFE0  }
0x19b: {  	_ =	swait.ge [sflag:s28], $0x20  }
0x19c: {  	[sflag:s28] =	ssyncset.done $0x0  }
0x19d: {  	[sflag:s28] =	ssyncadd.s32 $0xFFFFFFE0  }
0x19e: {  	_ =	swait.ge [sflag:s28], $0x20  }
0x19f: {  	[sflag:s28] =	ssyncset.done $0x0  }
0x1a0: {  	[sflag:s28] =	ssyncadd.s32 $0xFFFFFFE0  }
0x1a1: {  	_ =	swait.ge [sflag:s28], $0x20  }
0x1a2: {  	[sflag:s28] =	ssyncset.done $0x0  }
0x1a3: {  	[sflag:s28] =	ssyncadd.s32 $0xFFFFFFE0  }
0x1a4: {  	_ =	swait.ge [sflag:s28], $0x20  }
0x1a5: {  	[sflag:s28] =	ssyncset.done $0x0  }
0x1a6: {  	[sflag:s28] =	ssyncadd.s32 $0xFFFFFFE0  }
0x1a7: {  	_ =	swait.ge [sflag:s28], $0x20  }
0x1a8: {  	[sflag:s28] =	ssyncset.done $0x0  }
0x1a9: {  	[sflag:s28] =	ssyncadd.s32 $0xFFFFFFE0  }
0x1aa: {  	_ =	swait.ge [sflag:s28], $0x20  }
0x1ab: {  	[sflag:s28] =	ssyncset.done $0x0  }
0x1ac: {  	[sflag:s28] =	ssyncadd.s32 $0xFFFFFFE0  }
0x1ad: {  	_ =	swait.ge [sflag:s28], $0x20  }
0x1ae: {  	[sflag:s28] =	ssyncset.done $0x0  }
0x1af: {  	[sflag:s28] =	ssyncadd.s32 $0xFFFFFFE0  }
0x1b0: {  	_ =	swait.ge [sflag:s28], $0x20  }
0x1b1: {  	[sflag:s28] =	ssyncset.done $0x0  }
0x1b2: {  	[sflag:s28] =	ssyncadd.s32 $0xFFFFFFE0  }
0x1b3: {  	_ =	swait.ge [sflag:s28], $0x20  }
0x1b4: {  	[sflag:s28] =	ssyncset.done $0x0  }
0x1b5: {  	[sflag:s28] =	ssyncadd.s32 $0xFFFFFFE0  }
0x1b6: {  	_ =	swait.ge [sflag:s28], $0x20  }
0x1b7: {  	[sflag:s28] =	ssyncset.done $0x0  }
0x1b8: {  	[sflag:s28] =	ssyncadd.s32 $0xFFFFFFE0  }
0x1b9: {  	_ =	swait.ge [sflag:s28], $0x20  }
0x1ba: {  	[sflag:s28] =	ssyncset.done $0x0  }
0x1bb: {  	[sflag:s28] =	ssyncadd.s32 $0xFFFFFFE0  }
0x1bc: {  	_ =	swait.ge [sflag:s28], $0x20  }
0x1bd: {  	[sflag:s28] =	ssyncset.done $0x0  }
0x1be: {  	[sflag:s28] =	ssyncadd.s32 $0xFFFFFFE0  }
0x1bf: {  	_ =	swait.ge [sflag:s28], $0x20  }
0x1c0: {  	[sflag:s28] =	ssyncset.done $0x0  }
0x1c1: {  	[sflag:s28] =	ssyncadd.s32 $0xFFFFFFE0  }
0x1c2: {  	_ =	swait.ge [sflag:s28], $0x20  }
0x1c3: {  	[sflag:s28] =	ssyncset.done $0x0  }
0x1c4: {  	[sflag:s28] =	ssyncadd.s32 $0xFFFFFFE0  }
0x1c5: {  	_ =	swait.ge [sflag:s28], $0x20  }
0x1c6: {  	[sflag:s28] =	ssyncset.done $0x0  }
0x1c7: {  	[sflag:s28] =	ssyncadd.s32 $0xFFFFFFE0  }
0x1c8: {  	_ =	swait.ge [sflag:s28], $0x20  }
0x1c9: {  	[sflag:s28] =	ssyncset.done $0x0  }
0x1ca: {  	[sflag:s28] =	ssyncadd.s32 $0xFFFFFFE0  }
0x1cb: {  	_ =	swait.ge [sflag:s28], $0x20  }
0x1cc: {  	[sflag:s28] =	ssyncset.done $0x0  }
0x1cd: {  	[sflag:s28] =	ssyncadd.s32 $0xFFFFFFE0  }
0x1ce: {  	_ =	swait.ge [sflag:s28], $0x20  }
0x1cf: {  	[sflag:s28] =	ssyncset.done $0x0  }
0x1d0: {  	[sflag:s28] =	ssyncadd.s32 $0xFFFFFFE0  }
0x1d1: {  	_ =	swait.ge [sflag:s28], $0x20  }
0x1d2: {  	[sflag:s28] =	ssyncset.done $0x0  }
0x1d3: {  	[sflag:s28] =	ssyncadd.s32 $0xFFFFFFE0  }
0x1d4: {  	_ =	swait.ge [sflag:s28], $0x20  }
0x1d5: {  	[sflag:s28] =	ssyncset.done $0x0  }
0x1d6: {  	[sflag:s28] =	ssyncadd.s32 $0xFFFFFFE0  }
0x1d7: {  	_ =	swait.ge [sflag:s28], $0x20  }
0x1d8: {  	[sflag:s28] =	ssyncset.done $0x0  }
0x1d9: {  	[sflag:s28] =	ssyncadd.s32 $0xFFFFFFE0  }
0x1da: {  	_ =	swait.ge [sflag:s28], $0x20  }
0x1db: {  	[sflag:s28] =	ssyncset.done $0x0  }
0x1dc: {  	[sflag:s28] =	ssyncadd.s32 $0xFFFFFFE0  }
0x1dd: {  	v0 =	vld [tilespmem:$0x0]  }
0x1de: {  	v1 =	vld [tilespmem:$0x1000]  }
0x1df: {  	v2 =	vld [tilespmem:$0x10]  }
0x1e0: {  	v3 =	vld [tilespmem:$0x1010];
	_ =	sdelay $0x1  }
0x1e1: {  	v4 =	vld [tilespmem:$0x80]  }
0x1e2: {  	v5 =	vld [tilespmem:$0x1080];
	vm0 =	vlt.f32 v0, $+Inf;
	vm1 =	vgt.f32 v0, $+Inf;
	vm2 =	veq.f32 v0, $+Inf  }
0x1e3: {  	vm3 =	vlt.s32 v1, $0x40000000;
	vm14 =	vlt.f32 v2, $+Inf;
	vm4 =	veq.f32 v2, $+Inf  }
0x1e4: {  	v6 =	vld [tilespmem:$0x90];
	vm5 =	vlt.s32 v3, $0x40000000;
	vm0 =	vmor vm1, vm0;
	vm13 =	vmand vm2, vm3  }
0x1e5: {  	v7 =	vld [tilespmem:$0x1090];
	vm15 =	vgt.f32 v2, $+Inf;
	vm1 =	vmand vm4, vm5;
	vm0 =	vmor vm0, vm13  }
0x1e6: {  	v8 =	vld [tilespmem:$0x100];
	v0 =	vnsel vm0, $0x7F800000, v0;
	v1 =	vnsel vm0, $0x40000000, v1;
	vm0 =	vmor vm15, vm14  }
0x1e7: {  	v9 =	vld [tilespmem:$0x1100];
	vm6 =	veq.f32 v4, v0;
	vm7 =	vlt.s32 v5, v1;
	vm0 =	vmor vm0, vm1  }
0x1e8: {  	v10 =	vld [tilespmem:$0x110];
	vm8 =	vlt.f32 v4, v0;
	vm2 =	vmand vm6, vm7;
	v2 =	vnsel vm0, $0x7F800000, v2  }
0x1e9: {  	v49 =	vld [tilespmem:$0x1110];
	v3 =	vnsel vm0, $0x40000000, v3;
	vm1 =	vmor vm8, vm2;
	vm9 =	vlt.f32 v6, v2  }
0x1ea: {  	v50 =	vld [tilespmem:$0x180];
	vm10 =	veq.f32 v6, v2;
	vm11 =	vlt.s32 v7, v3;
	v0 =	vsel vm1, v4, v0  }
0x1eb: {  	v11 =	vld [tilespmem:$0x1180];
	v1 =	vsel vm1, v5, v1;
	vm1 =	vmand vm10, vm11;
	vm12 =	veq.f32 v8, v0  }
0x1ec: {  	vm13 =	vlt.s32 v9, v1;
	vm0 =	vmor vm9, vm1;
	vm14 =	vlt.f32 v8, v0  }
0x1ed: {  	v51 =	vld [tilespmem:$0x190];
	vm2 =	vmand vm12, vm13;
	v2 =	vsel vm0, v6, v2;
	v3 =	vsel vm0, v7, v3  }
0x1ee: {  	v52 =	vld [tilespmem:$0x1190];
	vm1 =	vmor vm14, vm2;
	vm15 =	vlt.f32 v10, v2;
	vm4 =	veq.f32 v10, v2  }
0x1ef: {  	v53 =	vld [tilespmem:$0x200];
	vm5 =	vlt.s32 v49, v3;
	v0 =	vsel vm1, v8, v0;
	v1 =	vsel vm1, v9, v1  }
0x1f0: {  	v54 =	vld [tilespmem:$0x1200];
	vm1 =	vmand vm4, vm5;
	vm6 =	veq.f32 v50, v0;
	vm7 =	vlt.s32 v11, v1  }
0x1f1: {  	vm0 =	vmor vm15, vm1;
	vm8 =	vlt.f32 v50, v0;
	vm2 =	vmand vm6, vm7  }
0x1f2: {  	v55 =	vld [tilespmem:$0x210];
	v2 =	vsel vm0, v10, v2;
	v3 =	vsel vm0, v49, v3;
	vm1 =	vmor vm8, vm2  }
0x1f3: {  	v56 =	vld [tilespmem:$0x1210];
	vm9 =	vlt.f32 v51, v2;
	vm10 =	veq.f32 v51, v2;
	vm11 =	vlt.s32 v52, v3  }
0x1f4: {  	v57 =	vld [tilespmem:$0x280];
	v0 =	vsel vm1, v50, v0;
	v1 =	vsel vm1, v11, v1;
	vm1 =	vmand vm10, vm11  }
0x1f5: {  	v58 =	vld [tilespmem:$0x1280];
	vm12 =	veq.f32 v53, v0;
	vm13 =	vlt.s32 v54, v1;
	vm0 =	vmor vm9, vm1  }
0x1f6: {  	v59 =	vld [tilespmem:$0x290];
	vm14 =	vlt.f32 v53, v0;
	vm2 =	vmand vm12, vm13;
	v2 =	vsel vm0, v51, v2  }
0x1f7: {  	v60 =	vld [tilespmem:$0x1290];
	v3 =	vsel vm0, v52, v3;
	vm1 =	vmor vm14, vm2;
	vm15 =	vlt.f32 v55, v2  }
0x1f8: {  	v61 =	vld [tilespmem:$0x300];
	vm4 =	veq.f32 v55, v2;
	vm5 =	vlt.s32 v56, v3;
	v0 =	vsel vm1, v53, v0  }
0x1f9: {  	v62 =	vld [tilespmem:$0x1300];
	v1 =	vsel vm1, v54, v1;
	vm1 =	vmand vm4, vm5;
	vm6 =	veq.f32 v57, v0  }
0x1fa: {  	vm7 =	vlt.s32 v58, v1;
	vm0 =	vmor vm15, vm1;
	vm8 =	vlt.f32 v57, v0  }
0x1fb: {  	v63 =	vld [tilespmem:$0x310];
	vm2 =	vmand vm6, vm7;
	v2 =	vsel vm0, v55, v2;
	v3 =	vsel vm0, v56, v3  }
0x1fc: {  	v12 =	vld [tilespmem:$0x1310];
	vm1 =	vmor vm8, vm2;
	vm9 =	vlt.f32 v59, v2;
	vm10 =	veq.f32 v59, v2  }
0x1fd: {  	v13 =	vld [tilespmem:$0x380];
	vm11 =	vlt.s32 v60, v3;
	v0 =	vsel vm1, v57, v0;
	v1 =	vsel vm1, v58, v1  }
0x1fe: {  	v14 =	vld [tilespmem:$0x1380];
	vm1 =	vmand vm10, vm11;
	vm12 =	veq.f32 v61, v0;
	vm13 =	vlt.s32 v62, v1  }
0x1ff: {  	vm0 =	vmor vm9, vm1;
	vm14 =	vlt.f32 v61, v0;
	vm2 =	vmand vm12, vm13  }
0x200: {  	v15 =	vld [tilespmem:$0x390];
	v2 =	vsel vm0, v59, v2;
	v3 =	vsel vm0, v60, v3;
	vm1 =	vmor vm14, vm2  }
0x201: {  	v16 =	vld [tilespmem:$0x1390];
	vm15 =	vlt.f32 v63, v2;
	vm4 =	veq.f32 v63, v2;
	vm5 =	vlt.s32 v12, v3  }
0x202: {  	v17 =	vld [tilespmem:$0x400];
	v0 =	vsel vm1, v61, v0;
	v1 =	vsel vm1, v62, v1;
	vm1 =	vmand vm4, vm5  }
0x203: {  	v18 =	vld [tilespmem:$0x1400];
	vm6 =	veq.f32 v13, v0;
	vm7 =	vlt.s32 v14, v1;
	vm0 =	vmor vm15, vm1  }
0x204: {  	v19 =	vld [tilespmem:$0x410];
	vm8 =	vlt.f32 v13, v0;
	vm2 =	vmand vm6, vm7;
	v2 =	vsel vm0, v63, v2  }
0x205: {  	v20 =	vld [tilespmem:$0x1410];
	v3 =	vsel vm0, v12, v3;
	vm1 =	vmor vm8, vm2;
	vm9 =	vlt.f32 v15, v2  }
0x206: {  	v21 =	vld [tilespmem:$0x480];
	vm10 =	veq.f32 v15, v2;
	vm11 =	vlt.s32 v16, v3;
	v0 =	vsel vm1, v13, v0  }
0x207: {  	v22 =	vld [tilespmem:$0x1480];
	v1 =	vsel vm1, v14, v1;
	vm1 =	vmand vm10, vm11;
	vm12 =	veq.f32 v17, v0  }
0x208: {  	vm13 =	vlt.s32 v18, v1;
	vm0 =	vmor vm9, vm1;
	vm14 =	vlt.f32 v17, v0  }
0x209: {  	v23 =	vld [tilespmem:$0x490];
	vm2 =	vmand vm12, vm13;
	v2 =	vsel vm0, v15, v2;
	v3 =	vsel vm0, v16, v3  }
0x20a: {  	v24 =	vld [tilespmem:$0x1490];
	vm1 =	vmor vm14, vm2;
	vm15 =	vlt.f32 v19, v2;
	vm4 =	veq.f32 v19, v2  }
0x20b: {  	v25 =	vld [tilespmem:$0x500];
	vm5 =	vlt.s32 v20, v3;
	v0 =	vsel vm1, v17, v0;
	v1 =	vsel vm1, v18, v1  }
0x20c: {  	v26 =	vld [tilespmem:$0x1500];
	vm1 =	vmand vm4, vm5;
	vm6 =	veq.f32 v21, v0;
	vm7 =	vlt.s32 v22, v1  }
0x20d: {  	vm0 =	vmor vm15, vm1;
	vm8 =	vlt.f32 v21, v0;
	vm2 =	vmand vm6, vm7  }
0x20e: {  	v27 =	vld [tilespmem:$0x510];
	v2 =	vsel vm0, v19, v2;
	v3 =	vsel vm0, v20, v3;
	vm1 =	vmor vm8, vm2  }
0x20f: {  	v28 =	vld [tilespmem:$0x1510];
	vm9 =	vlt.f32 v23, v2;
	vm10 =	veq.f32 v23, v2;
	vm11 =	vlt.s32 v24, v3  }
0x210: {  	v29 =	vld [tilespmem:$0x580];
	v0 =	vsel vm1, v21, v0;
	v1 =	vsel vm1, v22, v1;
	vm1 =	vmand vm10, vm11  }
0x211: {  	v30 =	vld [tilespmem:$0x1580];
	vm12 =	veq.f32 v25, v0;
	vm13 =	vlt.s32 v26, v1;
	vm0 =	vmor vm9, vm1  }
0x212: {  	v31 =	vld [tilespmem:$0x590];
	vm14 =	vlt.f32 v25, v0;
	vm2 =	vmand vm12, vm13;
	v2 =	vsel vm0, v23, v2  }
0x213: {  	v32 =	vld [tilespmem:$0x1590];
	v3 =	vsel vm0, v24, v3;
	vm1 =	vmor vm14, vm2;
	vm15 =	vlt.f32 v27, v2  }
0x214: {  	v33 =	vld [tilespmem:$0x600];
	vm4 =	veq.f32 v27, v2;
	vm5 =	vlt.s32 v28, v3;
	v0 =	vsel vm1, v25, v0  }
0x215: {  	v34 =	vld [tilespmem:$0x1600];
	v1 =	vsel vm1, v26, v1;
	vm1 =	vmand vm4, vm5;
	vm6 =	veq.f32 v29, v0  }
0x216: {  	vm7 =	vlt.s32 v30, v1;
	vm0 =	vmor vm15, vm1;
	vm8 =	vlt.f32 v29, v0  }
0x217: {  	v35 =	vld [tilespmem:$0x610];
	vm2 =	vmand vm6, vm7;
	v2 =	vsel vm0, v27, v2;
	v3 =	vsel vm0, v28, v3  }
0x218: {  	v36 =	vld [tilespmem:$0x1610];
	vm1 =	vmor vm8, vm2;
	vm9 =	vlt.f32 v31, v2;
	vm10 =	veq.f32 v31, v2  }
0x219: {  	v37 =	vld [tilespmem:$0x680];
	vm11 =	vlt.s32 v32, v3;
	v0 =	vsel vm1, v29, v0;
	v1 =	vsel vm1, v30, v1  }
0x21a: {  	v38 =	vld [tilespmem:$0x1680];
	vm1 =	vmand vm10, vm11;
	vm12 =	veq.f32 v33, v0;
	vm13 =	vlt.s32 v34, v1  }
0x21b: {  	vm0 =	vmor vm9, vm1;
	vm14 =	vlt.f32 v33, v0;
	vm2 =	vmand vm12, vm13  }
0x21c: {  	v39 =	vld [tilespmem:$0x690];
	v2 =	vsel vm0, v31, v2;
	v3 =	vsel vm0, v32, v3;
	vm1 =	vmor vm14, vm2  }
0x21d: {  	v40 =	vld [tilespmem:$0x1690];
	vm15 =	vlt.f32 v35, v2;
	vm4 =	veq.f32 v35, v2;
	vm5 =	vlt.s32 v36, v3  }
0x21e: {  	v41 =	vld [tilespmem:$0x700];
	v0 =	vsel vm1, v33, v0;
	v1 =	vsel vm1, v34, v1;
	vm1 =	vmand vm4, vm5  }
0x21f: {  	v42 =	vld [tilespmem:$0x1700];
	vm6 =	veq.f32 v37, v0;
	vm7 =	vlt.s32 v38, v1;
	vm0 =	vmor vm15, vm1  }
0x220: {  	v43 =	vld [tilespmem:$0x710];
	vm8 =	vlt.f32 v37, v0;
	vm2 =	vmand vm6, vm7;
	v2 =	vsel vm0, v35, v2  }
0x221: {  	v44 =	vld [tilespmem:$0x1710];
	v3 =	vsel vm0, v36, v3;
	vm1 =	vmor vm8, vm2;
	vm9 =	vlt.f32 v39, v2  }
0x222: {  	v45 =	vld [tilespmem:$0x780];
	vm10 =	veq.f32 v39, v2;
	vm11 =	vlt.s32 v40, v3;
	v0 =	vsel vm1, v37, v0  }
0x223: {  	v46 =	vld [tilespmem:$0x1780];
	v1 =	vsel vm1, v38, v1;
	vm1 =	vmand vm10, vm11;
	vm12 =	veq.f32 v41, v0  }
0x224: {  	vm13 =	vlt.s32 v42, v1;
	vm0 =	vmor vm9, vm1;
	vm14 =	vlt.f32 v41, v0  }
0x225: {  	v47 =	vld [tilespmem:$0x790];
	vm2 =	vmand vm12, vm13;
	v2 =	vsel vm0, v39, v2;
	v3 =	vsel vm0, v40, v3  }
0x226: {  	v48 =	vld [tilespmem:$0x1790];
	vm1 =	vmor vm14, vm2;
	vm15 =	vlt.f32 v43, v2;
	vm4 =	veq.f32 v43, v2  }
0x227: {  	v49 =	vld [tilespmem:$0x800];
	vm5 =	vlt.s32 v44, v3;
	v0 =	vsel vm1, v41, v0;
	v1 =	vsel vm1, v42, v1  }
0x228: {  	v50 =	vld [tilespmem:$0x1800];
	vm1 =	vmand vm4, vm5;
	vm6 =	veq.f32 v45, v0;
	vm7 =	vlt.s32 v46, v1  }
0x229: {  	vm0 =	vmor vm15, vm1;
	vm8 =	vlt.f32 v45, v0;
	vm2 =	vmand vm6, vm7  }
0x22a: {  	v51 =	vld [tilespmem:$0x810];
	v2 =	vsel vm0, v43, v2;
	v3 =	vsel vm0, v44, v3;
	vm1 =	vmor vm8, vm2  }
0x22b: {  	v52 =	vld [tilespmem:$0x1810];
	vm9 =	vlt.f32 v47, v2;
	vm10 =	veq.f32 v47, v2;
	vm11 =	vlt.s32 v48, v3  }
0x22c: {  	v53 =	vld [tilespmem:$0x880];
	v0 =	vsel vm1, v45, v0;
	v1 =	vsel vm1, v46, v1;
	vm1 =	vmand vm10, vm11  }
0x22d: {  	v54 =	vld [tilespmem:$0x1880];
	vm12 =	veq.f32 v49, v0;
	vm13 =	vlt.s32 v50, v1;
	vm0 =	vmor vm9, vm1  }
0x22e: {  	v55 =	vld [tilespmem:$0x890];
	vm14 =	vlt.f32 v49, v0;
	vm2 =	vmand vm12, vm13;
	v2 =	vsel vm0, v47, v2  }
0x22f: {  	v56 =	vld [tilespmem:$0x1890];
	v3 =	vsel vm0, v48, v3;
	vm1 =	vmor vm14, vm2;
	vm15 =	vlt.f32 v51, v2  }
0x230: {  	v57 =	vld [tilespmem:$0x900];
	vm4 =	veq.f32 v51, v2;
	vm5 =	vlt.s32 v52, v3;
	v0 =	vsel vm1, v49, v0  }
0x231: {  	v58 =	vld [tilespmem:$0x1900];
	v1 =	vsel vm1, v50, v1;
	vm1 =	vmand vm4, vm5;
	vm6 =	veq.f32 v53, v0  }
0x232: {  	vm7 =	vlt.s32 v54, v1;
	vm0 =	vmor vm15, vm1;
	vm8 =	vlt.f32 v53, v0  }
0x233: {  	v59 =	vld [tilespmem:$0x910];
	vm2 =	vmand vm6, vm7;
	v2 =	vsel vm0, v51, v2;
	v3 =	vsel vm0, v52, v3  }
0x234: {  	v60 =	vld [tilespmem:$0x1910];
	vm1 =	vmor vm8, vm2;
	vm9 =	vlt.f32 v55, v2;
	vm10 =	veq.f32 v55, v2  }
0x235: {  	v61 =	vld [tilespmem:$0x980];
	vm11 =	vlt.s32 v56, v3;
	v0 =	vsel vm1, v53, v0;
	v1 =	vsel vm1, v54, v1  }
0x236: {  	v62 =	vld [tilespmem:$0x1980];
	vm1 =	vmand vm10, vm11;
	vm12 =	veq.f32 v57, v0;
	vm13 =	vlt.s32 v58, v1  }
0x237: {  	vm0 =	vmor vm9, vm1;
	vm14 =	vlt.f32 v57, v0;
	vm2 =	vmand vm12, vm13  }
0x238: {  	v63 =	vld [tilespmem:$0x990];
	v2 =	vsel vm0, v55, v2;
	v3 =	vsel vm0, v56, v3;
	vm1 =	vmor vm14, vm2  }
0x239: {  	v12 =	vld [tilespmem:$0x1990];
	vm15 =	vlt.f32 v59, v2;
	vm4 =	veq.f32 v59, v2;
	vm5 =	vlt.s32 v60, v3  }
0x23a: {  	v13 =	vld [tilespmem:$0xA00];
	v0 =	vsel vm1, v57, v0;
	v1 =	vsel vm1, v58, v1;
	vm1 =	vmand vm4, vm5  }
0x23b: {  	v14 =	vld [tilespmem:$0x1A00];
	vm6 =	veq.f32 v61, v0;
	vm7 =	vlt.s32 v62, v1;
	vm0 =	vmor vm15, vm1  }
0x23c: {  	v15 =	vld [tilespmem:$0xA10];
	vm8 =	vlt.f32 v61, v0;
	vm2 =	vmand vm6, vm7;
	v2 =	vsel vm0, v59, v2  }
0x23d: {  	v16 =	vld [tilespmem:$0x1A10];
	v3 =	vsel vm0, v60, v3;
	vm1 =	vmor vm8, vm2;
	vm9 =	vlt.f32 v63, v2  }
0x23e: {  	v17 =	vld [tilespmem:$0xA80];
	vm10 =	veq.f32 v63, v2;
	vm11 =	vlt.s32 v12, v3;
	v0 =	vsel vm1, v61, v0  }
0x23f: {  	v18 =	vld [tilespmem:$0x1A80];
	v1 =	vsel vm1, v62, v1;
	vm1 =	vmand vm10, vm11;
	vm12 =	veq.f32 v13, v0  }
0x240: {  	vm13 =	vlt.s32 v14, v1;
	vm0 =	vmor vm9, vm1;
	vm14 =	vlt.f32 v13, v0  }
0x241: {  	v19 =	vld [tilespmem:$0xA90];
	vm2 =	vmand vm12, vm13;
	v2 =	vsel vm0, v63, v2;
	v3 =	vsel vm0, v12, v3  }
0x242: {  	v20 =	vld [tilespmem:$0x1A90];
	vm1 =	vmor vm14, vm2;
	vm15 =	vlt.f32 v15, v2;
	vm4 =	veq.f32 v15, v2  }
0x243: {  	v21 =	vld [tilespmem:$0xB00];
	vm5 =	vlt.s32 v16, v3;
	v0 =	vsel vm1, v13, v0;
	v1 =	vsel vm1, v14, v1  }
0x244: {  	v22 =	vld [tilespmem:$0x1B00];
	vm1 =	vmand vm4, vm5;
	vm6 =	veq.f32 v17, v0;
	vm7 =	vlt.s32 v18, v1  }
0x245: {  	vm0 =	vmor vm15, vm1;
	vm8 =	vlt.f32 v17, v0;
	vm2 =	vmand vm6, vm7  }
0x246: {  	v23 =	vld [tilespmem:$0xB10];
	v2 =	vsel vm0, v15, v2;
	v3 =	vsel vm0, v16, v3;
	vm1 =	vmor vm8, vm2  }
0x247: {  	v24 =	vld [tilespmem:$0x1B10];
	vm9 =	vlt.f32 v19, v2;
	vm10 =	veq.f32 v19, v2;
	vm11 =	vlt.s32 v20, v3  }
0x248: {  	v25 =	vld [tilespmem:$0xB80];
	v0 =	vsel vm1, v17, v0;
	v1 =	vsel vm1, v18, v1;
	vm1 =	vmand vm10, vm11  }
0x249: {  	v26 =	vld [tilespmem:$0x1B80];
	vm12 =	veq.f32 v21, v0;
	vm13 =	vlt.s32 v22, v1;
	vm0 =	vmor vm9, vm1  }
0x24a: {  	v27 =	vld [tilespmem:$0xB90];
	vm14 =	vlt.f32 v21, v0;
	vm2 =	vmand vm12, vm13;
	v2 =	vsel vm0, v19, v2  }
0x24b: {  	v28 =	vld [tilespmem:$0x1B90];
	v3 =	vsel vm0, v20, v3;
	vm1 =	vmor vm14, vm2;
	vm15 =	vlt.f32 v23, v2  }
0x24c: {  	v29 =	vld [tilespmem:$0xC00];
	vm4 =	veq.f32 v23, v2;
	vm5 =	vlt.s32 v24, v3;
	v0 =	vsel vm1, v21, v0  }
0x24d: {  	v30 =	vld [tilespmem:$0x1C00];
	v1 =	vsel vm1, v22, v1;
	vm1 =	vmand vm4, vm5;
	vm6 =	veq.f32 v25, v0  }
0x24e: {  	vm7 =	vlt.s32 v26, v1;
	vm0 =	vmor vm15, vm1;
	vm8 =	vlt.f32 v25, v0  }
0x24f: {  	v31 =	vld [tilespmem:$0xC10];
	vm2 =	vmand vm6, vm7;
	v2 =	vsel vm0, v23, v2;
	v3 =	vsel vm0, v24, v3  }
0x250: {  	v32 =	vld [tilespmem:$0x1C10];
	vm1 =	vmor vm8, vm2;
	vm9 =	vlt.f32 v27, v2;
	vm10 =	veq.f32 v27, v2  }
0x251: {  	v33 =	vld [tilespmem:$0xC80];
	vm11 =	vlt.s32 v28, v3;
	v0 =	vsel vm1, v25, v0;
	v1 =	vsel vm1, v26, v1  }
0x252: {  	v34 =	vld [tilespmem:$0x1C80];
	vm1 =	vmand vm10, vm11;
	vm12 =	veq.f32 v29, v0;
	vm13 =	vlt.s32 v30, v1  }
0x253: {  	vm0 =	vmor vm9, vm1;
	vm14 =	vlt.f32 v29, v0;
	vm2 =	vmand vm12, vm13  }
0x254: {  	v35 =	vld [tilespmem:$0xC90];
	v2 =	vsel vm0, v27, v2;
	v3 =	vsel vm0, v28, v3;
	vm1 =	vmor vm14, vm2  }
0x255: {  	v36 =	vld [tilespmem:$0x1C90];
	vm15 =	vlt.f32 v31, v2;
	vm4 =	veq.f32 v31, v2;
	vm5 =	vlt.s32 v32, v3  }
0x256: {  	v37 =	vld [tilespmem:$0xD00];
	v0 =	vsel vm1, v29, v0;
	v1 =	vsel vm1, v30, v1;
	vm1 =	vmand vm4, vm5  }
0x257: {  	v38 =	vld [tilespmem:$0x1D00];
	vm6 =	veq.f32 v33, v0;
	vm7 =	vlt.s32 v34, v1;
	vm0 =	vmor vm15, vm1  }
0x258: {  	v39 =	vld [tilespmem:$0xD10];
	vm8 =	vlt.f32 v33, v0;
	vm2 =	vmand vm6, vm7;
	v2 =	vsel vm0, v31, v2  }
0x259: {  	v40 =	vld [tilespmem:$0x1D10];
	v3 =	vsel vm0, v32, v3;
	vm1 =	vmor vm8, vm2;
	vm9 =	vlt.f32 v35, v2  }
0x25a: {  	v41 =	vld [tilespmem:$0xD80];
	vm10 =	veq.f32 v35, v2;
	vm11 =	vlt.s32 v36, v3;
	v0 =	vsel vm1, v33, v0  }
0x25b: {  	v42 =	vld [tilespmem:$0x1D80];
	v1 =	vsel vm1, v34, v1;
	vm1 =	vmand vm10, vm11;
	vm12 =	veq.f32 v37, v0  }
0x25c: {  	vm13 =	vlt.s32 v38, v1;
	vm0 =	vmor vm9, vm1;
	vm14 =	vlt.f32 v37, v0  }
0x25d: {  	v43 =	vld [tilespmem:$0xD90];
	vm2 =	vmand vm12, vm13;
	v2 =	vsel vm0, v35, v2;
	v3 =	vsel vm0, v36, v3  }
0x25e: {  	v44 =	vld [tilespmem:$0x1D90];
	vm1 =	vmor vm14, vm2;
	vm15 =	vlt.f32 v39, v2;
	vm4 =	veq.f32 v39, v2  }
0x25f: {  	v45 =	vld [tilespmem:$0xE00];
	vm5 =	vlt.s32 v40, v3;
	v0 =	vsel vm1, v37, v0;
	v1 =	vsel vm1, v38, v1  }
0x260: {  	v46 =	vld [tilespmem:$0x1E00];
	vm1 =	vmand vm4, vm5;
	vm6 =	veq.f32 v41, v0;
	vm7 =	vlt.s32 v42, v1  }
0x261: {  	vm0 =	vmor vm15, vm1;
	vm8 =	vlt.f32 v41, v0;
	vm2 =	vmand vm6, vm7  }
0x262: {  	v47 =	vld [tilespmem:$0xE10];
	v2 =	vsel vm0, v39, v2;
	v3 =	vsel vm0, v40, v3;
	vm1 =	vmor vm8, vm2  }
0x263: {  	v48 =	vld [tilespmem:$0x1E10];
	vm9 =	vlt.f32 v43, v2;
	vm10 =	veq.f32 v43, v2;
	vm11 =	vlt.s32 v44, v3  }
0x264: {  	v49 =	vld [tilespmem:$0xE80];
	v0 =	vsel vm1, v41, v0;
	v1 =	vsel vm1, v42, v1;
	vm1 =	vmand vm10, vm11  }
0x265: {  	v50 =	vld [tilespmem:$0x1E80];
	vm12 =	veq.f32 v45, v0;
	vm13 =	vlt.s32 v46, v1;
	vm0 =	vmor vm9, vm1  }
0x266: {  	v51 =	vld [tilespmem:$0xE90];
	vm14 =	vlt.f32 v45, v0;
	vm2 =	vmand vm12, vm13;
	v2 =	vsel vm0, v43, v2  }
0x267: {  	v52 =	vld [tilespmem:$0x1E90];
	v3 =	vsel vm0, v44, v3;
	vm1 =	vmor vm14, vm2;
	vm15 =	vlt.f32 v47, v2  }
0x268: {  	v53 =	vld [tilespmem:$0xF00];
	vm6 =	veq.f32 v47, v2;
	vm7 =	vlt.s32 v48, v3;
	v0 =	vsel vm1, v45, v0  }
0x269: {  	v54 =	vld [tilespmem:$0x1F00];
	v1 =	vsel vm1, v46, v1;
	vm1 =	vmand vm6, vm7;
	vm8 =	veq.f32 v49, v0  }
0x26a: {  	vm9 =	vlt.s32 v50, v1;
	vm0 =	vmor vm15, vm1;
	vm10 =	vlt.f32 v49, v0  }
0x26b: {  	v55 =	vld [tilespmem:$0xF10];
	vm2 =	vmand vm8, vm9;
	v2 =	vsel vm0, v47, v2;
	v3 =	vsel vm0, v48, v3  }
0x26c: {  	v56 =	vld [tilespmem:$0x1F10];
	vm1 =	vmor vm10, vm2;
	vm11 =	vlt.f32 v51, v2;
	vm12 =	veq.f32 v51, v2  }
0x26d: {  	v57 =	vld [tilespmem:$0xF80];
	vm13 =	vlt.s32 v52, v3;
	v0 =	vsel vm1, v49, v0;
	v1 =	vsel vm1, v50, v1  }
0x26e: {  	v58 =	vld [tilespmem:$0x1F80];
	vm1 =	vmand vm12, vm13;
	vm14 =	veq.f32 v53, v0;
	vm15 =	vlt.s32 v54, v1  }
0x26f: {  	v59 =	vld [tilespmem:$0x1F90];
	vm0 =	vmor vm11, vm1;
	vm4 =	vlt.f32 v53, v0;
	vm2 =	vmand vm14, vm15  }
0x270: {  	v12 =	vld [tilespmem:$0xF90];
	v2 =	vsel vm0, v51, v2;
	v3 =	vsel vm0, v52, v3;
	vm5 =	vmor vm4, vm2  }
0x271: {  	vm6 =	veq.f32 v55, v2;
	vm7 =	vlt.s32 v56, v3;
	vm8 =	vlt.f32 v55, v2  }
0x272: {  	v0 =	vsel vm5, v53, v0;
	v1 =	vsel vm5, v54, v1;
	vm1 =	vmand vm6, vm7  }
0x273: {  	vm9 =	vlt.f32 v57, v0;
	vm10 =	veq.f32 v57, v0;
	vm0 =	vmor vm8, vm1  }
0x274: {  	vm11 =	vlt.s32 v58, v1;
	v60 =	vsel vm0, v55, v2;
	v61 =	vsel vm0, v56, v3  }
0x275: {  	vm0 =	vmand vm10, vm11;
	vm12 =	veq.f32 v12, v60;
	vm13 =	vlt.s32 v59, v61  }
0x276: {  	vm0 =	vmor vm9, vm0;
	vm14 =	vlt.f32 v12, v60;
	vm1 =	vmand vm12, vm13  }
0x277: {  	v62 =	vsel vm0, v58, v1;
	vm15 =	vmor vm14, vm1  }
0x278: {  	[tilespmem:$0x2000] =	vst v62;
	v63 =	vsel vm15, v59, v61  }
0x279: {  	s5 =	rddreg [dreg:$0x4];
	[tilespmem:$0x2010] =	vst v63  }
0x27a: {  	[tilespmem:s31], [sflag:$0x1] =	stream.indirect.gather [hbm4b:s5+s29], $0x1, s30, s29, $0xb8;
	[tilespmem:$0x2100] =	vst v63  }
0x27b: {  	_ =	swait.ge [sflag:s28], $0x20  }
0x27c: {  	s6 =	sld [smem:$0x7D5]  }
0x27d: {  	p0 =	sne.s32 s3, $0x1;
	[sflag:s28] =	ssyncset.done $0x0  }
.Ltmp0:
0x27e: {  	[sflag:s28] =	ssyncadd.s32 $0xFFFFFFE0;
	(pc) =	sbr.rel @p0 .LBB2_1-.Ltmp0, $4  }
0x27f: {  	[hbm4b:s6+s2] =	stream.linear.scatter [tilespmem:s31], [sflag:$0x2], $0x20, $0x38;
	[tilespmem:$0x2100] =	vst v63  }
0x280: {  	_ =	swait.ge [sflag:s1], $0x20  }
0x281: {  	[sflag:s1] =	ssyncset.done $0x0  }
0x282: {  	s3 =	sadd.s32 $0xFFFFFFFF, s3;
	[sflag:s1] =	ssyncadd.s32 $0xFFFFFFE0  }
0x283: {  	_ =	sfence.sel $0x180000  }
0x284: {  	[bflag:$0x0] =	sbarrier.arrive $0xFFFF  }
0x285: {  	_ =	strace $0x9000004A  }
0x286: {  	s0 =	stileid.u32;
	[bflag:$0x2] =	sbarrier.arrive $0xFFFF  }
0x287: {  	p0 =	sne.s32 s0, $0x0;
	s0 =	rddreg [dreg:$0x3]  }
0x288: {  	s0 =	sadd.s32 @!p0 $0x100000, s0  }
0x289: {  	[sflag:s0] =	ssyncadd.tile.s32 @!p0 $0x1;
	_ =	shalt  }
.Lfunc_end2:
_tile_overlayer_lowered:
.L_overlay_start_2:
0x28a: {  	(tag) =	ssettag $0x2  }
0x28b: {  	s0 =	rddreg [dreg:$0x0];
	s2 =	stileid.u32  }
0x28c: {  	s1 =	rddreg [dreg:$0x1];
	p0 =	sne.s32 s2, $0x0  }
0x28d: {  	s3 =	rddreg [dreg:$0x2];
	[bflag:$0x3] =	sbarrier.arrive $0xFFFF;
	s2 =	simm.s32 @!p0 $0x1C02  }
0x28e: {  	[timem:s3], [sflag:s2] =	dma.local @!p0 [hbm:s0], s1  }
0x28f: {  	s0 =	simm.s32 @!p0 $0x2  }
0x290: {  	_ =	swait.ge @!p0 [sflag:s0], s1  }
0x291: {  	s1 =	ssub.s32 @!p0 $0x0, s1;
	[sflag:s0] =	ssyncset.done @!p0 $0x0  }
0x292: {  	[sflag:s0] =	ssyncadd.s32 @!p0 s1  }
0x293: {  	[bflag:$0x3] =	sbarrier.arrive $0xFFFF  }
0x294: {  	_ =	shalt  }

</sc_bundles>
